<compile_context>
chip_gen: v7x
topology: tpu7x:2x2x1
jax: 0.10.2.dev20260603
libtpu: 0.0.44.dev20260713+nightly
codegen_flags: <defaults>
</compile_context>

<pallas_src>
import functools

import jax
import jax.numpy as jnp
from jax import lax
from jax.experimental import pallas as pl
from jax.experimental.pallas import tpu as pltpu
from jax.experimental.pallas import tpu_sc as plsc

VOCAB = 1024
B = 256
MAX_ARCS = 64
MAX_ORDER = 3
NUM_WORKERS = 32
ROWS = B // NUM_WORKERS
L = 16


def _advance_body(states_h, mids_h, curcat_h, starts_h, ends_h,
                  bts_h, bwt_h, fw_h, m2a_h, aw_h, il_h, ts_h,
                  out_s_h, out_n_h,
                  st_v, mi_v, cc0_v, cc1_v, cc2_v,
                  alpha_v, fw_v, cur3_v, sf_v,
                  ss0_v, ss1_v, ss2_v, ee0_v, ee1_v, ee2_v,
                  bw0_v, bw1_v, bw2_v, idx_v,
                  lab0_v, w0_v, to0_v, lab1_v, w1_v, to1_v,
                  lab2_v, w2_v, to2_v,
                  bl_v, s_v, n_v,
                  sem_pre, sem_misc, sem_a0, sem_a1, sem_a2):
    cc_ = lax.axis_index("c")
    ss_ = lax.axis_index("s")
    wid = ss_ * 2 + cc_
    base = wid * ROWS

    iota = lax.iota(jnp.int32, L)
    lane_lo = iota < ROWS
    r8 = jnp.bitwise_and(iota, ROWS - 1)
    three16 = jnp.full((L,), MAX_ORDER, jnp.int32)
    zeros16 = jnp.zeros((L,), jnp.int32)

    descs = []
    stage = ((states_h, st_v, 0), (mids_h, mi_v, 0),
             (curcat_h, cc0_v, 0), (curcat_h, cc1_v, B),
             (curcat_h, cc2_v, 2 * B))
    for src, dst, off in stage:
        descs.append(pltpu.async_copy(src.at[pl.ds(off + base, ROWS)],
                                      dst.at[pl.ds(0, ROWS)], sem_pre))
    lvl_refs = ((ss0_v, ee0_v, bw0_v), (ss1_v, ee1_v, bw1_v),
                (ss2_v, ee2_v, bw2_v))
    for lvl in range(MAX_ORDER):
        off = lvl * B + base
        for src, dst in ((starts_h, lvl_refs[lvl][0]),
                         (ends_h, lvl_refs[lvl][1])):
            descs.append(pltpu.async_copy(src.at[pl.ds(off, ROWS)],
                                          dst.at[pl.ds(0, ROWS)], sem_pre))
    for d in descs:
        d.wait()

    sane = lambda v_ref: jnp.where(lane_lo, v_ref[...], 0)
    st_s = sane(st_v)
    mi_s = sane(mi_v)
    curl = [sane(cc0_v), sane(cc1_v), sane(cc2_v)]
    mdescs = [
        pltpu.async_copy(m2a_h.at[mi_s], alpha_v, sem_misc),
        pltpu.async_copy(fw_h.at[st_s], fw_v, sem_misc),
        pltpu.async_copy(bts_h.at[curl[2]], cur3_v, sem_misc),
        pltpu.async_copy(bwt_h.at[curl[0]], bw0_v, sem_misc),
        pltpu.async_copy(bwt_h.at[curl[1]], bw1_v, sem_misc),
        pltpu.async_copy(bwt_h.at[curl[2]], bw2_v, sem_misc),
    ]

    lensv = []
    for lvl in range(MAX_ORDER):
        ss_ref, ee_ref, _ = lvl_refs[lvl]
        stv = plsc.load_gather(ss_ref, [r8])
        env = plsc.load_gather(ee_ref, [r8])
        lensv.append(env - stv)
        for m in range(MAX_ARCS):
            idx_v[lvl * 8 + m // 8, pl.ds((m % 8) * L, L)] = stv + m

    arc_bufs = ((lab0_v, w0_v, to0_v), (lab1_v, w1_v, to1_v),
                (lab2_v, w2_v, to2_v))
    arc_sems = (sem_a0, sem_a1, sem_a2)
    lvl_descs = []
    for lvl in range(MAX_ORDER):
        lab_v, w_v, to_v = arc_bufs[lvl]
        dd = []
        for c4 in range(MAX_ARCS * L // 128):
            dst = pl.ds(128 * c4, 128)
            src = idx_v.at[lvl * 8 + c4]
            dd.append(pltpu.async_copy(il_h.at[src], lab_v.at[dst],
                                       arc_sems[lvl]))
            dd.append(pltpu.async_copy(aw_h.at[src], w_v.at[dst],
                                       arc_sems[lvl]))
            dd.append(pltpu.async_copy(ts_h.at[src], to_v.at[dst],
                                       arc_sems[lvl]))
        lvl_descs.append(dd)

    for d in mdescs:
        d.wait()
    alphav = plsc.load_gather(alpha_v, [r8])
    bwv = [plsc.load_gather(bw_v, [r8]) for _, _, bw_v in lvl_refs]
    ab_lvl = [jnp.zeros((L,), jnp.float32)]
    for lvl in range(MAX_ORDER):
        ab_lvl.append(ab_lvl[lvl] + bwv[lvl])
    sf_v[...] = ab_lvl[MAX_ORDER] * alphav

    def init_row(r, carry):
        rsp = jnp.broadcast_to(r, (L,))
        sfr = plsc.load_gather(sf_v, [rsp])
        c3r = plsc.load_gather(cur3_v, [rsp])

        def init_chunk(ci, carry2, rsp=rsp, sfr=sfr, c3r=c3r):
            for half in range(2):
                colv = (2 * ci + half) * L + iota
                plsc.store_scatter(bl_v, [rsp, colv], three16)
                plsc.store_scatter(s_v, [rsp, colv], sfr)
                plsc.store_scatter(n_v, [rsp, colv], c3r)
            return carry2

        lax.fori_loop(0, VOCAB // (2 * L), init_chunk, 0)
        return carry

    lax.fori_loop(0, ROWS, init_row, 0)

    for lvl in range(MAX_ORDER):
        for d in lvl_descs[lvl]:
            d.wait()
        lab_v, w_v, to_v = arc_bufs[lvl]
        lvec = jnp.full((L,), lvl, jnp.int32)
        abl = ab_lvl[lvl]
        lens = lensv[lvl]

        def arc_body(j, carry, lab_v=lab_v, w_v=w_v, to_v=to_v,
                     lvec=lvec, abl=abl, lens=lens):
            off = j * L
            lab = lab_v[pl.ds(off, L)]
            wv = w_v[pl.ds(off, L)]
            tv = to_v[pl.ds(off, L)]
            valid = lane_lo & (j < lens)
            cur_bl = plsc.load_gather(bl_v, [r8, lab], mask=valid)
            cur_s = plsc.load_gather(s_v, [r8, lab], mask=valid)
            cur_n = plsc.load_gather(n_v, [r8, lab], mask=valid)
            cand = (abl + wv) * alphav
            better = lvec < cur_bl
            eq = lvec == cur_bl
            new_s = jnp.where(better, cand,
                              jnp.where(eq, jnp.maximum(cur_s, cand), cur_s))
            new_n = jnp.where(better, tv,
                              jnp.where(eq, jnp.maximum(cur_n, tv), cur_n))
            new_bl = jnp.minimum(cur_bl, lvec)
            plsc.store_scatter(s_v, [r8, lab], new_s, mask=valid)
            plsc.store_scatter(n_v, [r8, lab], new_n, mask=valid)
            plsc.store_scatter(bl_v, [r8, lab], new_bl, mask=valid)
            return carry

        maxlen = lax.reduce_max(jnp.where(lane_lo, lens, 0), (0,))
        lax.fori_loop(0, maxlen, arc_body, 0)

    fwr = plsc.load_gather(fw_v, [r8]) * alphav
    str_ = plsc.load_gather(st_v, [r8])
    plsc.store_scatter(s_v, [r8, zeros16], fwr, mask=lane_lo)
    plsc.store_scatter(n_v, [r8, zeros16], str_, mask=lane_lo)

    pltpu.sync_copy(s_v, out_s_h.at[pl.ds(base, ROWS)])
    pltpu.sync_copy(n_v, out_n_h.at[pl.ds(base, ROWS)])


_advance = functools.partial(
    pl.kernel,
    out_type=(jax.ShapeDtypeStruct((B, VOCAB), jnp.float32),
              jax.ShapeDtypeStruct((B, VOCAB), jnp.int32)),
    mesh=plsc.VectorSubcoreMesh(core_axis_name="c", subcore_axis_name="s"),
    compiler_params=pltpu.CompilerParams(needs_layout_passes=False),
    scratch_types=[
        pltpu.VMEM((L,), jnp.int32),
        pltpu.VMEM((L,), jnp.int32),
        pltpu.VMEM((L,), jnp.int32),
        pltpu.VMEM((L,), jnp.int32),
        pltpu.VMEM((L,), jnp.int32),
        pltpu.VMEM((L,), jnp.float32),
        pltpu.VMEM((L,), jnp.float32),
        pltpu.VMEM((L,), jnp.int32),
        pltpu.VMEM((L,), jnp.float32),
        pltpu.VMEM((L,), jnp.int32),
        pltpu.VMEM((L,), jnp.int32),
        pltpu.VMEM((L,), jnp.int32),
        pltpu.VMEM((L,), jnp.int32),
        pltpu.VMEM((L,), jnp.int32),
        pltpu.VMEM((L,), jnp.int32),
        pltpu.VMEM((L,), jnp.float32),
        pltpu.VMEM((L,), jnp.float32),
        pltpu.VMEM((L,), jnp.float32),
        pltpu.VMEM((24, 128), jnp.int32),
        pltpu.VMEM((1024,), jnp.int32),
        pltpu.VMEM((1024,), jnp.float32),
        pltpu.VMEM((1024,), jnp.int32),
        pltpu.VMEM((1024,), jnp.int32),
        pltpu.VMEM((1024,), jnp.float32),
        pltpu.VMEM((1024,), jnp.int32),
        pltpu.VMEM((1024,), jnp.int32),
        pltpu.VMEM((1024,), jnp.float32),
        pltpu.VMEM((1024,), jnp.int32),
        pltpu.VMEM((ROWS, VOCAB), jnp.int32),
        pltpu.VMEM((ROWS, VOCAB), jnp.float32),
        pltpu.VMEM((ROWS, VOCAB), jnp.int32),
        pltpu.SemaphoreType.DMA,
        pltpu.SemaphoreType.DMA,
        pltpu.SemaphoreType.DMA,
        pltpu.SemaphoreType.DMA,
        pltpu.SemaphoreType.DMA,
    ],
)(_advance_body)


def kernel(states, model_ids, arcs_weights, ilabels, to_states,
           start_end_arcs, backoff_to_states, backoff_weights,
           final_weights, model2alpha):
    mode = "promise_in_bounds"
    cur0 = states
    cur1 = backoff_to_states.at[cur0].get(mode=mode)
    cur2 = backoff_to_states.at[cur1].get(mode=mode)
    curcat = jnp.concatenate([cur0, cur1, cur2])
    se = start_end_arcs.at[curcat].get(mode=mode)
    starts = se[:, 0]
    ends = se[:, 1]
    return _advance(states, model_ids, curcat, starts, ends,
                    backoff_to_states, backoff_weights, final_weights,
                    model2alpha, arcs_weights, ilabels, to_states)

# --- scband reference (transcript-rebuilt; emitter-appended) ---
"""Pipeline reference for scband-gpubiasing-multi-model-28063316313010 (READ-ONLY COPY).

The authoritative reference and input builder live on the scoring server;
editing this copy changes nothing except your own understanding.
"""

import jax, jax.numpy as jnp
import numpy as np

VOCAB = 1024
NUM_STATES = 1000000
NUM_ARCS = 1000000
NUM_MODELS = 128
B = 256
MAX_ARCS = 64
MAX_ORDER = 3
EOS_ID = 0
NEG_INF = -1e30


def setup_inputs(seed: int = 0) -> dict:
    key = jax.random.key(seed)
    ks = jax.random.split(key, 12)
    states = jax.random.randint(ks[0], (B,), 0, NUM_STATES, dtype=jnp.int32)
    model_ids = jax.random.randint(ks[1], (B,), 0, NUM_MODELS, dtype=jnp.int32)
    # learned / stored model tensors (flat multi-model storage)
    arcs_weights = jax.random.normal(ks[2], (NUM_ARCS,), dtype=jnp.float32) * 0.1 - 1.0
    ilabels = jax.random.randint(ks[3], (NUM_ARCS,), 0, VOCAB, dtype=jnp.int32)
    to_states = jax.random.randint(ks[4], (NUM_ARCS,), 0, NUM_STATES, dtype=jnp.int32)
    starts = jax.random.randint(ks[5], (NUM_STATES,), 0, NUM_ARCS - MAX_ARCS, dtype=jnp.int32)
    lens = jax.random.randint(ks[6], (NUM_STATES,), 0, MAX_ARCS + 1, dtype=jnp.int32)
    start_end_arcs = jnp.stack([starts, starts + lens], axis=1)
    backoff_to_states = jax.random.randint(ks[7], (NUM_STATES,), 0, NUM_STATES, dtype=jnp.int32)
    backoff_weights = -jax.random.uniform(ks[8], (NUM_STATES,), dtype=jnp.float32) * 2.0
    final_weights = jax.random.normal(ks[9], (NUM_STATES,), dtype=jnp.float32) * 0.1 - 1.0
    model2alpha = jax.random.uniform(ks[10], (NUM_MODELS,), dtype=jnp.float32) + 0.5
    return {
        "states": states,
        "model_ids": model_ids,
        "arcs_weights": arcs_weights,
        "ilabels": ilabels,
        "to_states": to_states,
        "start_end_arcs": start_end_arcs,
        "backoff_to_states": backoff_to_states,
        "backoff_weights": backoff_weights,
        "final_weights": final_weights,
        "model2alpha": model2alpha,
    }


def reference(states, model_ids, arcs_weights, ilabels, to_states,
              start_end_arcs, backoff_to_states, backoff_weights,
              final_weights, model2alpha):
    # advance(states [B]) -> scores [B, V], next_states [B, V] over full vocab
    rows = jnp.broadcast_to(jnp.arange(B)[:, None], (B, MAX_ARCS))
    scores = jnp.zeros((B, VOCAB), dtype=jnp.float32)
    next_states = jnp.zeros((B, VOCAB), dtype=jnp.int32)
    found = jnp.zeros((B, VOCAB), dtype=bool)
    cur = states
    acc_backoff = jnp.zeros((B,), dtype=jnp.float32)
    for _ in range(MAX_ORDER):
        start = start_end_arcs[cur, 0]
        end = start_end_arcs[cur, 1]
        idx = start[:, None] + jnp.arange(MAX_ARCS, dtype=jnp.int32)[None, :]
        valid = idx < end[:, None]
        idxc = jnp.clip(idx, 0, NUM_ARCS - 1)
        lab = ilabels[idxc]
        w = arcs_weights[idxc]
        to = to_states[idxc]
        tmp_w = jnp.full((B, VOCAB), NEG_INF, dtype=jnp.float32).at[rows, lab].max(
            jnp.where(valid, w, NEG_INF))
        tmp_to = jnp.zeros((B, VOCAB), dtype=jnp.int32).at[rows, lab].max(
            jnp.where(valid, to, 0))
        tmp_found = tmp_w > (NEG_INF / 2)
        new = tmp_found & (~found)
        scores = jnp.where(new, acc_backoff[:, None] + tmp_w, scores)
        next_states = jnp.where(new, tmp_to, next_states)
        found = found | new
        acc_backoff = acc_backoff + backoff_weights[cur]
        cur = backoff_to_states[cur]
    # fully backed-off labels
    scores = jnp.where(found, scores, acc_backoff[:, None])
    next_states = jnp.where(found, next_states, cur[:, None])
    # eos gets (resolved) final state weight
    scores = scores.at[:, EOS_ID].set(final_weights[states])
    next_states = next_states.at[:, EOS_ID].set(states)
    alpha = model2alpha[model_ids]
    scores = scores * alpha[:, None]
    return scores, next_states

if __name__ == "__main__":
    import jax
    _d = setup_inputs()
    print(jax.jit(kernel)(*tuple(_d.values())))

</pallas_src>

<mosaic_0001>
#map = affine_map<(d0, d1) -> (0)>
#map1 = affine_map<(d0, d1) -> (0, 0)>
module attributes {stable_mosaic.version = 14 : i64} {
  func.func @_advance_body(%arg0: i32, %arg1: i32, %arg2: memref<256xi32, #tpu.memory_space<hbm>>, %arg3: memref<256xi32, #tpu.memory_space<hbm>>, %arg4: memref<768xi32, #tpu.memory_space<hbm>>, %arg5: memref<768xi32, #tpu.memory_space<hbm>>, %arg6: memref<768xi32, #tpu.memory_space<hbm>>, %arg7: memref<1000000xi32, #tpu.memory_space<hbm>>, %arg8: memref<1000000xf32, #tpu.memory_space<hbm>>, %arg9: memref<1000000xf32, #tpu.memory_space<hbm>>, %arg10: memref<128xf32, #tpu.memory_space<hbm>>, %arg11: memref<1000000xf32, #tpu.memory_space<hbm>>, %arg12: memref<1000000xi32, #tpu.memory_space<hbm>>, %arg13: memref<1000000xi32, #tpu.memory_space<hbm>>, %arg14: memref<256x1024xf32, #tpu.memory_space<hbm>>, %arg15: memref<256x1024xi32, #tpu.memory_space<hbm>>, %arg16: memref<16xi32, #tpu.memory_space<vmem>>, %arg17: memref<16xi32, #tpu.memory_space<vmem>>, %arg18: memref<16xi32, #tpu.memory_space<vmem>>, %arg19: memref<16xi32, #tpu.memory_space<vmem>>, %arg20: memref<16xi32, #tpu.memory_space<vmem>>, %arg21: memref<16xf32, #tpu.memory_space<vmem>>, %arg22: memref<16xf32, #tpu.memory_space<vmem>>, %arg23: memref<16xi32, #tpu.memory_space<vmem>>, %arg24: memref<16xf32, #tpu.memory_space<vmem>>, %arg25: memref<16xi32, #tpu.memory_space<vmem>>, %arg26: memref<16xi32, #tpu.memory_space<vmem>>, %arg27: memref<16xi32, #tpu.memory_space<vmem>>, %arg28: memref<16xi32, #tpu.memory_space<vmem>>, %arg29: memref<16xi32, #tpu.memory_space<vmem>>, %arg30: memref<16xi32, #tpu.memory_space<vmem>>, %arg31: memref<16xf32, #tpu.memory_space<vmem>>, %arg32: memref<16xf32, #tpu.memory_space<vmem>>, %arg33: memref<16xf32, #tpu.memory_space<vmem>>, %arg34: memref<24x128xi32, #tpu.memory_space<vmem>>, %arg35: memref<1024xi32, #tpu.memory_space<vmem>>, %arg36: memref<1024xf32, #tpu.memory_space<vmem>>, %arg37: memref<1024xi32, #tpu.memory_space<vmem>>, %arg38: memref<1024xi32, #tpu.memory_space<vmem>>, %arg39: memref<1024xf32, #tpu.memory_space<vmem>>, %arg40: memref<1024xi32, #tpu.memory_space<vmem>>, %arg41: memref<1024xi32, #tpu.memory_space<vmem>>, %arg42: memref<1024xf32, #tpu.memory_space<vmem>>, %arg43: memref<1024xi32, #tpu.memory_space<vmem>>, %arg44: memref<8x1024xi32, #tpu.memory_space<vmem>>, %arg45: memref<8x1024xf32, #tpu.memory_space<vmem>>, %arg46: memref<8x1024xi32, #tpu.memory_space<vmem>>, %arg47: memref<!tpu.dma_semaphore, #tpu.memory_space<semaphore_mem>>, %arg48: memref<!tpu.dma_semaphore, #tpu.memory_space<semaphore_mem>>, %arg49: memref<!tpu.dma_semaphore, #tpu.memory_space<semaphore_mem>>, %arg50: memref<!tpu.dma_semaphore, #tpu.memory_space<semaphore_mem>>, %arg51: memref<!tpu.dma_semaphore, #tpu.memory_space<semaphore_mem>>) attributes {dimension_semantics = [#tpu.dimension_semantics<core_parallel>, #tpu.dimension_semantics<subcore_parallel>], iteration_bounds = array<i64: 2, 16>, scalar_prefetch = 0 : i64, scratch_operands = 36 : i64, tpu.core_type = #tpu.core_type<sc_vector_subcore>, window_params = [{transform_indices = #map}, {transform_indices = #map}, {transform_indices = #map}, {transform_indices = #map}, {transform_indices = #map}, {transform_indices = #map}, {transform_indices = #map}, {transform_indices = #map}, {transform_indices = #map}, {transform_indices = #map}, {transform_indices = #map}, {transform_indices = #map}, {transform_indices = #map1}, {transform_indices = #map1}]} {
    %mul3A = arith.constant 2 : i32
    %mul3A_0 = arith.muli %arg1, %mul3A : i32
    %add3A = arith.addi %mul3A_0, %arg0 : i32
    %mul3A_1 = arith.constant 8 : i32
    %mul3A_2 = arith.muli %add3A, %mul3A_1 : i32
    %iota3A = tpu.iota {dimensions = array<i32: 0>} : vector<16xi32>
    %lt3A = arith.constant 8 : i32
    %lt3A_3 = vector.broadcast %lt3A : i32 to vector<16xi32>
    %lt3A_4 = arith.cmpi slt, %iota3A, %lt3A_3 : vector<16xi32>
    %and3A = arith.constant 7 : i32
    %and3A_5 = vector.broadcast %and3A : i32 to vector<16xi32>
    %and3A_6 = arith.andi %iota3A, %and3A_5 : vector<16xi32>
    %broadcast_in_dim3A = arith.constant 3 : i32
    %broadcast_in_dim3A_7 = vector.broadcast %broadcast_in_dim3A : i32 to vector<16xi32>
    %broadcast_in_dim3A_8 = arith.constant 0 : i32
    %broadcast_in_dim3A_9 = vector.broadcast %broadcast_in_dim3A_8 : i32 to vector<16xi32>
    %add3A_10 = arith.constant 0 : i32
    %add3A_11 = arith.addi %add3A_10, %mul3A_2 : i32
    %dma_start3A = arith.constant 0 : i32
    %dma_start3A_12 = tpu.memref_slice %arg16[%dma_start3A] : memref<16xi32, #tpu.memory_space<vmem>> -> memref<8xi32, #tpu.memory_space<vmem>>
    %dma_start3A_13 = tpu.memref_slice %arg2[%add3A_11] : memref<256xi32, #tpu.memory_space<hbm>> -> memref<8xi32, #tpu.memory_space<hbm>>
    %dma_start3A_14 = arith.constant 0 : i32
    %dma_start3A_15 = tpu.memref_slice %arg16[%dma_start3A_14] : memref<16xi32, #tpu.memory_space<vmem>> -> memref<8xi32, #tpu.memory_space<vmem>>
    %dma_start3A_16 = tpu.memref_slice %arg2[%add3A_11] : memref<256xi32, #tpu.memory_space<hbm>> -> memref<8xi32, #tpu.memory_space<hbm>>
    tpu.enqueue_dma source(%dma_start3A_16 : memref<8xi32, #tpu.memory_space<hbm>>) target(%dma_start3A_15 : memref<8xi32, #tpu.memory_space<vmem>>) target_semaphore(%arg47 : memref<!tpu.dma_semaphore, #tpu.memory_space<semaphore_mem>>)
    %add3A_17 = arith.constant 0 : i32
    %add3A_18 = arith.addi %add3A_17, %mul3A_2 : i32
    %dma_start3A_19 = arith.constant 0 : i32
    %dma_start3A_20 = tpu.memref_slice %arg17[%dma_start3A_19] : memref<16xi32, #tpu.memory_space<vmem>> -> memref<8xi32, #tpu.memory_space<vmem>>
    %dma_start3A_21 = tpu.memref_slice %arg3[%add3A_18] : memref<256xi32, #tpu.memory_space<hbm>> -> memref<8xi32, #tpu.memory_space<hbm>>
    %dma_start3A_22 = arith.constant 0 : i32
    %dma_start3A_23 = tpu.memref_slice %arg17[%dma_start3A_22] : memref<16xi32, #tpu.memory_space<vmem>> -> memref<8xi32, #tpu.memory_space<vmem>>
    %dma_start3A_24 = tpu.memref_slice %arg3[%add3A_18] : memref<256xi32, #tpu.memory_space<hbm>> -> memref<8xi32, #tpu.memory_space<hbm>>
    tpu.enqueue_dma source(%dma_start3A_24 : memref<8xi32, #tpu.memory_space<hbm>>) target(%dma_start3A_23 : memref<8xi32, #tpu.memory_space<vmem>>) target_semaphore(%arg47 : memref<!tpu.dma_semaphore, #tpu.memory_space<semaphore_mem>>)
    %add3A_25 = arith.constant 0 : i32
    %add3A_26 = arith.addi %add3A_25, %mul3A_2 : i32
    %dma_start3A_27 = arith.constant 0 : i32
    %dma_start3A_28 = tpu.memref_slice %arg18[%dma_start3A_27] : memref<16xi32, #tpu.memory_space<vmem>> -> memref<8xi32, #tpu.memory_space<vmem>>
    %dma_start3A_29 = tpu.memref_slice %arg4[%add3A_26] : memref<768xi32, #tpu.memory_space<hbm>> -> memref<8xi32, #tpu.memory_space<hbm>>
    %dma_start3A_30 = arith.constant 0 : i32
    %dma_start3A_31 = tpu.memref_slice %arg18[%dma_start3A_30] : memref<16xi32, #tpu.memory_space<vmem>> -> memref<8xi32, #tpu.memory_space<vmem>>
    %dma_start3A_32 = tpu.memref_slice %arg4[%add3A_26] : memref<768xi32, #tpu.memory_space<hbm>> -> memref<8xi32, #tpu.memory_space<hbm>>
    tpu.enqueue_dma source(%dma_start3A_32 : memref<8xi32, #tpu.memory_space<hbm>>) target(%dma_start3A_31 : memref<8xi32, #tpu.memory_space<vmem>>) target_semaphore(%arg47 : memref<!tpu.dma_semaphore, #tpu.memory_space<semaphore_mem>>)
    %add3A_33 = arith.constant 256 : i32
    %add3A_34 = arith.addi %add3A_33, %mul3A_2 : i32
    %dma_start3A_35 = arith.constant 0 : i32
    %dma_start3A_36 = tpu.memref_slice %arg19[%dma_start3A_35] : memref<16xi32, #tpu.memory_space<vmem>> -> memref<8xi32, #tpu.memory_space<vmem>>
    %dma_start3A_37 = tpu.memref_slice %arg4[%add3A_34] : memref<768xi32, #tpu.memory_space<hbm>> -> memref<8xi32, #tpu.memory_space<hbm>>
    %dma_start3A_38 = arith.constant 0 : i32
    %dma_start3A_39 = tpu.memref_slice %arg19[%dma_start3A_38] : memref<16xi32, #tpu.memory_space<vmem>> -> memref<8xi32, #tpu.memory_space<vmem>>
    %dma_start3A_40 = tpu.memref_slice %arg4[%add3A_34] : memref<768xi32, #tpu.memory_space<hbm>> -> memref<8xi32, #tpu.memory_space<hbm>>
    tpu.enqueue_dma source(%dma_start3A_40 : memref<8xi32, #tpu.memory_space<hbm>>) target(%dma_start3A_39 : memref<8xi32, #tpu.memory_space<vmem>>) target_semaphore(%arg47 : memref<!tpu.dma_semaphore, #tpu.memory_space<semaphore_mem>>)
    %add3A_41 = arith.constant 512 : i32
    %add3A_42 = arith.addi %add3A_41, %mul3A_2 : i32
    %dma_start3A_43 = arith.constant 0 : i32
    %dma_start3A_44 = tpu.memref_slice %arg20[%dma_start3A_43] : memref<16xi32, #tpu.memory_space<vmem>> -> memref<8xi32, #tpu.memory_space<vmem>>
    %dma_start3A_45 = tpu.memref_slice %arg4[%add3A_42] : memref<768xi32, #tpu.memory_space<hbm>> -> memref<8xi32, #tpu.memory_space<hbm>>
    %dma_start3A_46 = arith.constant 0 : i32
    %dma_start3A_47 = tpu.memref_slice %arg20[%dma_start3A_46] : memref<16xi32, #tpu.memory_space<vmem>> -> memref<8xi32, #tpu.memory_space<vmem>>
    %dma_start3A_48 = tpu.memref_slice %arg4[%add3A_42] : memref<768xi32, #tpu.memory_space<hbm>> -> memref<8xi32, #tpu.memory_space<hbm>>
    tpu.enqueue_dma source(%dma_start3A_48 : memref<8xi32, #tpu.memory_space<hbm>>) target(%dma_start3A_47 : memref<8xi32, #tpu.memory_space<vmem>>) target_semaphore(%arg47 : memref<!tpu.dma_semaphore, #tpu.memory_space<semaphore_mem>>)
    %add3A_49 = arith.constant 0 : i32
    %add3A_50 = arith.addi %add3A_49, %mul3A_2 : i32
    %dma_start3A_51 = arith.constant 0 : i32
    %dma_start3A_52 = tpu.memref_slice %arg25[%dma_start3A_51] : memref<16xi32, #tpu.memory_space<vmem>> -> memref<8xi32, #tpu.memory_space<vmem>>
    %dma_start3A_53 = tpu.memref_slice %arg5[%add3A_50] : memref<768xi32, #tpu.memory_space<hbm>> -> memref<8xi32, #tpu.memory_space<hbm>>
    %dma_start3A_54 = arith.constant 0 : i32
    %dma_start3A_55 = tpu.memref_slice %arg25[%dma_start3A_54] : memref<16xi32, #tpu.memory_space<vmem>> -> memref<8xi32, #tpu.memory_space<vmem>>
    %dma_start3A_56 = tpu.memref_slice %arg5[%add3A_50] : memref<768xi32, #tpu.memory_space<hbm>> -> memref<8xi32, #tpu.memory_space<hbm>>
    tpu.enqueue_dma source(%dma_start3A_56 : memref<8xi32, #tpu.memory_space<hbm>>) target(%dma_start3A_55 : memref<8xi32, #tpu.memory_space<vmem>>) target_semaphore(%arg47 : memref<!tpu.dma_semaphore, #tpu.memory_space<semaphore_mem>>)
    %dma_start3A_57 = arith.constant 0 : i32
    %dma_start3A_58 = tpu.memref_slice %arg28[%dma_start3A_57] : memref<16xi32, #tpu.memory_space<vmem>> -> memref<8xi32, #tpu.memory_space<vmem>>
    %dma_start3A_59 = tpu.memref_slice %arg6[%add3A_50] : memref<768xi32, #tpu.memory_space<hbm>> -> memref<8xi32, #tpu.memory_space<hbm>>
    %dma_start3A_60 = arith.constant 0 : i32
    %dma_start3A_61 = tpu.memref_slice %arg28[%dma_start3A_60] : memref<16xi32, #tpu.memory_space<vmem>> -> memref<8xi32, #tpu.memory_space<vmem>>
    %dma_start3A_62 = tpu.memref_slice %arg6[%add3A_50] : memref<768xi32, #tpu.memory_space<hbm>> -> memref<8xi32, #tpu.memory_space<hbm>>
    tpu.enqueue_dma source(%dma_start3A_62 : memref<8xi32, #tpu.memory_space<hbm>>) target(%dma_start3A_61 : memref<8xi32, #tpu.memory_space<vmem>>) target_semaphore(%arg47 : memref<!tpu.dma_semaphore, #tpu.memory_space<semaphore_mem>>)
    %add3A_63 = arith.constant 256 : i32
    %add3A_64 = arith.addi %add3A_63, %mul3A_2 : i32
    %dma_start3A_65 = arith.constant 0 : i32
    %dma_start3A_66 = tpu.memref_slice %arg26[%dma_start3A_65] : memref<16xi32, #tpu.memory_space<vmem>> -> memref<8xi32, #tpu.memory_space<vmem>>
    %dma_start3A_67 = tpu.memref_slice %arg5[%add3A_64] : memref<768xi32, #tpu.memory_space<hbm>> -> memref<8xi32, #tpu.memory_space<hbm>>
    %dma_start3A_68 = arith.constant 0 : i32
    %dma_start3A_69 = tpu.memref_slice %arg26[%dma_start3A_68] : memref<16xi32, #tpu.memory_space<vmem>> -> memref<8xi32, #tpu.memory_space<vmem>>
    %dma_start3A_70 = tpu.memref_slice %arg5[%add3A_64] : memref<768xi32, #tpu.memory_space<hbm>> -> memref<8xi32, #tpu.memory_space<hbm>>
    tpu.enqueue_dma source(%dma_start3A_70 : memref<8xi32, #tpu.memory_space<hbm>>) target(%dma_start3A_69 : memref<8xi32, #tpu.memory_space<vmem>>) target_semaphore(%arg47 : memref<!tpu.dma_semaphore, #tpu.memory_space<semaphore_mem>>)
    %dma_start3A_71 = arith.constant 0 : i32
    %dma_start3A_72 = tpu.memref_slice %arg29[%dma_start3A_71] : memref<16xi32, #tpu.memory_space<vmem>> -> memref<8xi32, #tpu.memory_space<vmem>>
    %dma_start3A_73 = tpu.memref_slice %arg6[%add3A_64] : memref<768xi32, #tpu.memory_space<hbm>> -> memref<8xi32, #tpu.memory_space<hbm>>
    %dma_start3A_74 = arith.constant 0 : i32
    %dma_start3A_75 = tpu.memref_slice %arg29[%dma_start3A_74] : memref<16xi32, #tpu.memory_space<vmem>> -> memref<8xi32, #tpu.memory_space<vmem>>
    %dma_start3A_76 = tpu.memref_slice %arg6[%add3A_64] : memref<768xi32, #tpu.memory_space<hbm>> -> memref<8xi32, #tpu.memory_space<hbm>>
    tpu.enqueue_dma source(%dma_start3A_76 : memref<8xi32, #tpu.memory_space<hbm>>) target(%dma_start3A_75 : memref<8xi32, #tpu.memory_space<vmem>>) target_semaphore(%arg47 : memref<!tpu.dma_semaphore, #tpu.memory_space<semaphore_mem>>)
    %add3A_77 = arith.constant 512 : i32
    %add3A_78 = arith.addi %add3A_77, %mul3A_2 : i32
    %dma_start3A_79 = arith.constant 0 : i32
    %dma_start3A_80 = tpu.memref_slice %arg27[%dma_start3A_79] : memref<16xi32, #tpu.memory_space<vmem>> -> memref<8xi32, #tpu.memory_space<vmem>>
    %dma_start3A_81 = tpu.memref_slice %arg5[%add3A_78] : memref<768xi32, #tpu.memory_space<hbm>> -> memref<8xi32, #tpu.memory_space<hbm>>
    %dma_start3A_82 = arith.constant 0 : i32
    %dma_start3A_83 = tpu.memref_slice %arg27[%dma_start3A_82] : memref<16xi32, #tpu.memory_space<vmem>> -> memref<8xi32, #tpu.memory_space<vmem>>
    %dma_start3A_84 = tpu.memref_slice %arg5[%add3A_78] : memref<768xi32, #tpu.memory_space<hbm>> -> memref<8xi32, #tpu.memory_space<hbm>>
    tpu.enqueue_dma source(%dma_start3A_84 : memref<8xi32, #tpu.memory_space<hbm>>) target(%dma_start3A_83 : memref<8xi32, #tpu.memory_space<vmem>>) target_semaphore(%arg47 : memref<!tpu.dma_semaphore, #tpu.memory_space<semaphore_mem>>)
    %dma_start3A_85 = arith.constant 0 : i32
    %dma_start3A_86 = tpu.memref_slice %arg30[%dma_start3A_85] : memref<16xi32, #tpu.memory_space<vmem>> -> memref<8xi32, #tpu.memory_space<vmem>>
    %dma_start3A_87 = tpu.memref_slice %arg6[%add3A_78] : memref<768xi32, #tpu.memory_space<hbm>> -> memref<8xi32, #tpu.memory_space<hbm>>
    %dma_start3A_88 = arith.constant 0 : i32
    %dma_start3A_89 = tpu.memref_slice %arg30[%dma_start3A_88] : memref<16xi32, #tpu.memory_space<vmem>> -> memref<8xi32, #tpu.memory_space<vmem>>
    %dma_start3A_90 = tpu.memref_slice %arg6[%add3A_78] : memref<768xi32, #tpu.memory_space<hbm>> -> memref<8xi32, #tpu.memory_space<hbm>>
    tpu.enqueue_dma source(%dma_start3A_90 : memref<8xi32, #tpu.memory_space<hbm>>) target(%dma_start3A_89 : memref<8xi32, #tpu.memory_space<vmem>>) target_semaphore(%arg47 : memref<!tpu.dma_semaphore, #tpu.memory_space<semaphore_mem>>)
    %dma_wait3A = arith.constant 0 : i32
    %dma_wait3A_91 = tpu.memref_slice %arg16[%dma_wait3A] : memref<16xi32, #tpu.memory_space<vmem>> -> memref<8xi32, #tpu.memory_space<vmem>>
    %dma_wait3A_92 = tpu.memref_slice %arg2[%add3A_11] : memref<256xi32, #tpu.memory_space<hbm>> -> memref<8xi32, #tpu.memory_space<hbm>>
    %dma_wait3A_93 = arith.constant 0 : i32
    %dma_wait3A_94 = tpu.memref_slice %arg16[%dma_wait3A_93] : memref<16xi32, #tpu.memory_space<vmem>> -> memref<8xi32, #tpu.memory_space<vmem>>
    %dma_wait3A_95 = tpu.memref_slice %arg2[%add3A_11] : memref<256xi32, #tpu.memory_space<hbm>> -> memref<8xi32, #tpu.memory_space<hbm>>
    tpu.wait_dma2 semaphore(%arg47 : memref<!tpu.dma_semaphore, #tpu.memory_space<semaphore_mem>>) src(%dma_wait3A_95 : memref<8xi32, #tpu.memory_space<hbm>>) dst(%dma_wait3A_94 : memref<8xi32, #tpu.memory_space<vmem>>)
    %dma_wait3A_96 = arith.constant 0 : i32
    %dma_wait3A_97 = tpu.memref_slice %arg17[%dma_wait3A_96] : memref<16xi32, #tpu.memory_space<vmem>> -> memref<8xi32, #tpu.memory_space<vmem>>
    %dma_wait3A_98 = tpu.memref_slice %arg3[%add3A_18] : memref<256xi32, #tpu.memory_space<hbm>> -> memref<8xi32, #tpu.memory_space<hbm>>
    %dma_wait3A_99 = arith.constant 0 : i32
    %dma_wait3A_100 = tpu.memref_slice %arg17[%dma_wait3A_99] : memref<16xi32, #tpu.memory_space<vmem>> -> memref<8xi32, #tpu.memory_space<vmem>>
    %dma_wait3A_101 = tpu.memref_slice %arg3[%add3A_18] : memref<256xi32, #tpu.memory_space<hbm>> -> memref<8xi32, #tpu.memory_space<hbm>>
    tpu.wait_dma2 semaphore(%arg47 : memref<!tpu.dma_semaphore, #tpu.memory_space<semaphore_mem>>) src(%dma_wait3A_101 : memref<8xi32, #tpu.memory_space<hbm>>) dst(%dma_wait3A_100 : memref<8xi32, #tpu.memory_space<vmem>>)
    %dma_wait3A_102 = arith.constant 0 : i32
    %dma_wait3A_103 = tpu.memref_slice %arg18[%dma_wait3A_102] : memref<16xi32, #tpu.memory_space<vmem>> -> memref<8xi32, #tpu.memory_space<vmem>>
    %dma_wait3A_104 = tpu.memref_slice %arg4[%add3A_26] : memref<768xi32, #tpu.memory_space<hbm>> -> memref<8xi32, #tpu.memory_space<hbm>>
    %dma_wait3A_105 = arith.constant 0 : i32
    %dma_wait3A_106 = tpu.memref_slice %arg18[%dma_wait3A_105] : memref<16xi32, #tpu.memory_space<vmem>> -> memref<8xi32, #tpu.memory_space<vmem>>
    %dma_wait3A_107 = tpu.memref_slice %arg4[%add3A_26] : memref<768xi32, #tpu.memory_space<hbm>> -> memref<8xi32, #tpu.memory_space<hbm>>
    tpu.wait_dma2 semaphore(%arg47 : memref<!tpu.dma_semaphore, #tpu.memory_space<semaphore_mem>>) src(%dma_wait3A_107 : memref<8xi32, #tpu.memory_space<hbm>>) dst(%dma_wait3A_106 : memref<8xi32, #tpu.memory_space<vmem>>)
    %dma_wait3A_108 = arith.constant 0 : i32
    %dma_wait3A_109 = tpu.memref_slice %arg19[%dma_wait3A_108] : memref<16xi32, #tpu.memory_space<vmem>> -> memref<8xi32, #tpu.memory_space<vmem>>
    %dma_wait3A_110 = tpu.memref_slice %arg4[%add3A_34] : memref<768xi32, #tpu.memory_space<hbm>> -> memref<8xi32, #tpu.memory_space<hbm>>
    %dma_wait3A_111 = arith.constant 0 : i32
    %dma_wait3A_112 = tpu.memref_slice %arg19[%dma_wait3A_111] : memref<16xi32, #tpu.memory_space<vmem>> -> memref<8xi32, #tpu.memory_space<vmem>>
    %dma_wait3A_113 = tpu.memref_slice %arg4[%add3A_34] : memref<768xi32, #tpu.memory_space<hbm>> -> memref<8xi32, #tpu.memory_space<hbm>>
    tpu.wait_dma2 semaphore(%arg47 : memref<!tpu.dma_semaphore, #tpu.memory_space<semaphore_mem>>) src(%dma_wait3A_113 : memref<8xi32, #tpu.memory_space<hbm>>) dst(%dma_wait3A_112 : memref<8xi32, #tpu.memory_space<vmem>>)
    %dma_wait3A_114 = arith.constant 0 : i32
    %dma_wait3A_115 = tpu.memref_slice %arg20[%dma_wait3A_114] : memref<16xi32, #tpu.memory_space<vmem>> -> memref<8xi32, #tpu.memory_space<vmem>>
    %dma_wait3A_116 = tpu.memref_slice %arg4[%add3A_42] : memref<768xi32, #tpu.memory_space<hbm>> -> memref<8xi32, #tpu.memory_space<hbm>>
    %dma_wait3A_117 = arith.constant 0 : i32
    %dma_wait3A_118 = tpu.memref_slice %arg20[%dma_wait3A_117] : memref<16xi32, #tpu.memory_space<vmem>> -> memref<8xi32, #tpu.memory_space<vmem>>
    %dma_wait3A_119 = tpu.memref_slice %arg4[%add3A_42] : memref<768xi32, #tpu.memory_space<hbm>> -> memref<8xi32, #tpu.memory_space<hbm>>
    tpu.wait_dma2 semaphore(%arg47 : memref<!tpu.dma_semaphore, #tpu.memory_space<semaphore_mem>>) src(%dma_wait3A_119 : memref<8xi32, #tpu.memory_space<hbm>>) dst(%dma_wait3A_118 : memref<8xi32, #tpu.memory_space<vmem>>)
    %dma_wait3A_120 = arith.constant 0 : i32
    %dma_wait3A_121 = tpu.memref_slice %arg25[%dma_wait3A_120] : memref<16xi32, #tpu.memory_space<vmem>> -> memref<8xi32, #tpu.memory_space<vmem>>
    %dma_wait3A_122 = tpu.memref_slice %arg5[%add3A_50] : memref<768xi32, #tpu.memory_space<hbm>> -> memref<8xi32, #tpu.memory_space<hbm>>
    %dma_wait3A_123 = arith.constant 0 : i32
    %dma_wait3A_124 = tpu.memref_slice %arg25[%dma_wait3A_123] : memref<16xi32, #tpu.memory_space<vmem>> -> memref<8xi32, #tpu.memory_space<vmem>>
    %dma_wait3A_125 = tpu.memref_slice %arg5[%add3A_50] : memref<768xi32, #tpu.memory_space<hbm>> -> memref<8xi32, #tpu.memory_space<hbm>>
    tpu.wait_dma2 semaphore(%arg47 : memref<!tpu.dma_semaphore, #tpu.memory_space<semaphore_mem>>) src(%dma_wait3A_125 : memref<8xi32, #tpu.memory_space<hbm>>) dst(%dma_wait3A_124 : memref<8xi32, #tpu.memory_space<vmem>>)
    %dma_wait3A_126 = arith.constant 0 : i32
    %dma_wait3A_127 = tpu.memref_slice %arg28[%dma_wait3A_126] : memref<16xi32, #tpu.memory_space<vmem>> -> memref<8xi32, #tpu.memory_space<vmem>>
    %dma_wait3A_128 = tpu.memref_slice %arg6[%add3A_50] : memref<768xi32, #tpu.memory_space<hbm>> -> memref<8xi32, #tpu.memory_space<hbm>>
    %dma_wait3A_129 = arith.constant 0 : i32
    %dma_wait3A_130 = tpu.memref_slice %arg28[%dma_wait3A_129] : memref<16xi32, #tpu.memory_space<vmem>> -> memref<8xi32, #tpu.memory_space<vmem>>
    %dma_wait3A_131 = tpu.memref_slice %arg6[%add3A_50] : memref<768xi32, #tpu.memory_space<hbm>> -> memref<8xi32, #tpu.memory_space<hbm>>
    tpu.wait_dma2 semaphore(%arg47 : memref<!tpu.dma_semaphore, #tpu.memory_space<semaphore_mem>>) src(%dma_wait3A_131 : memref<8xi32, #tpu.memory_space<hbm>>) dst(%dma_wait3A_130 : memref<8xi32, #tpu.memory_space<vmem>>)
    %dma_wait3A_132 = arith.constant 0 : i32
    %dma_wait3A_133 = tpu.memref_slice %arg26[%dma_wait3A_132] : memref<16xi32, #tpu.memory_space<vmem>> -> memref<8xi32, #tpu.memory_space<vmem>>
    %dma_wait3A_134 = tpu.memref_slice %arg5[%add3A_64] : memref<768xi32, #tpu.memory_space<hbm>> -> memref<8xi32, #tpu.memory_space<hbm>>
    %dma_wait3A_135 = arith.constant 0 : i32
    %dma_wait3A_136 = tpu.memref_slice %arg26[%dma_wait3A_135] : memref<16xi32, #tpu.memory_space<vmem>> -> memref<8xi32, #tpu.memory_space<vmem>>
    %dma_wait3A_137 = tpu.memref_slice %arg5[%add3A_64] : memref<768xi32, #tpu.memory_space<hbm>> -> memref<8xi32, #tpu.memory_space<hbm>>
    tpu.wait_dma2 semaphore(%arg47 : memref<!tpu.dma_semaphore, #tpu.memory_space<semaphore_mem>>) src(%dma_wait3A_137 : memref<8xi32, #tpu.memory_space<hbm>>) dst(%dma_wait3A_136 : memref<8xi32, #tpu.memory_space<vmem>>)
    %dma_wait3A_138 = arith.constant 0 : i32
    %dma_wait3A_139 = tpu.memref_slice %arg29[%dma_wait3A_138] : memref<16xi32, #tpu.memory_space<vmem>> -> memref<8xi32, #tpu.memory_space<vmem>>
    %dma_wait3A_140 = tpu.memref_slice %arg6[%add3A_64] : memref<768xi32, #tpu.memory_space<hbm>> -> memref<8xi32, #tpu.memory_space<hbm>>
    %dma_wait3A_141 = arith.constant 0 : i32
    %dma_wait3A_142 = tpu.memref_slice %arg29[%dma_wait3A_141] : memref<16xi32, #tpu.memory_space<vmem>> -> memref<8xi32, #tpu.memory_space<vmem>>
    %dma_wait3A_143 = tpu.memref_slice %arg6[%add3A_64] : memref<768xi32, #tpu.memory_space<hbm>> -> memref<8xi32, #tpu.memory_space<hbm>>
    tpu.wait_dma2 semaphore(%arg47 : memref<!tpu.dma_semaphore, #tpu.memory_space<semaphore_mem>>) src(%dma_wait3A_143 : memref<8xi32, #tpu.memory_space<hbm>>) dst(%dma_wait3A_142 : memref<8xi32, #tpu.memory_space<vmem>>)
    %dma_wait3A_144 = arith.constant 0 : i32
    %dma_wait3A_145 = tpu.memref_slice %arg27[%dma_wait3A_144] : memref<16xi32, #tpu.memory_space<vmem>> -> memref<8xi32, #tpu.memory_space<vmem>>
    %dma_wait3A_146 = tpu.memref_slice %arg5[%add3A_78] : memref<768xi32, #tpu.memory_space<hbm>> -> memref<8xi32, #tpu.memory_space<hbm>>
    %dma_wait3A_147 = arith.constant 0 : i32
    %dma_wait3A_148 = tpu.memref_slice %arg27[%dma_wait3A_147] : memref<16xi32, #tpu.memory_space<vmem>> -> memref<8xi32, #tpu.memory_space<vmem>>
    %dma_wait3A_149 = tpu.memref_slice %arg5[%add3A_78] : memref<768xi32, #tpu.memory_space<hbm>> -> memref<8xi32, #tpu.memory_space<hbm>>
    tpu.wait_dma2 semaphore(%arg47 : memref<!tpu.dma_semaphore, #tpu.memory_space<semaphore_mem>>) src(%dma_wait3A_149 : memref<8xi32, #tpu.memory_space<hbm>>) dst(%dma_wait3A_148 : memref<8xi32, #tpu.memory_space<vmem>>)
    %dma_wait3A_150 = arith.constant 0 : i32
    %dma_wait3A_151 = tpu.memref_slice %arg30[%dma_wait3A_150] : memref<16xi32, #tpu.memory_space<vmem>> -> memref<8xi32, #tpu.memory_space<vmem>>
    %dma_wait3A_152 = tpu.memref_slice %arg6[%add3A_78] : memref<768xi32, #tpu.memory_space<hbm>> -> memref<8xi32, #tpu.memory_space<hbm>>
    %dma_wait3A_153 = arith.constant 0 : i32
    %dma_wait3A_154 = tpu.memref_slice %arg30[%dma_wait3A_153] : memref<16xi32, #tpu.memory_space<vmem>> -> memref<8xi32, #tpu.memory_space<vmem>>
    %dma_wait3A_155 = tpu.memref_slice %arg6[%add3A_78] : memref<768xi32, #tpu.memory_space<hbm>> -> memref<8xi32, #tpu.memory_space<hbm>>
    tpu.wait_dma2 semaphore(%arg47 : memref<!tpu.dma_semaphore, #tpu.memory_space<semaphore_mem>>) src(%dma_wait3A_155 : memref<8xi32, #tpu.memory_space<hbm>>) dst(%dma_wait3A_154 : memref<8xi32, #tpu.memory_space<vmem>>)
    %get3A = arith.constant 0 : index
    %get3A_156 = tpu.vector_load %arg16[%get3A] {strides = array<i32>} : memref<16xi32, #tpu.memory_space<vmem>>, vector<16xi32>,
    %jit3A = arith.constant 0 : i32
    %broadcast_in_dim3A_157 = vector.broadcast %jit3A : i32 to vector<16xi32>
    %select_n3A = arith.select %lt3A_4, %get3A_156, %broadcast_in_dim3A_157 : vector<16xi1>, vector<16xi32>
    %get3A_158 = arith.constant 0 : index
    %get3A_159 = tpu.vector_load %arg17[%get3A_158] {strides = array<i32>} : memref<16xi32, #tpu.memory_space<vmem>>, vector<16xi32>,
    %jit3A_160 = arith.constant 0 : i32
    %broadcast_in_dim3A_161 = vector.broadcast %jit3A_160 : i32 to vector<16xi32>
    %select_n3A_162 = arith.select %lt3A_4, %get3A_159, %broadcast_in_dim3A_161 : vector<16xi1>, vector<16xi32>
    %get3A_163 = arith.constant 0 : index
    %get3A_164 = tpu.vector_load %arg18[%get3A_163] {strides = array<i32>} : memref<16xi32, #tpu.memory_space<vmem>>, vector<16xi32>,
    %jit3A_165 = arith.constant 0 : i32
    %broadcast_in_dim3A_166 = vector.broadcast %jit3A_165 : i32 to vector<16xi32>
    %select_n3A_167 = arith.select %lt3A_4, %get3A_164, %broadcast_in_dim3A_166 : vector<16xi1>, vector<16xi32>
    %get3A_168 = arith.constant 0 : index
    %get3A_169 = tpu.vector_load %arg19[%get3A_168] {strides = array<i32>} : memref<16xi32, #tpu.memory_space<vmem>>, vector<16xi32>,
    %jit3A_170 = arith.constant 0 : i32
    %broadcast_in_dim3A_171 = vector.broadcast %jit3A_170 : i32 to vector<16xi32>
    %select_n3A_172 = arith.select %lt3A_4, %get3A_169, %broadcast_in_dim3A_171 : vector<16xi1>, vector<16xi32>
    %get3A_173 = arith.constant 0 : index
    %get3A_174 = tpu.vector_load %arg20[%get3A_173] {strides = array<i32>} : memref<16xi32, #tpu.memory_space<vmem>>, vector<16xi32>,
    %jit3A_175 = arith.constant 0 : i32
    %broadcast_in_dim3A_176 = vector.broadcast %jit3A_175 : i32 to vector<16xi32>
    %select_n3A_177 = arith.select %lt3A_4, %get3A_174, %broadcast_in_dim3A_176 : vector<16xi1>, vector<16xi32>
    %dma_start3A_178 = arith.constant 0 : i32
    %dma_start3A_179 = tpu.memref_slice %arg10[%dma_start3A_178] : memref<128xf32, #tpu.memory_space<hbm>> -> memref<128xf32, #tpu.memory_space<hbm>>
    tpu.enqueue_indirect_dma source(%dma_start3A_179 : memref<128xf32, #tpu.memory_space<hbm>>) target(%arg21 : memref<16xf32, #tpu.memory_space<vmem>>) offsets(%select_n3A_162 : vector<16xi32>) semaphore(%arg48 : memref<!tpu.dma_semaphore, #tpu.memory_space<semaphore_mem>>)
    %dma_start3A_180 = arith.constant 0 : i32
    %dma_start3A_181 = tpu.memref_slice %arg9[%dma_start3A_180] : memref<1000000xf32, #tpu.memory_space<hbm>> -> memref<1000000xf32, #tpu.memory_space<hbm>>
    tpu.enqueue_indirect_dma source(%dma_start3A_181 : memref<1000000xf32, #tpu.memory_space<hbm>>) target(%arg22 : memref<16xf32, #tpu.memory_space<vmem>>) offsets(%select_n3A : vector<16xi32>) semaphore(%arg48 : memref<!tpu.dma_semaphore, #tpu.memory_space<semaphore_mem>>)
    %dma_start3A_182 = arith.constant 0 : i32
    %dma_start3A_183 = tpu.memref_slice %arg7[%dma_start3A_182] : memref<1000000xi32, #tpu.memory_space<hbm>> -> memref<1000000xi32, #tpu.memory_space<hbm>>
    tpu.enqueue_indirect_dma source(%dma_start3A_183 : memref<1000000xi32, #tpu.memory_space<hbm>>) target(%arg23 : memref<16xi32, #tpu.memory_space<vmem>>) offsets(%select_n3A_177 : vector<16xi32>) semaphore(%arg48 : memref<!tpu.dma_semaphore, #tpu.memory_space<semaphore_mem>>)
    %dma_start3A_184 = arith.constant 0 : i32
    %dma_start3A_185 = tpu.memref_slice %arg8[%dma_start3A_184] : memref<1000000xf32, #tpu.memory_space<hbm>> -> memref<1000000xf32, #tpu.memory_space<hbm>>
    tpu.enqueue_indirect_dma source(%dma_start3A_185 : memref<1000000xf32, #tpu.memory_space<hbm>>) target(%arg31 : memref<16xf32, #tpu.memory_space<vmem>>) offsets(%select_n3A_167 : vector<16xi32>) semaphore(%arg48 : memref<!tpu.dma_semaphore, #tpu.memory_space<semaphore_mem>>)
    %dma_start3A_186 = arith.constant 0 : i32
    %dma_start3A_187 = tpu.memref_slice %arg8[%dma_start3A_186] : memref<1000000xf32, #tpu.memory_space<hbm>> -> memref<1000000xf32, #tpu.memory_space<hbm>>
    tpu.enqueue_indirect_dma source(%dma_start3A_187 : memref<1000000xf32, #tpu.memory_space<hbm>>) target(%arg32 : memref<16xf32, #tpu.memory_space<vmem>>) offsets(%select_n3A_172 : vector<16xi32>) semaphore(%arg48 : memref<!tpu.dma_semaphore, #tpu.memory_space<semaphore_mem>>)
    %dma_start3A_188 = arith.constant 0 : i32
    %dma_start3A_189 = tpu.memref_slice %arg8[%dma_start3A_188] : memref<1000000xf32, #tpu.memory_space<hbm>> -> memref<1000000xf32, #tpu.memory_space<hbm>>
    tpu.enqueue_indirect_dma source(%dma_start3A_189 : memref<1000000xf32, #tpu.memory_space<hbm>>) target(%arg33 : memref<16xf32, #tpu.memory_space<vmem>>) offsets(%select_n3A_177 : vector<16xi32>) semaphore(%arg48 : memref<!tpu.dma_semaphore, #tpu.memory_space<semaphore_mem>>)
    %gather3A = tpu.vector_load_idx %arg25[%and3A_6] : memref<16xi32, #tpu.memory_space<vmem>>[vector<16xi32>], vector<16xi32>,
    %gather3A_190 = tpu.vector_load_idx %arg28[%and3A_6] : memref<16xi32, #tpu.memory_space<vmem>>[vector<16xi32>], vector<16xi32>,
    %sub3A = arith.subi %gather3A_190, %gather3A : vector<16xi32>
    %add3A_191 = arith.constant 0 : i32
    %add3A_192 = vector.broadcast %add3A_191 : i32 to vector<16xi32>
    %add3A_193 = arith.addi %gather3A, %add3A_192 : vector<16xi32>
    %swap3A = arith.constant 0 : i32
    %swap3A_194 = arith.index_cast %swap3A : i32 to index
    %swap3A_195 = arith.constant 0 : index
    %swap3A_196 = tpu.vector_load %arg34[%swap3A_194, %swap3A_195] {strides = array<i32>} : memref<24x128xi32, #tpu.memory_space<vmem>>, vector<16xi32>,
    tpu.vector_store %arg34[%swap3A_194, %swap3A_195], %add3A_193 {strides = array<i32>} : memref<24x128xi32, #tpu.memory_space<vmem>>, vector<16xi32>,
    %add3A_197 = arith.constant 1 : i32
    %add3A_198 = vector.broadcast %add3A_197 : i32 to vector<16xi32>
    %add3A_199 = arith.addi %gather3A, %add3A_198 : vector<16xi32>
    %swap3A_200 = arith.constant 0 : i32
    %swap3A_201 = arith.index_cast %swap3A_200 : i32 to index
    %swap3A_202 = arith.constant 16 : index
    %swap3A_203 = tpu.vector_load %arg34[%swap3A_201, %swap3A_202] {strides = array<i32>} : memref<24x128xi32, #tpu.memory_space<vmem>>, vector<16xi32>,
    tpu.vector_store %arg34[%swap3A_201, %swap3A_202], %add3A_199 {strides = array<i32>} : memref<24x128xi32, #tpu.memory_space<vmem>>, vector<16xi32>,
    %add3A_204 = arith.constant 2 : i32
    %add3A_205 = vector.broadcast %add3A_204 : i32 to vector<16xi32>
    %add3A_206 = arith.addi %gather3A, %add3A_205 : vector<16xi32>
    %swap3A_207 = arith.constant 0 : i32
    %swap3A_208 = arith.index_cast %swap3A_207 : i32 to index
    %swap3A_209 = arith.constant 32 : index
    %swap3A_210 = tpu.vector_load %arg34[%swap3A_208, %swap3A_209] {strides = array<i32>} : memref<24x128xi32, #tpu.memory_space<vmem>>, vector<16xi32>,
    tpu.vector_store %arg34[%swap3A_208, %swap3A_209], %add3A_206 {strides = array<i32>} : memref<24x128xi32, #tpu.memory_space<vmem>>, vector<16xi32>,
    %add3A_211 = arith.constant 3 : i32
    %add3A_212 = vector.broadcast %add3A_211 : i32 to vector<16xi32>
    %add3A_213 = arith.addi %gather3A, %add3A_212 : vector<16xi32>
    %swap3A_214 = arith.constant 0 : i32
    %swap3A_215 = arith.index_cast %swap3A_214 : i32 to index
    %swap3A_216 = arith.constant 48 : index
    %swap3A_217 = tpu.vector_load %arg34[%swap3A_215, %swap3A_216] {strides = array<i32>} : memref<24x128xi32, #tpu.memory_space<vmem>>, vector<16xi32>,
    tpu.vector_store %arg34[%swap3A_215, %swap3A_216], %add3A_213 {strides = array<i32>} : memref<24x128xi32, #tpu.memory_space<vmem>>, vector<16xi32>,
    %add3A_218 = arith.constant 4 : i32
    %add3A_219 = vector.broadcast %add3A_218 : i32 to vector<16xi32>
    %add3A_220 = arith.addi %gather3A, %add3A_219 : vector<16xi32>
    %swap3A_221 = arith.constant 0 : i32
    %swap3A_222 = arith.index_cast %swap3A_221 : i32 to index
    %swap3A_223 = arith.constant 64 : index
    %swap3A_224 = tpu.vector_load %arg34[%swap3A_222, %swap3A_223] {strides = array<i32>} : memref<24x128xi32, #tpu.memory_space<vmem>>, vector<16xi32>,
    tpu.vector_store %arg34[%swap3A_222, %swap3A_223], %add3A_220 {strides = array<i32>} : memref<24x128xi32, #tpu.memory_space<vmem>>, vector<16xi32>,
    %add3A_225 = arith.constant 5 : i32
    %add3A_226 = vector.broadcast %add3A_225 : i32 to vector<16xi32>
    %add3A_227 = arith.addi %gather3A, %add3A_226 : vector<16xi32>
    %swap3A_228 = arith.constant 0 : i32
    %swap3A_229 = arith.index_cast %swap3A_228 : i32 to index
    %swap3A_230 = arith.constant 80 : index
    %swap3A_231 = tpu.vector_load %arg34[%swap3A_229, %swap3A_230] {strides = array<i32>} : memref<24x128xi32, #tpu.memory_space<vmem>>, vector<16xi32>,
    tpu.vector_store %arg34[%swap3A_229, %swap3A_230], %add3A_227 {strides = array<i32>} : memref<24x128xi32, #tpu.memory_space<vmem>>, vector<16xi32>,
    %add3A_232 = arith.constant 6 : i32
    %add3A_233 = vector.broadcast %add3A_232 : i32 to vector<16xi32>
    %add3A_234 = arith.addi %gather3A, %add3A_233 : vector<16xi32>
    %swap3A_235 = arith.constant 0 : i32
    %swap3A_236 = arith.index_cast %swap3A_235 : i32 to index
    %swap3A_237 = arith.constant 96 : index
    %swap3A_238 = tpu.vector_load %arg34[%swap3A_236, %swap3A_237] {strides = array<i32>} : memref<24x128xi32, #tpu.memory_space<vmem>>, vector<16xi32>,
    tpu.vector_store %arg34[%swap3A_236, %swap3A_237], %add3A_234 {strides = array<i32>} : memref<24x128xi32, #tpu.memory_space<vmem>>, vector<16xi32>,
    %add3A_239 = arith.constant 7 : i32
    %add3A_240 = vector.broadcast %add3A_239 : i32 to vector<16xi32>
    %add3A_241 = arith.addi %gather3A, %add3A_240 : vector<16xi32>
    %swap3A_242 = arith.constant 0 : i32
    %swap3A_243 = arith.index_cast %swap3A_242 : i32 to index
    %swap3A_244 = arith.constant 112 : index
    %swap3A_245 = tpu.vector_load %arg34[%swap3A_243, %swap3A_244] {strides = array<i32>} : memref<24x128xi32, #tpu.memory_space<vmem>>, vector<16xi32>,
    tpu.vector_store %arg34[%swap3A_243, %swap3A_244], %add3A_241 {strides = array<i32>} : memref<24x128xi32, #tpu.memory_space<vmem>>, vector<16xi32>,
    %add3A_246 = arith.constant 8 : i32
    %add3A_247 = vector.broadcast %add3A_246 : i32 to vector<16xi32>
    %add3A_248 = arith.addi %gather3A, %add3A_247 : vector<16xi32>
    %swap3A_249 = arith.constant 1 : i32
    %swap3A_250 = arith.index_cast %swap3A_249 : i32 to index
    %swap3A_251 = arith.constant 0 : index
    %swap3A_252 = tpu.vector_load %arg34[%swap3A_250, %swap3A_251] {strides = array<i32>} : memref<24x128xi32, #tpu.memory_space<vmem>>, vector<16xi32>,
    tpu.vector_store %arg34[%swap3A_250, %swap3A_251], %add3A_248 {strides = array<i32>} : memref<24x128xi32, #tpu.memory_space<vmem>>, vector<16xi32>,
    %add3A_253 = arith.constant 9 : i32
    %add3A_254 = vector.broadcast %add3A_253 : i32 to vector<16xi32>
    %add3A_255 = arith.addi %gather3A, %add3A_254 : vector<16xi32>
    %swap3A_256 = arith.constant 1 : i32
    %swap3A_257 = arith.index_cast %swap3A_256 : i32 to index
    %swap3A_258 = arith.constant 16 : index
    %swap3A_259 = tpu.vector_load %arg34[%swap3A_257, %swap3A_258] {strides = array<i32>} : memref<24x128xi32, #tpu.memory_space<vmem>>, vector<16xi32>,
    tpu.vector_store %arg34[%swap3A_257, %swap3A_258], %add3A_255 {strides = array<i32>} : memref<24x128xi32, #tpu.memory_space<vmem>>, vector<16xi32>,
    %add3A_260 = arith.constant 10 : i32
    %add3A_261 = vector.broadcast %add3A_260 : i32 to vector<16xi32>
    %add3A_262 = arith.addi %gather3A, %add3A_261 : vector<16xi32>
    %swap3A_263 = arith.constant 1 : i32
    %swap3A_264 = arith.index_cast %swap3A_263 : i32 to index
    %swap3A_265 = arith.constant 32 : index
    %swap3A_266 = tpu.vector_load %arg34[%swap3A_264, %swap3A_265] {strides = array<i32>} : memref<24x128xi32, #tpu.memory_space<vmem>>, vector<16xi32>,
    tpu.vector_store %arg34[%swap3A_264, %swap3A_265], %add3A_262 {strides = array<i32>} : memref<24x128xi32, #tpu.memory_space<vmem>>, vector<16xi32>,
    %add3A_267 = arith.constant 11 : i32
    %add3A_268 = vector.broadcast %add3A_267 : i32 to vector<16xi32>
    %add3A_269 = arith.addi %gather3A, %add3A_268 : vector<16xi32>
    %swap3A_270 = arith.constant 1 : i32
    %swap3A_271 = arith.index_cast %swap3A_270 : i32 to index
    %swap3A_272 = arith.constant 48 : index
    %swap3A_273 = tpu.vector_load %arg34[%swap3A_271, %swap3A_272] {strides = array<i32>} : memref<24x128xi32, #tpu.memory_space<vmem>>, vector<16xi32>,
    tpu.vector_store %arg34[%swap3A_271, %swap3A_272], %add3A_269 {strides = array<i32>} : memref<24x128xi32, #tpu.memory_space<vmem>>, vector<16xi32>,
    %add3A_274 = arith.constant 12 : i32
    %add3A_275 = vector.broadcast %add3A_274 : i32 to vector<16xi32>
    %add3A_276 = arith.addi %gather3A, %add3A_275 : vector<16xi32>
    %swap3A_277 = arith.constant 1 : i32
    %swap3A_278 = arith.index_cast %swap3A_277 : i32 to index
    %swap3A_279 = arith.constant 64 : index
    %swap3A_280 = tpu.vector_load %arg34[%swap3A_278, %swap3A_279] {strides = array<i32>} : memref<24x128xi32, #tpu.memory_space<vmem>>, vector<16xi32>,
    tpu.vector_store %arg34[%swap3A_278, %swap3A_279], %add3A_276 {strides = array<i32>} : memref<24x128xi32, #tpu.memory_space<vmem>>, vector<16xi32>,
    %add3A_281 = arith.constant 13 : i32
    %add3A_282 = vector.broadcast %add3A_281 : i32 to vector<16xi32>
    %add3A_283 = arith.addi %gather3A, %add3A_282 : vector<16xi32>
    %swap3A_284 = arith.constant 1 : i32
    %swap3A_285 = arith.index_cast %swap3A_284 : i32 to index
    %swap3A_286 = arith.constant 80 : index
    %swap3A_287 = tpu.vector_load %arg34[%swap3A_285, %swap3A_286] {strides = array<i32>} : memref<24x128xi32, #tpu.memory_space<vmem>>, vector<16xi32>,
    tpu.vector_store %arg34[%swap3A_285, %swap3A_286], %add3A_283 {strides = array<i32>} : memref<24x128xi32, #tpu.memory_space<vmem>>, vector<16xi32>,
    %add3A_288 = arith.constant 14 : i32
    %add3A_289 = vector.broadcast %add3A_288 : i32 to vector<16xi32>
    %add3A_290 = arith.addi %gather3A, %add3A_289 : vector<16xi32>
    %swap3A_291 = arith.constant 1 : i32
    %swap3A_292 = arith.index_cast %swap3A_291 : i32 to index
    %swap3A_293 = arith.constant 96 : index
    %swap3A_294 = tpu.vector_load %arg34[%swap3A_292, %swap3A_293] {strides = array<i32>} : memref<24x128xi32, #tpu.memory_space<vmem>>, vector<16xi32>,
    tpu.vector_store %arg34[%swap3A_292, %swap3A_293], %add3A_290 {strides = array<i32>} : memref<24x128xi32, #tpu.memory_space<vmem>>, vector<16xi32>,
    %add3A_295 = arith.constant 15 : i32
    %add3A_296 = vector.broadcast %add3A_295 : i32 to vector<16xi32>
    %add3A_297 = arith.addi %gather3A, %add3A_296 : vector<16xi32>
    %swap3A_298 = arith.constant 1 : i32
    %swap3A_299 = arith.index_cast %swap3A_298 : i32 to index
    %swap3A_300 = arith.constant 112 : index
    %swap3A_301 = tpu.vector_load %arg34[%swap3A_299, %swap3A_300] {strides = array<i32>} : memref<24x128xi32, #tpu.memory_space<vmem>>, vector<16xi32>,
    tpu.vector_store %arg34[%swap3A_299, %swap3A_300], %add3A_297 {strides = array<i32>} : memref<24x128xi32, #tpu.memory_space<vmem>>, vector<16xi32>,
    %add3A_302 = arith.constant 16 : i32
    %add3A_303 = vector.broadcast %add3A_302 : i32 to vector<16xi32>
    %add3A_304 = arith.addi %gather3A, %add3A_303 : vector<16xi32>
    %swap3A_305 = arith.constant 2 : i32
    %swap3A_306 = arith.index_cast %swap3A_305 : i32 to index
    %swap3A_307 = arith.constant 0 : index
    %swap3A_308 = tpu.vector_load %arg34[%swap3A_306, %swap3A_307] {strides = array<i32>} : memref<24x128xi32, #tpu.memory_space<vmem>>, vector<16xi32>,
    tpu.vector_store %arg34[%swap3A_306, %swap3A_307], %add3A_304 {strides = array<i32>} : memref<24x128xi32, #tpu.memory_space<vmem>>, vector<16xi32>,
    %add3A_309 = arith.constant 17 : i32
    %add3A_310 = vector.broadcast %add3A_309 : i32 to vector<16xi32>
    %add3A_311 = arith.addi %gather3A, %add3A_310 : vector<16xi32>
    %swap3A_312 = arith.constant 2 : i32
    %swap3A_313 = arith.index_cast %swap3A_312 : i32 to index
    %swap3A_314 = arith.constant 16 : index
    %swap3A_315 = tpu.vector_load %arg34[%swap3A_313, %swap3A_314] {strides = array<i32>} : memref<24x128xi32, #tpu.memory_space<vmem>>, vector<16xi32>,
    tpu.vector_store %arg34[%swap3A_313, %swap3A_314], %add3A_311 {strides = array<i32>} : memref<24x128xi32, #tpu.memory_space<vmem>>, vector<16xi32>,
    %add3A_316 = arith.constant 18 : i32
    %add3A_317 = vector.broadcast %add3A_316 : i32 to vector<16xi32>
    %add3A_318 = arith.addi %gather3A, %add3A_317 : vector<16xi32>
    %swap3A_319 = arith.constant 2 : i32
    %swap3A_320 = arith.index_cast %swap3A_319 : i32 to index
    %swap3A_321 = arith.constant 32 : index
    %swap3A_322 = tpu.vector_load %arg34[%swap3A_320, %swap3A_321] {strides = array<i32>} : memref<24x128xi32, #tpu.memory_space<vmem>>, vector<16xi32>,
    tpu.vector_store %arg34[%swap3A_320, %swap3A_321], %add3A_318 {strides = array<i32>} : memref<24x128xi32, #tpu.memory_space<vmem>>, vector<16xi32>,
    %add3A_323 = arith.constant 19 : i32
    %add3A_324 = vector.broadcast %add3A_323 : i32 to vector<16xi32>
    %add3A_325 = arith.addi %gather3A, %add3A_324 : vector<16xi32>
    %swap3A_326 = arith.constant 2 : i32
    %swap3A_327 = arith.index_cast %swap3A_326 : i32 to index
    %swap3A_328 = arith.constant 48 : index
    %swap3A_329 = tpu.vector_load %arg34[%swap3A_327, %swap3A_328] {strides = array<i32>} : memref<24x128xi32, #tpu.memory_space<vmem>>, vector<16xi32>,
    tpu.vector_store %arg34[%swap3A_327, %swap3A_328], %add3A_325 {strides = array<i32>} : memref<24x128xi32, #tpu.memory_space<vmem>>, vector<16xi32>,
    %add3A_330 = arith.constant 20 : i32
    %add3A_331 = vector.broadcast %add3A_330 : i32 to vector<16xi32>
    %add3A_332 = arith.addi %gather3A, %add3A_331 : vector<16xi32>
    %swap3A_333 = arith.constant 2 : i32
    %swap3A_334 = arith.index_cast %swap3A_333 : i32 to index
    %swap3A_335 = arith.constant 64 : index
    %swap3A_336 = tpu.vector_load %arg34[%swap3A_334, %swap3A_335] {strides = array<i32>} : memref<24x128xi32, #tpu.memory_space<vmem>>, vector<16xi32>,
    tpu.vector_store %arg34[%swap3A_334, %swap3A_335], %add3A_332 {strides = array<i32>} : memref<24x128xi32, #tpu.memory_space<vmem>>, vector<16xi32>,
    %add3A_337 = arith.constant 21 : i32
    %add3A_338 = vector.broadcast %add3A_337 : i32 to vector<16xi32>
    %add3A_339 = arith.addi %gather3A, %add3A_338 : vector<16xi32>
    %swap3A_340 = arith.constant 2 : i32
    %swap3A_341 = arith.index_cast %swap3A_340 : i32 to index
    %swap3A_342 = arith.constant 80 : index
    %swap3A_343 = tpu.vector_load %arg34[%swap3A_341, %swap3A_342] {strides = array<i32>} : memref<24x128xi32, #tpu.memory_space<vmem>>, vector<16xi32>,
    tpu.vector_store %arg34[%swap3A_341, %swap3A_342], %add3A_339 {strides = array<i32>} : memref<24x128xi32, #tpu.memory_space<vmem>>, vector<16xi32>,
    %add3A_344 = arith.constant 22 : i32
    %add3A_345 = vector.broadcast %add3A_344 : i32 to vector<16xi32>
    %add3A_346 = arith.addi %gather3A, %add3A_345 : vector<16xi32>
    %swap3A_347 = arith.constant 2 : i32
    %swap3A_348 = arith.index_cast %swap3A_347 : i32 to index
    %swap3A_349 = arith.constant 96 : index
    %swap3A_350 = tpu.vector_load %arg34[%swap3A_348, %swap3A_349] {strides = array<i32>} : memref<24x128xi32, #tpu.memory_space<vmem>>, vector<16xi32>,
    tpu.vector_store %arg34[%swap3A_348, %swap3A_349], %add3A_346 {strides = array<i32>} : memref<24x128xi32, #tpu.memory_space<vmem>>, vector<16xi32>,
    %add3A_351 = arith.constant 23 : i32
    %add3A_352 = vector.broadcast %add3A_351 : i32 to vector<16xi32>
    %add3A_353 = arith.addi %gather3A, %add3A_352 : vector<16xi32>
    %swap3A_354 = arith.constant 2 : i32
    %swap3A_355 = arith.index_cast %swap3A_354 : i32 to index
    %swap3A_356 = arith.constant 112 : index
    %swap3A_357 = tpu.vector_load %arg34[%swap3A_355, %swap3A_356] {strides = array<i32>} : memref<24x128xi32, #tpu.memory_space<vmem>>, vector<16xi32>,
    tpu.vector_store %arg34[%swap3A_355, %swap3A_356], %add3A_353 {strides = array<i32>} : memref<24x128xi32, #tpu.memory_space<vmem>>, vector<16xi32>,
    %add3A_358 = arith.constant 24 : i32
    %add3A_359 = vector.broadcast %add3A_358 : i32 to vector<16xi32>
    %add3A_360 = arith.addi %gather3A, %add3A_359 : vector<16xi32>
    %swap3A_361 = arith.constant 3 : i32
    %swap3A_362 = arith.index_cast %swap3A_361 : i32 to index
    %swap3A_363 = arith.constant 0 : index
    %swap3A_364 = tpu.vector_load %arg34[%swap3A_362, %swap3A_363] {strides = array<i32>} : memref<24x128xi32, #tpu.memory_space<vmem>>, vector<16xi32>,
    tpu.vector_store %arg34[%swap3A_362, %swap3A_363], %add3A_360 {strides = array<i32>} : memref<24x128xi32, #tpu.memory_space<vmem>>, vector<16xi32>,
    %add3A_365 = arith.constant 25 : i32
    %add3A_366 = vector.broadcast %add3A_365 : i32 to vector<16xi32>
    %add3A_367 = arith.addi %gather3A, %add3A_366 : vector<16xi32>
    %swap3A_368 = arith.constant 3 : i32
    %swap3A_369 = arith.index_cast %swap3A_368 : i32 to index
    %swap3A_370 = arith.constant 16 : index
    %swap3A_371 = tpu.vector_load %arg34[%swap3A_369, %swap3A_370] {strides = array<i32>} : memref<24x128xi32, #tpu.memory_space<vmem>>, vector<16xi32>,
    tpu.vector_store %arg34[%swap3A_369, %swap3A_370], %add3A_367 {strides = array<i32>} : memref<24x128xi32, #tpu.memory_space<vmem>>, vector<16xi32>,
    %add3A_372 = arith.constant 26 : i32
    %add3A_373 = vector.broadcast %add3A_372 : i32 to vector<16xi32>
    %add3A_374 = arith.addi %gather3A, %add3A_373 : vector<16xi32>
    %swap3A_375 = arith.constant 3 : i32
    %swap3A_376 = arith.index_cast %swap3A_375 : i32 to index
    %swap3A_377 = arith.constant 32 : index
    %swap3A_378 = tpu.vector_load %arg34[%swap3A_376, %swap3A_377] {strides = array<i32>} : memref<24x128xi32, #tpu.memory_space<vmem>>, vector<16xi32>,
    tpu.vector_store %arg34[%swap3A_376, %swap3A_377], %add3A_374 {strides = array<i32>} : memref<24x128xi32, #tpu.memory_space<vmem>>, vector<16xi32>,
    %add3A_379 = arith.constant 27 : i32
    %add3A_380 = vector.broadcast %add3A_379 : i32 to vector<16xi32>
    %add3A_381 = arith.addi %gather3A, %add3A_380 : vector<16xi32>
    %swap3A_382 = arith.constant 3 : i32
    %swap3A_383 = arith.index_cast %swap3A_382 : i32 to index
    %swap3A_384 = arith.constant 48 : index
    %swap3A_385 = tpu.vector_load %arg34[%swap3A_383, %swap3A_384] {strides = array<i32>} : memref<24x128xi32, #tpu.memory_space<vmem>>, vector<16xi32>,
    tpu.vector_store %arg34[%swap3A_383, %swap3A_384], %add3A_381 {strides = array<i32>} : memref<24x128xi32, #tpu.memory_space<vmem>>, vector<16xi32>,
    %add3A_386 = arith.constant 28 : i32
    %add3A_387 = vector.broadcast %add3A_386 : i32 to vector<16xi32>
    %add3A_388 = arith.addi %gather3A, %add3A_387 : vector<16xi32>
    %swap3A_389 = arith.constant 3 : i32
    %swap3A_390 = arith.index_cast %swap3A_389 : i32 to index
    %swap3A_391 = arith.constant 64 : index
    %swap3A_392 = tpu.vector_load %arg34[%swap3A_390, %swap3A_391] {strides = array<i32>} : memref<24x128xi32, #tpu.memory_space<vmem>>, vector<16xi32>,
    tpu.vector_store %arg34[%swap3A_390, %swap3A_391], %add3A_388 {strides = array<i32>} : memref<24x128xi32, #tpu.memory_space<vmem>>, vector<16xi32>,
    %add3A_393 = arith.constant 29 : i32
    %add3A_394 = vector.broadcast %add3A_393 : i32 to vector<16xi32>
    %add3A_395 = arith.addi %gather3A, %add3A_394 : vector<16xi32>
    %swap3A_396 = arith.constant 3 : i32
    %swap3A_397 = arith.index_cast %swap3A_396 : i32 to index
    %swap3A_398 = arith.constant 80 : index
    %swap3A_399 = tpu.vector_load %arg34[%swap3A_397, %swap3A_398] {strides = array<i32>} : memref<24x128xi32, #tpu.memory_space<vmem>>, vector<16xi32>,
    tpu.vector_store %arg34[%swap3A_397, %swap3A_398], %add3A_395 {strides = array<i32>} : memref<24x128xi32, #tpu.memory_space<vmem>>, vector<16xi32>,
    %add3A_400 = arith.constant 30 : i32
    %add3A_401 = vector.broadcast %add3A_400 : i32 to vector<16xi32>
    %add3A_402 = arith.addi %gather3A, %add3A_401 : vector<16xi32>
    %swap3A_403 = arith.constant 3 : i32
    %swap3A_404 = arith.index_cast %swap3A_403 : i32 to index
    %swap3A_405 = arith.constant 96 : index
    %swap3A_406 = tpu.vector_load %arg34[%swap3A_404, %swap3A_405] {strides = array<i32>} : memref<24x128xi32, #tpu.memory_space<vmem>>, vector<16xi32>,
    tpu.vector_store %arg34[%swap3A_404, %swap3A_405], %add3A_402 {strides = array<i32>} : memref<24x128xi32, #tpu.memory_space<vmem>>, vector<16xi32>,
    %add3A_407 = arith.constant 31 : i32
    %add3A_408 = vector.broadcast %add3A_407 : i32 to vector<16xi32>
    %add3A_409 = arith.addi %gather3A, %add3A_408 : vector<16xi32>
    %swap3A_410 = arith.constant 3 : i32
    %swap3A_411 = arith.index_cast %swap3A_410 : i32 to index
    %swap3A_412 = arith.constant 112 : index
    %swap3A_413 = tpu.vector_load %arg34[%swap3A_411, %swap3A_412] {strides = array<i32>} : memref<24x128xi32, #tpu.memory_space<vmem>>, vector<16xi32>,
    tpu.vector_store %arg34[%swap3A_411, %swap3A_412], %add3A_409 {strides = array<i32>} : memref<24x128xi32, #tpu.memory_space<vmem>>, vector<16xi32>,
    %add3A_414 = arith.constant 32 : i32
    %add3A_415 = vector.broadcast %add3A_414 : i32 to vector<16xi32>
    %add3A_416 = arith.addi %gather3A, %add3A_415 : vector<16xi32>
    %swap3A_417 = arith.constant 4 : i32
    %swap3A_418 = arith.index_cast %swap3A_417 : i32 to index
    %swap3A_419 = arith.constant 0 : index
    %swap3A_420 = tpu.vector_load %arg34[%swap3A_418, %swap3A_419] {strides = array<i32>} : memref<24x128xi32, #tpu.memory_space<vmem>>, vector<16xi32>,
    tpu.vector_store %arg34[%swap3A_418, %swap3A_419], %add3A_416 {strides = array<i32>} : memref<24x128xi32, #tpu.memory_space<vmem>>, vector<16xi32>,
    %add3A_421 = arith.constant 33 : i32
    %add3A_422 = vector.broadcast %add3A_421 : i32 to vector<16xi32>
    %add3A_423 = arith.addi %gather3A, %add3A_422 : vector<16xi32>
    %swap3A_424 = arith.constant 4 : i32
    %swap3A_425 = arith.index_cast %swap3A_424 : i32 to index
    %swap3A_426 = arith.constant 16 : index
    %swap3A_427 = tpu.vector_load %arg34[%swap3A_425, %swap3A_426] {strides = array<i32>} : memref<24x128xi32, #tpu.memory_space<vmem>>, vector<16xi32>,
    tpu.vector_store %arg34[%swap3A_425, %swap3A_426], %add3A_423 {strides = array<i32>} : memref<24x128xi32, #tpu.memory_space<vmem>>, vector<16xi32>,
    %add3A_428 = arith.constant 34 : i32
    %add3A_429 = vector.broadcast %add3A_428 : i32 to vector<16xi32>
    %add3A_430 = arith.addi %gather3A, %add3A_429 : vector<16xi32>
    %swap3A_431 = arith.constant 4 : i32
    %swap3A_432 = arith.index_cast %swap3A_431 : i32 to index
    %swap3A_433 = arith.constant 32 : index
    %swap3A_434 = tpu.vector_load %arg34[%swap3A_432, %swap3A_433] {strides = array<i32>} : memref<24x128xi32, #tpu.memory_space<vmem>>, vector<16xi32>,
    tpu.vector_store %arg34[%swap3A_432, %swap3A_433], %add3A_430 {strides = array<i32>} : memref<24x128xi32, #tpu.memory_space<vmem>>, vector<16xi32>,
    %add3A_435 = arith.constant 35 : i32
    %add3A_436 = vector.broadcast %add3A_435 : i32 to vector<16xi32>
    %add3A_437 = arith.addi %gather3A, %add3A_436 : vector<16xi32>
    %swap3A_438 = arith.constant 4 : i32
    %swap3A_439 = arith.index_cast %swap3A_438 : i32 to index
    %swap3A_440 = arith.constant 48 : index
    %swap3A_441 = tpu.vector_load %arg34[%swap3A_439, %swap3A_440] {strides = array<i32>} : memref<24x128xi32, #tpu.memory_space<vmem>>, vector<16xi32>,
    tpu.vector_store %arg34[%swap3A_439, %swap3A_440], %add3A_437 {strides = array<i32>} : memref<24x128xi32, #tpu.memory_space<vmem>>, vector<16xi32>,
    %add3A_442 = arith.constant 36 : i32
    %add3A_443 = vector.broadcast %add3A_442 : i32 to vector<16xi32>
    %add3A_444 = arith.addi %gather3A, %add3A_443 : vector<16xi32>
    %swap3A_445 = arith.constant 4 : i32
    %swap3A_446 = arith.index_cast %swap3A_445 : i32 to index
    %swap3A_447 = arith.constant 64 : index
    %swap3A_448 = tpu.vector_load %arg34[%swap3A_446, %swap3A_447] {strides = array<i32>} : memref<24x128xi32, #tpu.memory_space<vmem>>, vector<16xi32>,
    tpu.vector_store %arg34[%swap3A_446, %swap3A_447], %add3A_444 {strides = array<i32>} : memref<24x128xi32, #tpu.memory_space<vmem>>, vector<16xi32>,
    %add3A_449 = arith.constant 37 : i32
    %add3A_450 = vector.broadcast %add3A_449 : i32 to vector<16xi32>
    %add3A_451 = arith.addi %gather3A, %add3A_450 : vector<16xi32>
    %swap3A_452 = arith.constant 4 : i32
    %swap3A_453 = arith.index_cast %swap3A_452 : i32 to index
    %swap3A_454 = arith.constant 80 : index
    %swap3A_455 = tpu.vector_load %arg34[%swap3A_453, %swap3A_454] {strides = array<i32>} : memref<24x128xi32, #tpu.memory_space<vmem>>, vector<16xi32>,
    tpu.vector_store %arg34[%swap3A_453, %swap3A_454], %add3A_451 {strides = array<i32>} : memref<24x128xi32, #tpu.memory_space<vmem>>, vector<16xi32>,
    %add3A_456 = arith.constant 38 : i32
    %add3A_457 = vector.broadcast %add3A_456 : i32 to vector<16xi32>
    %add3A_458 = arith.addi %gather3A, %add3A_457 : vector<16xi32>
    %swap3A_459 = arith.constant 4 : i32
    %swap3A_460 = arith.index_cast %swap3A_459 : i32 to index
    %swap3A_461 = arith.constant 96 : index
    %swap3A_462 = tpu.vector_load %arg34[%swap3A_460, %swap3A_461] {strides = array<i32>} : memref<24x128xi32, #tpu.memory_space<vmem>>, vector<16xi32>,
    tpu.vector_store %arg34[%swap3A_460, %swap3A_461], %add3A_458 {strides = array<i32>} : memref<24x128xi32, #tpu.memory_space<vmem>>, vector<16xi32>,
    %add3A_463 = arith.constant 39 : i32
    %add3A_464 = vector.broadcast %add3A_463 : i32 to vector<16xi32>
    %add3A_465 = arith.addi %gather3A, %add3A_464 : vector<16xi32>
    %swap3A_466 = arith.constant 4 : i32
    %swap3A_467 = arith.index_cast %swap3A_466 : i32 to index
    %swap3A_468 = arith.constant 112 : index
    %swap3A_469 = tpu.vector_load %arg34[%swap3A_467, %swap3A_468] {strides = array<i32>} : memref<24x128xi32, #tpu.memory_space<vmem>>, vector<16xi32>,
    tpu.vector_store %arg34[%swap3A_467, %swap3A_468], %add3A_465 {strides = array<i32>} : memref<24x128xi32, #tpu.memory_space<vmem>>, vector<16xi32>,
    %add3A_470 = arith.constant 40 : i32
    %add3A_471 = vector.broadcast %add3A_470 : i32 to vector<16xi32>
    %add3A_472 = arith.addi %gather3A, %add3A_471 : vector<16xi32>
    %swap3A_473 = arith.constant 5 : i32
    %swap3A_474 = arith.index_cast %swap3A_473 : i32 to index
    %swap3A_475 = arith.constant 0 : index
    %swap3A_476 = tpu.vector_load %arg34[%swap3A_474, %swap3A_475] {strides = array<i32>} : memref<24x128xi32, #tpu.memory_space<vmem>>, vector<16xi32>,
    tpu.vector_store %arg34[%swap3A_474, %swap3A_475], %add3A_472 {strides = array<i32>} : memref<24x128xi32, #tpu.memory_space<vmem>>, vector<16xi32>,
    %add3A_477 = arith.constant 41 : i32
    %add3A_478 = vector.broadcast %add3A_477 : i32 to vector<16xi32>
    %add3A_479 = arith.addi %gather3A, %add3A_478 : vector<16xi32>
    %swap3A_480 = arith.constant 5 : i32
    %swap3A_481 = arith.index_cast %swap3A_480 : i32 to index
    %swap3A_482 = arith.constant 16 : index
    %swap3A_483 = tpu.vector_load %arg34[%swap3A_481, %swap3A_482] {strides = array<i32>} : memref<24x128xi32, #tpu.memory_space<vmem>>, vector<16xi32>,
    tpu.vector_store %arg34[%swap3A_481, %swap3A_482], %add3A_479 {strides = array<i32>} : memref<24x128xi32, #tpu.memory_space<vmem>>, vector<16xi32>,
    %add3A_484 = arith.constant 42 : i32
    %add3A_485 = vector.broadcast %add3A_484 : i32 to vector<16xi32>
    %add3A_486 = arith.addi %gather3A, %add3A_485 : vector<16xi32>
    %swap3A_487 = arith.constant 5 : i32
    %swap3A_488 = arith.index_cast %swap3A_487 : i32 to index
    %swap3A_489 = arith.constant 32 : index
    %swap3A_490 = tpu.vector_load %arg34[%swap3A_488, %swap3A_489] {strides = array<i32>} : memref<24x128xi32, #tpu.memory_space<vmem>>, vector<16xi32>,
    tpu.vector_store %arg34[%swap3A_488, %swap3A_489], %add3A_486 {strides = array<i32>} : memref<24x128xi32, #tpu.memory_space<vmem>>, vector<16xi32>,
    %add3A_491 = arith.constant 43 : i32
    %add3A_492 = vector.broadcast %add3A_491 : i32 to vector<16xi32>
    %add3A_493 = arith.addi %gather3A, %add3A_492 : vector<16xi32>
    %swap3A_494 = arith.constant 5 : i32
    %swap3A_495 = arith.index_cast %swap3A_494 : i32 to index
    %swap3A_496 = arith.constant 48 : index
    %swap3A_497 = tpu.vector_load %arg34[%swap3A_495, %swap3A_496] {strides = array<i32>} : memref<24x128xi32, #tpu.memory_space<vmem>>, vector<16xi32>,
    tpu.vector_store %arg34[%swap3A_495, %swap3A_496], %add3A_493 {strides = array<i32>} : memref<24x128xi32, #tpu.memory_space<vmem>>, vector<16xi32>,
    %add3A_498 = arith.constant 44 : i32
    %add3A_499 = vector.broadcast %add3A_498 : i32 to vector<16xi32>
    %add3A_500 = arith.addi %gather3A, %add3A_499 : vector<16xi32>
    %swap3A_501 = arith.constant 5 : i32
    %swap3A_502 = arith.index_cast %swap3A_501 : i32 to index
    %swap3A_503 = arith.constant 64 : index
    %swap3A_504 = tpu.vector_load %arg34[%swap3A_502, %swap3A_503] {strides = array<i32>} : memref<24x128xi32, #tpu.memory_space<vmem>>, vector<16xi32>,
    tpu.vector_store %arg34[%swap3A_502, %swap3A_503], %add3A_500 {strides = array<i32>} : memref<24x128xi32, #tpu.memory_space<vmem>>, vector<16xi32>,
    %add3A_505 = arith.constant 45 : i32
    %add3A_506 = vector.broadcast %add3A_505 : i32 to vector<16xi32>
    %add3A_507 = arith.addi %gather3A, %add3A_506 : vector<16xi32>
    %swap3A_508 = arith.constant 5 : i32
    %swap3A_509 = arith.index_cast %swap3A_508 : i32 to index
    %swap3A_510 = arith.constant 80 : index
    %swap3A_511 = tpu.vector_load %arg34[%swap3A_509, %swap3A_510] {strides = array<i32>} : memref<24x128xi32, #tpu.memory_space<vmem>>, vector<16xi32>,
    tpu.vector_store %arg34[%swap3A_509, %swap3A_510], %add3A_507 {strides = array<i32>} : memref<24x128xi32, #tpu.memory_space<vmem>>, vector<16xi32>,
    %add3A_512 = arith.constant 46 : i32
    %add3A_513 = vector.broadcast %add3A_512 : i32 to vector<16xi32>
    %add3A_514 = arith.addi %gather3A, %add3A_513 : vector<16xi32>
    %swap3A_515 = arith.constant 5 : i32
    %swap3A_516 = arith.index_cast %swap3A_515 : i32 to index
    %swap3A_517 = arith.constant 96 : index
    %swap3A_518 = tpu.vector_load %arg34[%swap3A_516, %swap3A_517] {strides = array<i32>} : memref<24x128xi32, #tpu.memory_space<vmem>>, vector<16xi32>,
    tpu.vector_store %arg34[%swap3A_516, %swap3A_517], %add3A_514 {strides = array<i32>} : memref<24x128xi32, #tpu.memory_space<vmem>>, vector<16xi32>,
    %add3A_519 = arith.constant 47 : i32
    %add3A_520 = vector.broadcast %add3A_519 : i32 to vector<16xi32>
    %add3A_521 = arith.addi %gather3A, %add3A_520 : vector<16xi32>
    %swap3A_522 = arith.constant 5 : i32
    %swap3A_523 = arith.index_cast %swap3A_522 : i32 to index
    %swap3A_524 = arith.constant 112 : index
    %swap3A_525 = tpu.vector_load %arg34[%swap3A_523, %swap3A_524] {strides = array<i32>} : memref<24x128xi32, #tpu.memory_space<vmem>>, vector<16xi32>,
    tpu.vector_store %arg34[%swap3A_523, %swap3A_524], %add3A_521 {strides = array<i32>} : memref<24x128xi32, #tpu.memory_space<vmem>>, vector<16xi32>,
    %add3A_526 = arith.constant 48 : i32
    %add3A_527 = vector.broadcast %add3A_526 : i32 to vector<16xi32>
    %add3A_528 = arith.addi %gather3A, %add3A_527 : vector<16xi32>
    %swap3A_529 = arith.constant 6 : i32
    %swap3A_530 = arith.index_cast %swap3A_529 : i32 to index
    %swap3A_531 = arith.constant 0 : index
    %swap3A_532 = tpu.vector_load %arg34[%swap3A_530, %swap3A_531] {strides = array<i32>} : memref<24x128xi32, #tpu.memory_space<vmem>>, vector<16xi32>,
    tpu.vector_store %arg34[%swap3A_530, %swap3A_531], %add3A_528 {strides = array<i32>} : memref<24x128xi32, #tpu.memory_space<vmem>>, vector<16xi32>,
    %add3A_533 = arith.constant 49 : i32
    %add3A_534 = vector.broadcast %add3A_533 : i32 to vector<16xi32>
    %add3A_535 = arith.addi %gather3A, %add3A_534 : vector<16xi32>
    %swap3A_536 = arith.constant 6 : i32
    %swap3A_537 = arith.index_cast %swap3A_536 : i32 to index
    %swap3A_538 = arith.constant 16 : index
    %swap3A_539 = tpu.vector_load %arg34[%swap3A_537, %swap3A_538] {strides = array<i32>} : memref<24x128xi32, #tpu.memory_space<vmem>>, vector<16xi32>,
    tpu.vector_store %arg34[%swap3A_537, %swap3A_538], %add3A_535 {strides = array<i32>} : memref<24x128xi32, #tpu.memory_space<vmem>>, vector<16xi32>,
    %add3A_540 = arith.constant 50 : i32
    %add3A_541 = vector.broadcast %add3A_540 : i32 to vector<16xi32>
    %add3A_542 = arith.addi %gather3A, %add3A_541 : vector<16xi32>
    %swap3A_543 = arith.constant 6 : i32
    %swap3A_544 = arith.index_cast %swap3A_543 : i32 to index
    %swap3A_545 = arith.constant 32 : index
    %swap3A_546 = tpu.vector_load %arg34[%swap3A_544, %swap3A_545] {strides = array<i32>} : memref<24x128xi32, #tpu.memory_space<vmem>>, vector<16xi32>,
    tpu.vector_store %arg34[%swap3A_544, %swap3A_545], %add3A_542 {strides = array<i32>} : memref<24x128xi32, #tpu.memory_space<vmem>>, vector<16xi32>,
    %add3A_547 = arith.constant 51 : i32
    %add3A_548 = vector.broadcast %add3A_547 : i32 to vector<16xi32>
    %add3A_549 = arith.addi %gather3A, %add3A_548 : vector<16xi32>
    %swap3A_550 = arith.constant 6 : i32
    %swap3A_551 = arith.index_cast %swap3A_550 : i32 to index
    %swap3A_552 = arith.constant 48 : index
    %swap3A_553 = tpu.vector_load %arg34[%swap3A_551, %swap3A_552] {strides = array<i32>} : memref<24x128xi32, #tpu.memory_space<vmem>>, vector<16xi32>,
    tpu.vector_store %arg34[%swap3A_551, %swap3A_552], %add3A_549 {strides = array<i32>} : memref<24x128xi32, #tpu.memory_space<vmem>>, vector<16xi32>,
    %add3A_554 = arith.constant 52 : i32
    %add3A_555 = vector.broadcast %add3A_554 : i32 to vector<16xi32>
    %add3A_556 = arith.addi %gather3A, %add3A_555 : vector<16xi32>
    %swap3A_557 = arith.constant 6 : i32
    %swap3A_558 = arith.index_cast %swap3A_557 : i32 to index
    %swap3A_559 = arith.constant 64 : index
    %swap3A_560 = tpu.vector_load %arg34[%swap3A_558, %swap3A_559] {strides = array<i32>} : memref<24x128xi32, #tpu.memory_space<vmem>>, vector<16xi32>,
    tpu.vector_store %arg34[%swap3A_558, %swap3A_559], %add3A_556 {strides = array<i32>} : memref<24x128xi32, #tpu.memory_space<vmem>>, vector<16xi32>,
    %add3A_561 = arith.constant 53 : i32
    %add3A_562 = vector.broadcast %add3A_561 : i32 to vector<16xi32>
    %add3A_563 = arith.addi %gather3A, %add3A_562 : vector<16xi32>
    %swap3A_564 = arith.constant 6 : i32
    %swap3A_565 = arith.index_cast %swap3A_564 : i32 to index
    %swap3A_566 = arith.constant 80 : index
    %swap3A_567 = tpu.vector_load %arg34[%swap3A_565, %swap3A_566] {strides = array<i32>} : memref<24x128xi32, #tpu.memory_space<vmem>>, vector<16xi32>,
    tpu.vector_store %arg34[%swap3A_565, %swap3A_566], %add3A_563 {strides = array<i32>} : memref<24x128xi32, #tpu.memory_space<vmem>>, vector<16xi32>,
    %add3A_568 = arith.constant 54 : i32
    %add3A_569 = vector.broadcast %add3A_568 : i32 to vector<16xi32>
    %add3A_570 = arith.addi %gather3A, %add3A_569 : vector<16xi32>
    %swap3A_571 = arith.constant 6 : i32
    %swap3A_572 = arith.index_cast %swap3A_571 : i32 to index
    %swap3A_573 = arith.constant 96 : index
    %swap3A_574 = tpu.vector_load %arg34[%swap3A_572, %swap3A_573] {strides = array<i32>} : memref<24x128xi32, #tpu.memory_space<vmem>>, vector<16xi32>,
    tpu.vector_store %arg34[%swap3A_572, %swap3A_573], %add3A_570 {strides = array<i32>} : memref<24x128xi32, #tpu.memory_space<vmem>>, vector<16xi32>,
    %add3A_575 = arith.constant 55 : i32
    %add3A_576 = vector.broadcast %add3A_575 : i32 to vector<16xi32>
    %add3A_577 = arith.addi %gather3A, %add3A_576 : vector<16xi32>
    %swap3A_578 = arith.constant 6 : i32
    %swap3A_579 = arith.index_cast %swap3A_578 : i32 to index
    %swap3A_580 = arith.constant 112 : index
    %swap3A_581 = tpu.vector_load %arg34[%swap3A_579, %swap3A_580] {strides = array<i32>} : memref<24x128xi32, #tpu.memory_space<vmem>>, vector<16xi32>,
    tpu.vector_store %arg34[%swap3A_579, %swap3A_580], %add3A_577 {strides = array<i32>} : memref<24x128xi32, #tpu.memory_space<vmem>>, vector<16xi32>,
    %add3A_582 = arith.constant 56 : i32
    %add3A_583 = vector.broadcast %add3A_582 : i32 to vector<16xi32>
    %add3A_584 = arith.addi %gather3A, %add3A_583 : vector<16xi32>
    %swap3A_585 = arith.constant 7 : i32
    %swap3A_586 = arith.index_cast %swap3A_585 : i32 to index
    %swap3A_587 = arith.constant 0 : index
    %swap3A_588 = tpu.vector_load %arg34[%swap3A_586, %swap3A_587] {strides = array<i32>} : memref<24x128xi32, #tpu.memory_space<vmem>>, vector<16xi32>,
    tpu.vector_store %arg34[%swap3A_586, %swap3A_587], %add3A_584 {strides = array<i32>} : memref<24x128xi32, #tpu.memory_space<vmem>>, vector<16xi32>,
    %add3A_589 = arith.constant 57 : i32
    %add3A_590 = vector.broadcast %add3A_589 : i32 to vector<16xi32>
    %add3A_591 = arith.addi %gather3A, %add3A_590 : vector<16xi32>
    %swap3A_592 = arith.constant 7 : i32
    %swap3A_593 = arith.index_cast %swap3A_592 : i32 to index
    %swap3A_594 = arith.constant 16 : index
    %swap3A_595 = tpu.vector_load %arg34[%swap3A_593, %swap3A_594] {strides = array<i32>} : memref<24x128xi32, #tpu.memory_space<vmem>>, vector<16xi32>,
    tpu.vector_store %arg34[%swap3A_593, %swap3A_594], %add3A_591 {strides = array<i32>} : memref<24x128xi32, #tpu.memory_space<vmem>>, vector<16xi32>,
    %add3A_596 = arith.constant 58 : i32
    %add3A_597 = vector.broadcast %add3A_596 : i32 to vector<16xi32>
    %add3A_598 = arith.addi %gather3A, %add3A_597 : vector<16xi32>
    %swap3A_599 = arith.constant 7 : i32
    %swap3A_600 = arith.index_cast %swap3A_599 : i32 to index
    %swap3A_601 = arith.constant 32 : index
    %swap3A_602 = tpu.vector_load %arg34[%swap3A_600, %swap3A_601] {strides = array<i32>} : memref<24x128xi32, #tpu.memory_space<vmem>>, vector<16xi32>,
    tpu.vector_store %arg34[%swap3A_600, %swap3A_601], %add3A_598 {strides = array<i32>} : memref<24x128xi32, #tpu.memory_space<vmem>>, vector<16xi32>,
    %add3A_603 = arith.constant 59 : i32
    %add3A_604 = vector.broadcast %add3A_603 : i32 to vector<16xi32>
    %add3A_605 = arith.addi %gather3A, %add3A_604 : vector<16xi32>
    %swap3A_606 = arith.constant 7 : i32
    %swap3A_607 = arith.index_cast %swap3A_606 : i32 to index
    %swap3A_608 = arith.constant 48 : index
    %swap3A_609 = tpu.vector_load %arg34[%swap3A_607, %swap3A_608] {strides = array<i32>} : memref<24x128xi32, #tpu.memory_space<vmem>>, vector<16xi32>,
    tpu.vector_store %arg34[%swap3A_607, %swap3A_608], %add3A_605 {strides = array<i32>} : memref<24x128xi32, #tpu.memory_space<vmem>>, vector<16xi32>,
    %add3A_610 = arith.constant 60 : i32
    %add3A_611 = vector.broadcast %add3A_610 : i32 to vector<16xi32>
    %add3A_612 = arith.addi %gather3A, %add3A_611 : vector<16xi32>
    %swap3A_613 = arith.constant 7 : i32
    %swap3A_614 = arith.index_cast %swap3A_613 : i32 to index
    %swap3A_615 = arith.constant 64 : index
    %swap3A_616 = tpu.vector_load %arg34[%swap3A_614, %swap3A_615] {strides = array<i32>} : memref<24x128xi32, #tpu.memory_space<vmem>>, vector<16xi32>,
    tpu.vector_store %arg34[%swap3A_614, %swap3A_615], %add3A_612 {strides = array<i32>} : memref<24x128xi32, #tpu.memory_space<vmem>>, vector<16xi32>,
    %add3A_617 = arith.constant 61 : i32
    %add3A_618 = vector.broadcast %add3A_617 : i32 to vector<16xi32>
    %add3A_619 = arith.addi %gather3A, %add3A_618 : vector<16xi32>
    %swap3A_620 = arith.constant 7 : i32
    %swap3A_621 = arith.index_cast %swap3A_620 : i32 to index
    %swap3A_622 = arith.constant 80 : index
    %swap3A_623 = tpu.vector_load %arg34[%swap3A_621, %swap3A_622] {strides = array<i32>} : memref<24x128xi32, #tpu.memory_space<vmem>>, vector<16xi32>,
    tpu.vector_store %arg34[%swap3A_621, %swap3A_622], %add3A_619 {strides = array<i32>} : memref<24x128xi32, #tpu.memory_space<vmem>>, vector<16xi32>,
    %add3A_624 = arith.constant 62 : i32
    %add3A_625 = vector.broadcast %add3A_624 : i32 to vector<16xi32>
    %add3A_626 = arith.addi %gather3A, %add3A_625 : vector<16xi32>
    %swap3A_627 = arith.constant 7 : i32
    %swap3A_628 = arith.index_cast %swap3A_627 : i32 to index
    %swap3A_629 = arith.constant 96 : index
    %swap3A_630 = tpu.vector_load %arg34[%swap3A_628, %swap3A_629] {strides = array<i32>} : memref<24x128xi32, #tpu.memory_space<vmem>>, vector<16xi32>,
    tpu.vector_store %arg34[%swap3A_628, %swap3A_629], %add3A_626 {strides = array<i32>} : memref<24x128xi32, #tpu.memory_space<vmem>>, vector<16xi32>,
    %add3A_631 = arith.constant 63 : i32
    %add3A_632 = vector.broadcast %add3A_631 : i32 to vector<16xi32>
    %add3A_633 = arith.addi %gather3A, %add3A_632 : vector<16xi32>
    %swap3A_634 = arith.constant 7 : i32
    %swap3A_635 = arith.index_cast %swap3A_634 : i32 to index
    %swap3A_636 = arith.constant 112 : index
    %swap3A_637 = tpu.vector_load %arg34[%swap3A_635, %swap3A_636] {strides = array<i32>} : memref<24x128xi32, #tpu.memory_space<vmem>>, vector<16xi32>,
    tpu.vector_store %arg34[%swap3A_635, %swap3A_636], %add3A_633 {strides = array<i32>} : memref<24x128xi32, #tpu.memory_space<vmem>>, vector<16xi32>,
    %gather3A_638 = tpu.vector_load_idx %arg26[%and3A_6] : memref<16xi32, #tpu.memory_space<vmem>>[vector<16xi32>], vector<16xi32>,
    %gather3A_639 = tpu.vector_load_idx %arg29[%and3A_6] : memref<16xi32, #tpu.memory_space<vmem>>[vector<16xi32>], vector<16xi32>,
    %sub3A_640 = arith.subi %gather3A_639, %gather3A_638 : vector<16xi32>
    %add3A_641 = arith.constant 0 : i32
    %add3A_642 = vector.broadcast %add3A_641 : i32 to vector<16xi32>
    %add3A_643 = arith.addi %gather3A_638, %add3A_642 : vector<16xi32>
    %swap3A_644 = arith.constant 8 : i32
    %swap3A_645 = arith.index_cast %swap3A_644 : i32 to index
    %swap3A_646 = arith.constant 0 : index
    %swap3A_647 = tpu.vector_load %arg34[%swap3A_645, %swap3A_646] {strides = array<i32>} : memref<24x128xi32, #tpu.memory_space<vmem>>, vector<16xi32>,
    tpu.vector_store %arg34[%swap3A_645, %swap3A_646], %add3A_643 {strides = array<i32>} : memref<24x128xi32, #tpu.memory_space<vmem>>, vector<16xi32>,
    %add3A_648 = arith.constant 1 : i32
    %add3A_649 = vector.broadcast %add3A_648 : i32 to vector<16xi32>
    %add3A_650 = arith.addi %gather3A_638, %add3A_649 : vector<16xi32>
    %swap3A_651 = arith.constant 8 : i32
    %swap3A_652 = arith.index_cast %swap3A_651 : i32 to index
    %swap3A_653 = arith.constant 16 : index
    %swap3A_654 = tpu.vector_load %arg34[%swap3A_652, %swap3A_653] {strides = array<i32>} : memref<24x128xi32, #tpu.memory_space<vmem>>, vector<16xi32>,
    tpu.vector_store %arg34[%swap3A_652, %swap3A_653], %add3A_650 {strides = array<i32>} : memref<24x128xi32, #tpu.memory_space<vmem>>, vector<16xi32>,
    %add3A_655 = arith.constant 2 : i32
    %add3A_656 = vector.broadcast %add3A_655 : i32 to vector<16xi32>
    %add3A_657 = arith.addi %gather3A_638, %add3A_656 : vector<16xi32>
    %swap3A_658 = arith.constant 8 : i32
    %swap3A_659 = arith.index_cast %swap3A_658 : i32 to index
    %swap3A_660 = arith.constant 32 : index
    %swap3A_661 = tpu.vector_load %arg34[%swap3A_659, %swap3A_660] {strides = array<i32>} : memref<24x128xi32, #tpu.memory_space<vmem>>, vector<16xi32>,
    tpu.vector_store %arg34[%swap3A_659, %swap3A_660], %add3A_657 {strides = array<i32>} : memref<24x128xi32, #tpu.memory_space<vmem>>, vector<16xi32>,
    %add3A_662 = arith.constant 3 : i32
    %add3A_663 = vector.broadcast %add3A_662 : i32 to vector<16xi32>
    %add3A_664 = arith.addi %gather3A_638, %add3A_663 : vector<16xi32>
    %swap3A_665 = arith.constant 8 : i32
    %swap3A_666 = arith.index_cast %swap3A_665 : i32 to index
    %swap3A_667 = arith.constant 48 : index
    %swap3A_668 = tpu.vector_load %arg34[%swap3A_666, %swap3A_667] {strides = array<i32>} : memref<24x128xi32, #tpu.memory_space<vmem>>, vector<16xi32>,
    tpu.vector_store %arg34[%swap3A_666, %swap3A_667], %add3A_664 {strides = array<i32>} : memref<24x128xi32, #tpu.memory_space<vmem>>, vector<16xi32>,
    %add3A_669 = arith.constant 4 : i32
    %add3A_670 = vector.broadcast %add3A_669 : i32 to vector<16xi32>
    %add3A_671 = arith.addi %gather3A_638, %add3A_670 : vector<16xi32>
    %swap3A_672 = arith.constant 8 : i32
    %swap3A_673 = arith.index_cast %swap3A_672 : i32 to index
    %swap3A_674 = arith.constant 64 : index
    %swap3A_675 = tpu.vector_load %arg34[%swap3A_673, %swap3A_674] {strides = array<i32>} : memref<24x128xi32, #tpu.memory_space<vmem>>, vector<16xi32>,
    tpu.vector_store %arg34[%swap3A_673, %swap3A_674], %add3A_671 {strides = array<i32>} : memref<24x128xi32, #tpu.memory_space<vmem>>, vector<16xi32>,
    %add3A_676 = arith.constant 5 : i32
    %add3A_677 = vector.broadcast %add3A_676 : i32 to vector<16xi32>
    %add3A_678 = arith.addi %gather3A_638, %add3A_677 : vector<16xi32>
    %swap3A_679 = arith.constant 8 : i32
    %swap3A_680 = arith.index_cast %swap3A_679 : i32 to index
    %swap3A_681 = arith.constant 80 : index
    %swap3A_682 = tpu.vector_load %arg34[%swap3A_680, %swap3A_681] {strides = array<i32>} : memref<24x128xi32, #tpu.memory_space<vmem>>, vector<16xi32>,
    tpu.vector_store %arg34[%swap3A_680, %swap3A_681], %add3A_678 {strides = array<i32>} : memref<24x128xi32, #tpu.memory_space<vmem>>, vector<16xi32>,
    %add3A_683 = arith.constant 6 : i32
    %add3A_684 = vector.broadcast %add3A_683 : i32 to vector<16xi32>
    %add3A_685 = arith.addi %gather3A_638, %add3A_684 : vector<16xi32>
    %swap3A_686 = arith.constant 8 : i32
    %swap3A_687 = arith.index_cast %swap3A_686 : i32 to index
    %swap3A_688 = arith.constant 96 : index
    %swap3A_689 = tpu.vector_load %arg34[%swap3A_687, %swap3A_688] {strides = array<i32>} : memref<24x128xi32, #tpu.memory_space<vmem>>, vector<16xi32>,
    tpu.vector_store %arg34[%swap3A_687, %swap3A_688], %add3A_685 {strides = array<i32>} : memref<24x128xi32, #tpu.memory_space<vmem>>, vector<16xi32>,
    %add3A_690 = arith.constant 7 : i32
    %add3A_691 = vector.broadcast %add3A_690 : i32 to vector<16xi32>
    %add3A_692 = arith.addi %gather3A_638, %add3A_691 : vector<16xi32>
    %swap3A_693 = arith.constant 8 : i32
    %swap3A_694 = arith.index_cast %swap3A_693 : i32 to index
    %swap3A_695 = arith.constant 112 : index
    %swap3A_696 = tpu.vector_load %arg34[%swap3A_694, %swap3A_695] {strides = array<i32>} : memref<24x128xi32, #tpu.memory_space<vmem>>, vector<16xi32>,
    tpu.vector_store %arg34[%swap3A_694, %swap3A_695], %add3A_692 {strides = array<i32>} : memref<24x128xi32, #tpu.memory_space<vmem>>, vector<16xi32>,
    %add3A_697 = arith.constant 8 : i32
    %add3A_698 = vector.broadcast %add3A_697 : i32 to vector<16xi32>
    %add3A_699 = arith.addi %gather3A_638, %add3A_698 : vector<16xi32>
    %swap3A_700 = arith.constant 9 : i32
    %swap3A_701 = arith.index_cast %swap3A_700 : i32 to index
    %swap3A_702 = arith.constant 0 : index
    %swap3A_703 = tpu.vector_load %arg34[%swap3A_701, %swap3A_702] {strides = array<i32>} : memref<24x128xi32, #tpu.memory_space<vmem>>, vector<16xi32>,
    tpu.vector_store %arg34[%swap3A_701, %swap3A_702], %add3A_699 {strides = array<i32>} : memref<24x128xi32, #tpu.memory_space<vmem>>, vector<16xi32>,
    %add3A_704 = arith.constant 9 : i32
    %add3A_705 = vector.broadcast %add3A_704 : i32 to vector<16xi32>
    %add3A_706 = arith.addi %gather3A_638, %add3A_705 : vector<16xi32>
    %swap3A_707 = arith.constant 9 : i32
    %swap3A_708 = arith.index_cast %swap3A_707 : i32 to index
    %swap3A_709 = arith.constant 16 : index
    %swap3A_710 = tpu.vector_load %arg34[%swap3A_708, %swap3A_709] {strides = array<i32>} : memref<24x128xi32, #tpu.memory_space<vmem>>, vector<16xi32>,
    tpu.vector_store %arg34[%swap3A_708, %swap3A_709], %add3A_706 {strides = array<i32>} : memref<24x128xi32, #tpu.memory_space<vmem>>, vector<16xi32>,
    %add3A_711 = arith.constant 10 : i32
    %add3A_712 = vector.broadcast %add3A_711 : i32 to vector<16xi32>
    %add3A_713 = arith.addi %gather3A_638, %add3A_712 : vector<16xi32>
    %swap3A_714 = arith.constant 9 : i32
    %swap3A_715 = arith.index_cast %swap3A_714 : i32 to index
    %swap3A_716 = arith.constant 32 : index
    %swap3A_717 = tpu.vector_load %arg34[%swap3A_715, %swap3A_716] {strides = array<i32>} : memref<24x128xi32, #tpu.memory_space<vmem>>, vector<16xi32>,
    tpu.vector_store %arg34[%swap3A_715, %swap3A_716], %add3A_713 {strides = array<i32>} : memref<24x128xi32, #tpu.memory_space<vmem>>, vector<16xi32>,
    %add3A_718 = arith.constant 11 : i32
    %add3A_719 = vector.broadcast %add3A_718 : i32 to vector<16xi32>
    %add3A_720 = arith.addi %gather3A_638, %add3A_719 : vector<16xi32>
    %swap3A_721 = arith.constant 9 : i32
    %swap3A_722 = arith.index_cast %swap3A_721 : i32 to index
    %swap3A_723 = arith.constant 48 : index
    %swap3A_724 = tpu.vector_load %arg34[%swap3A_722, %swap3A_723] {strides = array<i32>} : memref<24x128xi32, #tpu.memory_space<vmem>>, vector<16xi32>,
    tpu.vector_store %arg34[%swap3A_722, %swap3A_723], %add3A_720 {strides = array<i32>} : memref<24x128xi32, #tpu.memory_space<vmem>>, vector<16xi32>,
    %add3A_725 = arith.constant 12 : i32
    %add3A_726 = vector.broadcast %add3A_725 : i32 to vector<16xi32>
    %add3A_727 = arith.addi %gather3A_638, %add3A_726 : vector<16xi32>
    %swap3A_728 = arith.constant 9 : i32
    %swap3A_729 = arith.index_cast %swap3A_728 : i32 to index
    %swap3A_730 = arith.constant 64 : index
    %swap3A_731 = tpu.vector_load %arg34[%swap3A_729, %swap3A_730] {strides = array<i32>} : memref<24x128xi32, #tpu.memory_space<vmem>>, vector<16xi32>,
    tpu.vector_store %arg34[%swap3A_729, %swap3A_730], %add3A_727 {strides = array<i32>} : memref<24x128xi32, #tpu.memory_space<vmem>>, vector<16xi32>,
    %add3A_732 = arith.constant 13 : i32
    %add3A_733 = vector.broadcast %add3A_732 : i32 to vector<16xi32>
    %add3A_734 = arith.addi %gather3A_638, %add3A_733 : vector<16xi32>
    %swap3A_735 = arith.constant 9 : i32
    %swap3A_736 = arith.index_cast %swap3A_735 : i32 to index
    %swap3A_737 = arith.constant 80 : index
    %swap3A_738 = tpu.vector_load %arg34[%swap3A_736, %swap3A_737] {strides = array<i32>} : memref<24x128xi32, #tpu.memory_space<vmem>>, vector<16xi32>,
    tpu.vector_store %arg34[%swap3A_736, %swap3A_737], %add3A_734 {strides = array<i32>} : memref<24x128xi32, #tpu.memory_space<vmem>>, vector<16xi32>,
    %add3A_739 = arith.constant 14 : i32
    %add3A_740 = vector.broadcast %add3A_739 : i32 to vector<16xi32>
    %add3A_741 = arith.addi %gather3A_638, %add3A_740 : vector<16xi32>
    %swap3A_742 = arith.constant 9 : i32
    %swap3A_743 = arith.index_cast %swap3A_742 : i32 to index
    %swap3A_744 = arith.constant 96 : index
    %swap3A_745 = tpu.vector_load %arg34[%swap3A_743, %swap3A_744] {strides = array<i32>} : memref<24x128xi32, #tpu.memory_space<vmem>>, vector<16xi32>,
    tpu.vector_store %arg34[%swap3A_743, %swap3A_744], %add3A_741 {strides = array<i32>} : memref<24x128xi32, #tpu.memory_space<vmem>>, vector<16xi32>,
    %add3A_746 = arith.constant 15 : i32
    %add3A_747 = vector.broadcast %add3A_746 : i32 to vector<16xi32>
    %add3A_748 = arith.addi %gather3A_638, %add3A_747 : vector<16xi32>
    %swap3A_749 = arith.constant 9 : i32
    %swap3A_750 = arith.index_cast %swap3A_749 : i32 to index
    %swap3A_751 = arith.constant 112 : index
    %swap3A_752 = tpu.vector_load %arg34[%swap3A_750, %swap3A_751] {strides = array<i32>} : memref<24x128xi32, #tpu.memory_space<vmem>>, vector<16xi32>,
    tpu.vector_store %arg34[%swap3A_750, %swap3A_751], %add3A_748 {strides = array<i32>} : memref<24x128xi32, #tpu.memory_space<vmem>>, vector<16xi32>,
    %add3A_753 = arith.constant 16 : i32
    %add3A_754 = vector.broadcast %add3A_753 : i32 to vector<16xi32>
    %add3A_755 = arith.addi %gather3A_638, %add3A_754 : vector<16xi32>
    %swap3A_756 = arith.constant 10 : i32
    %swap3A_757 = arith.index_cast %swap3A_756 : i32 to index
    %swap3A_758 = arith.constant 0 : index
    %swap3A_759 = tpu.vector_load %arg34[%swap3A_757, %swap3A_758] {strides = array<i32>} : memref<24x128xi32, #tpu.memory_space<vmem>>, vector<16xi32>,
    tpu.vector_store %arg34[%swap3A_757, %swap3A_758], %add3A_755 {strides = array<i32>} : memref<24x128xi32, #tpu.memory_space<vmem>>, vector<16xi32>,
    %add3A_760 = arith.constant 17 : i32
    %add3A_761 = vector.broadcast %add3A_760 : i32 to vector<16xi32>
    %add3A_762 = arith.addi %gather3A_638, %add3A_761 : vector<16xi32>
    %swap3A_763 = arith.constant 10 : i32
    %swap3A_764 = arith.index_cast %swap3A_763 : i32 to index
    %swap3A_765 = arith.constant 16 : index
    %swap3A_766 = tpu.vector_load %arg34[%swap3A_764, %swap3A_765] {strides = array<i32>} : memref<24x128xi32, #tpu.memory_space<vmem>>, vector<16xi32>,
    tpu.vector_store %arg34[%swap3A_764, %swap3A_765], %add3A_762 {strides = array<i32>} : memref<24x128xi32, #tpu.memory_space<vmem>>, vector<16xi32>,
    %add3A_767 = arith.constant 18 : i32
    %add3A_768 = vector.broadcast %add3A_767 : i32 to vector<16xi32>
    %add3A_769 = arith.addi %gather3A_638, %add3A_768 : vector<16xi32>
    %swap3A_770 = arith.constant 10 : i32
    %swap3A_771 = arith.index_cast %swap3A_770 : i32 to index
    %swap3A_772 = arith.constant 32 : index
    %swap3A_773 = tpu.vector_load %arg34[%swap3A_771, %swap3A_772] {strides = array<i32>} : memref<24x128xi32, #tpu.memory_space<vmem>>, vector<16xi32>,
    tpu.vector_store %arg34[%swap3A_771, %swap3A_772], %add3A_769 {strides = array<i32>} : memref<24x128xi32, #tpu.memory_space<vmem>>, vector<16xi32>,
    %add3A_774 = arith.constant 19 : i32
    %add3A_775 = vector.broadcast %add3A_774 : i32 to vector<16xi32>
    %add3A_776 = arith.addi %gather3A_638, %add3A_775 : vector<16xi32>
    %swap3A_777 = arith.constant 10 : i32
    %swap3A_778 = arith.index_cast %swap3A_777 : i32 to index
    %swap3A_779 = arith.constant 48 : index
    %swap3A_780 = tpu.vector_load %arg34[%swap3A_778, %swap3A_779] {strides = array<i32>} : memref<24x128xi32, #tpu.memory_space<vmem>>, vector<16xi32>,
    tpu.vector_store %arg34[%swap3A_778, %swap3A_779], %add3A_776 {strides = array<i32>} : memref<24x128xi32, #tpu.memory_space<vmem>>, vector<16xi32>,
    %add3A_781 = arith.constant 20 : i32
    %add3A_782 = vector.broadcast %add3A_781 : i32 to vector<16xi32>
    %add3A_783 = arith.addi %gather3A_638, %add3A_782 : vector<16xi32>
    %swap3A_784 = arith.constant 10 : i32
    %swap3A_785 = arith.index_cast %swap3A_784 : i32 to index
    %swap3A_786 = arith.constant 64 : index
    %swap3A_787 = tpu.vector_load %arg34[%swap3A_785, %swap3A_786] {strides = array<i32>} : memref<24x128xi32, #tpu.memory_space<vmem>>, vector<16xi32>,
    tpu.vector_store %arg34[%swap3A_785, %swap3A_786], %add3A_783 {strides = array<i32>} : memref<24x128xi32, #tpu.memory_space<vmem>>, vector<16xi32>,
    %add3A_788 = arith.constant 21 : i32
    %add3A_789 = vector.broadcast %add3A_788 : i32 to vector<16xi32>
    %add3A_790 = arith.addi %gather3A_638, %add3A_789 : vector<16xi32>
    %swap3A_791 = arith.constant 10 : i32
    %swap3A_792 = arith.index_cast %swap3A_791 : i32 to index
    %swap3A_793 = arith.constant 80 : index
    %swap3A_794 = tpu.vector_load %arg34[%swap3A_792, %swap3A_793] {strides = array<i32>} : memref<24x128xi32, #tpu.memory_space<vmem>>, vector<16xi32>,
    tpu.vector_store %arg34[%swap3A_792, %swap3A_793], %add3A_790 {strides = array<i32>} : memref<24x128xi32, #tpu.memory_space<vmem>>, vector<16xi32>,
    %add3A_795 = arith.constant 22 : i32
    %add3A_796 = vector.broadcast %add3A_795 : i32 to vector<16xi32>
    %add3A_797 = arith.addi %gather3A_638, %add3A_796 : vector<16xi32>
    %swap3A_798 = arith.constant 10 : i32
    %swap3A_799 = arith.index_cast %swap3A_798 : i32 to index
    %swap3A_800 = arith.constant 96 : index
    %swap3A_801 = tpu.vector_load %arg34[%swap3A_799, %swap3A_800] {strides = array<i32>} : memref<24x128xi32, #tpu.memory_space<vmem>>, vector<16xi32>,
    tpu.vector_store %arg34[%swap3A_799, %swap3A_800], %add3A_797 {strides = array<i32>} : memref<24x128xi32, #tpu.memory_space<vmem>>, vector<16xi32>,
    %add3A_802 = arith.constant 23 : i32
    %add3A_803 = vector.broadcast %add3A_802 : i32 to vector<16xi32>
    %add3A_804 = arith.addi %gather3A_638, %add3A_803 : vector<16xi32>
    %swap3A_805 = arith.constant 10 : i32
    %swap3A_806 = arith.index_cast %swap3A_805 : i32 to index
    %swap3A_807 = arith.constant 112 : index
    %swap3A_808 = tpu.vector_load %arg34[%swap3A_806, %swap3A_807] {strides = array<i32>} : memref<24x128xi32, #tpu.memory_space<vmem>>, vector<16xi32>,
    tpu.vector_store %arg34[%swap3A_806, %swap3A_807], %add3A_804 {strides = array<i32>} : memref<24x128xi32, #tpu.memory_space<vmem>>, vector<16xi32>,
    %add3A_809 = arith.constant 24 : i32
    %add3A_810 = vector.broadcast %add3A_809 : i32 to vector<16xi32>
    %add3A_811 = arith.addi %gather3A_638, %add3A_810 : vector<16xi32>
    %swap3A_812 = arith.constant 11 : i32
    %swap3A_813 = arith.index_cast %swap3A_812 : i32 to index
    %swap3A_814 = arith.constant 0 : index
    %swap3A_815 = tpu.vector_load %arg34[%swap3A_813, %swap3A_814] {strides = array<i32>} : memref<24x128xi32, #tpu.memory_space<vmem>>, vector<16xi32>,
    tpu.vector_store %arg34[%swap3A_813, %swap3A_814], %add3A_811 {strides = array<i32>} : memref<24x128xi32, #tpu.memory_space<vmem>>, vector<16xi32>,
    %add3A_816 = arith.constant 25 : i32
    %add3A_817 = vector.broadcast %add3A_816 : i32 to vector<16xi32>
    %add3A_818 = arith.addi %gather3A_638, %add3A_817 : vector<16xi32>
    %swap3A_819 = arith.constant 11 : i32
    %swap3A_820 = arith.index_cast %swap3A_819 : i32 to index
    %swap3A_821 = arith.constant 16 : index
    %swap3A_822 = tpu.vector_load %arg34[%swap3A_820, %swap3A_821] {strides = array<i32>} : memref<24x128xi32, #tpu.memory_space<vmem>>, vector<16xi32>,
    tpu.vector_store %arg34[%swap3A_820, %swap3A_821], %add3A_818 {strides = array<i32>} : memref<24x128xi32, #tpu.memory_space<vmem>>, vector<16xi32>,
    %add3A_823 = arith.constant 26 : i32
    %add3A_824 = vector.broadcast %add3A_823 : i32 to vector<16xi32>
    %add3A_825 = arith.addi %gather3A_638, %add3A_824 : vector<16xi32>
    %swap3A_826 = arith.constant 11 : i32
    %swap3A_827 = arith.index_cast %swap3A_826 : i32 to index
    %swap3A_828 = arith.constant 32 : index
    %swap3A_829 = tpu.vector_load %arg34[%swap3A_827, %swap3A_828] {strides = array<i32>} : memref<24x128xi32, #tpu.memory_space<vmem>>, vector<16xi32>,
    tpu.vector_store %arg34[%swap3A_827, %swap3A_828], %add3A_825 {strides = array<i32>} : memref<24x128xi32, #tpu.memory_space<vmem>>, vector<16xi32>,
    %add3A_830 = arith.constant 27 : i32
    %add3A_831 = vector.broadcast %add3A_830 : i32 to vector<16xi32>
    %add3A_832 = arith.addi %gather3A_638, %add3A_831 : vector<16xi32>
    %swap3A_833 = arith.constant 11 : i32
    %swap3A_834 = arith.index_cast %swap3A_833 : i32 to index
    %swap3A_835 = arith.constant 48 : index
    %swap3A_836 = tpu.vector_load %arg34[%swap3A_834, %swap3A_835] {strides = array<i32>} : memref<24x128xi32, #tpu.memory_space<vmem>>, vector<16xi32>,
    tpu.vector_store %arg34[%swap3A_834, %swap3A_835], %add3A_832 {strides = array<i32>} : memref<24x128xi32, #tpu.memory_space<vmem>>, vector<16xi32>,
    %add3A_837 = arith.constant 28 : i32
    %add3A_838 = vector.broadcast %add3A_837 : i32 to vector<16xi32>
    %add3A_839 = arith.addi %gather3A_638, %add3A_838 : vector<16xi32>
    %swap3A_840 = arith.constant 11 : i32
    %swap3A_841 = arith.index_cast %swap3A_840 : i32 to index
    %swap3A_842 = arith.constant 64 : index
    %swap3A_843 = tpu.vector_load %arg34[%swap3A_841, %swap3A_842] {strides = array<i32>} : memref<24x128xi32, #tpu.memory_space<vmem>>, vector<16xi32>,
    tpu.vector_store %arg34[%swap3A_841, %swap3A_842], %add3A_839 {strides = array<i32>} : memref<24x128xi32, #tpu.memory_space<vmem>>, vector<16xi32>,
    %add3A_844 = arith.constant 29 : i32
    %add3A_845 = vector.broadcast %add3A_844 : i32 to vector<16xi32>
    %add3A_846 = arith.addi %gather3A_638, %add3A_845 : vector<16xi32>
    %swap3A_847 = arith.constant 11 : i32
    %swap3A_848 = arith.index_cast %swap3A_847 : i32 to index
    %swap3A_849 = arith.constant 80 : index
    %swap3A_850 = tpu.vector_load %arg34[%swap3A_848, %swap3A_849] {strides = array<i32>} : memref<24x128xi32, #tpu.memory_space<vmem>>, vector<16xi32>,
    tpu.vector_store %arg34[%swap3A_848, %swap3A_849], %add3A_846 {strides = array<i32>} : memref<24x128xi32, #tpu.memory_space<vmem>>, vector<16xi32>,
    %add3A_851 = arith.constant 30 : i32
    %add3A_852 = vector.broadcast %add3A_851 : i32 to vector<16xi32>
    %add3A_853 = arith.addi %gather3A_638, %add3A_852 : vector<16xi32>
    %swap3A_854 = arith.constant 11 : i32
    %swap3A_855 = arith.index_cast %swap3A_854 : i32 to index
    %swap3A_856 = arith.constant 96 : index
    %swap3A_857 = tpu.vector_load %arg34[%swap3A_855, %swap3A_856] {strides = array<i32>} : memref<24x128xi32, #tpu.memory_space<vmem>>, vector<16xi32>,
    tpu.vector_store %arg34[%swap3A_855, %swap3A_856], %add3A_853 {strides = array<i32>} : memref<24x128xi32, #tpu.memory_space<vmem>>, vector<16xi32>,
    %add3A_858 = arith.constant 31 : i32
    %add3A_859 = vector.broadcast %add3A_858 : i32 to vector<16xi32>
    %add3A_860 = arith.addi %gather3A_638, %add3A_859 : vector<16xi32>
    %swap3A_861 = arith.constant 11 : i32
    %swap3A_862 = arith.index_cast %swap3A_861 : i32 to index
    %swap3A_863 = arith.constant 112 : index
    %swap3A_864 = tpu.vector_load %arg34[%swap3A_862, %swap3A_863] {strides = array<i32>} : memref<24x128xi32, #tpu.memory_space<vmem>>, vector<16xi32>,
    tpu.vector_store %arg34[%swap3A_862, %swap3A_863], %add3A_860 {strides = array<i32>} : memref<24x128xi32, #tpu.memory_space<vmem>>, vector<16xi32>,
    %add3A_865 = arith.constant 32 : i32
    %add3A_866 = vector.broadcast %add3A_865 : i32 to vector<16xi32>
    %add3A_867 = arith.addi %gather3A_638, %add3A_866 : vector<16xi32>
    %swap3A_868 = arith.constant 12 : i32
    %swap3A_869 = arith.index_cast %swap3A_868 : i32 to index
    %swap3A_870 = arith.constant 0 : index
    %swap3A_871 = tpu.vector_load %arg34[%swap3A_869, %swap3A_870] {strides = array<i32>} : memref<24x128xi32, #tpu.memory_space<vmem>>, vector<16xi32>,
    tpu.vector_store %arg34[%swap3A_869, %swap3A_870], %add3A_867 {strides = array<i32>} : memref<24x128xi32, #tpu.memory_space<vmem>>, vector<16xi32>,
    %add3A_872 = arith.constant 33 : i32
    %add3A_873 = vector.broadcast %add3A_872 : i32 to vector<16xi32>
    %add3A_874 = arith.addi %gather3A_638, %add3A_873 : vector<16xi32>
    %swap3A_875 = arith.constant 12 : i32
    %swap3A_876 = arith.index_cast %swap3A_875 : i32 to index
    %swap3A_877 = arith.constant 16 : index
    %swap3A_878 = tpu.vector_load %arg34[%swap3A_876, %swap3A_877] {strides = array<i32>} : memref<24x128xi32, #tpu.memory_space<vmem>>, vector<16xi32>,
    tpu.vector_store %arg34[%swap3A_876, %swap3A_877], %add3A_874 {strides = array<i32>} : memref<24x128xi32, #tpu.memory_space<vmem>>, vector<16xi32>,
    %add3A_879 = arith.constant 34 : i32
    %add3A_880 = vector.broadcast %add3A_879 : i32 to vector<16xi32>
    %add3A_881 = arith.addi %gather3A_638, %add3A_880 : vector<16xi32>
    %swap3A_882 = arith.constant 12 : i32
    %swap3A_883 = arith.index_cast %swap3A_882 : i32 to index
    %swap3A_884 = arith.constant 32 : index
    %swap3A_885 = tpu.vector_load %arg34[%swap3A_883, %swap3A_884] {strides = array<i32>} : memref<24x128xi32, #tpu.memory_space<vmem>>, vector<16xi32>,
    tpu.vector_store %arg34[%swap3A_883, %swap3A_884], %add3A_881 {strides = array<i32>} : memref<24x128xi32, #tpu.memory_space<vmem>>, vector<16xi32>,
    %add3A_886 = arith.constant 35 : i32
    %add3A_887 = vector.broadcast %add3A_886 : i32 to vector<16xi32>
    %add3A_888 = arith.addi %gather3A_638, %add3A_887 : vector<16xi32>
    %swap3A_889 = arith.constant 12 : i32
    %swap3A_890 = arith.index_cast %swap3A_889 : i32 to index
    %swap3A_891 = arith.constant 48 : index
    %swap3A_892 = tpu.vector_load %arg34[%swap3A_890, %swap3A_891] {strides = array<i32>} : memref<24x128xi32, #tpu.memory_space<vmem>>, vector<16xi32>,
    tpu.vector_store %arg34[%swap3A_890, %swap3A_891], %add3A_888 {strides = array<i32>} : memref<24x128xi32, #tpu.memory_space<vmem>>, vector<16xi32>,
    %add3A_893 = arith.constant 36 : i32
    %add3A_894 = vector.broadcast %add3A_893 : i32 to vector<16xi32>
    %add3A_895 = arith.addi %gather3A_638, %add3A_894 : vector<16xi32>
    %swap3A_896 = arith.constant 12 : i32
    %swap3A_897 = arith.index_cast %swap3A_896 : i32 to index
    %swap3A_898 = arith.constant 64 : index
    %swap3A_899 = tpu.vector_load %arg34[%swap3A_897, %swap3A_898] {strides = array<i32>} : memref<24x128xi32, #tpu.memory_space<vmem>>, vector<16xi32>,
    tpu.vector_store %arg34[%swap3A_897, %swap3A_898], %add3A_895 {strides = array<i32>} : memref<24x128xi32, #tpu.memory_space<vmem>>, vector<16xi32>,
    %add3A_900 = arith.constant 37 : i32
    %add3A_901 = vector.broadcast %add3A_900 : i32 to vector<16xi32>
    %add3A_902 = arith.addi %gather3A_638, %add3A_901 : vector<16xi32>
    %swap3A_903 = arith.constant 12 : i32
    %swap3A_904 = arith.index_cast %swap3A_903 : i32 to index
    %swap3A_905 = arith.constant 80 : index
    %swap3A_906 = tpu.vector_load %arg34[%swap3A_904, %swap3A_905] {strides = array<i32>} : memref<24x128xi32, #tpu.memory_space<vmem>>, vector<16xi32>,
    tpu.vector_store %arg34[%swap3A_904, %swap3A_905], %add3A_902 {strides = array<i32>} : memref<24x128xi32, #tpu.memory_space<vmem>>, vector<16xi32>,
    %add3A_907 = arith.constant 38 : i32
    %add3A_908 = vector.broadcast %add3A_907 : i32 to vector<16xi32>
    %add3A_909 = arith.addi %gather3A_638, %add3A_908 : vector<16xi32>
    %swap3A_910 = arith.constant 12 : i32
    %swap3A_911 = arith.index_cast %swap3A_910 : i32 to index
    %swap3A_912 = arith.constant 96 : index
    %swap3A_913 = tpu.vector_load %arg34[%swap3A_911, %swap3A_912] {strides = array<i32>} : memref<24x128xi32, #tpu.memory_space<vmem>>, vector<16xi32>,
    tpu.vector_store %arg34[%swap3A_911, %swap3A_912], %add3A_909 {strides = array<i32>} : memref<24x128xi32, #tpu.memory_space<vmem>>, vector<16xi32>,
    %add3A_914 = arith.constant 39 : i32
    %add3A_915 = vector.broadcast %add3A_914 : i32 to vector<16xi32>
    %add3A_916 = arith.addi %gather3A_638, %add3A_915 : vector<16xi32>
    %swap3A_917 = arith.constant 12 : i32
    %swap3A_918 = arith.index_cast %swap3A_917 : i32 to index
    %swap3A_919 = arith.constant 112 : index
    %swap3A_920 = tpu.vector_load %arg34[%swap3A_918, %swap3A_919] {strides = array<i32>} : memref<24x128xi32, #tpu.memory_space<vmem>>, vector<16xi32>,
    tpu.vector_store %arg34[%swap3A_918, %swap3A_919], %add3A_916 {strides = array<i32>} : memref<24x128xi32, #tpu.memory_space<vmem>>, vector<16xi32>,
    %add3A_921 = arith.constant 40 : i32
    %add3A_922 = vector.broadcast %add3A_921 : i32 to vector<16xi32>
    %add3A_923 = arith.addi %gather3A_638, %add3A_922 : vector<16xi32>
    %swap3A_924 = arith.constant 13 : i32
    %swap3A_925 = arith.index_cast %swap3A_924 : i32 to index
    %swap3A_926 = arith.constant 0 : index
    %swap3A_927 = tpu.vector_load %arg34[%swap3A_925, %swap3A_926] {strides = array<i32>} : memref<24x128xi32, #tpu.memory_space<vmem>>, vector<16xi32>,
    tpu.vector_store %arg34[%swap3A_925, %swap3A_926], %add3A_923 {strides = array<i32>} : memref<24x128xi32, #tpu.memory_space<vmem>>, vector<16xi32>,
    %add3A_928 = arith.constant 41 : i32
    %add3A_929 = vector.broadcast %add3A_928 : i32 to vector<16xi32>
    %add3A_930 = arith.addi %gather3A_638, %add3A_929 : vector<16xi32>
    %swap3A_931 = arith.constant 13 : i32
    %swap3A_932 = arith.index_cast %swap3A_931 : i32 to index
    %swap3A_933 = arith.constant 16 : index
    %swap3A_934 = tpu.vector_load %arg34[%swap3A_932, %swap3A_933] {strides = array<i32>} : memref<24x128xi32, #tpu.memory_space<vmem>>, vector<16xi32>,
    tpu.vector_store %arg34[%swap3A_932, %swap3A_933], %add3A_930 {strides = array<i32>} : memref<24x128xi32, #tpu.memory_space<vmem>>, vector<16xi32>,
    %add3A_935 = arith.constant 42 : i32
    %add3A_936 = vector.broadcast %add3A_935 : i32 to vector<16xi32>
    %add3A_937 = arith.addi %gather3A_638, %add3A_936 : vector<16xi32>
    %swap3A_938 = arith.constant 13 : i32
    %swap3A_939 = arith.index_cast %swap3A_938 : i32 to index
    %swap3A_940 = arith.constant 32 : index
    %swap3A_941 = tpu.vector_load %arg34[%swap3A_939, %swap3A_940] {strides = array<i32>} : memref<24x128xi32, #tpu.memory_space<vmem>>, vector<16xi32>,
    tpu.vector_store %arg34[%swap3A_939, %swap3A_940], %add3A_937 {strides = array<i32>} : memref<24x128xi32, #tpu.memory_space<vmem>>, vector<16xi32>,
    %add3A_942 = arith.constant 43 : i32
    %add3A_943 = vector.broadcast %add3A_942 : i32 to vector<16xi32>
    %add3A_944 = arith.addi %gather3A_638, %add3A_943 : vector<16xi32>
    %swap3A_945 = arith.constant 13 : i32
    %swap3A_946 = arith.index_cast %swap3A_945 : i32 to index
    %swap3A_947 = arith.constant 48 : index
    %swap3A_948 = tpu.vector_load %arg34[%swap3A_946, %swap3A_947] {strides = array<i32>} : memref<24x128xi32, #tpu.memory_space<vmem>>, vector<16xi32>,
    tpu.vector_store %arg34[%swap3A_946, %swap3A_947], %add3A_944 {strides = array<i32>} : memref<24x128xi32, #tpu.memory_space<vmem>>, vector<16xi32>,
    %add3A_949 = arith.constant 44 : i32
    %add3A_950 = vector.broadcast %add3A_949 : i32 to vector<16xi32>
    %add3A_951 = arith.addi %gather3A_638, %add3A_950 : vector<16xi32>
    %swap3A_952 = arith.constant 13 : i32
    %swap3A_953 = arith.index_cast %swap3A_952 : i32 to index
    %swap3A_954 = arith.constant 64 : index
    %swap3A_955 = tpu.vector_load %arg34[%swap3A_953, %swap3A_954] {strides = array<i32>} : memref<24x128xi32, #tpu.memory_space<vmem>>, vector<16xi32>,
    tpu.vector_store %arg34[%swap3A_953, %swap3A_954], %add3A_951 {strides = array<i32>} : memref<24x128xi32, #tpu.memory_space<vmem>>, vector<16xi32>,
    %add3A_956 = arith.constant 45 : i32
    %add3A_957 = vector.broadcast %add3A_956 : i32 to vector<16xi32>
    %add3A_958 = arith.addi %gather3A_638, %add3A_957 : vector<16xi32>
    %swap3A_959 = arith.constant 13 : i32
    %swap3A_960 = arith.index_cast %swap3A_959 : i32 to index
    %swap3A_961 = arith.constant 80 : index
    %swap3A_962 = tpu.vector_load %arg34[%swap3A_960, %swap3A_961] {strides = array<i32>} : memref<24x128xi32, #tpu.memory_space<vmem>>, vector<16xi32>,
    tpu.vector_store %arg34[%swap3A_960, %swap3A_961], %add3A_958 {strides = array<i32>} : memref<24x128xi32, #tpu.memory_space<vmem>>, vector<16xi32>,
    %add3A_963 = arith.constant 46 : i32
    %add3A_964 = vector.broadcast %add3A_963 : i32 to vector<16xi32>
    %add3A_965 = arith.addi %gather3A_638, %add3A_964 : vector<16xi32>
    %swap3A_966 = arith.constant 13 : i32
    %swap3A_967 = arith.index_cast %swap3A_966 : i32 to index
    %swap3A_968 = arith.constant 96 : index
    %swap3A_969 = tpu.vector_load %arg34[%swap3A_967, %swap3A_968] {strides = array<i32>} : memref<24x128xi32, #tpu.memory_space<vmem>>, vector<16xi32>,
    tpu.vector_store %arg34[%swap3A_967, %swap3A_968], %add3A_965 {strides = array<i32>} : memref<24x128xi32, #tpu.memory_space<vmem>>, vector<16xi32>,
    %add3A_970 = arith.constant 47 : i32
    %add3A_971 = vector.broadcast %add3A_970 : i32 to vector<16xi32>
    %add3A_972 = arith.addi %gather3A_638, %add3A_971 : vector<16xi32>
    %swap3A_973 = arith.constant 13 : i32
    %swap3A_974 = arith.index_cast %swap3A_973 : i32 to index
    %swap3A_975 = arith.constant 112 : index
    %swap3A_976 = tpu.vector_load %arg34[%swap3A_974, %swap3A_975] {strides = array<i32>} : memref<24x128xi32, #tpu.memory_space<vmem>>, vector<16xi32>,
    tpu.vector_store %arg34[%swap3A_974, %swap3A_975], %add3A_972 {strides = array<i32>} : memref<24x128xi32, #tpu.memory_space<vmem>>, vector<16xi32>,
    %add3A_977 = arith.constant 48 : i32
    %add3A_978 = vector.broadcast %add3A_977 : i32 to vector<16xi32>
    %add3A_979 = arith.addi %gather3A_638, %add3A_978 : vector<16xi32>
    %swap3A_980 = arith.constant 14 : i32
    %swap3A_981 = arith.index_cast %swap3A_980 : i32 to index
    %swap3A_982 = arith.constant 0 : index
    %swap3A_983 = tpu.vector_load %arg34[%swap3A_981, %swap3A_982] {strides = array<i32>} : memref<24x128xi32, #tpu.memory_space<vmem>>, vector<16xi32>,
    tpu.vector_store %arg34[%swap3A_981, %swap3A_982], %add3A_979 {strides = array<i32>} : memref<24x128xi32, #tpu.memory_space<vmem>>, vector<16xi32>,
    %add3A_984 = arith.constant 49 : i32
    %add3A_985 = vector.broadcast %add3A_984 : i32 to vector<16xi32>
    %add3A_986 = arith.addi %gather3A_638, %add3A_985 : vector<16xi32>
    %swap3A_987 = arith.constant 14 : i32
    %swap3A_988 = arith.index_cast %swap3A_987 : i32 to index
    %swap3A_989 = arith.constant 16 : index
    %swap3A_990 = tpu.vector_load %arg34[%swap3A_988, %swap3A_989] {strides = array<i32>} : memref<24x128xi32, #tpu.memory_space<vmem>>, vector<16xi32>,
    tpu.vector_store %arg34[%swap3A_988, %swap3A_989], %add3A_986 {strides = array<i32>} : memref<24x128xi32, #tpu.memory_space<vmem>>, vector<16xi32>,
    %add3A_991 = arith.constant 50 : i32
    %add3A_992 = vector.broadcast %add3A_991 : i32 to vector<16xi32>
    %add3A_993 = arith.addi %gather3A_638, %add3A_992 : vector<16xi32>
    %swap3A_994 = arith.constant 14 : i32
    %swap3A_995 = arith.index_cast %swap3A_994 : i32 to index
    %swap3A_996 = arith.constant 32 : index
    %swap3A_997 = tpu.vector_load %arg34[%swap3A_995, %swap3A_996] {strides = array<i32>} : memref<24x128xi32, #tpu.memory_space<vmem>>, vector<16xi32>,
    tpu.vector_store %arg34[%swap3A_995, %swap3A_996], %add3A_993 {strides = array<i32>} : memref<24x128xi32, #tpu.memory_space<vmem>>, vector<16xi32>,
    %add3A_998 = arith.constant 51 : i32
    %add3A_999 = vector.broadcast %add3A_998 : i32 to vector<16xi32>
    %add3A_1000 = arith.addi %gather3A_638, %add3A_999 : vector<16xi32>
    %swap3A_1001 = arith.constant 14 : i32
    %swap3A_1002 = arith.index_cast %swap3A_1001 : i32 to index
    %swap3A_1003 = arith.constant 48 : index
    %swap3A_1004 = tpu.vector_load %arg34[%swap3A_1002, %swap3A_1003] {strides = array<i32>} : memref<24x128xi32, #tpu.memory_space<vmem>>, vector<16xi32>,
    tpu.vector_store %arg34[%swap3A_1002, %swap3A_1003], %add3A_1000 {strides = array<i32>} : memref<24x128xi32, #tpu.memory_space<vmem>>, vector<16xi32>,
    %add3A_1005 = arith.constant 52 : i32
    %add3A_1006 = vector.broadcast %add3A_1005 : i32 to vector<16xi32>
    %add3A_1007 = arith.addi %gather3A_638, %add3A_1006 : vector<16xi32>
    %swap3A_1008 = arith.constant 14 : i32
    %swap3A_1009 = arith.index_cast %swap3A_1008 : i32 to index
    %swap3A_1010 = arith.constant 64 : index
    %swap3A_1011 = tpu.vector_load %arg34[%swap3A_1009, %swap3A_1010] {strides = array<i32>} : memref<24x128xi32, #tpu.memory_space<vmem>>, vector<16xi32>,
    tpu.vector_store %arg34[%swap3A_1009, %swap3A_1010], %add3A_1007 {strides = array<i32>} : memref<24x128xi32, #tpu.memory_space<vmem>>, vector<16xi32>,
    %add3A_1012 = arith.constant 53 : i32
    %add3A_1013 = vector.broadcast %add3A_1012 : i32 to vector<16xi32>
    %add3A_1014 = arith.addi %gather3A_638, %add3A_1013 : vector<16xi32>
    %swap3A_1015 = arith.constant 14 : i32
    %swap3A_1016 = arith.index_cast %swap3A_1015 : i32 to index
    %swap3A_1017 = arith.constant 80 : index
    %swap3A_1018 = tpu.vector_load %arg34[%swap3A_1016, %swap3A_1017] {strides = array<i32>} : memref<24x128xi32, #tpu.memory_space<vmem>>, vector<16xi32>,
    tpu.vector_store %arg34[%swap3A_1016, %swap3A_1017], %add3A_1014 {strides = array<i32>} : memref<24x128xi32, #tpu.memory_space<vmem>>, vector<16xi32>,
    %add3A_1019 = arith.constant 54 : i32
    %add3A_1020 = vector.broadcast %add3A_1019 : i32 to vector<16xi32>
    %add3A_1021 = arith.addi %gather3A_638, %add3A_1020 : vector<16xi32>
    %swap3A_1022 = arith.constant 14 : i32
    %swap3A_1023 = arith.index_cast %swap3A_1022 : i32 to index
    %swap3A_1024 = arith.constant 96 : index
    %swap3A_1025 = tpu.vector_load %arg34[%swap3A_1023, %swap3A_1024] {strides = array<i32>} : memref<24x128xi32, #tpu.memory_space<vmem>>, vector<16xi32>,
    tpu.vector_store %arg34[%swap3A_1023, %swap3A_1024], %add3A_1021 {strides = array<i32>} : memref<24x128xi32, #tpu.memory_space<vmem>>, vector<16xi32>,
    %add3A_1026 = arith.constant 55 : i32
    %add3A_1027 = vector.broadcast %add3A_1026 : i32 to vector<16xi32>
    %add3A_1028 = arith.addi %gather3A_638, %add3A_1027 : vector<16xi32>
    %swap3A_1029 = arith.constant 14 : i32
    %swap3A_1030 = arith.index_cast %swap3A_1029 : i32 to index
    %swap3A_1031 = arith.constant 112 : index
    %swap3A_1032 = tpu.vector_load %arg34[%swap3A_1030, %swap3A_1031] {strides = array<i32>} : memref<24x128xi32, #tpu.memory_space<vmem>>, vector<16xi32>,
    tpu.vector_store %arg34[%swap3A_1030, %swap3A_1031], %add3A_1028 {strides = array<i32>} : memref<24x128xi32, #tpu.memory_space<vmem>>, vector<16xi32>,
    %add3A_1033 = arith.constant 56 : i32
    %add3A_1034 = vector.broadcast %add3A_1033 : i32 to vector<16xi32>
    %add3A_1035 = arith.addi %gather3A_638, %add3A_1034 : vector<16xi32>
    %swap3A_1036 = arith.constant 15 : i32
    %swap3A_1037 = arith.index_cast %swap3A_1036 : i32 to index
    %swap3A_1038 = arith.constant 0 : index
    %swap3A_1039 = tpu.vector_load %arg34[%swap3A_1037, %swap3A_1038] {strides = array<i32>} : memref<24x128xi32, #tpu.memory_space<vmem>>, vector<16xi32>,
    tpu.vector_store %arg34[%swap3A_1037, %swap3A_1038], %add3A_1035 {strides = array<i32>} : memref<24x128xi32, #tpu.memory_space<vmem>>, vector<16xi32>,
    %add3A_1040 = arith.constant 57 : i32
    %add3A_1041 = vector.broadcast %add3A_1040 : i32 to vector<16xi32>
    %add3A_1042 = arith.addi %gather3A_638, %add3A_1041 : vector<16xi32>
    %swap3A_1043 = arith.constant 15 : i32
    %swap3A_1044 = arith.index_cast %swap3A_1043 : i32 to index
    %swap3A_1045 = arith.constant 16 : index
    %swap3A_1046 = tpu.vector_load %arg34[%swap3A_1044, %swap3A_1045] {strides = array<i32>} : memref<24x128xi32, #tpu.memory_space<vmem>>, vector<16xi32>,
    tpu.vector_store %arg34[%swap3A_1044, %swap3A_1045], %add3A_1042 {strides = array<i32>} : memref<24x128xi32, #tpu.memory_space<vmem>>, vector<16xi32>,
    %add3A_1047 = arith.constant 58 : i32
    %add3A_1048 = vector.broadcast %add3A_1047 : i32 to vector<16xi32>
    %add3A_1049 = arith.addi %gather3A_638, %add3A_1048 : vector<16xi32>
    %swap3A_1050 = arith.constant 15 : i32
    %swap3A_1051 = arith.index_cast %swap3A_1050 : i32 to index
    %swap3A_1052 = arith.constant 32 : index
    %swap3A_1053 = tpu.vector_load %arg34[%swap3A_1051, %swap3A_1052] {strides = array<i32>} : memref<24x128xi32, #tpu.memory_space<vmem>>, vector<16xi32>,
    tpu.vector_store %arg34[%swap3A_1051, %swap3A_1052], %add3A_1049 {strides = array<i32>} : memref<24x128xi32, #tpu.memory_space<vmem>>, vector<16xi32>,
    %add3A_1054 = arith.constant 59 : i32
    %add3A_1055 = vector.broadcast %add3A_1054 : i32 to vector<16xi32>
    %add3A_1056 = arith.addi %gather3A_638, %add3A_1055 : vector<16xi32>
    %swap3A_1057 = arith.constant 15 : i32
    %swap3A_1058 = arith.index_cast %swap3A_1057 : i32 to index
    %swap3A_1059 = arith.constant 48 : index
    %swap3A_1060 = tpu.vector_load %arg34[%swap3A_1058, %swap3A_1059] {strides = array<i32>} : memref<24x128xi32, #tpu.memory_space<vmem>>, vector<16xi32>,
    tpu.vector_store %arg34[%swap3A_1058, %swap3A_1059], %add3A_1056 {strides = array<i32>} : memref<24x128xi32, #tpu.memory_space<vmem>>, vector<16xi32>,
    %add3A_1061 = arith.constant 60 : i32
    %add3A_1062 = vector.broadcast %add3A_1061 : i32 to vector<16xi32>
    %add3A_1063 = arith.addi %gather3A_638, %add3A_1062 : vector<16xi32>
    %swap3A_1064 = arith.constant 15 : i32
    %swap3A_1065 = arith.index_cast %swap3A_1064 : i32 to index
    %swap3A_1066 = arith.constant 64 : index
    %swap3A_1067 = tpu.vector_load %arg34[%swap3A_1065, %swap3A_1066] {strides = array<i32>} : memref<24x128xi32, #tpu.memory_space<vmem>>, vector<16xi32>,
    tpu.vector_store %arg34[%swap3A_1065, %swap3A_1066], %add3A_1063 {strides = array<i32>} : memref<24x128xi32, #tpu.memory_space<vmem>>, vector<16xi32>,
    %add3A_1068 = arith.constant 61 : i32
    %add3A_1069 = vector.broadcast %add3A_1068 : i32 to vector<16xi32>
    %add3A_1070 = arith.addi %gather3A_638, %add3A_1069 : vector<16xi32>
    %swap3A_1071 = arith.constant 15 : i32
    %swap3A_1072 = arith.index_cast %swap3A_1071 : i32 to index
    %swap3A_1073 = arith.constant 80 : index
    %swap3A_1074 = tpu.vector_load %arg34[%swap3A_1072, %swap3A_1073] {strides = array<i32>} : memref<24x128xi32, #tpu.memory_space<vmem>>, vector<16xi32>,
    tpu.vector_store %arg34[%swap3A_1072, %swap3A_1073], %add3A_1070 {strides = array<i32>} : memref<24x128xi32, #tpu.memory_space<vmem>>, vector<16xi32>,
    %add3A_1075 = arith.constant 62 : i32
    %add3A_1076 = vector.broadcast %add3A_1075 : i32 to vector<16xi32>
    %add3A_1077 = arith.addi %gather3A_638, %add3A_1076 : vector<16xi32>
    %swap3A_1078 = arith.constant 15 : i32
    %swap3A_1079 = arith.index_cast %swap3A_1078 : i32 to index
    %swap3A_1080 = arith.constant 96 : index
    %swap3A_1081 = tpu.vector_load %arg34[%swap3A_1079, %swap3A_1080] {strides = array<i32>} : memref<24x128xi32, #tpu.memory_space<vmem>>, vector<16xi32>,
    tpu.vector_store %arg34[%swap3A_1079, %swap3A_1080], %add3A_1077 {strides = array<i32>} : memref<24x128xi32, #tpu.memory_space<vmem>>, vector<16xi32>,
    %add3A_1082 = arith.constant 63 : i32
    %add3A_1083 = vector.broadcast %add3A_1082 : i32 to vector<16xi32>
    %add3A_1084 = arith.addi %gather3A_638, %add3A_1083 : vector<16xi32>
    %swap3A_1085 = arith.constant 15 : i32
    %swap3A_1086 = arith.index_cast %swap3A_1085 : i32 to index
    %swap3A_1087 = arith.constant 112 : index
    %swap3A_1088 = tpu.vector_load %arg34[%swap3A_1086, %swap3A_1087] {strides = array<i32>} : memref<24x128xi32, #tpu.memory_space<vmem>>, vector<16xi32>,
    tpu.vector_store %arg34[%swap3A_1086, %swap3A_1087], %add3A_1084 {strides = array<i32>} : memref<24x128xi32, #tpu.memory_space<vmem>>, vector<16xi32>,
    %gather3A_1089 = tpu.vector_load_idx %arg27[%and3A_6] : memref<16xi32, #tpu.memory_space<vmem>>[vector<16xi32>], vector<16xi32>,
    %gather3A_1090 = tpu.vector_load_idx %arg30[%and3A_6] : memref<16xi32, #tpu.memory_space<vmem>>[vector<16xi32>], vector<16xi32>,
    %sub3A_1091 = arith.subi %gather3A_1090, %gather3A_1089 : vector<16xi32>
    %add3A_1092 = arith.constant 0 : i32
    %add3A_1093 = vector.broadcast %add3A_1092 : i32 to vector<16xi32>
    %add3A_1094 = arith.addi %gather3A_1089, %add3A_1093 : vector<16xi32>
    %swap3A_1095 = arith.constant 16 : i32
    %swap3A_1096 = arith.index_cast %swap3A_1095 : i32 to index
    %swap3A_1097 = arith.constant 0 : index
    %swap3A_1098 = tpu.vector_load %arg34[%swap3A_1096, %swap3A_1097] {strides = array<i32>} : memref<24x128xi32, #tpu.memory_space<vmem>>, vector<16xi32>,
    tpu.vector_store %arg34[%swap3A_1096, %swap3A_1097], %add3A_1094 {strides = array<i32>} : memref<24x128xi32, #tpu.memory_space<vmem>>, vector<16xi32>,
    %add3A_1099 = arith.constant 1 : i32
    %add3A_1100 = vector.broadcast %add3A_1099 : i32 to vector<16xi32>
    %add3A_1101 = arith.addi %gather3A_1089, %add3A_1100 : vector<16xi32>
    %swap3A_1102 = arith.constant 16 : i32
    %swap3A_1103 = arith.index_cast %swap3A_1102 : i32 to index
    %swap3A_1104 = arith.constant 16 : index
    %swap3A_1105 = tpu.vector_load %arg34[%swap3A_1103, %swap3A_1104] {strides = array<i32>} : memref<24x128xi32, #tpu.memory_space<vmem>>, vector<16xi32>,
    tpu.vector_store %arg34[%swap3A_1103, %swap3A_1104], %add3A_1101 {strides = array<i32>} : memref<24x128xi32, #tpu.memory_space<vmem>>, vector<16xi32>,
    %add3A_1106 = arith.constant 2 : i32
    %add3A_1107 = vector.broadcast %add3A_1106 : i32 to vector<16xi32>
    %add3A_1108 = arith.addi %gather3A_1089, %add3A_1107 : vector<16xi32>
    %swap3A_1109 = arith.constant 16 : i32
    %swap3A_1110 = arith.index_cast %swap3A_1109 : i32 to index
    %swap3A_1111 = arith.constant 32 : index
    %swap3A_1112 = tpu.vector_load %arg34[%swap3A_1110, %swap3A_1111] {strides = array<i32>} : memref<24x128xi32, #tpu.memory_space<vmem>>, vector<16xi32>,
    tpu.vector_store %arg34[%swap3A_1110, %swap3A_1111], %add3A_1108 {strides = array<i32>} : memref<24x128xi32, #tpu.memory_space<vmem>>, vector<16xi32>,
    %add3A_1113 = arith.constant 3 : i32
    %add3A_1114 = vector.broadcast %add3A_1113 : i32 to vector<16xi32>
    %add3A_1115 = arith.addi %gather3A_1089, %add3A_1114 : vector<16xi32>
    %swap3A_1116 = arith.constant 16 : i32
    %swap3A_1117 = arith.index_cast %swap3A_1116 : i32 to index
    %swap3A_1118 = arith.constant 48 : index
    %swap3A_1119 = tpu.vector_load %arg34[%swap3A_1117, %swap3A_1118] {strides = array<i32>} : memref<24x128xi32, #tpu.memory_space<vmem>>, vector<16xi32>,
    tpu.vector_store %arg34[%swap3A_1117, %swap3A_1118], %add3A_1115 {strides = array<i32>} : memref<24x128xi32, #tpu.memory_space<vmem>>, vector<16xi32>,
    %add3A_1120 = arith.constant 4 : i32
    %add3A_1121 = vector.broadcast %add3A_1120 : i32 to vector<16xi32>
    %add3A_1122 = arith.addi %gather3A_1089, %add3A_1121 : vector<16xi32>
    %swap3A_1123 = arith.constant 16 : i32
    %swap3A_1124 = arith.index_cast %swap3A_1123 : i32 to index
    %swap3A_1125 = arith.constant 64 : index
    %swap3A_1126 = tpu.vector_load %arg34[%swap3A_1124, %swap3A_1125] {strides = array<i32>} : memref<24x128xi32, #tpu.memory_space<vmem>>, vector<16xi32>,
    tpu.vector_store %arg34[%swap3A_1124, %swap3A_1125], %add3A_1122 {strides = array<i32>} : memref<24x128xi32, #tpu.memory_space<vmem>>, vector<16xi32>,
    %add3A_1127 = arith.constant 5 : i32
    %add3A_1128 = vector.broadcast %add3A_1127 : i32 to vector<16xi32>
    %add3A_1129 = arith.addi %gather3A_1089, %add3A_1128 : vector<16xi32>
    %swap3A_1130 = arith.constant 16 : i32
    %swap3A_1131 = arith.index_cast %swap3A_1130 : i32 to index
    %swap3A_1132 = arith.constant 80 : index
    %swap3A_1133 = tpu.vector_load %arg34[%swap3A_1131, %swap3A_1132] {strides = array<i32>} : memref<24x128xi32, #tpu.memory_space<vmem>>, vector<16xi32>,
    tpu.vector_store %arg34[%swap3A_1131, %swap3A_1132], %add3A_1129 {strides = array<i32>} : memref<24x128xi32, #tpu.memory_space<vmem>>, vector<16xi32>,
    %add3A_1134 = arith.constant 6 : i32
    %add3A_1135 = vector.broadcast %add3A_1134 : i32 to vector<16xi32>
    %add3A_1136 = arith.addi %gather3A_1089, %add3A_1135 : vector<16xi32>
    %swap3A_1137 = arith.constant 16 : i32
    %swap3A_1138 = arith.index_cast %swap3A_1137 : i32 to index
    %swap3A_1139 = arith.constant 96 : index
    %swap3A_1140 = tpu.vector_load %arg34[%swap3A_1138, %swap3A_1139] {strides = array<i32>} : memref<24x128xi32, #tpu.memory_space<vmem>>, vector<16xi32>,
    tpu.vector_store %arg34[%swap3A_1138, %swap3A_1139], %add3A_1136 {strides = array<i32>} : memref<24x128xi32, #tpu.memory_space<vmem>>, vector<16xi32>,
    %add3A_1141 = arith.constant 7 : i32
    %add3A_1142 = vector.broadcast %add3A_1141 : i32 to vector<16xi32>
    %add3A_1143 = arith.addi %gather3A_1089, %add3A_1142 : vector<16xi32>
    %swap3A_1144 = arith.constant 16 : i32
    %swap3A_1145 = arith.index_cast %swap3A_1144 : i32 to index
    %swap3A_1146 = arith.constant 112 : index
    %swap3A_1147 = tpu.vector_load %arg34[%swap3A_1145, %swap3A_1146] {strides = array<i32>} : memref<24x128xi32, #tpu.memory_space<vmem>>, vector<16xi32>,
    tpu.vector_store %arg34[%swap3A_1145, %swap3A_1146], %add3A_1143 {strides = array<i32>} : memref<24x128xi32, #tpu.memory_space<vmem>>, vector<16xi32>,
    %add3A_1148 = arith.constant 8 : i32
    %add3A_1149 = vector.broadcast %add3A_1148 : i32 to vector<16xi32>
    %add3A_1150 = arith.addi %gather3A_1089, %add3A_1149 : vector<16xi32>
    %swap3A_1151 = arith.constant 17 : i32
    %swap3A_1152 = arith.index_cast %swap3A_1151 : i32 to index
    %swap3A_1153 = arith.constant 0 : index
    %swap3A_1154 = tpu.vector_load %arg34[%swap3A_1152, %swap3A_1153] {strides = array<i32>} : memref<24x128xi32, #tpu.memory_space<vmem>>, vector<16xi32>,
    tpu.vector_store %arg34[%swap3A_1152, %swap3A_1153], %add3A_1150 {strides = array<i32>} : memref<24x128xi32, #tpu.memory_space<vmem>>, vector<16xi32>,
    %add3A_1155 = arith.constant 9 : i32
    %add3A_1156 = vector.broadcast %add3A_1155 : i32 to vector<16xi32>
    %add3A_1157 = arith.addi %gather3A_1089, %add3A_1156 : vector<16xi32>
    %swap3A_1158 = arith.constant 17 : i32
    %swap3A_1159 = arith.index_cast %swap3A_1158 : i32 to index
    %swap3A_1160 = arith.constant 16 : index
    %swap3A_1161 = tpu.vector_load %arg34[%swap3A_1159, %swap3A_1160] {strides = array<i32>} : memref<24x128xi32, #tpu.memory_space<vmem>>, vector<16xi32>,
    tpu.vector_store %arg34[%swap3A_1159, %swap3A_1160], %add3A_1157 {strides = array<i32>} : memref<24x128xi32, #tpu.memory_space<vmem>>, vector<16xi32>,
    %add3A_1162 = arith.constant 10 : i32
    %add3A_1163 = vector.broadcast %add3A_1162 : i32 to vector<16xi32>
    %add3A_1164 = arith.addi %gather3A_1089, %add3A_1163 : vector<16xi32>
    %swap3A_1165 = arith.constant 17 : i32
    %swap3A_1166 = arith.index_cast %swap3A_1165 : i32 to index
    %swap3A_1167 = arith.constant 32 : index
    %swap3A_1168 = tpu.vector_load %arg34[%swap3A_1166, %swap3A_1167] {strides = array<i32>} : memref<24x128xi32, #tpu.memory_space<vmem>>, vector<16xi32>,
    tpu.vector_store %arg34[%swap3A_1166, %swap3A_1167], %add3A_1164 {strides = array<i32>} : memref<24x128xi32, #tpu.memory_space<vmem>>, vector<16xi32>,
    %add3A_1169 = arith.constant 11 : i32
    %add3A_1170 = vector.broadcast %add3A_1169 : i32 to vector<16xi32>
    %add3A_1171 = arith.addi %gather3A_1089, %add3A_1170 : vector<16xi32>
    %swap3A_1172 = arith.constant 17 : i32
    %swap3A_1173 = arith.index_cast %swap3A_1172 : i32 to index
    %swap3A_1174 = arith.constant 48 : index
    %swap3A_1175 = tpu.vector_load %arg34[%swap3A_1173, %swap3A_1174] {strides = array<i32>} : memref<24x128xi32, #tpu.memory_space<vmem>>, vector<16xi32>,
    tpu.vector_store %arg34[%swap3A_1173, %swap3A_1174], %add3A_1171 {strides = array<i32>} : memref<24x128xi32, #tpu.memory_space<vmem>>, vector<16xi32>,
    %add3A_1176 = arith.constant 12 : i32
    %add3A_1177 = vector.broadcast %add3A_1176 : i32 to vector<16xi32>
    %add3A_1178 = arith.addi %gather3A_1089, %add3A_1177 : vector<16xi32>
    %swap3A_1179 = arith.constant 17 : i32
    %swap3A_1180 = arith.index_cast %swap3A_1179 : i32 to index
    %swap3A_1181 = arith.constant 64 : index
    %swap3A_1182 = tpu.vector_load %arg34[%swap3A_1180, %swap3A_1181] {strides = array<i32>} : memref<24x128xi32, #tpu.memory_space<vmem>>, vector<16xi32>,
    tpu.vector_store %arg34[%swap3A_1180, %swap3A_1181], %add3A_1178 {strides = array<i32>} : memref<24x128xi32, #tpu.memory_space<vmem>>, vector<16xi32>,
    %add3A_1183 = arith.constant 13 : i32
    %add3A_1184 = vector.broadcast %add3A_1183 : i32 to vector<16xi32>
    %add3A_1185 = arith.addi %gather3A_1089, %add3A_1184 : vector<16xi32>
    %swap3A_1186 = arith.constant 17 : i32
    %swap3A_1187 = arith.index_cast %swap3A_1186 : i32 to index
    %swap3A_1188 = arith.constant 80 : index
    %swap3A_1189 = tpu.vector_load %arg34[%swap3A_1187, %swap3A_1188] {strides = array<i32>} : memref<24x128xi32, #tpu.memory_space<vmem>>, vector<16xi32>,
    tpu.vector_store %arg34[%swap3A_1187, %swap3A_1188], %add3A_1185 {strides = array<i32>} : memref<24x128xi32, #tpu.memory_space<vmem>>, vector<16xi32>,
    %add3A_1190 = arith.constant 14 : i32
    %add3A_1191 = vector.broadcast %add3A_1190 : i32 to vector<16xi32>
    %add3A_1192 = arith.addi %gather3A_1089, %add3A_1191 : vector<16xi32>
    %swap3A_1193 = arith.constant 17 : i32
    %swap3A_1194 = arith.index_cast %swap3A_1193 : i32 to index
    %swap3A_1195 = arith.constant 96 : index
    %swap3A_1196 = tpu.vector_load %arg34[%swap3A_1194, %swap3A_1195] {strides = array<i32>} : memref<24x128xi32, #tpu.memory_space<vmem>>, vector<16xi32>,
    tpu.vector_store %arg34[%swap3A_1194, %swap3A_1195], %add3A_1192 {strides = array<i32>} : memref<24x128xi32, #tpu.memory_space<vmem>>, vector<16xi32>,
    %add3A_1197 = arith.constant 15 : i32
    %add3A_1198 = vector.broadcast %add3A_1197 : i32 to vector<16xi32>
    %add3A_1199 = arith.addi %gather3A_1089, %add3A_1198 : vector<16xi32>
    %swap3A_1200 = arith.constant 17 : i32
    %swap3A_1201 = arith.index_cast %swap3A_1200 : i32 to index
    %swap3A_1202 = arith.constant 112 : index
    %swap3A_1203 = tpu.vector_load %arg34[%swap3A_1201, %swap3A_1202] {strides = array<i32>} : memref<24x128xi32, #tpu.memory_space<vmem>>, vector<16xi32>,
    tpu.vector_store %arg34[%swap3A_1201, %swap3A_1202], %add3A_1199 {strides = array<i32>} : memref<24x128xi32, #tpu.memory_space<vmem>>, vector<16xi32>,
    %add3A_1204 = arith.constant 16 : i32
    %add3A_1205 = vector.broadcast %add3A_1204 : i32 to vector<16xi32>
    %add3A_1206 = arith.addi %gather3A_1089, %add3A_1205 : vector<16xi32>
    %swap3A_1207 = arith.constant 18 : i32
    %swap3A_1208 = arith.index_cast %swap3A_1207 : i32 to index
    %swap3A_1209 = arith.constant 0 : index
    %swap3A_1210 = tpu.vector_load %arg34[%swap3A_1208, %swap3A_1209] {strides = array<i32>} : memref<24x128xi32, #tpu.memory_space<vmem>>, vector<16xi32>,
    tpu.vector_store %arg34[%swap3A_1208, %swap3A_1209], %add3A_1206 {strides = array<i32>} : memref<24x128xi32, #tpu.memory_space<vmem>>, vector<16xi32>,
    %add3A_1211 = arith.constant 17 : i32
    %add3A_1212 = vector.broadcast %add3A_1211 : i32 to vector<16xi32>
    %add3A_1213 = arith.addi %gather3A_1089, %add3A_1212 : vector<16xi32>
    %swap3A_1214 = arith.constant 18 : i32
    %swap3A_1215 = arith.index_cast %swap3A_1214 : i32 to index
    %swap3A_1216 = arith.constant 16 : index
    %swap3A_1217 = tpu.vector_load %arg34[%swap3A_1215, %swap3A_1216] {strides = array<i32>} : memref<24x128xi32, #tpu.memory_space<vmem>>, vector<16xi32>,
    tpu.vector_store %arg34[%swap3A_1215, %swap3A_1216], %add3A_1213 {strides = array<i32>} : memref<24x128xi32, #tpu.memory_space<vmem>>, vector<16xi32>,
    %add3A_1218 = arith.constant 18 : i32
    %add3A_1219 = vector.broadcast %add3A_1218 : i32 to vector<16xi32>
    %add3A_1220 = arith.addi %gather3A_1089, %add3A_1219 : vector<16xi32>
    %swap3A_1221 = arith.constant 18 : i32
    %swap3A_1222 = arith.index_cast %swap3A_1221 : i32 to index
    %swap3A_1223 = arith.constant 32 : index
    %swap3A_1224 = tpu.vector_load %arg34[%swap3A_1222, %swap3A_1223] {strides = array<i32>} : memref<24x128xi32, #tpu.memory_space<vmem>>, vector<16xi32>,
    tpu.vector_store %arg34[%swap3A_1222, %swap3A_1223], %add3A_1220 {strides = array<i32>} : memref<24x128xi32, #tpu.memory_space<vmem>>, vector<16xi32>,
    %add3A_1225 = arith.constant 19 : i32
    %add3A_1226 = vector.broadcast %add3A_1225 : i32 to vector<16xi32>
    %add3A_1227 = arith.addi %gather3A_1089, %add3A_1226 : vector<16xi32>
    %swap3A_1228 = arith.constant 18 : i32
    %swap3A_1229 = arith.index_cast %swap3A_1228 : i32 to index
    %swap3A_1230 = arith.constant 48 : index
    %swap3A_1231 = tpu.vector_load %arg34[%swap3A_1229, %swap3A_1230] {strides = array<i32>} : memref<24x128xi32, #tpu.memory_space<vmem>>, vector<16xi32>,
    tpu.vector_store %arg34[%swap3A_1229, %swap3A_1230], %add3A_1227 {strides = array<i32>} : memref<24x128xi32, #tpu.memory_space<vmem>>, vector<16xi32>,
    %add3A_1232 = arith.constant 20 : i32
    %add3A_1233 = vector.broadcast %add3A_1232 : i32 to vector<16xi32>
    %add3A_1234 = arith.addi %gather3A_1089, %add3A_1233 : vector<16xi32>
    %swap3A_1235 = arith.constant 18 : i32
    %swap3A_1236 = arith.index_cast %swap3A_1235 : i32 to index
    %swap3A_1237 = arith.constant 64 : index
    %swap3A_1238 = tpu.vector_load %arg34[%swap3A_1236, %swap3A_1237] {strides = array<i32>} : memref<24x128xi32, #tpu.memory_space<vmem>>, vector<16xi32>,
    tpu.vector_store %arg34[%swap3A_1236, %swap3A_1237], %add3A_1234 {strides = array<i32>} : memref<24x128xi32, #tpu.memory_space<vmem>>, vector<16xi32>,
    %add3A_1239 = arith.constant 21 : i32
    %add3A_1240 = vector.broadcast %add3A_1239 : i32 to vector<16xi32>
    %add3A_1241 = arith.addi %gather3A_1089, %add3A_1240 : vector<16xi32>
    %swap3A_1242 = arith.constant 18 : i32
    %swap3A_1243 = arith.index_cast %swap3A_1242 : i32 to index
    %swap3A_1244 = arith.constant 80 : index
    %swap3A_1245 = tpu.vector_load %arg34[%swap3A_1243, %swap3A_1244] {strides = array<i32>} : memref<24x128xi32, #tpu.memory_space<vmem>>, vector<16xi32>,
    tpu.vector_store %arg34[%swap3A_1243, %swap3A_1244], %add3A_1241 {strides = array<i32>} : memref<24x128xi32, #tpu.memory_space<vmem>>, vector<16xi32>,
    %add3A_1246 = arith.constant 22 : i32
    %add3A_1247 = vector.broadcast %add3A_1246 : i32 to vector<16xi32>
    %add3A_1248 = arith.addi %gather3A_1089, %add3A_1247 : vector<16xi32>
    %swap3A_1249 = arith.constant 18 : i32
    %swap3A_1250 = arith.index_cast %swap3A_1249 : i32 to index
    %swap3A_1251 = arith.constant 96 : index
    %swap3A_1252 = tpu.vector_load %arg34[%swap3A_1250, %swap3A_1251] {strides = array<i32>} : memref<24x128xi32, #tpu.memory_space<vmem>>, vector<16xi32>,
    tpu.vector_store %arg34[%swap3A_1250, %swap3A_1251], %add3A_1248 {strides = array<i32>} : memref<24x128xi32, #tpu.memory_space<vmem>>, vector<16xi32>,
    %add3A_1253 = arith.constant 23 : i32
    %add3A_1254 = vector.broadcast %add3A_1253 : i32 to vector<16xi32>
    %add3A_1255 = arith.addi %gather3A_1089, %add3A_1254 : vector<16xi32>
    %swap3A_1256 = arith.constant 18 : i32
    %swap3A_1257 = arith.index_cast %swap3A_1256 : i32 to index
    %swap3A_1258 = arith.constant 112 : index
    %swap3A_1259 = tpu.vector_load %arg34[%swap3A_1257, %swap3A_1258] {strides = array<i32>} : memref<24x128xi32, #tpu.memory_space<vmem>>, vector<16xi32>,
    tpu.vector_store %arg34[%swap3A_1257, %swap3A_1258], %add3A_1255 {strides = array<i32>} : memref<24x128xi32, #tpu.memory_space<vmem>>, vector<16xi32>,
    %add3A_1260 = arith.constant 24 : i32
    %add3A_1261 = vector.broadcast %add3A_1260 : i32 to vector<16xi32>
    %add3A_1262 = arith.addi %gather3A_1089, %add3A_1261 : vector<16xi32>
    %swap3A_1263 = arith.constant 19 : i32
    %swap3A_1264 = arith.index_cast %swap3A_1263 : i32 to index
    %swap3A_1265 = arith.constant 0 : index
    %swap3A_1266 = tpu.vector_load %arg34[%swap3A_1264, %swap3A_1265] {strides = array<i32>} : memref<24x128xi32, #tpu.memory_space<vmem>>, vector<16xi32>,
    tpu.vector_store %arg34[%swap3A_1264, %swap3A_1265], %add3A_1262 {strides = array<i32>} : memref<24x128xi32, #tpu.memory_space<vmem>>, vector<16xi32>,
    %add3A_1267 = arith.constant 25 : i32
    %add3A_1268 = vector.broadcast %add3A_1267 : i32 to vector<16xi32>
    %add3A_1269 = arith.addi %gather3A_1089, %add3A_1268 : vector<16xi32>
    %swap3A_1270 = arith.constant 19 : i32
    %swap3A_1271 = arith.index_cast %swap3A_1270 : i32 to index
    %swap3A_1272 = arith.constant 16 : index
    %swap3A_1273 = tpu.vector_load %arg34[%swap3A_1271, %swap3A_1272] {strides = array<i32>} : memref<24x128xi32, #tpu.memory_space<vmem>>, vector<16xi32>,
    tpu.vector_store %arg34[%swap3A_1271, %swap3A_1272], %add3A_1269 {strides = array<i32>} : memref<24x128xi32, #tpu.memory_space<vmem>>, vector<16xi32>,
    %add3A_1274 = arith.constant 26 : i32
    %add3A_1275 = vector.broadcast %add3A_1274 : i32 to vector<16xi32>
    %add3A_1276 = arith.addi %gather3A_1089, %add3A_1275 : vector<16xi32>
    %swap3A_1277 = arith.constant 19 : i32
    %swap3A_1278 = arith.index_cast %swap3A_1277 : i32 to index
    %swap3A_1279 = arith.constant 32 : index
    %swap3A_1280 = tpu.vector_load %arg34[%swap3A_1278, %swap3A_1279] {strides = array<i32>} : memref<24x128xi32, #tpu.memory_space<vmem>>, vector<16xi32>,
    tpu.vector_store %arg34[%swap3A_1278, %swap3A_1279], %add3A_1276 {strides = array<i32>} : memref<24x128xi32, #tpu.memory_space<vmem>>, vector<16xi32>,
    %add3A_1281 = arith.constant 27 : i32
    %add3A_1282 = vector.broadcast %add3A_1281 : i32 to vector<16xi32>
    %add3A_1283 = arith.addi %gather3A_1089, %add3A_1282 : vector<16xi32>
    %swap3A_1284 = arith.constant 19 : i32
    %swap3A_1285 = arith.index_cast %swap3A_1284 : i32 to index
    %swap3A_1286 = arith.constant 48 : index
    %swap3A_1287 = tpu.vector_load %arg34[%swap3A_1285, %swap3A_1286] {strides = array<i32>} : memref<24x128xi32, #tpu.memory_space<vmem>>, vector<16xi32>,
    tpu.vector_store %arg34[%swap3A_1285, %swap3A_1286], %add3A_1283 {strides = array<i32>} : memref<24x128xi32, #tpu.memory_space<vmem>>, vector<16xi32>,
    %add3A_1288 = arith.constant 28 : i32
    %add3A_1289 = vector.broadcast %add3A_1288 : i32 to vector<16xi32>
    %add3A_1290 = arith.addi %gather3A_1089, %add3A_1289 : vector<16xi32>
    %swap3A_1291 = arith.constant 19 : i32
    %swap3A_1292 = arith.index_cast %swap3A_1291 : i32 to index
    %swap3A_1293 = arith.constant 64 : index
    %swap3A_1294 = tpu.vector_load %arg34[%swap3A_1292, %swap3A_1293] {strides = array<i32>} : memref<24x128xi32, #tpu.memory_space<vmem>>, vector<16xi32>,
    tpu.vector_store %arg34[%swap3A_1292, %swap3A_1293], %add3A_1290 {strides = array<i32>} : memref<24x128xi32, #tpu.memory_space<vmem>>, vector<16xi32>,
    %add3A_1295 = arith.constant 29 : i32
    %add3A_1296 = vector.broadcast %add3A_1295 : i32 to vector<16xi32>
    %add3A_1297 = arith.addi %gather3A_1089, %add3A_1296 : vector<16xi32>
    %swap3A_1298 = arith.constant 19 : i32
    %swap3A_1299 = arith.index_cast %swap3A_1298 : i32 to index
    %swap3A_1300 = arith.constant 80 : index
    %swap3A_1301 = tpu.vector_load %arg34[%swap3A_1299, %swap3A_1300] {strides = array<i32>} : memref<24x128xi32, #tpu.memory_space<vmem>>, vector<16xi32>,
    tpu.vector_store %arg34[%swap3A_1299, %swap3A_1300], %add3A_1297 {strides = array<i32>} : memref<24x128xi32, #tpu.memory_space<vmem>>, vector<16xi32>,
    %add3A_1302 = arith.constant 30 : i32
    %add3A_1303 = vector.broadcast %add3A_1302 : i32 to vector<16xi32>
    %add3A_1304 = arith.addi %gather3A_1089, %add3A_1303 : vector<16xi32>
    %swap3A_1305 = arith.constant 19 : i32
    %swap3A_1306 = arith.index_cast %swap3A_1305 : i32 to index
    %swap3A_1307 = arith.constant 96 : index
    %swap3A_1308 = tpu.vector_load %arg34[%swap3A_1306, %swap3A_1307] {strides = array<i32>} : memref<24x128xi32, #tpu.memory_space<vmem>>, vector<16xi32>,
    tpu.vector_store %arg34[%swap3A_1306, %swap3A_1307], %add3A_1304 {strides = array<i32>} : memref<24x128xi32, #tpu.memory_space<vmem>>, vector<16xi32>,
    %add3A_1309 = arith.constant 31 : i32
    %add3A_1310 = vector.broadcast %add3A_1309 : i32 to vector<16xi32>
    %add3A_1311 = arith.addi %gather3A_1089, %add3A_1310 : vector<16xi32>
    %swap3A_1312 = arith.constant 19 : i32
    %swap3A_1313 = arith.index_cast %swap3A_1312 : i32 to index
    %swap3A_1314 = arith.constant 112 : index
    %swap3A_1315 = tpu.vector_load %arg34[%swap3A_1313, %swap3A_1314] {strides = array<i32>} : memref<24x128xi32, #tpu.memory_space<vmem>>, vector<16xi32>,
    tpu.vector_store %arg34[%swap3A_1313, %swap3A_1314], %add3A_1311 {strides = array<i32>} : memref<24x128xi32, #tpu.memory_space<vmem>>, vector<16xi32>,
    %add3A_1316 = arith.constant 32 : i32
    %add3A_1317 = vector.broadcast %add3A_1316 : i32 to vector<16xi32>
    %add3A_1318 = arith.addi %gather3A_1089, %add3A_1317 : vector<16xi32>
    %swap3A_1319 = arith.constant 20 : i32
    %swap3A_1320 = arith.index_cast %swap3A_1319 : i32 to index
    %swap3A_1321 = arith.constant 0 : index
    %swap3A_1322 = tpu.vector_load %arg34[%swap3A_1320, %swap3A_1321] {strides = array<i32>} : memref<24x128xi32, #tpu.memory_space<vmem>>, vector<16xi32>,
    tpu.vector_store %arg34[%swap3A_1320, %swap3A_1321], %add3A_1318 {strides = array<i32>} : memref<24x128xi32, #tpu.memory_space<vmem>>, vector<16xi32>,
    %add3A_1323 = arith.constant 33 : i32
    %add3A_1324 = vector.broadcast %add3A_1323 : i32 to vector<16xi32>
    %add3A_1325 = arith.addi %gather3A_1089, %add3A_1324 : vector<16xi32>
    %swap3A_1326 = arith.constant 20 : i32
    %swap3A_1327 = arith.index_cast %swap3A_1326 : i32 to index
    %swap3A_1328 = arith.constant 16 : index
    %swap3A_1329 = tpu.vector_load %arg34[%swap3A_1327, %swap3A_1328] {strides = array<i32>} : memref<24x128xi32, #tpu.memory_space<vmem>>, vector<16xi32>,
    tpu.vector_store %arg34[%swap3A_1327, %swap3A_1328], %add3A_1325 {strides = array<i32>} : memref<24x128xi32, #tpu.memory_space<vmem>>, vector<16xi32>,
    %add3A_1330 = arith.constant 34 : i32
    %add3A_1331 = vector.broadcast %add3A_1330 : i32 to vector<16xi32>
    %add3A_1332 = arith.addi %gather3A_1089, %add3A_1331 : vector<16xi32>
    %swap3A_1333 = arith.constant 20 : i32
    %swap3A_1334 = arith.index_cast %swap3A_1333 : i32 to index
    %swap3A_1335 = arith.constant 32 : index
    %swap3A_1336 = tpu.vector_load %arg34[%swap3A_1334, %swap3A_1335] {strides = array<i32>} : memref<24x128xi32, #tpu.memory_space<vmem>>, vector<16xi32>,
    tpu.vector_store %arg34[%swap3A_1334, %swap3A_1335], %add3A_1332 {strides = array<i32>} : memref<24x128xi32, #tpu.memory_space<vmem>>, vector<16xi32>,
    %add3A_1337 = arith.constant 35 : i32
    %add3A_1338 = vector.broadcast %add3A_1337 : i32 to vector<16xi32>
    %add3A_1339 = arith.addi %gather3A_1089, %add3A_1338 : vector<16xi32>
    %swap3A_1340 = arith.constant 20 : i32
    %swap3A_1341 = arith.index_cast %swap3A_1340 : i32 to index
    %swap3A_1342 = arith.constant 48 : index
    %swap3A_1343 = tpu.vector_load %arg34[%swap3A_1341, %swap3A_1342] {strides = array<i32>} : memref<24x128xi32, #tpu.memory_space<vmem>>, vector<16xi32>,
    tpu.vector_store %arg34[%swap3A_1341, %swap3A_1342], %add3A_1339 {strides = array<i32>} : memref<24x128xi32, #tpu.memory_space<vmem>>, vector<16xi32>,
    %add3A_1344 = arith.constant 36 : i32
    %add3A_1345 = vector.broadcast %add3A_1344 : i32 to vector<16xi32>
    %add3A_1346 = arith.addi %gather3A_1089, %add3A_1345 : vector<16xi32>
    %swap3A_1347 = arith.constant 20 : i32
    %swap3A_1348 = arith.index_cast %swap3A_1347 : i32 to index
    %swap3A_1349 = arith.constant 64 : index
    %swap3A_1350 = tpu.vector_load %arg34[%swap3A_1348, %swap3A_1349] {strides = array<i32>} : memref<24x128xi32, #tpu.memory_space<vmem>>, vector<16xi32>,
    tpu.vector_store %arg34[%swap3A_1348, %swap3A_1349], %add3A_1346 {strides = array<i32>} : memref<24x128xi32, #tpu.memory_space<vmem>>, vector<16xi32>,
    %add3A_1351 = arith.constant 37 : i32
    %add3A_1352 = vector.broadcast %add3A_1351 : i32 to vector<16xi32>
    %add3A_1353 = arith.addi %gather3A_1089, %add3A_1352 : vector<16xi32>
    %swap3A_1354 = arith.constant 20 : i32
    %swap3A_1355 = arith.index_cast %swap3A_1354 : i32 to index
    %swap3A_1356 = arith.constant 80 : index
    %swap3A_1357 = tpu.vector_load %arg34[%swap3A_1355, %swap3A_1356] {strides = array<i32>} : memref<24x128xi32, #tpu.memory_space<vmem>>, vector<16xi32>,
    tpu.vector_store %arg34[%swap3A_1355, %swap3A_1356], %add3A_1353 {strides = array<i32>} : memref<24x128xi32, #tpu.memory_space<vmem>>, vector<16xi32>,
    %add3A_1358 = arith.constant 38 : i32
    %add3A_1359 = vector.broadcast %add3A_1358 : i32 to vector<16xi32>
    %add3A_1360 = arith.addi %gather3A_1089, %add3A_1359 : vector<16xi32>
    %swap3A_1361 = arith.constant 20 : i32
    %swap3A_1362 = arith.index_cast %swap3A_1361 : i32 to index
    %swap3A_1363 = arith.constant 96 : index
    %swap3A_1364 = tpu.vector_load %arg34[%swap3A_1362, %swap3A_1363] {strides = array<i32>} : memref<24x128xi32, #tpu.memory_space<vmem>>, vector<16xi32>,
    tpu.vector_store %arg34[%swap3A_1362, %swap3A_1363], %add3A_1360 {strides = array<i32>} : memref<24x128xi32, #tpu.memory_space<vmem>>, vector<16xi32>,
    %add3A_1365 = arith.constant 39 : i32
    %add3A_1366 = vector.broadcast %add3A_1365 : i32 to vector<16xi32>
    %add3A_1367 = arith.addi %gather3A_1089, %add3A_1366 : vector<16xi32>
    %swap3A_1368 = arith.constant 20 : i32
    %swap3A_1369 = arith.index_cast %swap3A_1368 : i32 to index
    %swap3A_1370 = arith.constant 112 : index
    %swap3A_1371 = tpu.vector_load %arg34[%swap3A_1369, %swap3A_1370] {strides = array<i32>} : memref<24x128xi32, #tpu.memory_space<vmem>>, vector<16xi32>,
    tpu.vector_store %arg34[%swap3A_1369, %swap3A_1370], %add3A_1367 {strides = array<i32>} : memref<24x128xi32, #tpu.memory_space<vmem>>, vector<16xi32>,
    %add3A_1372 = arith.constant 40 : i32
    %add3A_1373 = vector.broadcast %add3A_1372 : i32 to vector<16xi32>
    %add3A_1374 = arith.addi %gather3A_1089, %add3A_1373 : vector<16xi32>
    %swap3A_1375 = arith.constant 21 : i32
    %swap3A_1376 = arith.index_cast %swap3A_1375 : i32 to index
    %swap3A_1377 = arith.constant 0 : index
    %swap3A_1378 = tpu.vector_load %arg34[%swap3A_1376, %swap3A_1377] {strides = array<i32>} : memref<24x128xi32, #tpu.memory_space<vmem>>, vector<16xi32>,
    tpu.vector_store %arg34[%swap3A_1376, %swap3A_1377], %add3A_1374 {strides = array<i32>} : memref<24x128xi32, #tpu.memory_space<vmem>>, vector<16xi32>,
    %add3A_1379 = arith.constant 41 : i32
    %add3A_1380 = vector.broadcast %add3A_1379 : i32 to vector<16xi32>
    %add3A_1381 = arith.addi %gather3A_1089, %add3A_1380 : vector<16xi32>
    %swap3A_1382 = arith.constant 21 : i32
    %swap3A_1383 = arith.index_cast %swap3A_1382 : i32 to index
    %swap3A_1384 = arith.constant 16 : index
    %swap3A_1385 = tpu.vector_load %arg34[%swap3A_1383, %swap3A_1384] {strides = array<i32>} : memref<24x128xi32, #tpu.memory_space<vmem>>, vector<16xi32>,
    tpu.vector_store %arg34[%swap3A_1383, %swap3A_1384], %add3A_1381 {strides = array<i32>} : memref<24x128xi32, #tpu.memory_space<vmem>>, vector<16xi32>,
    %add3A_1386 = arith.constant 42 : i32
    %add3A_1387 = vector.broadcast %add3A_1386 : i32 to vector<16xi32>
    %add3A_1388 = arith.addi %gather3A_1089, %add3A_1387 : vector<16xi32>
    %swap3A_1389 = arith.constant 21 : i32
    %swap3A_1390 = arith.index_cast %swap3A_1389 : i32 to index
    %swap3A_1391 = arith.constant 32 : index
    %swap3A_1392 = tpu.vector_load %arg34[%swap3A_1390, %swap3A_1391] {strides = array<i32>} : memref<24x128xi32, #tpu.memory_space<vmem>>, vector<16xi32>,
    tpu.vector_store %arg34[%swap3A_1390, %swap3A_1391], %add3A_1388 {strides = array<i32>} : memref<24x128xi32, #tpu.memory_space<vmem>>, vector<16xi32>,
    %add3A_1393 = arith.constant 43 : i32
    %add3A_1394 = vector.broadcast %add3A_1393 : i32 to vector<16xi32>
    %add3A_1395 = arith.addi %gather3A_1089, %add3A_1394 : vector<16xi32>
    %swap3A_1396 = arith.constant 21 : i32
    %swap3A_1397 = arith.index_cast %swap3A_1396 : i32 to index
    %swap3A_1398 = arith.constant 48 : index
    %swap3A_1399 = tpu.vector_load %arg34[%swap3A_1397, %swap3A_1398] {strides = array<i32>} : memref<24x128xi32, #tpu.memory_space<vmem>>, vector<16xi32>,
    tpu.vector_store %arg34[%swap3A_1397, %swap3A_1398], %add3A_1395 {strides = array<i32>} : memref<24x128xi32, #tpu.memory_space<vmem>>, vector<16xi32>,
    %add3A_1400 = arith.constant 44 : i32
    %add3A_1401 = vector.broadcast %add3A_1400 : i32 to vector<16xi32>
    %add3A_1402 = arith.addi %gather3A_1089, %add3A_1401 : vector<16xi32>
    %swap3A_1403 = arith.constant 21 : i32
    %swap3A_1404 = arith.index_cast %swap3A_1403 : i32 to index
    %swap3A_1405 = arith.constant 64 : index
    %swap3A_1406 = tpu.vector_load %arg34[%swap3A_1404, %swap3A_1405] {strides = array<i32>} : memref<24x128xi32, #tpu.memory_space<vmem>>, vector<16xi32>,
    tpu.vector_store %arg34[%swap3A_1404, %swap3A_1405], %add3A_1402 {strides = array<i32>} : memref<24x128xi32, #tpu.memory_space<vmem>>, vector<16xi32>,
    %add3A_1407 = arith.constant 45 : i32
    %add3A_1408 = vector.broadcast %add3A_1407 : i32 to vector<16xi32>
    %add3A_1409 = arith.addi %gather3A_1089, %add3A_1408 : vector<16xi32>
    %swap3A_1410 = arith.constant 21 : i32
    %swap3A_1411 = arith.index_cast %swap3A_1410 : i32 to index
    %swap3A_1412 = arith.constant 80 : index
    %swap3A_1413 = tpu.vector_load %arg34[%swap3A_1411, %swap3A_1412] {strides = array<i32>} : memref<24x128xi32, #tpu.memory_space<vmem>>, vector<16xi32>,
    tpu.vector_store %arg34[%swap3A_1411, %swap3A_1412], %add3A_1409 {strides = array<i32>} : memref<24x128xi32, #tpu.memory_space<vmem>>, vector<16xi32>,
    %add3A_1414 = arith.constant 46 : i32
    %add3A_1415 = vector.broadcast %add3A_1414 : i32 to vector<16xi32>
    %add3A_1416 = arith.addi %gather3A_1089, %add3A_1415 : vector<16xi32>
    %swap3A_1417 = arith.constant 21 : i32
    %swap3A_1418 = arith.index_cast %swap3A_1417 : i32 to index
    %swap3A_1419 = arith.constant 96 : index
    %swap3A_1420 = tpu.vector_load %arg34[%swap3A_1418, %swap3A_1419] {strides = array<i32>} : memref<24x128xi32, #tpu.memory_space<vmem>>, vector<16xi32>,
    tpu.vector_store %arg34[%swap3A_1418, %swap3A_1419], %add3A_1416 {strides = array<i32>} : memref<24x128xi32, #tpu.memory_space<vmem>>, vector<16xi32>,
    %add3A_1421 = arith.constant 47 : i32
    %add3A_1422 = vector.broadcast %add3A_1421 : i32 to vector<16xi32>
    %add3A_1423 = arith.addi %gather3A_1089, %add3A_1422 : vector<16xi32>
    %swap3A_1424 = arith.constant 21 : i32
    %swap3A_1425 = arith.index_cast %swap3A_1424 : i32 to index
    %swap3A_1426 = arith.constant 112 : index
    %swap3A_1427 = tpu.vector_load %arg34[%swap3A_1425, %swap3A_1426] {strides = array<i32>} : memref<24x128xi32, #tpu.memory_space<vmem>>, vector<16xi32>,
    tpu.vector_store %arg34[%swap3A_1425, %swap3A_1426], %add3A_1423 {strides = array<i32>} : memref<24x128xi32, #tpu.memory_space<vmem>>, vector<16xi32>,
    %add3A_1428 = arith.constant 48 : i32
    %add3A_1429 = vector.broadcast %add3A_1428 : i32 to vector<16xi32>
    %add3A_1430 = arith.addi %gather3A_1089, %add3A_1429 : vector<16xi32>
    %swap3A_1431 = arith.constant 22 : i32
    %swap3A_1432 = arith.index_cast %swap3A_1431 : i32 to index
    %swap3A_1433 = arith.constant 0 : index
    %swap3A_1434 = tpu.vector_load %arg34[%swap3A_1432, %swap3A_1433] {strides = array<i32>} : memref<24x128xi32, #tpu.memory_space<vmem>>, vector<16xi32>,
    tpu.vector_store %arg34[%swap3A_1432, %swap3A_1433], %add3A_1430 {strides = array<i32>} : memref<24x128xi32, #tpu.memory_space<vmem>>, vector<16xi32>,
    %add3A_1435 = arith.constant 49 : i32
    %add3A_1436 = vector.broadcast %add3A_1435 : i32 to vector<16xi32>
    %add3A_1437 = arith.addi %gather3A_1089, %add3A_1436 : vector<16xi32>
    %swap3A_1438 = arith.constant 22 : i32
    %swap3A_1439 = arith.index_cast %swap3A_1438 : i32 to index
    %swap3A_1440 = arith.constant 16 : index
    %swap3A_1441 = tpu.vector_load %arg34[%swap3A_1439, %swap3A_1440] {strides = array<i32>} : memref<24x128xi32, #tpu.memory_space<vmem>>, vector<16xi32>,
    tpu.vector_store %arg34[%swap3A_1439, %swap3A_1440], %add3A_1437 {strides = array<i32>} : memref<24x128xi32, #tpu.memory_space<vmem>>, vector<16xi32>,
    %add3A_1442 = arith.constant 50 : i32
    %add3A_1443 = vector.broadcast %add3A_1442 : i32 to vector<16xi32>
    %add3A_1444 = arith.addi %gather3A_1089, %add3A_1443 : vector<16xi32>
    %swap3A_1445 = arith.constant 22 : i32
    %swap3A_1446 = arith.index_cast %swap3A_1445 : i32 to index
    %swap3A_1447 = arith.constant 32 : index
    %swap3A_1448 = tpu.vector_load %arg34[%swap3A_1446, %swap3A_1447] {strides = array<i32>} : memref<24x128xi32, #tpu.memory_space<vmem>>, vector<16xi32>,
    tpu.vector_store %arg34[%swap3A_1446, %swap3A_1447], %add3A_1444 {strides = array<i32>} : memref<24x128xi32, #tpu.memory_space<vmem>>, vector<16xi32>,
    %add3A_1449 = arith.constant 51 : i32
    %add3A_1450 = vector.broadcast %add3A_1449 : i32 to vector<16xi32>
    %add3A_1451 = arith.addi %gather3A_1089, %add3A_1450 : vector<16xi32>
    %swap3A_1452 = arith.constant 22 : i32
    %swap3A_1453 = arith.index_cast %swap3A_1452 : i32 to index
    %swap3A_1454 = arith.constant 48 : index
    %swap3A_1455 = tpu.vector_load %arg34[%swap3A_1453, %swap3A_1454] {strides = array<i32>} : memref<24x128xi32, #tpu.memory_space<vmem>>, vector<16xi32>,
    tpu.vector_store %arg34[%swap3A_1453, %swap3A_1454], %add3A_1451 {strides = array<i32>} : memref<24x128xi32, #tpu.memory_space<vmem>>, vector<16xi32>,
    %add3A_1456 = arith.constant 52 : i32
    %add3A_1457 = vector.broadcast %add3A_1456 : i32 to vector<16xi32>
    %add3A_1458 = arith.addi %gather3A_1089, %add3A_1457 : vector<16xi32>
    %swap3A_1459 = arith.constant 22 : i32
    %swap3A_1460 = arith.index_cast %swap3A_1459 : i32 to index
    %swap3A_1461 = arith.constant 64 : index
    %swap3A_1462 = tpu.vector_load %arg34[%swap3A_1460, %swap3A_1461] {strides = array<i32>} : memref<24x128xi32, #tpu.memory_space<vmem>>, vector<16xi32>,
    tpu.vector_store %arg34[%swap3A_1460, %swap3A_1461], %add3A_1458 {strides = array<i32>} : memref<24x128xi32, #tpu.memory_space<vmem>>, vector<16xi32>,
    %add3A_1463 = arith.constant 53 : i32
    %add3A_1464 = vector.broadcast %add3A_1463 : i32 to vector<16xi32>
    %add3A_1465 = arith.addi %gather3A_1089, %add3A_1464 : vector<16xi32>
    %swap3A_1466 = arith.constant 22 : i32
    %swap3A_1467 = arith.index_cast %swap3A_1466 : i32 to index
    %swap3A_1468 = arith.constant 80 : index
    %swap3A_1469 = tpu.vector_load %arg34[%swap3A_1467, %swap3A_1468] {strides = array<i32>} : memref<24x128xi32, #tpu.memory_space<vmem>>, vector<16xi32>,
    tpu.vector_store %arg34[%swap3A_1467, %swap3A_1468], %add3A_1465 {strides = array<i32>} : memref<24x128xi32, #tpu.memory_space<vmem>>, vector<16xi32>,
    %add3A_1470 = arith.constant 54 : i32
    %add3A_1471 = vector.broadcast %add3A_1470 : i32 to vector<16xi32>
    %add3A_1472 = arith.addi %gather3A_1089, %add3A_1471 : vector<16xi32>
    %swap3A_1473 = arith.constant 22 : i32
    %swap3A_1474 = arith.index_cast %swap3A_1473 : i32 to index
    %swap3A_1475 = arith.constant 96 : index
    %swap3A_1476 = tpu.vector_load %arg34[%swap3A_1474, %swap3A_1475] {strides = array<i32>} : memref<24x128xi32, #tpu.memory_space<vmem>>, vector<16xi32>,
    tpu.vector_store %arg34[%swap3A_1474, %swap3A_1475], %add3A_1472 {strides = array<i32>} : memref<24x128xi32, #tpu.memory_space<vmem>>, vector<16xi32>,
    %add3A_1477 = arith.constant 55 : i32
    %add3A_1478 = vector.broadcast %add3A_1477 : i32 to vector<16xi32>
    %add3A_1479 = arith.addi %gather3A_1089, %add3A_1478 : vector<16xi32>
    %swap3A_1480 = arith.constant 22 : i32
    %swap3A_1481 = arith.index_cast %swap3A_1480 : i32 to index
    %swap3A_1482 = arith.constant 112 : index
    %swap3A_1483 = tpu.vector_load %arg34[%swap3A_1481, %swap3A_1482] {strides = array<i32>} : memref<24x128xi32, #tpu.memory_space<vmem>>, vector<16xi32>,
    tpu.vector_store %arg34[%swap3A_1481, %swap3A_1482], %add3A_1479 {strides = array<i32>} : memref<24x128xi32, #tpu.memory_space<vmem>>, vector<16xi32>,
    %add3A_1484 = arith.constant 56 : i32
    %add3A_1485 = vector.broadcast %add3A_1484 : i32 to vector<16xi32>
    %add3A_1486 = arith.addi %gather3A_1089, %add3A_1485 : vector<16xi32>
    %swap3A_1487 = arith.constant 23 : i32
    %swap3A_1488 = arith.index_cast %swap3A_1487 : i32 to index
    %swap3A_1489 = arith.constant 0 : index
    %swap3A_1490 = tpu.vector_load %arg34[%swap3A_1488, %swap3A_1489] {strides = array<i32>} : memref<24x128xi32, #tpu.memory_space<vmem>>, vector<16xi32>,
    tpu.vector_store %arg34[%swap3A_1488, %swap3A_1489], %add3A_1486 {strides = array<i32>} : memref<24x128xi32, #tpu.memory_space<vmem>>, vector<16xi32>,
    %add3A_1491 = arith.constant 57 : i32
    %add3A_1492 = vector.broadcast %add3A_1491 : i32 to vector<16xi32>
    %add3A_1493 = arith.addi %gather3A_1089, %add3A_1492 : vector<16xi32>
    %swap3A_1494 = arith.constant 23 : i32
    %swap3A_1495 = arith.index_cast %swap3A_1494 : i32 to index
    %swap3A_1496 = arith.constant 16 : index
    %swap3A_1497 = tpu.vector_load %arg34[%swap3A_1495, %swap3A_1496] {strides = array<i32>} : memref<24x128xi32, #tpu.memory_space<vmem>>, vector<16xi32>,
    tpu.vector_store %arg34[%swap3A_1495, %swap3A_1496], %add3A_1493 {strides = array<i32>} : memref<24x128xi32, #tpu.memory_space<vmem>>, vector<16xi32>,
    %add3A_1498 = arith.constant 58 : i32
    %add3A_1499 = vector.broadcast %add3A_1498 : i32 to vector<16xi32>
    %add3A_1500 = arith.addi %gather3A_1089, %add3A_1499 : vector<16xi32>
    %swap3A_1501 = arith.constant 23 : i32
    %swap3A_1502 = arith.index_cast %swap3A_1501 : i32 to index
    %swap3A_1503 = arith.constant 32 : index
    %swap3A_1504 = tpu.vector_load %arg34[%swap3A_1502, %swap3A_1503] {strides = array<i32>} : memref<24x128xi32, #tpu.memory_space<vmem>>, vector<16xi32>,
    tpu.vector_store %arg34[%swap3A_1502, %swap3A_1503], %add3A_1500 {strides = array<i32>} : memref<24x128xi32, #tpu.memory_space<vmem>>, vector<16xi32>,
    %add3A_1505 = arith.constant 59 : i32
    %add3A_1506 = vector.broadcast %add3A_1505 : i32 to vector<16xi32>
    %add3A_1507 = arith.addi %gather3A_1089, %add3A_1506 : vector<16xi32>
    %swap3A_1508 = arith.constant 23 : i32
    %swap3A_1509 = arith.index_cast %swap3A_1508 : i32 to index
    %swap3A_1510 = arith.constant 48 : index
    %swap3A_1511 = tpu.vector_load %arg34[%swap3A_1509, %swap3A_1510] {strides = array<i32>} : memref<24x128xi32, #tpu.memory_space<vmem>>, vector<16xi32>,
    tpu.vector_store %arg34[%swap3A_1509, %swap3A_1510], %add3A_1507 {strides = array<i32>} : memref<24x128xi32, #tpu.memory_space<vmem>>, vector<16xi32>,
    %add3A_1512 = arith.constant 60 : i32
    %add3A_1513 = vector.broadcast %add3A_1512 : i32 to vector<16xi32>
    %add3A_1514 = arith.addi %gather3A_1089, %add3A_1513 : vector<16xi32>
    %swap3A_1515 = arith.constant 23 : i32
    %swap3A_1516 = arith.index_cast %swap3A_1515 : i32 to index
    %swap3A_1517 = arith.constant 64 : index
    %swap3A_1518 = tpu.vector_load %arg34[%swap3A_1516, %swap3A_1517] {strides = array<i32>} : memref<24x128xi32, #tpu.memory_space<vmem>>, vector<16xi32>,
    tpu.vector_store %arg34[%swap3A_1516, %swap3A_1517], %add3A_1514 {strides = array<i32>} : memref<24x128xi32, #tpu.memory_space<vmem>>, vector<16xi32>,
    %add3A_1519 = arith.constant 61 : i32
    %add3A_1520 = vector.broadcast %add3A_1519 : i32 to vector<16xi32>
    %add3A_1521 = arith.addi %gather3A_1089, %add3A_1520 : vector<16xi32>
    %swap3A_1522 = arith.constant 23 : i32
    %swap3A_1523 = arith.index_cast %swap3A_1522 : i32 to index
    %swap3A_1524 = arith.constant 80 : index
    %swap3A_1525 = tpu.vector_load %arg34[%swap3A_1523, %swap3A_1524] {strides = array<i32>} : memref<24x128xi32, #tpu.memory_space<vmem>>, vector<16xi32>,
    tpu.vector_store %arg34[%swap3A_1523, %swap3A_1524], %add3A_1521 {strides = array<i32>} : memref<24x128xi32, #tpu.memory_space<vmem>>, vector<16xi32>,
    %add3A_1526 = arith.constant 62 : i32
    %add3A_1527 = vector.broadcast %add3A_1526 : i32 to vector<16xi32>
    %add3A_1528 = arith.addi %gather3A_1089, %add3A_1527 : vector<16xi32>
    %swap3A_1529 = arith.constant 23 : i32
    %swap3A_1530 = arith.index_cast %swap3A_1529 : i32 to index
    %swap3A_1531 = arith.constant 96 : index
    %swap3A_1532 = tpu.vector_load %arg34[%swap3A_1530, %swap3A_1531] {strides = array<i32>} : memref<24x128xi32, #tpu.memory_space<vmem>>, vector<16xi32>,
    tpu.vector_store %arg34[%swap3A_1530, %swap3A_1531], %add3A_1528 {strides = array<i32>} : memref<24x128xi32, #tpu.memory_space<vmem>>, vector<16xi32>,
    %add3A_1533 = arith.constant 63 : i32
    %add3A_1534 = vector.broadcast %add3A_1533 : i32 to vector<16xi32>
    %add3A_1535 = arith.addi %gather3A_1089, %add3A_1534 : vector<16xi32>
    %swap3A_1536 = arith.constant 23 : i32
    %swap3A_1537 = arith.index_cast %swap3A_1536 : i32 to index
    %swap3A_1538 = arith.constant 112 : index
    %swap3A_1539 = tpu.vector_load %arg34[%swap3A_1537, %swap3A_1538] {strides = array<i32>} : memref<24x128xi32, #tpu.memory_space<vmem>>, vector<16xi32>,
    tpu.vector_store %arg34[%swap3A_1537, %swap3A_1538], %add3A_1535 {strides = array<i32>} : memref<24x128xi32, #tpu.memory_space<vmem>>, vector<16xi32>,
    %dma_start3A_1540 = arith.constant 0 : i32
    %dma_start3A_1541 = arith.constant 0 : i32
    %dma_start3A_1542 = tpu.memref_slice %arg35[%dma_start3A_1541] : memref<1024xi32, #tpu.memory_space<vmem>> -> memref<128xi32, #tpu.memory_space<vmem>>
    %dma_start3A_1543 = arith.constant 0 : i32
    %dma_start3A_1544 = tpu.memref_slice %arg34[%dma_start3A_1540, %dma_start3A_1543] : memref<24x128xi32, #tpu.memory_space<vmem>> -> memref<1x128xi32, #tpu.memory_space<vmem>>
    %dma_start3A_1545 = tpu.memref_squeeze %dma_start3A_1544 : memref<1x128xi32, #tpu.memory_space<vmem>> -> memref<128xi32, #tpu.memory_space<vmem>>
    %dma_start3A_1546 = arith.constant 0 : i32
    %dma_start3A_1547 = tpu.memref_slice %arg12[%dma_start3A_1546] : memref<1000000xi32, #tpu.memory_space<hbm>> -> memref<1000000xi32, #tpu.memory_space<hbm>>
    tpu.enqueue_indirect_dma source(%dma_start3A_1547 : memref<1000000xi32, #tpu.memory_space<hbm>>) target(%dma_start3A_1542 : memref<128xi32, #tpu.memory_space<vmem>>) offsets(%dma_start3A_1545 : memref<128xi32, #tpu.memory_space<vmem>>) semaphore(%arg49 : memref<!tpu.dma_semaphore, #tpu.memory_space<semaphore_mem>>)
    %dma_start3A_1548 = arith.constant 0 : i32
    %dma_start3A_1549 = arith.constant 0 : i32
    %dma_start3A_1550 = tpu.memref_slice %arg36[%dma_start3A_1549] : memref<1024xf32, #tpu.memory_space<vmem>> -> memref<128xf32, #tpu.memory_space<vmem>>
    %dma_start3A_1551 = arith.constant 0 : i32
    %dma_start3A_1552 = tpu.memref_slice %arg34[%dma_start3A_1548, %dma_start3A_1551] : memref<24x128xi32, #tpu.memory_space<vmem>> -> memref<1x128xi32, #tpu.memory_space<vmem>>
    %dma_start3A_1553 = tpu.memref_squeeze %dma_start3A_1552 : memref<1x128xi32, #tpu.memory_space<vmem>> -> memref<128xi32, #tpu.memory_space<vmem>>
    %dma_start3A_1554 = arith.constant 0 : i32
    %dma_start3A_1555 = tpu.memref_slice %arg11[%dma_start3A_1554] : memref<1000000xf32, #tpu.memory_space<hbm>> -> memref<1000000xf32, #tpu.memory_space<hbm>>
    tpu.enqueue_indirect_dma source(%dma_start3A_1555 : memref<1000000xf32, #tpu.memory_space<hbm>>) target(%dma_start3A_1550 : memref<128xf32, #tpu.memory_space<vmem>>) offsets(%dma_start3A_1553 : memref<128xi32, #tpu.memory_space<vmem>>) semaphore(%arg49 : memref<!tpu.dma_semaphore, #tpu.memory_space<semaphore_mem>>)
    %dma_start3A_1556 = arith.constant 0 : i32
    %dma_start3A_1557 = arith.constant 0 : i32
    %dma_start3A_1558 = tpu.memref_slice %arg37[%dma_start3A_1557] : memref<1024xi32, #tpu.memory_space<vmem>> -> memref<128xi32, #tpu.memory_space<vmem>>
    %dma_start3A_1559 = arith.constant 0 : i32
    %dma_start3A_1560 = tpu.memref_slice %arg34[%dma_start3A_1556, %dma_start3A_1559] : memref<24x128xi32, #tpu.memory_space<vmem>> -> memref<1x128xi32, #tpu.memory_space<vmem>>
    %dma_start3A_1561 = tpu.memref_squeeze %dma_start3A_1560 : memref<1x128xi32, #tpu.memory_space<vmem>> -> memref<128xi32, #tpu.memory_space<vmem>>
    %dma_start3A_1562 = arith.constant 0 : i32
    %dma_start3A_1563 = tpu.memref_slice %arg13[%dma_start3A_1562] : memref<1000000xi32, #tpu.memory_space<hbm>> -> memref<1000000xi32, #tpu.memory_space<hbm>>
    tpu.enqueue_indirect_dma source(%dma_start3A_1563 : memref<1000000xi32, #tpu.memory_space<hbm>>) target(%dma_start3A_1558 : memref<128xi32, #tpu.memory_space<vmem>>) offsets(%dma_start3A_1561 : memref<128xi32, #tpu.memory_space<vmem>>) semaphore(%arg49 : memref<!tpu.dma_semaphore, #tpu.memory_space<semaphore_mem>>)
    %dma_start3A_1564 = arith.constant 1 : i32
    %dma_start3A_1565 = arith.constant 128 : i32
    %dma_start3A_1566 = tpu.memref_slice %arg35[%dma_start3A_1565] : memref<1024xi32, #tpu.memory_space<vmem>> -> memref<128xi32, #tpu.memory_space<vmem>>
    %dma_start3A_1567 = arith.constant 0 : i32
    %dma_start3A_1568 = tpu.memref_slice %arg34[%dma_start3A_1564, %dma_start3A_1567] : memref<24x128xi32, #tpu.memory_space<vmem>> -> memref<1x128xi32, #tpu.memory_space<vmem>>
    %dma_start3A_1569 = tpu.memref_squeeze %dma_start3A_1568 : memref<1x128xi32, #tpu.memory_space<vmem>> -> memref<128xi32, #tpu.memory_space<vmem>>
    %dma_start3A_1570 = arith.constant 0 : i32
    %dma_start3A_1571 = tpu.memref_slice %arg12[%dma_start3A_1570] : memref<1000000xi32, #tpu.memory_space<hbm>> -> memref<1000000xi32, #tpu.memory_space<hbm>>
    tpu.enqueue_indirect_dma source(%dma_start3A_1571 : memref<1000000xi32, #tpu.memory_space<hbm>>) target(%dma_start3A_1566 : memref<128xi32, #tpu.memory_space<vmem>>) offsets(%dma_start3A_1569 : memref<128xi32, #tpu.memory_space<vmem>>) semaphore(%arg49 : memref<!tpu.dma_semaphore, #tpu.memory_space<semaphore_mem>>)
    %dma_start3A_1572 = arith.constant 1 : i32
    %dma_start3A_1573 = arith.constant 128 : i32
    %dma_start3A_1574 = tpu.memref_slice %arg36[%dma_start3A_1573] : memref<1024xf32, #tpu.memory_space<vmem>> -> memref<128xf32, #tpu.memory_space<vmem>>
    %dma_start3A_1575 = arith.constant 0 : i32
    %dma_start3A_1576 = tpu.memref_slice %arg34[%dma_start3A_1572, %dma_start3A_1575] : memref<24x128xi32, #tpu.memory_space<vmem>> -> memref<1x128xi32, #tpu.memory_space<vmem>>
    %dma_start3A_1577 = tpu.memref_squeeze %dma_start3A_1576 : memref<1x128xi32, #tpu.memory_space<vmem>> -> memref<128xi32, #tpu.memory_space<vmem>>
    %dma_start3A_1578 = arith.constant 0 : i32
    %dma_start3A_1579 = tpu.memref_slice %arg11[%dma_start3A_1578] : memref<1000000xf32, #tpu.memory_space<hbm>> -> memref<1000000xf32, #tpu.memory_space<hbm>>
    tpu.enqueue_indirect_dma source(%dma_start3A_1579 : memref<1000000xf32, #tpu.memory_space<hbm>>) target(%dma_start3A_1574 : memref<128xf32, #tpu.memory_space<vmem>>) offsets(%dma_start3A_1577 : memref<128xi32, #tpu.memory_space<vmem>>) semaphore(%arg49 : memref<!tpu.dma_semaphore, #tpu.memory_space<semaphore_mem>>)
    %dma_start3A_1580 = arith.constant 1 : i32
    %dma_start3A_1581 = arith.constant 128 : i32
    %dma_start3A_1582 = tpu.memref_slice %arg37[%dma_start3A_1581] : memref<1024xi32, #tpu.memory_space<vmem>> -> memref<128xi32, #tpu.memory_space<vmem>>
    %dma_start3A_1583 = arith.constant 0 : i32
    %dma_start3A_1584 = tpu.memref_slice %arg34[%dma_start3A_1580, %dma_start3A_1583] : memref<24x128xi32, #tpu.memory_space<vmem>> -> memref<1x128xi32, #tpu.memory_space<vmem>>
    %dma_start3A_1585 = tpu.memref_squeeze %dma_start3A_1584 : memref<1x128xi32, #tpu.memory_space<vmem>> -> memref<128xi32, #tpu.memory_space<vmem>>
    %dma_start3A_1586 = arith.constant 0 : i32
    %dma_start3A_1587 = tpu.memref_slice %arg13[%dma_start3A_1586] : memref<1000000xi32, #tpu.memory_space<hbm>> -> memref<1000000xi32, #tpu.memory_space<hbm>>
    tpu.enqueue_indirect_dma source(%dma_start3A_1587 : memref<1000000xi32, #tpu.memory_space<hbm>>) target(%dma_start3A_1582 : memref<128xi32, #tpu.memory_space<vmem>>) offsets(%dma_start3A_1585 : memref<128xi32, #tpu.memory_space<vmem>>) semaphore(%arg49 : memref<!tpu.dma_semaphore, #tpu.memory_space<semaphore_mem>>)
    %dma_start3A_1588 = arith.constant 2 : i32
    %dma_start3A_1589 = arith.constant 256 : i32
    %dma_start3A_1590 = tpu.memref_slice %arg35[%dma_start3A_1589] : memref<1024xi32, #tpu.memory_space<vmem>> -> memref<128xi32, #tpu.memory_space<vmem>>
    %dma_start3A_1591 = arith.constant 0 : i32
    %dma_start3A_1592 = tpu.memref_slice %arg34[%dma_start3A_1588, %dma_start3A_1591] : memref<24x128xi32, #tpu.memory_space<vmem>> -> memref<1x128xi32, #tpu.memory_space<vmem>>
    %dma_start3A_1593 = tpu.memref_squeeze %dma_start3A_1592 : memref<1x128xi32, #tpu.memory_space<vmem>> -> memref<128xi32, #tpu.memory_space<vmem>>
    %dma_start3A_1594 = arith.constant 0 : i32
    %dma_start3A_1595 = tpu.memref_slice %arg12[%dma_start3A_1594] : memref<1000000xi32, #tpu.memory_space<hbm>> -> memref<1000000xi32, #tpu.memory_space<hbm>>
    tpu.enqueue_indirect_dma source(%dma_start3A_1595 : memref<1000000xi32, #tpu.memory_space<hbm>>) target(%dma_start3A_1590 : memref<128xi32, #tpu.memory_space<vmem>>) offsets(%dma_start3A_1593 : memref<128xi32, #tpu.memory_space<vmem>>) semaphore(%arg49 : memref<!tpu.dma_semaphore, #tpu.memory_space<semaphore_mem>>)
    %dma_start3A_1596 = arith.constant 2 : i32
    %dma_start3A_1597 = arith.constant 256 : i32
    %dma_start3A_1598 = tpu.memref_slice %arg36[%dma_start3A_1597] : memref<1024xf32, #tpu.memory_space<vmem>> -> memref<128xf32, #tpu.memory_space<vmem>>
    %dma_start3A_1599 = arith.constant 0 : i32
    %dma_start3A_1600 = tpu.memref_slice %arg34[%dma_start3A_1596, %dma_start3A_1599] : memref<24x128xi32, #tpu.memory_space<vmem>> -> memref<1x128xi32, #tpu.memory_space<vmem>>
    %dma_start3A_1601 = tpu.memref_squeeze %dma_start3A_1600 : memref<1x128xi32, #tpu.memory_space<vmem>> -> memref<128xi32, #tpu.memory_space<vmem>>
    %dma_start3A_1602 = arith.constant 0 : i32
    %dma_start3A_1603 = tpu.memref_slice %arg11[%dma_start3A_1602] : memref<1000000xf32, #tpu.memory_space<hbm>> -> memref<1000000xf32, #tpu.memory_space<hbm>>
    tpu.enqueue_indirect_dma source(%dma_start3A_1603 : memref<1000000xf32, #tpu.memory_space<hbm>>) target(%dma_start3A_1598 : memref<128xf32, #tpu.memory_space<vmem>>) offsets(%dma_start3A_1601 : memref<128xi32, #tpu.memory_space<vmem>>) semaphore(%arg49 : memref<!tpu.dma_semaphore, #tpu.memory_space<semaphore_mem>>)
    %dma_start3A_1604 = arith.constant 2 : i32
    %dma_start3A_1605 = arith.constant 256 : i32
    %dma_start3A_1606 = tpu.memref_slice %arg37[%dma_start3A_1605] : memref<1024xi32, #tpu.memory_space<vmem>> -> memref<128xi32, #tpu.memory_space<vmem>>
    %dma_start3A_1607 = arith.constant 0 : i32
    %dma_start3A_1608 = tpu.memref_slice %arg34[%dma_start3A_1604, %dma_start3A_1607] : memref<24x128xi32, #tpu.memory_space<vmem>> -> memref<1x128xi32, #tpu.memory_space<vmem>>
    %dma_start3A_1609 = tpu.memref_squeeze %dma_start3A_1608 : memref<1x128xi32, #tpu.memory_space<vmem>> -> memref<128xi32, #tpu.memory_space<vmem>>
    %dma_start3A_1610 = arith.constant 0 : i32
    %dma_start3A_1611 = tpu.memref_slice %arg13[%dma_start3A_1610] : memref<1000000xi32, #tpu.memory_space<hbm>> -> memref<1000000xi32, #tpu.memory_space<hbm>>
    tpu.enqueue_indirect_dma source(%dma_start3A_1611 : memref<1000000xi32, #tpu.memory_space<hbm>>) target(%dma_start3A_1606 : memref<128xi32, #tpu.memory_space<vmem>>) offsets(%dma_start3A_1609 : memref<128xi32, #tpu.memory_space<vmem>>) semaphore(%arg49 : memref<!tpu.dma_semaphore, #tpu.memory_space<semaphore_mem>>)
    %dma_start3A_1612 = arith.constant 3 : i32
    %dma_start3A_1613 = arith.constant 384 : i32
    %dma_start3A_1614 = tpu.memref_slice %arg35[%dma_start3A_1613] : memref<1024xi32, #tpu.memory_space<vmem>> -> memref<128xi32, #tpu.memory_space<vmem>>
    %dma_start3A_1615 = arith.constant 0 : i32
    %dma_start3A_1616 = tpu.memref_slice %arg34[%dma_start3A_1612, %dma_start3A_1615] : memref<24x128xi32, #tpu.memory_space<vmem>> -> memref<1x128xi32, #tpu.memory_space<vmem>>
    %dma_start3A_1617 = tpu.memref_squeeze %dma_start3A_1616 : memref<1x128xi32, #tpu.memory_space<vmem>> -> memref<128xi32, #tpu.memory_space<vmem>>
    %dma_start3A_1618 = arith.constant 0 : i32
    %dma_start3A_1619 = tpu.memref_slice %arg12[%dma_start3A_1618] : memref<1000000xi32, #tpu.memory_space<hbm>> -> memref<1000000xi32, #tpu.memory_space<hbm>>
    tpu.enqueue_indirect_dma source(%dma_start3A_1619 : memref<1000000xi32, #tpu.memory_space<hbm>>) target(%dma_start3A_1614 : memref<128xi32, #tpu.memory_space<vmem>>) offsets(%dma_start3A_1617 : memref<128xi32, #tpu.memory_space<vmem>>) semaphore(%arg49 : memref<!tpu.dma_semaphore, #tpu.memory_space<semaphore_mem>>)
    %dma_start3A_1620 = arith.constant 3 : i32
    %dma_start3A_1621 = arith.constant 384 : i32
    %dma_start3A_1622 = tpu.memref_slice %arg36[%dma_start3A_1621] : memref<1024xf32, #tpu.memory_space<vmem>> -> memref<128xf32, #tpu.memory_space<vmem>>
    %dma_start3A_1623 = arith.constant 0 : i32
    %dma_start3A_1624 = tpu.memref_slice %arg34[%dma_start3A_1620, %dma_start3A_1623] : memref<24x128xi32, #tpu.memory_space<vmem>> -> memref<1x128xi32, #tpu.memory_space<vmem>>
    %dma_start3A_1625 = tpu.memref_squeeze %dma_start3A_1624 : memref<1x128xi32, #tpu.memory_space<vmem>> -> memref<128xi32, #tpu.memory_space<vmem>>
    %dma_start3A_1626 = arith.constant 0 : i32
    %dma_start3A_1627 = tpu.memref_slice %arg11[%dma_start3A_1626] : memref<1000000xf32, #tpu.memory_space<hbm>> -> memref<1000000xf32, #tpu.memory_space<hbm>>
    tpu.enqueue_indirect_dma source(%dma_start3A_1627 : memref<1000000xf32, #tpu.memory_space<hbm>>) target(%dma_start3A_1622 : memref<128xf32, #tpu.memory_space<vmem>>) offsets(%dma_start3A_1625 : memref<128xi32, #tpu.memory_space<vmem>>) semaphore(%arg49 : memref<!tpu.dma_semaphore, #tpu.memory_space<semaphore_mem>>)
    %dma_start3A_1628 = arith.constant 3 : i32
    %dma_start3A_1629 = arith.constant 384 : i32
    %dma_start3A_1630 = tpu.memref_slice %arg37[%dma_start3A_1629] : memref<1024xi32, #tpu.memory_space<vmem>> -> memref<128xi32, #tpu.memory_space<vmem>>
    %dma_start3A_1631 = arith.constant 0 : i32
    %dma_start3A_1632 = tpu.memref_slice %arg34[%dma_start3A_1628, %dma_start3A_1631] : memref<24x128xi32, #tpu.memory_space<vmem>> -> memref<1x128xi32, #tpu.memory_space<vmem>>
    %dma_start3A_1633 = tpu.memref_squeeze %dma_start3A_1632 : memref<1x128xi32, #tpu.memory_space<vmem>> -> memref<128xi32, #tpu.memory_space<vmem>>
    %dma_start3A_1634 = arith.constant 0 : i32
    %dma_start3A_1635 = tpu.memref_slice %arg13[%dma_start3A_1634] : memref<1000000xi32, #tpu.memory_space<hbm>> -> memref<1000000xi32, #tpu.memory_space<hbm>>
    tpu.enqueue_indirect_dma source(%dma_start3A_1635 : memref<1000000xi32, #tpu.memory_space<hbm>>) target(%dma_start3A_1630 : memref<128xi32, #tpu.memory_space<vmem>>) offsets(%dma_start3A_1633 : memref<128xi32, #tpu.memory_space<vmem>>) semaphore(%arg49 : memref<!tpu.dma_semaphore, #tpu.memory_space<semaphore_mem>>)
    %dma_start3A_1636 = arith.constant 4 : i32
    %dma_start3A_1637 = arith.constant 512 : i32
    %dma_start3A_1638 = tpu.memref_slice %arg35[%dma_start3A_1637] : memref<1024xi32, #tpu.memory_space<vmem>> -> memref<128xi32, #tpu.memory_space<vmem>>
    %dma_start3A_1639 = arith.constant 0 : i32
    %dma_start3A_1640 = tpu.memref_slice %arg34[%dma_start3A_1636, %dma_start3A_1639] : memref<24x128xi32, #tpu.memory_space<vmem>> -> memref<1x128xi32, #tpu.memory_space<vmem>>
    %dma_start3A_1641 = tpu.memref_squeeze %dma_start3A_1640 : memref<1x128xi32, #tpu.memory_space<vmem>> -> memref<128xi32, #tpu.memory_space<vmem>>
    %dma_start3A_1642 = arith.constant 0 : i32
    %dma_start3A_1643 = tpu.memref_slice %arg12[%dma_start3A_1642] : memref<1000000xi32, #tpu.memory_space<hbm>> -> memref<1000000xi32, #tpu.memory_space<hbm>>
    tpu.enqueue_indirect_dma source(%dma_start3A_1643 : memref<1000000xi32, #tpu.memory_space<hbm>>) target(%dma_start3A_1638 : memref<128xi32, #tpu.memory_space<vmem>>) offsets(%dma_start3A_1641 : memref<128xi32, #tpu.memory_space<vmem>>) semaphore(%arg49 : memref<!tpu.dma_semaphore, #tpu.memory_space<semaphore_mem>>)
    %dma_start3A_1644 = arith.constant 4 : i32
    %dma_start3A_1645 = arith.constant 512 : i32
    %dma_start3A_1646 = tpu.memref_slice %arg36[%dma_start3A_1645] : memref<1024xf32, #tpu.memory_space<vmem>> -> memref<128xf32, #tpu.memory_space<vmem>>
    %dma_start3A_1647 = arith.constant 0 : i32
    %dma_start3A_1648 = tpu.memref_slice %arg34[%dma_start3A_1644, %dma_start3A_1647] : memref<24x128xi32, #tpu.memory_space<vmem>> -> memref<1x128xi32, #tpu.memory_space<vmem>>
    %dma_start3A_1649 = tpu.memref_squeeze %dma_start3A_1648 : memref<1x128xi32, #tpu.memory_space<vmem>> -> memref<128xi32, #tpu.memory_space<vmem>>
    %dma_start3A_1650 = arith.constant 0 : i32
    %dma_start3A_1651 = tpu.memref_slice %arg11[%dma_start3A_1650] : memref<1000000xf32, #tpu.memory_space<hbm>> -> memref<1000000xf32, #tpu.memory_space<hbm>>
    tpu.enqueue_indirect_dma source(%dma_start3A_1651 : memref<1000000xf32, #tpu.memory_space<hbm>>) target(%dma_start3A_1646 : memref<128xf32, #tpu.memory_space<vmem>>) offsets(%dma_start3A_1649 : memref<128xi32, #tpu.memory_space<vmem>>) semaphore(%arg49 : memref<!tpu.dma_semaphore, #tpu.memory_space<semaphore_mem>>)
    %dma_start3A_1652 = arith.constant 4 : i32
    %dma_start3A_1653 = arith.constant 512 : i32
    %dma_start3A_1654 = tpu.memref_slice %arg37[%dma_start3A_1653] : memref<1024xi32, #tpu.memory_space<vmem>> -> memref<128xi32, #tpu.memory_space<vmem>>
    %dma_start3A_1655 = arith.constant 0 : i32
    %dma_start3A_1656 = tpu.memref_slice %arg34[%dma_start3A_1652, %dma_start3A_1655] : memref<24x128xi32, #tpu.memory_space<vmem>> -> memref<1x128xi32, #tpu.memory_space<vmem>>
    %dma_start3A_1657 = tpu.memref_squeeze %dma_start3A_1656 : memref<1x128xi32, #tpu.memory_space<vmem>> -> memref<128xi32, #tpu.memory_space<vmem>>
    %dma_start3A_1658 = arith.constant 0 : i32
    %dma_start3A_1659 = tpu.memref_slice %arg13[%dma_start3A_1658] : memref<1000000xi32, #tpu.memory_space<hbm>> -> memref<1000000xi32, #tpu.memory_space<hbm>>
    tpu.enqueue_indirect_dma source(%dma_start3A_1659 : memref<1000000xi32, #tpu.memory_space<hbm>>) target(%dma_start3A_1654 : memref<128xi32, #tpu.memory_space<vmem>>) offsets(%dma_start3A_1657 : memref<128xi32, #tpu.memory_space<vmem>>) semaphore(%arg49 : memref<!tpu.dma_semaphore, #tpu.memory_space<semaphore_mem>>)
    %dma_start3A_1660 = arith.constant 5 : i32
    %dma_start3A_1661 = arith.constant 640 : i32
    %dma_start3A_1662 = tpu.memref_slice %arg35[%dma_start3A_1661] : memref<1024xi32, #tpu.memory_space<vmem>> -> memref<128xi32, #tpu.memory_space<vmem>>
    %dma_start3A_1663 = arith.constant 0 : i32
    %dma_start3A_1664 = tpu.memref_slice %arg34[%dma_start3A_1660, %dma_start3A_1663] : memref<24x128xi32, #tpu.memory_space<vmem>> -> memref<1x128xi32, #tpu.memory_space<vmem>>
    %dma_start3A_1665 = tpu.memref_squeeze %dma_start3A_1664 : memref<1x128xi32, #tpu.memory_space<vmem>> -> memref<128xi32, #tpu.memory_space<vmem>>
    %dma_start3A_1666 = arith.constant 0 : i32
    %dma_start3A_1667 = tpu.memref_slice %arg12[%dma_start3A_1666] : memref<1000000xi32, #tpu.memory_space<hbm>> -> memref<1000000xi32, #tpu.memory_space<hbm>>
    tpu.enqueue_indirect_dma source(%dma_start3A_1667 : memref<1000000xi32, #tpu.memory_space<hbm>>) target(%dma_start3A_1662 : memref<128xi32, #tpu.memory_space<vmem>>) offsets(%dma_start3A_1665 : memref<128xi32, #tpu.memory_space<vmem>>) semaphore(%arg49 : memref<!tpu.dma_semaphore, #tpu.memory_space<semaphore_mem>>)
    %dma_start3A_1668 = arith.constant 5 : i32
    %dma_start3A_1669 = arith.constant 640 : i32
    %dma_start3A_1670 = tpu.memref_slice %arg36[%dma_start3A_1669] : memref<1024xf32, #tpu.memory_space<vmem>> -> memref<128xf32, #tpu.memory_space<vmem>>
    %dma_start3A_1671 = arith.constant 0 : i32
    %dma_start3A_1672 = tpu.memref_slice %arg34[%dma_start3A_1668, %dma_start3A_1671] : memref<24x128xi32, #tpu.memory_space<vmem>> -> memref<1x128xi32, #tpu.memory_space<vmem>>
    %dma_start3A_1673 = tpu.memref_squeeze %dma_start3A_1672 : memref<1x128xi32, #tpu.memory_space<vmem>> -> memref<128xi32, #tpu.memory_space<vmem>>
    %dma_start3A_1674 = arith.constant 0 : i32
    %dma_start3A_1675 = tpu.memref_slice %arg11[%dma_start3A_1674] : memref<1000000xf32, #tpu.memory_space<hbm>> -> memref<1000000xf32, #tpu.memory_space<hbm>>
    tpu.enqueue_indirect_dma source(%dma_start3A_1675 : memref<1000000xf32, #tpu.memory_space<hbm>>) target(%dma_start3A_1670 : memref<128xf32, #tpu.memory_space<vmem>>) offsets(%dma_start3A_1673 : memref<128xi32, #tpu.memory_space<vmem>>) semaphore(%arg49 : memref<!tpu.dma_semaphore, #tpu.memory_space<semaphore_mem>>)
    %dma_start3A_1676 = arith.constant 5 : i32
    %dma_start3A_1677 = arith.constant 640 : i32
    %dma_start3A_1678 = tpu.memref_slice %arg37[%dma_start3A_1677] : memref<1024xi32, #tpu.memory_space<vmem>> -> memref<128xi32, #tpu.memory_space<vmem>>
    %dma_start3A_1679 = arith.constant 0 : i32
    %dma_start3A_1680 = tpu.memref_slice %arg34[%dma_start3A_1676, %dma_start3A_1679] : memref<24x128xi32, #tpu.memory_space<vmem>> -> memref<1x128xi32, #tpu.memory_space<vmem>>
    %dma_start3A_1681 = tpu.memref_squeeze %dma_start3A_1680 : memref<1x128xi32, #tpu.memory_space<vmem>> -> memref<128xi32, #tpu.memory_space<vmem>>
    %dma_start3A_1682 = arith.constant 0 : i32
    %dma_start3A_1683 = tpu.memref_slice %arg13[%dma_start3A_1682] : memref<1000000xi32, #tpu.memory_space<hbm>> -> memref<1000000xi32, #tpu.memory_space<hbm>>
    tpu.enqueue_indirect_dma source(%dma_start3A_1683 : memref<1000000xi32, #tpu.memory_space<hbm>>) target(%dma_start3A_1678 : memref<128xi32, #tpu.memory_space<vmem>>) offsets(%dma_start3A_1681 : memref<128xi32, #tpu.memory_space<vmem>>) semaphore(%arg49 : memref<!tpu.dma_semaphore, #tpu.memory_space<semaphore_mem>>)
    %dma_start3A_1684 = arith.constant 6 : i32
    %dma_start3A_1685 = arith.constant 768 : i32
    %dma_start3A_1686 = tpu.memref_slice %arg35[%dma_start3A_1685] : memref<1024xi32, #tpu.memory_space<vmem>> -> memref<128xi32, #tpu.memory_space<vmem>>
    %dma_start3A_1687 = arith.constant 0 : i32
    %dma_start3A_1688 = tpu.memref_slice %arg34[%dma_start3A_1684, %dma_start3A_1687] : memref<24x128xi32, #tpu.memory_space<vmem>> -> memref<1x128xi32, #tpu.memory_space<vmem>>
    %dma_start3A_1689 = tpu.memref_squeeze %dma_start3A_1688 : memref<1x128xi32, #tpu.memory_space<vmem>> -> memref<128xi32, #tpu.memory_space<vmem>>
    %dma_start3A_1690 = arith.constant 0 : i32
    %dma_start3A_1691 = tpu.memref_slice %arg12[%dma_start3A_1690] : memref<1000000xi32, #tpu.memory_space<hbm>> -> memref<1000000xi32, #tpu.memory_space<hbm>>
    tpu.enqueue_indirect_dma source(%dma_start3A_1691 : memref<1000000xi32, #tpu.memory_space<hbm>>) target(%dma_start3A_1686 : memref<128xi32, #tpu.memory_space<vmem>>) offsets(%dma_start3A_1689 : memref<128xi32, #tpu.memory_space<vmem>>) semaphore(%arg49 : memref<!tpu.dma_semaphore, #tpu.memory_space<semaphore_mem>>)
    %dma_start3A_1692 = arith.constant 6 : i32
    %dma_start3A_1693 = arith.constant 768 : i32
    %dma_start3A_1694 = tpu.memref_slice %arg36[%dma_start3A_1693] : memref<1024xf32, #tpu.memory_space<vmem>> -> memref<128xf32, #tpu.memory_space<vmem>>
    %dma_start3A_1695 = arith.constant 0 : i32
    %dma_start3A_1696 = tpu.memref_slice %arg34[%dma_start3A_1692, %dma_start3A_1695] : memref<24x128xi32, #tpu.memory_space<vmem>> -> memref<1x128xi32, #tpu.memory_space<vmem>>
    %dma_start3A_1697 = tpu.memref_squeeze %dma_start3A_1696 : memref<1x128xi32, #tpu.memory_space<vmem>> -> memref<128xi32, #tpu.memory_space<vmem>>
    %dma_start3A_1698 = arith.constant 0 : i32
    %dma_start3A_1699 = tpu.memref_slice %arg11[%dma_start3A_1698] : memref<1000000xf32, #tpu.memory_space<hbm>> -> memref<1000000xf32, #tpu.memory_space<hbm>>
    tpu.enqueue_indirect_dma source(%dma_start3A_1699 : memref<1000000xf32, #tpu.memory_space<hbm>>) target(%dma_start3A_1694 : memref<128xf32, #tpu.memory_space<vmem>>) offsets(%dma_start3A_1697 : memref<128xi32, #tpu.memory_space<vmem>>) semaphore(%arg49 : memref<!tpu.dma_semaphore, #tpu.memory_space<semaphore_mem>>)
    %dma_start3A_1700 = arith.constant 6 : i32
    %dma_start3A_1701 = arith.constant 768 : i32
    %dma_start3A_1702 = tpu.memref_slice %arg37[%dma_start3A_1701] : memref<1024xi32, #tpu.memory_space<vmem>> -> memref<128xi32, #tpu.memory_space<vmem>>
    %dma_start3A_1703 = arith.constant 0 : i32
    %dma_start3A_1704 = tpu.memref_slice %arg34[%dma_start3A_1700, %dma_start3A_1703] : memref<24x128xi32, #tpu.memory_space<vmem>> -> memref<1x128xi32, #tpu.memory_space<vmem>>
    %dma_start3A_1705 = tpu.memref_squeeze %dma_start3A_1704 : memref<1x128xi32, #tpu.memory_space<vmem>> -> memref<128xi32, #tpu.memory_space<vmem>>
    %dma_start3A_1706 = arith.constant 0 : i32
    %dma_start3A_1707 = tpu.memref_slice %arg13[%dma_start3A_1706] : memref<1000000xi32, #tpu.memory_space<hbm>> -> memref<1000000xi32, #tpu.memory_space<hbm>>
    tpu.enqueue_indirect_dma source(%dma_start3A_1707 : memref<1000000xi32, #tpu.memory_space<hbm>>) target(%dma_start3A_1702 : memref<128xi32, #tpu.memory_space<vmem>>) offsets(%dma_start3A_1705 : memref<128xi32, #tpu.memory_space<vmem>>) semaphore(%arg49 : memref<!tpu.dma_semaphore, #tpu.memory_space<semaphore_mem>>)
    %dma_start3A_1708 = arith.constant 7 : i32
    %dma_start3A_1709 = arith.constant 896 : i32
    %dma_start3A_1710 = tpu.memref_slice %arg35[%dma_start3A_1709] : memref<1024xi32, #tpu.memory_space<vmem>> -> memref<128xi32, #tpu.memory_space<vmem>>
    %dma_start3A_1711 = arith.constant 0 : i32
    %dma_start3A_1712 = tpu.memref_slice %arg34[%dma_start3A_1708, %dma_start3A_1711] : memref<24x128xi32, #tpu.memory_space<vmem>> -> memref<1x128xi32, #tpu.memory_space<vmem>>
    %dma_start3A_1713 = tpu.memref_squeeze %dma_start3A_1712 : memref<1x128xi32, #tpu.memory_space<vmem>> -> memref<128xi32, #tpu.memory_space<vmem>>
    %dma_start3A_1714 = arith.constant 0 : i32
    %dma_start3A_1715 = tpu.memref_slice %arg12[%dma_start3A_1714] : memref<1000000xi32, #tpu.memory_space<hbm>> -> memref<1000000xi32, #tpu.memory_space<hbm>>
    tpu.enqueue_indirect_dma source(%dma_start3A_1715 : memref<1000000xi32, #tpu.memory_space<hbm>>) target(%dma_start3A_1710 : memref<128xi32, #tpu.memory_space<vmem>>) offsets(%dma_start3A_1713 : memref<128xi32, #tpu.memory_space<vmem>>) semaphore(%arg49 : memref<!tpu.dma_semaphore, #tpu.memory_space<semaphore_mem>>)
    %dma_start3A_1716 = arith.constant 7 : i32
    %dma_start3A_1717 = arith.constant 896 : i32
    %dma_start3A_1718 = tpu.memref_slice %arg36[%dma_start3A_1717] : memref<1024xf32, #tpu.memory_space<vmem>> -> memref<128xf32, #tpu.memory_space<vmem>>
    %dma_start3A_1719 = arith.constant 0 : i32
    %dma_start3A_1720 = tpu.memref_slice %arg34[%dma_start3A_1716, %dma_start3A_1719] : memref<24x128xi32, #tpu.memory_space<vmem>> -> memref<1x128xi32, #tpu.memory_space<vmem>>
    %dma_start3A_1721 = tpu.memref_squeeze %dma_start3A_1720 : memref<1x128xi32, #tpu.memory_space<vmem>> -> memref<128xi32, #tpu.memory_space<vmem>>
    %dma_start3A_1722 = arith.constant 0 : i32
    %dma_start3A_1723 = tpu.memref_slice %arg11[%dma_start3A_1722] : memref<1000000xf32, #tpu.memory_space<hbm>> -> memref<1000000xf32, #tpu.memory_space<hbm>>
    tpu.enqueue_indirect_dma source(%dma_start3A_1723 : memref<1000000xf32, #tpu.memory_space<hbm>>) target(%dma_start3A_1718 : memref<128xf32, #tpu.memory_space<vmem>>) offsets(%dma_start3A_1721 : memref<128xi32, #tpu.memory_space<vmem>>) semaphore(%arg49 : memref<!tpu.dma_semaphore, #tpu.memory_space<semaphore_mem>>)
    %dma_start3A_1724 = arith.constant 7 : i32
    %dma_start3A_1725 = arith.constant 896 : i32
    %dma_start3A_1726 = tpu.memref_slice %arg37[%dma_start3A_1725] : memref<1024xi32, #tpu.memory_space<vmem>> -> memref<128xi32, #tpu.memory_space<vmem>>
    %dma_start3A_1727 = arith.constant 0 : i32
    %dma_start3A_1728 = tpu.memref_slice %arg34[%dma_start3A_1724, %dma_start3A_1727] : memref<24x128xi32, #tpu.memory_space<vmem>> -> memref<1x128xi32, #tpu.memory_space<vmem>>
    %dma_start3A_1729 = tpu.memref_squeeze %dma_start3A_1728 : memref<1x128xi32, #tpu.memory_space<vmem>> -> memref<128xi32, #tpu.memory_space<vmem>>
    %dma_start3A_1730 = arith.constant 0 : i32
    %dma_start3A_1731 = tpu.memref_slice %arg13[%dma_start3A_1730] : memref<1000000xi32, #tpu.memory_space<hbm>> -> memref<1000000xi32, #tpu.memory_space<hbm>>
    tpu.enqueue_indirect_dma source(%dma_start3A_1731 : memref<1000000xi32, #tpu.memory_space<hbm>>) target(%dma_start3A_1726 : memref<128xi32, #tpu.memory_space<vmem>>) offsets(%dma_start3A_1729 : memref<128xi32, #tpu.memory_space<vmem>>) semaphore(%arg49 : memref<!tpu.dma_semaphore, #tpu.memory_space<semaphore_mem>>)
    %dma_start3A_1732 = arith.constant 8 : i32
    %dma_start3A_1733 = arith.constant 0 : i32
    %dma_start3A_1734 = tpu.memref_slice %arg38[%dma_start3A_1733] : memref<1024xi32, #tpu.memory_space<vmem>> -> memref<128xi32, #tpu.memory_space<vmem>>
    %dma_start3A_1735 = arith.constant 0 : i32
    %dma_start3A_1736 = tpu.memref_slice %arg34[%dma_start3A_1732, %dma_start3A_1735] : memref<24x128xi32, #tpu.memory_space<vmem>> -> memref<1x128xi32, #tpu.memory_space<vmem>>
    %dma_start3A_1737 = tpu.memref_squeeze %dma_start3A_1736 : memref<1x128xi32, #tpu.memory_space<vmem>> -> memref<128xi32, #tpu.memory_space<vmem>>
    %dma_start3A_1738 = arith.constant 0 : i32
    %dma_start3A_1739 = tpu.memref_slice %arg12[%dma_start3A_1738] : memref<1000000xi32, #tpu.memory_space<hbm>> -> memref<1000000xi32, #tpu.memory_space<hbm>>
    tpu.enqueue_indirect_dma source(%dma_start3A_1739 : memref<1000000xi32, #tpu.memory_space<hbm>>) target(%dma_start3A_1734 : memref<128xi32, #tpu.memory_space<vmem>>) offsets(%dma_start3A_1737 : memref<128xi32, #tpu.memory_space<vmem>>) semaphore(%arg50 : memref<!tpu.dma_semaphore, #tpu.memory_space<semaphore_mem>>)
    %dma_start3A_1740 = arith.constant 8 : i32
    %dma_start3A_1741 = arith.constant 0 : i32
    %dma_start3A_1742 = tpu.memref_slice %arg39[%dma_start3A_1741] : memref<1024xf32, #tpu.memory_space<vmem>> -> memref<128xf32, #tpu.memory_space<vmem>>
    %dma_start3A_1743 = arith.constant 0 : i32
    %dma_start3A_1744 = tpu.memref_slice %arg34[%dma_start3A_1740, %dma_start3A_1743] : memref<24x128xi32, #tpu.memory_space<vmem>> -> memref<1x128xi32, #tpu.memory_space<vmem>>
    %dma_start3A_1745 = tpu.memref_squeeze %dma_start3A_1744 : memref<1x128xi32, #tpu.memory_space<vmem>> -> memref<128xi32, #tpu.memory_space<vmem>>
    %dma_start3A_1746 = arith.constant 0 : i32
    %dma_start3A_1747 = tpu.memref_slice %arg11[%dma_start3A_1746] : memref<1000000xf32, #tpu.memory_space<hbm>> -> memref<1000000xf32, #tpu.memory_space<hbm>>
    tpu.enqueue_indirect_dma source(%dma_start3A_1747 : memref<1000000xf32, #tpu.memory_space<hbm>>) target(%dma_start3A_1742 : memref<128xf32, #tpu.memory_space<vmem>>) offsets(%dma_start3A_1745 : memref<128xi32, #tpu.memory_space<vmem>>) semaphore(%arg50 : memref<!tpu.dma_semaphore, #tpu.memory_space<semaphore_mem>>)
    %dma_start3A_1748 = arith.constant 8 : i32
    %dma_start3A_1749 = arith.constant 0 : i32
    %dma_start3A_1750 = tpu.memref_slice %arg40[%dma_start3A_1749] : memref<1024xi32, #tpu.memory_space<vmem>> -> memref<128xi32, #tpu.memory_space<vmem>>
    %dma_start3A_1751 = arith.constant 0 : i32
    %dma_start3A_1752 = tpu.memref_slice %arg34[%dma_start3A_1748, %dma_start3A_1751] : memref<24x128xi32, #tpu.memory_space<vmem>> -> memref<1x128xi32, #tpu.memory_space<vmem>>
    %dma_start3A_1753 = tpu.memref_squeeze %dma_start3A_1752 : memref<1x128xi32, #tpu.memory_space<vmem>> -> memref<128xi32, #tpu.memory_space<vmem>>
    %dma_start3A_1754 = arith.constant 0 : i32
    %dma_start3A_1755 = tpu.memref_slice %arg13[%dma_start3A_1754] : memref<1000000xi32, #tpu.memory_space<hbm>> -> memref<1000000xi32, #tpu.memory_space<hbm>>
    tpu.enqueue_indirect_dma source(%dma_start3A_1755 : memref<1000000xi32, #tpu.memory_space<hbm>>) target(%dma_start3A_1750 : memref<128xi32, #tpu.memory_space<vmem>>) offsets(%dma_start3A_1753 : memref<128xi32, #tpu.memory_space<vmem>>) semaphore(%arg50 : memref<!tpu.dma_semaphore, #tpu.memory_space<semaphore_mem>>)
    %dma_start3A_1756 = arith.constant 9 : i32
    %dma_start3A_1757 = arith.constant 128 : i32
    %dma_start3A_1758 = tpu.memref_slice %arg38[%dma_start3A_1757] : memref<1024xi32, #tpu.memory_space<vmem>> -> memref<128xi32, #tpu.memory_space<vmem>>
    %dma_start3A_1759 = arith.constant 0 : i32
    %dma_start3A_1760 = tpu.memref_slice %arg34[%dma_start3A_1756, %dma_start3A_1759] : memref<24x128xi32, #tpu.memory_space<vmem>> -> memref<1x128xi32, #tpu.memory_space<vmem>>
    %dma_start3A_1761 = tpu.memref_squeeze %dma_start3A_1760 : memref<1x128xi32, #tpu.memory_space<vmem>> -> memref<128xi32, #tpu.memory_space<vmem>>
    %dma_start3A_1762 = arith.constant 0 : i32
    %dma_start3A_1763 = tpu.memref_slice %arg12[%dma_start3A_1762] : memref<1000000xi32, #tpu.memory_space<hbm>> -> memref<1000000xi32, #tpu.memory_space<hbm>>
    tpu.enqueue_indirect_dma source(%dma_start3A_1763 : memref<1000000xi32, #tpu.memory_space<hbm>>) target(%dma_start3A_1758 : memref<128xi32, #tpu.memory_space<vmem>>) offsets(%dma_start3A_1761 : memref<128xi32, #tpu.memory_space<vmem>>) semaphore(%arg50 : memref<!tpu.dma_semaphore, #tpu.memory_space<semaphore_mem>>)
    %dma_start3A_1764 = arith.constant 9 : i32
    %dma_start3A_1765 = arith.constant 128 : i32
    %dma_start3A_1766 = tpu.memref_slice %arg39[%dma_start3A_1765] : memref<1024xf32, #tpu.memory_space<vmem>> -> memref<128xf32, #tpu.memory_space<vmem>>
    %dma_start3A_1767 = arith.constant 0 : i32
    %dma_start3A_1768 = tpu.memref_slice %arg34[%dma_start3A_1764, %dma_start3A_1767] : memref<24x128xi32, #tpu.memory_space<vmem>> -> memref<1x128xi32, #tpu.memory_space<vmem>>
    %dma_start3A_1769 = tpu.memref_squeeze %dma_start3A_1768 : memref<1x128xi32, #tpu.memory_space<vmem>> -> memref<128xi32, #tpu.memory_space<vmem>>
    %dma_start3A_1770 = arith.constant 0 : i32
    %dma_start3A_1771 = tpu.memref_slice %arg11[%dma_start3A_1770] : memref<1000000xf32, #tpu.memory_space<hbm>> -> memref<1000000xf32, #tpu.memory_space<hbm>>
    tpu.enqueue_indirect_dma source(%dma_start3A_1771 : memref<1000000xf32, #tpu.memory_space<hbm>>) target(%dma_start3A_1766 : memref<128xf32, #tpu.memory_space<vmem>>) offsets(%dma_start3A_1769 : memref<128xi32, #tpu.memory_space<vmem>>) semaphore(%arg50 : memref<!tpu.dma_semaphore, #tpu.memory_space<semaphore_mem>>)
    %dma_start3A_1772 = arith.constant 9 : i32
    %dma_start3A_1773 = arith.constant 128 : i32
    %dma_start3A_1774 = tpu.memref_slice %arg40[%dma_start3A_1773] : memref<1024xi32, #tpu.memory_space<vmem>> -> memref<128xi32, #tpu.memory_space<vmem>>
    %dma_start3A_1775 = arith.constant 0 : i32
    %dma_start3A_1776 = tpu.memref_slice %arg34[%dma_start3A_1772, %dma_start3A_1775] : memref<24x128xi32, #tpu.memory_space<vmem>> -> memref<1x128xi32, #tpu.memory_space<vmem>>
    %dma_start3A_1777 = tpu.memref_squeeze %dma_start3A_1776 : memref<1x128xi32, #tpu.memory_space<vmem>> -> memref<128xi32, #tpu.memory_space<vmem>>
    %dma_start3A_1778 = arith.constant 0 : i32
    %dma_start3A_1779 = tpu.memref_slice %arg13[%dma_start3A_1778] : memref<1000000xi32, #tpu.memory_space<hbm>> -> memref<1000000xi32, #tpu.memory_space<hbm>>
    tpu.enqueue_indirect_dma source(%dma_start3A_1779 : memref<1000000xi32, #tpu.memory_space<hbm>>) target(%dma_start3A_1774 : memref<128xi32, #tpu.memory_space<vmem>>) offsets(%dma_start3A_1777 : memref<128xi32, #tpu.memory_space<vmem>>) semaphore(%arg50 : memref<!tpu.dma_semaphore, #tpu.memory_space<semaphore_mem>>)
    %dma_start3A_1780 = arith.constant 10 : i32
    %dma_start3A_1781 = arith.constant 256 : i32
    %dma_start3A_1782 = tpu.memref_slice %arg38[%dma_start3A_1781] : memref<1024xi32, #tpu.memory_space<vmem>> -> memref<128xi32, #tpu.memory_space<vmem>>
    %dma_start3A_1783 = arith.constant 0 : i32
    %dma_start3A_1784 = tpu.memref_slice %arg34[%dma_start3A_1780, %dma_start3A_1783] : memref<24x128xi32, #tpu.memory_space<vmem>> -> memref<1x128xi32, #tpu.memory_space<vmem>>
    %dma_start3A_1785 = tpu.memref_squeeze %dma_start3A_1784 : memref<1x128xi32, #tpu.memory_space<vmem>> -> memref<128xi32, #tpu.memory_space<vmem>>
    %dma_start3A_1786 = arith.constant 0 : i32
    %dma_start3A_1787 = tpu.memref_slice %arg12[%dma_start3A_1786] : memref<1000000xi32, #tpu.memory_space<hbm>> -> memref<1000000xi32, #tpu.memory_space<hbm>>
    tpu.enqueue_indirect_dma source(%dma_start3A_1787 : memref<1000000xi32, #tpu.memory_space<hbm>>) target(%dma_start3A_1782 : memref<128xi32, #tpu.memory_space<vmem>>) offsets(%dma_start3A_1785 : memref<128xi32, #tpu.memory_space<vmem>>) semaphore(%arg50 : memref<!tpu.dma_semaphore, #tpu.memory_space<semaphore_mem>>)
    %dma_start3A_1788 = arith.constant 10 : i32
    %dma_start3A_1789 = arith.constant 256 : i32
    %dma_start3A_1790 = tpu.memref_slice %arg39[%dma_start3A_1789] : memref<1024xf32, #tpu.memory_space<vmem>> -> memref<128xf32, #tpu.memory_space<vmem>>
    %dma_start3A_1791 = arith.constant 0 : i32
    %dma_start3A_1792 = tpu.memref_slice %arg34[%dma_start3A_1788, %dma_start3A_1791] : memref<24x128xi32, #tpu.memory_space<vmem>> -> memref<1x128xi32, #tpu.memory_space<vmem>>
    %dma_start3A_1793 = tpu.memref_squeeze %dma_start3A_1792 : memref<1x128xi32, #tpu.memory_space<vmem>> -> memref<128xi32, #tpu.memory_space<vmem>>
    %dma_start3A_1794 = arith.constant 0 : i32
    %dma_start3A_1795 = tpu.memref_slice %arg11[%dma_start3A_1794] : memref<1000000xf32, #tpu.memory_space<hbm>> -> memref<1000000xf32, #tpu.memory_space<hbm>>
    tpu.enqueue_indirect_dma source(%dma_start3A_1795 : memref<1000000xf32, #tpu.memory_space<hbm>>) target(%dma_start3A_1790 : memref<128xf32, #tpu.memory_space<vmem>>) offsets(%dma_start3A_1793 : memref<128xi32, #tpu.memory_space<vmem>>) semaphore(%arg50 : memref<!tpu.dma_semaphore, #tpu.memory_space<semaphore_mem>>)
    %dma_start3A_1796 = arith.constant 10 : i32
    %dma_start3A_1797 = arith.constant 256 : i32
    %dma_start3A_1798 = tpu.memref_slice %arg40[%dma_start3A_1797] : memref<1024xi32, #tpu.memory_space<vmem>> -> memref<128xi32, #tpu.memory_space<vmem>>
    %dma_start3A_1799 = arith.constant 0 : i32
    %dma_start3A_1800 = tpu.memref_slice %arg34[%dma_start3A_1796, %dma_start3A_1799] : memref<24x128xi32, #tpu.memory_space<vmem>> -> memref<1x128xi32, #tpu.memory_space<vmem>>
    %dma_start3A_1801 = tpu.memref_squeeze %dma_start3A_1800 : memref<1x128xi32, #tpu.memory_space<vmem>> -> memref<128xi32, #tpu.memory_space<vmem>>
    %dma_start3A_1802 = arith.constant 0 : i32
    %dma_start3A_1803 = tpu.memref_slice %arg13[%dma_start3A_1802] : memref<1000000xi32, #tpu.memory_space<hbm>> -> memref<1000000xi32, #tpu.memory_space<hbm>>
    tpu.enqueue_indirect_dma source(%dma_start3A_1803 : memref<1000000xi32, #tpu.memory_space<hbm>>) target(%dma_start3A_1798 : memref<128xi32, #tpu.memory_space<vmem>>) offsets(%dma_start3A_1801 : memref<128xi32, #tpu.memory_space<vmem>>) semaphore(%arg50 : memref<!tpu.dma_semaphore, #tpu.memory_space<semaphore_mem>>)
    %dma_start3A_1804 = arith.constant 11 : i32
    %dma_start3A_1805 = arith.constant 384 : i32
    %dma_start3A_1806 = tpu.memref_slice %arg38[%dma_start3A_1805] : memref<1024xi32, #tpu.memory_space<vmem>> -> memref<128xi32, #tpu.memory_space<vmem>>
    %dma_start3A_1807 = arith.constant 0 : i32
    %dma_start3A_1808 = tpu.memref_slice %arg34[%dma_start3A_1804, %dma_start3A_1807] : memref<24x128xi32, #tpu.memory_space<vmem>> -> memref<1x128xi32, #tpu.memory_space<vmem>>
    %dma_start3A_1809 = tpu.memref_squeeze %dma_start3A_1808 : memref<1x128xi32, #tpu.memory_space<vmem>> -> memref<128xi32, #tpu.memory_space<vmem>>
    %dma_start3A_1810 = arith.constant 0 : i32
    %dma_start3A_1811 = tpu.memref_slice %arg12[%dma_start3A_1810] : memref<1000000xi32, #tpu.memory_space<hbm>> -> memref<1000000xi32, #tpu.memory_space<hbm>>
    tpu.enqueue_indirect_dma source(%dma_start3A_1811 : memref<1000000xi32, #tpu.memory_space<hbm>>) target(%dma_start3A_1806 : memref<128xi32, #tpu.memory_space<vmem>>) offsets(%dma_start3A_1809 : memref<128xi32, #tpu.memory_space<vmem>>) semaphore(%arg50 : memref<!tpu.dma_semaphore, #tpu.memory_space<semaphore_mem>>)
    %dma_start3A_1812 = arith.constant 11 : i32
    %dma_start3A_1813 = arith.constant 384 : i32
    %dma_start3A_1814 = tpu.memref_slice %arg39[%dma_start3A_1813] : memref<1024xf32, #tpu.memory_space<vmem>> -> memref<128xf32, #tpu.memory_space<vmem>>
    %dma_start3A_1815 = arith.constant 0 : i32
    %dma_start3A_1816 = tpu.memref_slice %arg34[%dma_start3A_1812, %dma_start3A_1815] : memref<24x128xi32, #tpu.memory_space<vmem>> -> memref<1x128xi32, #tpu.memory_space<vmem>>
    %dma_start3A_1817 = tpu.memref_squeeze %dma_start3A_1816 : memref<1x128xi32, #tpu.memory_space<vmem>> -> memref<128xi32, #tpu.memory_space<vmem>>
    %dma_start3A_1818 = arith.constant 0 : i32
    %dma_start3A_1819 = tpu.memref_slice %arg11[%dma_start3A_1818] : memref<1000000xf32, #tpu.memory_space<hbm>> -> memref<1000000xf32, #tpu.memory_space<hbm>>
    tpu.enqueue_indirect_dma source(%dma_start3A_1819 : memref<1000000xf32, #tpu.memory_space<hbm>>) target(%dma_start3A_1814 : memref<128xf32, #tpu.memory_space<vmem>>) offsets(%dma_start3A_1817 : memref<128xi32, #tpu.memory_space<vmem>>) semaphore(%arg50 : memref<!tpu.dma_semaphore, #tpu.memory_space<semaphore_mem>>)
    %dma_start3A_1820 = arith.constant 11 : i32
    %dma_start3A_1821 = arith.constant 384 : i32
    %dma_start3A_1822 = tpu.memref_slice %arg40[%dma_start3A_1821] : memref<1024xi32, #tpu.memory_space<vmem>> -> memref<128xi32, #tpu.memory_space<vmem>>
    %dma_start3A_1823 = arith.constant 0 : i32
    %dma_start3A_1824 = tpu.memref_slice %arg34[%dma_start3A_1820, %dma_start3A_1823] : memref<24x128xi32, #tpu.memory_space<vmem>> -> memref<1x128xi32, #tpu.memory_space<vmem>>
    %dma_start3A_1825 = tpu.memref_squeeze %dma_start3A_1824 : memref<1x128xi32, #tpu.memory_space<vmem>> -> memref<128xi32, #tpu.memory_space<vmem>>
    %dma_start3A_1826 = arith.constant 0 : i32
    %dma_start3A_1827 = tpu.memref_slice %arg13[%dma_start3A_1826] : memref<1000000xi32, #tpu.memory_space<hbm>> -> memref<1000000xi32, #tpu.memory_space<hbm>>
    tpu.enqueue_indirect_dma source(%dma_start3A_1827 : memref<1000000xi32, #tpu.memory_space<hbm>>) target(%dma_start3A_1822 : memref<128xi32, #tpu.memory_space<vmem>>) offsets(%dma_start3A_1825 : memref<128xi32, #tpu.memory_space<vmem>>) semaphore(%arg50 : memref<!tpu.dma_semaphore, #tpu.memory_space<semaphore_mem>>)
    %dma_start3A_1828 = arith.constant 12 : i32
    %dma_start3A_1829 = arith.constant 512 : i32
    %dma_start3A_1830 = tpu.memref_slice %arg38[%dma_start3A_1829] : memref<1024xi32, #tpu.memory_space<vmem>> -> memref<128xi32, #tpu.memory_space<vmem>>
    %dma_start3A_1831 = arith.constant 0 : i32
    %dma_start3A_1832 = tpu.memref_slice %arg34[%dma_start3A_1828, %dma_start3A_1831] : memref<24x128xi32, #tpu.memory_space<vmem>> -> memref<1x128xi32, #tpu.memory_space<vmem>>
    %dma_start3A_1833 = tpu.memref_squeeze %dma_start3A_1832 : memref<1x128xi32, #tpu.memory_space<vmem>> -> memref<128xi32, #tpu.memory_space<vmem>>
    %dma_start3A_1834 = arith.constant 0 : i32
    %dma_start3A_1835 = tpu.memref_slice %arg12[%dma_start3A_1834] : memref<1000000xi32, #tpu.memory_space<hbm>> -> memref<1000000xi32, #tpu.memory_space<hbm>>
    tpu.enqueue_indirect_dma source(%dma_start3A_1835 : memref<1000000xi32, #tpu.memory_space<hbm>>) target(%dma_start3A_1830 : memref<128xi32, #tpu.memory_space<vmem>>) offsets(%dma_start3A_1833 : memref<128xi32, #tpu.memory_space<vmem>>) semaphore(%arg50 : memref<!tpu.dma_semaphore, #tpu.memory_space<semaphore_mem>>)
    %dma_start3A_1836 = arith.constant 12 : i32
    %dma_start3A_1837 = arith.constant 512 : i32
    %dma_start3A_1838 = tpu.memref_slice %arg39[%dma_start3A_1837] : memref<1024xf32, #tpu.memory_space<vmem>> -> memref<128xf32, #tpu.memory_space<vmem>>
    %dma_start3A_1839 = arith.constant 0 : i32
    %dma_start3A_1840 = tpu.memref_slice %arg34[%dma_start3A_1836, %dma_start3A_1839] : memref<24x128xi32, #tpu.memory_space<vmem>> -> memref<1x128xi32, #tpu.memory_space<vmem>>
    %dma_start3A_1841 = tpu.memref_squeeze %dma_start3A_1840 : memref<1x128xi32, #tpu.memory_space<vmem>> -> memref<128xi32, #tpu.memory_space<vmem>>
    %dma_start3A_1842 = arith.constant 0 : i32
    %dma_start3A_1843 = tpu.memref_slice %arg11[%dma_start3A_1842] : memref<1000000xf32, #tpu.memory_space<hbm>> -> memref<1000000xf32, #tpu.memory_space<hbm>>
    tpu.enqueue_indirect_dma source(%dma_start3A_1843 : memref<1000000xf32, #tpu.memory_space<hbm>>) target(%dma_start3A_1838 : memref<128xf32, #tpu.memory_space<vmem>>) offsets(%dma_start3A_1841 : memref<128xi32, #tpu.memory_space<vmem>>) semaphore(%arg50 : memref<!tpu.dma_semaphore, #tpu.memory_space<semaphore_mem>>)
    %dma_start3A_1844 = arith.constant 12 : i32
    %dma_start3A_1845 = arith.constant 512 : i32
    %dma_start3A_1846 = tpu.memref_slice %arg40[%dma_start3A_1845] : memref<1024xi32, #tpu.memory_space<vmem>> -> memref<128xi32, #tpu.memory_space<vmem>>
    %dma_start3A_1847 = arith.constant 0 : i32
    %dma_start3A_1848 = tpu.memref_slice %arg34[%dma_start3A_1844, %dma_start3A_1847] : memref<24x128xi32, #tpu.memory_space<vmem>> -> memref<1x128xi32, #tpu.memory_space<vmem>>
    %dma_start3A_1849 = tpu.memref_squeeze %dma_start3A_1848 : memref<1x128xi32, #tpu.memory_space<vmem>> -> memref<128xi32, #tpu.memory_space<vmem>>
    %dma_start3A_1850 = arith.constant 0 : i32
    %dma_start3A_1851 = tpu.memref_slice %arg13[%dma_start3A_1850] : memref<1000000xi32, #tpu.memory_space<hbm>> -> memref<1000000xi32, #tpu.memory_space<hbm>>
    tpu.enqueue_indirect_dma source(%dma_start3A_1851 : memref<1000000xi32, #tpu.memory_space<hbm>>) target(%dma_start3A_1846 : memref<128xi32, #tpu.memory_space<vmem>>) offsets(%dma_start3A_1849 : memref<128xi32, #tpu.memory_space<vmem>>) semaphore(%arg50 : memref<!tpu.dma_semaphore, #tpu.memory_space<semaphore_mem>>)
    %dma_start3A_1852 = arith.constant 13 : i32
    %dma_start3A_1853 = arith.constant 640 : i32
    %dma_start3A_1854 = tpu.memref_slice %arg38[%dma_start3A_1853] : memref<1024xi32, #tpu.memory_space<vmem>> -> memref<128xi32, #tpu.memory_space<vmem>>
    %dma_start3A_1855 = arith.constant 0 : i32
    %dma_start3A_1856 = tpu.memref_slice %arg34[%dma_start3A_1852, %dma_start3A_1855] : memref<24x128xi32, #tpu.memory_space<vmem>> -> memref<1x128xi32, #tpu.memory_space<vmem>>
    %dma_start3A_1857 = tpu.memref_squeeze %dma_start3A_1856 : memref<1x128xi32, #tpu.memory_space<vmem>> -> memref<128xi32, #tpu.memory_space<vmem>>
    %dma_start3A_1858 = arith.constant 0 : i32
    %dma_start3A_1859 = tpu.memref_slice %arg12[%dma_start3A_1858] : memref<1000000xi32, #tpu.memory_space<hbm>> -> memref<1000000xi32, #tpu.memory_space<hbm>>
    tpu.enqueue_indirect_dma source(%dma_start3A_1859 : memref<1000000xi32, #tpu.memory_space<hbm>>) target(%dma_start3A_1854 : memref<128xi32, #tpu.memory_space<vmem>>) offsets(%dma_start3A_1857 : memref<128xi32, #tpu.memory_space<vmem>>) semaphore(%arg50 : memref<!tpu.dma_semaphore, #tpu.memory_space<semaphore_mem>>)
    %dma_start3A_1860 = arith.constant 13 : i32
    %dma_start3A_1861 = arith.constant 640 : i32
    %dma_start3A_1862 = tpu.memref_slice %arg39[%dma_start3A_1861] : memref<1024xf32, #tpu.memory_space<vmem>> -> memref<128xf32, #tpu.memory_space<vmem>>
    %dma_start3A_1863 = arith.constant 0 : i32
    %dma_start3A_1864 = tpu.memref_slice %arg34[%dma_start3A_1860, %dma_start3A_1863] : memref<24x128xi32, #tpu.memory_space<vmem>> -> memref<1x128xi32, #tpu.memory_space<vmem>>
    %dma_start3A_1865 = tpu.memref_squeeze %dma_start3A_1864 : memref<1x128xi32, #tpu.memory_space<vmem>> -> memref<128xi32, #tpu.memory_space<vmem>>
    %dma_start3A_1866 = arith.constant 0 : i32
    %dma_start3A_1867 = tpu.memref_slice %arg11[%dma_start3A_1866] : memref<1000000xf32, #tpu.memory_space<hbm>> -> memref<1000000xf32, #tpu.memory_space<hbm>>
    tpu.enqueue_indirect_dma source(%dma_start3A_1867 : memref<1000000xf32, #tpu.memory_space<hbm>>) target(%dma_start3A_1862 : memref<128xf32, #tpu.memory_space<vmem>>) offsets(%dma_start3A_1865 : memref<128xi32, #tpu.memory_space<vmem>>) semaphore(%arg50 : memref<!tpu.dma_semaphore, #tpu.memory_space<semaphore_mem>>)
    %dma_start3A_1868 = arith.constant 13 : i32
    %dma_start3A_1869 = arith.constant 640 : i32
    %dma_start3A_1870 = tpu.memref_slice %arg40[%dma_start3A_1869] : memref<1024xi32, #tpu.memory_space<vmem>> -> memref<128xi32, #tpu.memory_space<vmem>>
    %dma_start3A_1871 = arith.constant 0 : i32
    %dma_start3A_1872 = tpu.memref_slice %arg34[%dma_start3A_1868, %dma_start3A_1871] : memref<24x128xi32, #tpu.memory_space<vmem>> -> memref<1x128xi32, #tpu.memory_space<vmem>>
    %dma_start3A_1873 = tpu.memref_squeeze %dma_start3A_1872 : memref<1x128xi32, #tpu.memory_space<vmem>> -> memref<128xi32, #tpu.memory_space<vmem>>
    %dma_start3A_1874 = arith.constant 0 : i32
    %dma_start3A_1875 = tpu.memref_slice %arg13[%dma_start3A_1874] : memref<1000000xi32, #tpu.memory_space<hbm>> -> memref<1000000xi32, #tpu.memory_space<hbm>>
    tpu.enqueue_indirect_dma source(%dma_start3A_1875 : memref<1000000xi32, #tpu.memory_space<hbm>>) target(%dma_start3A_1870 : memref<128xi32, #tpu.memory_space<vmem>>) offsets(%dma_start3A_1873 : memref<128xi32, #tpu.memory_space<vmem>>) semaphore(%arg50 : memref<!tpu.dma_semaphore, #tpu.memory_space<semaphore_mem>>)
    %dma_start3A_1876 = arith.constant 14 : i32
    %dma_start3A_1877 = arith.constant 768 : i32
    %dma_start3A_1878 = tpu.memref_slice %arg38[%dma_start3A_1877] : memref<1024xi32, #tpu.memory_space<vmem>> -> memref<128xi32, #tpu.memory_space<vmem>>
    %dma_start3A_1879 = arith.constant 0 : i32
    %dma_start3A_1880 = tpu.memref_slice %arg34[%dma_start3A_1876, %dma_start3A_1879] : memref<24x128xi32, #tpu.memory_space<vmem>> -> memref<1x128xi32, #tpu.memory_space<vmem>>
    %dma_start3A_1881 = tpu.memref_squeeze %dma_start3A_1880 : memref<1x128xi32, #tpu.memory_space<vmem>> -> memref<128xi32, #tpu.memory_space<vmem>>
    %dma_start3A_1882 = arith.constant 0 : i32
    %dma_start3A_1883 = tpu.memref_slice %arg12[%dma_start3A_1882] : memref<1000000xi32, #tpu.memory_space<hbm>> -> memref<1000000xi32, #tpu.memory_space<hbm>>
    tpu.enqueue_indirect_dma source(%dma_start3A_1883 : memref<1000000xi32, #tpu.memory_space<hbm>>) target(%dma_start3A_1878 : memref<128xi32, #tpu.memory_space<vmem>>) offsets(%dma_start3A_1881 : memref<128xi32, #tpu.memory_space<vmem>>) semaphore(%arg50 : memref<!tpu.dma_semaphore, #tpu.memory_space<semaphore_mem>>)
    %dma_start3A_1884 = arith.constant 14 : i32
    %dma_start3A_1885 = arith.constant 768 : i32
    %dma_start3A_1886 = tpu.memref_slice %arg39[%dma_start3A_1885] : memref<1024xf32, #tpu.memory_space<vmem>> -> memref<128xf32, #tpu.memory_space<vmem>>
    %dma_start3A_1887 = arith.constant 0 : i32
    %dma_start3A_1888 = tpu.memref_slice %arg34[%dma_start3A_1884, %dma_start3A_1887] : memref<24x128xi32, #tpu.memory_space<vmem>> -> memref<1x128xi32, #tpu.memory_space<vmem>>
    %dma_start3A_1889 = tpu.memref_squeeze %dma_start3A_1888 : memref<1x128xi32, #tpu.memory_space<vmem>> -> memref<128xi32, #tpu.memory_space<vmem>>
    %dma_start3A_1890 = arith.constant 0 : i32
    %dma_start3A_1891 = tpu.memref_slice %arg11[%dma_start3A_1890] : memref<1000000xf32, #tpu.memory_space<hbm>> -> memref<1000000xf32, #tpu.memory_space<hbm>>
    tpu.enqueue_indirect_dma source(%dma_start3A_1891 : memref<1000000xf32, #tpu.memory_space<hbm>>) target(%dma_start3A_1886 : memref<128xf32, #tpu.memory_space<vmem>>) offsets(%dma_start3A_1889 : memref<128xi32, #tpu.memory_space<vmem>>) semaphore(%arg50 : memref<!tpu.dma_semaphore, #tpu.memory_space<semaphore_mem>>)
    %dma_start3A_1892 = arith.constant 14 : i32
    %dma_start3A_1893 = arith.constant 768 : i32
    %dma_start3A_1894 = tpu.memref_slice %arg40[%dma_start3A_1893] : memref<1024xi32, #tpu.memory_space<vmem>> -> memref<128xi32, #tpu.memory_space<vmem>>
    %dma_start3A_1895 = arith.constant 0 : i32
    %dma_start3A_1896 = tpu.memref_slice %arg34[%dma_start3A_1892, %dma_start3A_1895] : memref<24x128xi32, #tpu.memory_space<vmem>> -> memref<1x128xi32, #tpu.memory_space<vmem>>
    %dma_start3A_1897 = tpu.memref_squeeze %dma_start3A_1896 : memref<1x128xi32, #tpu.memory_space<vmem>> -> memref<128xi32, #tpu.memory_space<vmem>>
    %dma_start3A_1898 = arith.constant 0 : i32
    %dma_start3A_1899 = tpu.memref_slice %arg13[%dma_start3A_1898] : memref<1000000xi32, #tpu.memory_space<hbm>> -> memref<1000000xi32, #tpu.memory_space<hbm>>
    tpu.enqueue_indirect_dma source(%dma_start3A_1899 : memref<1000000xi32, #tpu.memory_space<hbm>>) target(%dma_start3A_1894 : memref<128xi32, #tpu.memory_space<vmem>>) offsets(%dma_start3A_1897 : memref<128xi32, #tpu.memory_space<vmem>>) semaphore(%arg50 : memref<!tpu.dma_semaphore, #tpu.memory_space<semaphore_mem>>)
    %dma_start3A_1900 = arith.constant 15 : i32
    %dma_start3A_1901 = arith.constant 896 : i32
    %dma_start3A_1902 = tpu.memref_slice %arg38[%dma_start3A_1901] : memref<1024xi32, #tpu.memory_space<vmem>> -> memref<128xi32, #tpu.memory_space<vmem>>
    %dma_start3A_1903 = arith.constant 0 : i32
    %dma_start3A_1904 = tpu.memref_slice %arg34[%dma_start3A_1900, %dma_start3A_1903] : memref<24x128xi32, #tpu.memory_space<vmem>> -> memref<1x128xi32, #tpu.memory_space<vmem>>
    %dma_start3A_1905 = tpu.memref_squeeze %dma_start3A_1904 : memref<1x128xi32, #tpu.memory_space<vmem>> -> memref<128xi32, #tpu.memory_space<vmem>>
    %dma_start3A_1906 = arith.constant 0 : i32
    %dma_start3A_1907 = tpu.memref_slice %arg12[%dma_start3A_1906] : memref<1000000xi32, #tpu.memory_space<hbm>> -> memref<1000000xi32, #tpu.memory_space<hbm>>
    tpu.enqueue_indirect_dma source(%dma_start3A_1907 : memref<1000000xi32, #tpu.memory_space<hbm>>) target(%dma_start3A_1902 : memref<128xi32, #tpu.memory_space<vmem>>) offsets(%dma_start3A_1905 : memref<128xi32, #tpu.memory_space<vmem>>) semaphore(%arg50 : memref<!tpu.dma_semaphore, #tpu.memory_space<semaphore_mem>>)
    %dma_start3A_1908 = arith.constant 15 : i32
    %dma_start3A_1909 = arith.constant 896 : i32
    %dma_start3A_1910 = tpu.memref_slice %arg39[%dma_start3A_1909] : memref<1024xf32, #tpu.memory_space<vmem>> -> memref<128xf32, #tpu.memory_space<vmem>>
    %dma_start3A_1911 = arith.constant 0 : i32
    %dma_start3A_1912 = tpu.memref_slice %arg34[%dma_start3A_1908, %dma_start3A_1911] : memref<24x128xi32, #tpu.memory_space<vmem>> -> memref<1x128xi32, #tpu.memory_space<vmem>>
    %dma_start3A_1913 = tpu.memref_squeeze %dma_start3A_1912 : memref<1x128xi32, #tpu.memory_space<vmem>> -> memref<128xi32, #tpu.memory_space<vmem>>
    %dma_start3A_1914 = arith.constant 0 : i32
    %dma_start3A_1915 = tpu.memref_slice %arg11[%dma_start3A_1914] : memref<1000000xf32, #tpu.memory_space<hbm>> -> memref<1000000xf32, #tpu.memory_space<hbm>>
    tpu.enqueue_indirect_dma source(%dma_start3A_1915 : memref<1000000xf32, #tpu.memory_space<hbm>>) target(%dma_start3A_1910 : memref<128xf32, #tpu.memory_space<vmem>>) offsets(%dma_start3A_1913 : memref<128xi32, #tpu.memory_space<vmem>>) semaphore(%arg50 : memref<!tpu.dma_semaphore, #tpu.memory_space<semaphore_mem>>)
    %dma_start3A_1916 = arith.constant 15 : i32
    %dma_start3A_1917 = arith.constant 896 : i32
    %dma_start3A_1918 = tpu.memref_slice %arg40[%dma_start3A_1917] : memref<1024xi32, #tpu.memory_space<vmem>> -> memref<128xi32, #tpu.memory_space<vmem>>
    %dma_start3A_1919 = arith.constant 0 : i32
    %dma_start3A_1920 = tpu.memref_slice %arg34[%dma_start3A_1916, %dma_start3A_1919] : memref<24x128xi32, #tpu.memory_space<vmem>> -> memref<1x128xi32, #tpu.memory_space<vmem>>
    %dma_start3A_1921 = tpu.memref_squeeze %dma_start3A_1920 : memref<1x128xi32, #tpu.memory_space<vmem>> -> memref<128xi32, #tpu.memory_space<vmem>>
    %dma_start3A_1922 = arith.constant 0 : i32
    %dma_start3A_1923 = tpu.memref_slice %arg13[%dma_start3A_1922] : memref<1000000xi32, #tpu.memory_space<hbm>> -> memref<1000000xi32, #tpu.memory_space<hbm>>
    tpu.enqueue_indirect_dma source(%dma_start3A_1923 : memref<1000000xi32, #tpu.memory_space<hbm>>) target(%dma_start3A_1918 : memref<128xi32, #tpu.memory_space<vmem>>) offsets(%dma_start3A_1921 : memref<128xi32, #tpu.memory_space<vmem>>) semaphore(%arg50 : memref<!tpu.dma_semaphore, #tpu.memory_space<semaphore_mem>>)
    %dma_start3A_1924 = arith.constant 16 : i32
    %dma_start3A_1925 = arith.constant 0 : i32
    %dma_start3A_1926 = tpu.memref_slice %arg41[%dma_start3A_1925] : memref<1024xi32, #tpu.memory_space<vmem>> -> memref<128xi32, #tpu.memory_space<vmem>>
    %dma_start3A_1927 = arith.constant 0 : i32
    %dma_start3A_1928 = tpu.memref_slice %arg34[%dma_start3A_1924, %dma_start3A_1927] : memref<24x128xi32, #tpu.memory_space<vmem>> -> memref<1x128xi32, #tpu.memory_space<vmem>>
    %dma_start3A_1929 = tpu.memref_squeeze %dma_start3A_1928 : memref<1x128xi32, #tpu.memory_space<vmem>> -> memref<128xi32, #tpu.memory_space<vmem>>
    %dma_start3A_1930 = arith.constant 0 : i32
    %dma_start3A_1931 = tpu.memref_slice %arg12[%dma_start3A_1930] : memref<1000000xi32, #tpu.memory_space<hbm>> -> memref<1000000xi32, #tpu.memory_space<hbm>>
    tpu.enqueue_indirect_dma source(%dma_start3A_1931 : memref<1000000xi32, #tpu.memory_space<hbm>>) target(%dma_start3A_1926 : memref<128xi32, #tpu.memory_space<vmem>>) offsets(%dma_start3A_1929 : memref<128xi32, #tpu.memory_space<vmem>>) semaphore(%arg51 : memref<!tpu.dma_semaphore, #tpu.memory_space<semaphore_mem>>)
    %dma_start3A_1932 = arith.constant 16 : i32
    %dma_start3A_1933 = arith.constant 0 : i32
    %dma_start3A_1934 = tpu.memref_slice %arg42[%dma_start3A_1933] : memref<1024xf32, #tpu.memory_space<vmem>> -> memref<128xf32, #tpu.memory_space<vmem>>
    %dma_start3A_1935 = arith.constant 0 : i32
    %dma_start3A_1936 = tpu.memref_slice %arg34[%dma_start3A_1932, %dma_start3A_1935] : memref<24x128xi32, #tpu.memory_space<vmem>> -> memref<1x128xi32, #tpu.memory_space<vmem>>
    %dma_start3A_1937 = tpu.memref_squeeze %dma_start3A_1936 : memref<1x128xi32, #tpu.memory_space<vmem>> -> memref<128xi32, #tpu.memory_space<vmem>>
    %dma_start3A_1938 = arith.constant 0 : i32
    %dma_start3A_1939 = tpu.memref_slice %arg11[%dma_start3A_1938] : memref<1000000xf32, #tpu.memory_space<hbm>> -> memref<1000000xf32, #tpu.memory_space<hbm>>
    tpu.enqueue_indirect_dma source(%dma_start3A_1939 : memref<1000000xf32, #tpu.memory_space<hbm>>) target(%dma_start3A_1934 : memref<128xf32, #tpu.memory_space<vmem>>) offsets(%dma_start3A_1937 : memref<128xi32, #tpu.memory_space<vmem>>) semaphore(%arg51 : memref<!tpu.dma_semaphore, #tpu.memory_space<semaphore_mem>>)
    %dma_start3A_1940 = arith.constant 16 : i32
    %dma_start3A_1941 = arith.constant 0 : i32
    %dma_start3A_1942 = tpu.memref_slice %arg43[%dma_start3A_1941] : memref<1024xi32, #tpu.memory_space<vmem>> -> memref<128xi32, #tpu.memory_space<vmem>>
    %dma_start3A_1943 = arith.constant 0 : i32
    %dma_start3A_1944 = tpu.memref_slice %arg34[%dma_start3A_1940, %dma_start3A_1943] : memref<24x128xi32, #tpu.memory_space<vmem>> -> memref<1x128xi32, #tpu.memory_space<vmem>>
    %dma_start3A_1945 = tpu.memref_squeeze %dma_start3A_1944 : memref<1x128xi32, #tpu.memory_space<vmem>> -> memref<128xi32, #tpu.memory_space<vmem>>
    %dma_start3A_1946 = arith.constant 0 : i32
    %dma_start3A_1947 = tpu.memref_slice %arg13[%dma_start3A_1946] : memref<1000000xi32, #tpu.memory_space<hbm>> -> memref<1000000xi32, #tpu.memory_space<hbm>>
    tpu.enqueue_indirect_dma source(%dma_start3A_1947 : memref<1000000xi32, #tpu.memory_space<hbm>>) target(%dma_start3A_1942 : memref<128xi32, #tpu.memory_space<vmem>>) offsets(%dma_start3A_1945 : memref<128xi32, #tpu.memory_space<vmem>>) semaphore(%arg51 : memref<!tpu.dma_semaphore, #tpu.memory_space<semaphore_mem>>)
    %dma_start3A_1948 = arith.constant 17 : i32
    %dma_start3A_1949 = arith.constant 128 : i32
    %dma_start3A_1950 = tpu.memref_slice %arg41[%dma_start3A_1949] : memref<1024xi32, #tpu.memory_space<vmem>> -> memref<128xi32, #tpu.memory_space<vmem>>
    %dma_start3A_1951 = arith.constant 0 : i32
    %dma_start3A_1952 = tpu.memref_slice %arg34[%dma_start3A_1948, %dma_start3A_1951] : memref<24x128xi32, #tpu.memory_space<vmem>> -> memref<1x128xi32, #tpu.memory_space<vmem>>
    %dma_start3A_1953 = tpu.memref_squeeze %dma_start3A_1952 : memref<1x128xi32, #tpu.memory_space<vmem>> -> memref<128xi32, #tpu.memory_space<vmem>>
    %dma_start3A_1954 = arith.constant 0 : i32
    %dma_start3A_1955 = tpu.memref_slice %arg12[%dma_start3A_1954] : memref<1000000xi32, #tpu.memory_space<hbm>> -> memref<1000000xi32, #tpu.memory_space<hbm>>
    tpu.enqueue_indirect_dma source(%dma_start3A_1955 : memref<1000000xi32, #tpu.memory_space<hbm>>) target(%dma_start3A_1950 : memref<128xi32, #tpu.memory_space<vmem>>) offsets(%dma_start3A_1953 : memref<128xi32, #tpu.memory_space<vmem>>) semaphore(%arg51 : memref<!tpu.dma_semaphore, #tpu.memory_space<semaphore_mem>>)
    %dma_start3A_1956 = arith.constant 17 : i32
    %dma_start3A_1957 = arith.constant 128 : i32
    %dma_start3A_1958 = tpu.memref_slice %arg42[%dma_start3A_1957] : memref<1024xf32, #tpu.memory_space<vmem>> -> memref<128xf32, #tpu.memory_space<vmem>>
    %dma_start3A_1959 = arith.constant 0 : i32
    %dma_start3A_1960 = tpu.memref_slice %arg34[%dma_start3A_1956, %dma_start3A_1959] : memref<24x128xi32, #tpu.memory_space<vmem>> -> memref<1x128xi32, #tpu.memory_space<vmem>>
    %dma_start3A_1961 = tpu.memref_squeeze %dma_start3A_1960 : memref<1x128xi32, #tpu.memory_space<vmem>> -> memref<128xi32, #tpu.memory_space<vmem>>
    %dma_start3A_1962 = arith.constant 0 : i32
    %dma_start3A_1963 = tpu.memref_slice %arg11[%dma_start3A_1962] : memref<1000000xf32, #tpu.memory_space<hbm>> -> memref<1000000xf32, #tpu.memory_space<hbm>>
    tpu.enqueue_indirect_dma source(%dma_start3A_1963 : memref<1000000xf32, #tpu.memory_space<hbm>>) target(%dma_start3A_1958 : memref<128xf32, #tpu.memory_space<vmem>>) offsets(%dma_start3A_1961 : memref<128xi32, #tpu.memory_space<vmem>>) semaphore(%arg51 : memref<!tpu.dma_semaphore, #tpu.memory_space<semaphore_mem>>)
    %dma_start3A_1964 = arith.constant 17 : i32
    %dma_start3A_1965 = arith.constant 128 : i32
    %dma_start3A_1966 = tpu.memref_slice %arg43[%dma_start3A_1965] : memref<1024xi32, #tpu.memory_space<vmem>> -> memref<128xi32, #tpu.memory_space<vmem>>
    %dma_start3A_1967 = arith.constant 0 : i32
    %dma_start3A_1968 = tpu.memref_slice %arg34[%dma_start3A_1964, %dma_start3A_1967] : memref<24x128xi32, #tpu.memory_space<vmem>> -> memref<1x128xi32, #tpu.memory_space<vmem>>
    %dma_start3A_1969 = tpu.memref_squeeze %dma_start3A_1968 : memref<1x128xi32, #tpu.memory_space<vmem>> -> memref<128xi32, #tpu.memory_space<vmem>>
    %dma_start3A_1970 = arith.constant 0 : i32
    %dma_start3A_1971 = tpu.memref_slice %arg13[%dma_start3A_1970] : memref<1000000xi32, #tpu.memory_space<hbm>> -> memref<1000000xi32, #tpu.memory_space<hbm>>
    tpu.enqueue_indirect_dma source(%dma_start3A_1971 : memref<1000000xi32, #tpu.memory_space<hbm>>) target(%dma_start3A_1966 : memref<128xi32, #tpu.memory_space<vmem>>) offsets(%dma_start3A_1969 : memref<128xi32, #tpu.memory_space<vmem>>) semaphore(%arg51 : memref<!tpu.dma_semaphore, #tpu.memory_space<semaphore_mem>>)
    %dma_start3A_1972 = arith.constant 18 : i32
    %dma_start3A_1973 = arith.constant 256 : i32
    %dma_start3A_1974 = tpu.memref_slice %arg41[%dma_start3A_1973] : memref<1024xi32, #tpu.memory_space<vmem>> -> memref<128xi32, #tpu.memory_space<vmem>>
    %dma_start3A_1975 = arith.constant 0 : i32
    %dma_start3A_1976 = tpu.memref_slice %arg34[%dma_start3A_1972, %dma_start3A_1975] : memref<24x128xi32, #tpu.memory_space<vmem>> -> memref<1x128xi32, #tpu.memory_space<vmem>>
    %dma_start3A_1977 = tpu.memref_squeeze %dma_start3A_1976 : memref<1x128xi32, #tpu.memory_space<vmem>> -> memref<128xi32, #tpu.memory_space<vmem>>
    %dma_start3A_1978 = arith.constant 0 : i32
    %dma_start3A_1979 = tpu.memref_slice %arg12[%dma_start3A_1978] : memref<1000000xi32, #tpu.memory_space<hbm>> -> memref<1000000xi32, #tpu.memory_space<hbm>>
    tpu.enqueue_indirect_dma source(%dma_start3A_1979 : memref<1000000xi32, #tpu.memory_space<hbm>>) target(%dma_start3A_1974 : memref<128xi32, #tpu.memory_space<vmem>>) offsets(%dma_start3A_1977 : memref<128xi32, #tpu.memory_space<vmem>>) semaphore(%arg51 : memref<!tpu.dma_semaphore, #tpu.memory_space<semaphore_mem>>)
    %dma_start3A_1980 = arith.constant 18 : i32
    %dma_start3A_1981 = arith.constant 256 : i32
    %dma_start3A_1982 = tpu.memref_slice %arg42[%dma_start3A_1981] : memref<1024xf32, #tpu.memory_space<vmem>> -> memref<128xf32, #tpu.memory_space<vmem>>
    %dma_start3A_1983 = arith.constant 0 : i32
    %dma_start3A_1984 = tpu.memref_slice %arg34[%dma_start3A_1980, %dma_start3A_1983] : memref<24x128xi32, #tpu.memory_space<vmem>> -> memref<1x128xi32, #tpu.memory_space<vmem>>
    %dma_start3A_1985 = tpu.memref_squeeze %dma_start3A_1984 : memref<1x128xi32, #tpu.memory_space<vmem>> -> memref<128xi32, #tpu.memory_space<vmem>>
    %dma_start3A_1986 = arith.constant 0 : i32
    %dma_start3A_1987 = tpu.memref_slice %arg11[%dma_start3A_1986] : memref<1000000xf32, #tpu.memory_space<hbm>> -> memref<1000000xf32, #tpu.memory_space<hbm>>
    tpu.enqueue_indirect_dma source(%dma_start3A_1987 : memref<1000000xf32, #tpu.memory_space<hbm>>) target(%dma_start3A_1982 : memref<128xf32, #tpu.memory_space<vmem>>) offsets(%dma_start3A_1985 : memref<128xi32, #tpu.memory_space<vmem>>) semaphore(%arg51 : memref<!tpu.dma_semaphore, #tpu.memory_space<semaphore_mem>>)
    %dma_start3A_1988 = arith.constant 18 : i32
    %dma_start3A_1989 = arith.constant 256 : i32
    %dma_start3A_1990 = tpu.memref_slice %arg43[%dma_start3A_1989] : memref<1024xi32, #tpu.memory_space<vmem>> -> memref<128xi32, #tpu.memory_space<vmem>>
    %dma_start3A_1991 = arith.constant 0 : i32
    %dma_start3A_1992 = tpu.memref_slice %arg34[%dma_start3A_1988, %dma_start3A_1991] : memref<24x128xi32, #tpu.memory_space<vmem>> -> memref<1x128xi32, #tpu.memory_space<vmem>>
    %dma_start3A_1993 = tpu.memref_squeeze %dma_start3A_1992 : memref<1x128xi32, #tpu.memory_space<vmem>> -> memref<128xi32, #tpu.memory_space<vmem>>
    %dma_start3A_1994 = arith.constant 0 : i32
    %dma_start3A_1995 = tpu.memref_slice %arg13[%dma_start3A_1994] : memref<1000000xi32, #tpu.memory_space<hbm>> -> memref<1000000xi32, #tpu.memory_space<hbm>>
    tpu.enqueue_indirect_dma source(%dma_start3A_1995 : memref<1000000xi32, #tpu.memory_space<hbm>>) target(%dma_start3A_1990 : memref<128xi32, #tpu.memory_space<vmem>>) offsets(%dma_start3A_1993 : memref<128xi32, #tpu.memory_space<vmem>>) semaphore(%arg51 : memref<!tpu.dma_semaphore, #tpu.memory_space<semaphore_mem>>)
    %dma_start3A_1996 = arith.constant 19 : i32
    %dma_start3A_1997 = arith.constant 384 : i32
    %dma_start3A_1998 = tpu.memref_slice %arg41[%dma_start3A_1997] : memref<1024xi32, #tpu.memory_space<vmem>> -> memref<128xi32, #tpu.memory_space<vmem>>
    %dma_start3A_1999 = arith.constant 0 : i32
    %dma_start3A_2000 = tpu.memref_slice %arg34[%dma_start3A_1996, %dma_start3A_1999] : memref<24x128xi32, #tpu.memory_space<vmem>> -> memref<1x128xi32, #tpu.memory_space<vmem>>
    %dma_start3A_2001 = tpu.memref_squeeze %dma_start3A_2000 : memref<1x128xi32, #tpu.memory_space<vmem>> -> memref<128xi32, #tpu.memory_space<vmem>>
    %dma_start3A_2002 = arith.constant 0 : i32
    %dma_start3A_2003 = tpu.memref_slice %arg12[%dma_start3A_2002] : memref<1000000xi32, #tpu.memory_space<hbm>> -> memref<1000000xi32, #tpu.memory_space<hbm>>
    tpu.enqueue_indirect_dma source(%dma_start3A_2003 : memref<1000000xi32, #tpu.memory_space<hbm>>) target(%dma_start3A_1998 : memref<128xi32, #tpu.memory_space<vmem>>) offsets(%dma_start3A_2001 : memref<128xi32, #tpu.memory_space<vmem>>) semaphore(%arg51 : memref<!tpu.dma_semaphore, #tpu.memory_space<semaphore_mem>>)
    %dma_start3A_2004 = arith.constant 19 : i32
    %dma_start3A_2005 = arith.constant 384 : i32
    %dma_start3A_2006 = tpu.memref_slice %arg42[%dma_start3A_2005] : memref<1024xf32, #tpu.memory_space<vmem>> -> memref<128xf32, #tpu.memory_space<vmem>>
    %dma_start3A_2007 = arith.constant 0 : i32
    %dma_start3A_2008 = tpu.memref_slice %arg34[%dma_start3A_2004, %dma_start3A_2007] : memref<24x128xi32, #tpu.memory_space<vmem>> -> memref<1x128xi32, #tpu.memory_space<vmem>>
    %dma_start3A_2009 = tpu.memref_squeeze %dma_start3A_2008 : memref<1x128xi32, #tpu.memory_space<vmem>> -> memref<128xi32, #tpu.memory_space<vmem>>
    %dma_start3A_2010 = arith.constant 0 : i32
    %dma_start3A_2011 = tpu.memref_slice %arg11[%dma_start3A_2010] : memref<1000000xf32, #tpu.memory_space<hbm>> -> memref<1000000xf32, #tpu.memory_space<hbm>>
    tpu.enqueue_indirect_dma source(%dma_start3A_2011 : memref<1000000xf32, #tpu.memory_space<hbm>>) target(%dma_start3A_2006 : memref<128xf32, #tpu.memory_space<vmem>>) offsets(%dma_start3A_2009 : memref<128xi32, #tpu.memory_space<vmem>>) semaphore(%arg51 : memref<!tpu.dma_semaphore, #tpu.memory_space<semaphore_mem>>)
    %dma_start3A_2012 = arith.constant 19 : i32
    %dma_start3A_2013 = arith.constant 384 : i32
    %dma_start3A_2014 = tpu.memref_slice %arg43[%dma_start3A_2013] : memref<1024xi32, #tpu.memory_space<vmem>> -> memref<128xi32, #tpu.memory_space<vmem>>
    %dma_start3A_2015 = arith.constant 0 : i32
    %dma_start3A_2016 = tpu.memref_slice %arg34[%dma_start3A_2012, %dma_start3A_2015] : memref<24x128xi32, #tpu.memory_space<vmem>> -> memref<1x128xi32, #tpu.memory_space<vmem>>
    %dma_start3A_2017 = tpu.memref_squeeze %dma_start3A_2016 : memref<1x128xi32, #tpu.memory_space<vmem>> -> memref<128xi32, #tpu.memory_space<vmem>>
    %dma_start3A_2018 = arith.constant 0 : i32
    %dma_start3A_2019 = tpu.memref_slice %arg13[%dma_start3A_2018] : memref<1000000xi32, #tpu.memory_space<hbm>> -> memref<1000000xi32, #tpu.memory_space<hbm>>
    tpu.enqueue_indirect_dma source(%dma_start3A_2019 : memref<1000000xi32, #tpu.memory_space<hbm>>) target(%dma_start3A_2014 : memref<128xi32, #tpu.memory_space<vmem>>) offsets(%dma_start3A_2017 : memref<128xi32, #tpu.memory_space<vmem>>) semaphore(%arg51 : memref<!tpu.dma_semaphore, #tpu.memory_space<semaphore_mem>>)
    %dma_start3A_2020 = arith.constant 20 : i32
    %dma_start3A_2021 = arith.constant 512 : i32
    %dma_start3A_2022 = tpu.memref_slice %arg41[%dma_start3A_2021] : memref<1024xi32, #tpu.memory_space<vmem>> -> memref<128xi32, #tpu.memory_space<vmem>>
    %dma_start3A_2023 = arith.constant 0 : i32
    %dma_start3A_2024 = tpu.memref_slice %arg34[%dma_start3A_2020, %dma_start3A_2023] : memref<24x128xi32, #tpu.memory_space<vmem>> -> memref<1x128xi32, #tpu.memory_space<vmem>>
    %dma_start3A_2025 = tpu.memref_squeeze %dma_start3A_2024 : memref<1x128xi32, #tpu.memory_space<vmem>> -> memref<128xi32, #tpu.memory_space<vmem>>
    %dma_start3A_2026 = arith.constant 0 : i32
    %dma_start3A_2027 = tpu.memref_slice %arg12[%dma_start3A_2026] : memref<1000000xi32, #tpu.memory_space<hbm>> -> memref<1000000xi32, #tpu.memory_space<hbm>>
    tpu.enqueue_indirect_dma source(%dma_start3A_2027 : memref<1000000xi32, #tpu.memory_space<hbm>>) target(%dma_start3A_2022 : memref<128xi32, #tpu.memory_space<vmem>>) offsets(%dma_start3A_2025 : memref<128xi32, #tpu.memory_space<vmem>>) semaphore(%arg51 : memref<!tpu.dma_semaphore, #tpu.memory_space<semaphore_mem>>)
    %dma_start3A_2028 = arith.constant 20 : i32
    %dma_start3A_2029 = arith.constant 512 : i32
    %dma_start3A_2030 = tpu.memref_slice %arg42[%dma_start3A_2029] : memref<1024xf32, #tpu.memory_space<vmem>> -> memref<128xf32, #tpu.memory_space<vmem>>
    %dma_start3A_2031 = arith.constant 0 : i32
    %dma_start3A_2032 = tpu.memref_slice %arg34[%dma_start3A_2028, %dma_start3A_2031] : memref<24x128xi32, #tpu.memory_space<vmem>> -> memref<1x128xi32, #tpu.memory_space<vmem>>
    %dma_start3A_2033 = tpu.memref_squeeze %dma_start3A_2032 : memref<1x128xi32, #tpu.memory_space<vmem>> -> memref<128xi32, #tpu.memory_space<vmem>>
    %dma_start3A_2034 = arith.constant 0 : i32
    %dma_start3A_2035 = tpu.memref_slice %arg11[%dma_start3A_2034] : memref<1000000xf32, #tpu.memory_space<hbm>> -> memref<1000000xf32, #tpu.memory_space<hbm>>
    tpu.enqueue_indirect_dma source(%dma_start3A_2035 : memref<1000000xf32, #tpu.memory_space<hbm>>) target(%dma_start3A_2030 : memref<128xf32, #tpu.memory_space<vmem>>) offsets(%dma_start3A_2033 : memref<128xi32, #tpu.memory_space<vmem>>) semaphore(%arg51 : memref<!tpu.dma_semaphore, #tpu.memory_space<semaphore_mem>>)
    %dma_start3A_2036 = arith.constant 20 : i32
    %dma_start3A_2037 = arith.constant 512 : i32
    %dma_start3A_2038 = tpu.memref_slice %arg43[%dma_start3A_2037] : memref<1024xi32, #tpu.memory_space<vmem>> -> memref<128xi32, #tpu.memory_space<vmem>>
    %dma_start3A_2039 = arith.constant 0 : i32
    %dma_start3A_2040 = tpu.memref_slice %arg34[%dma_start3A_2036, %dma_start3A_2039] : memref<24x128xi32, #tpu.memory_space<vmem>> -> memref<1x128xi32, #tpu.memory_space<vmem>>
    %dma_start3A_2041 = tpu.memref_squeeze %dma_start3A_2040 : memref<1x128xi32, #tpu.memory_space<vmem>> -> memref<128xi32, #tpu.memory_space<vmem>>
    %dma_start3A_2042 = arith.constant 0 : i32
    %dma_start3A_2043 = tpu.memref_slice %arg13[%dma_start3A_2042] : memref<1000000xi32, #tpu.memory_space<hbm>> -> memref<1000000xi32, #tpu.memory_space<hbm>>
    tpu.enqueue_indirect_dma source(%dma_start3A_2043 : memref<1000000xi32, #tpu.memory_space<hbm>>) target(%dma_start3A_2038 : memref<128xi32, #tpu.memory_space<vmem>>) offsets(%dma_start3A_2041 : memref<128xi32, #tpu.memory_space<vmem>>) semaphore(%arg51 : memref<!tpu.dma_semaphore, #tpu.memory_space<semaphore_mem>>)
    %dma_start3A_2044 = arith.constant 21 : i32
    %dma_start3A_2045 = arith.constant 640 : i32
    %dma_start3A_2046 = tpu.memref_slice %arg41[%dma_start3A_2045] : memref<1024xi32, #tpu.memory_space<vmem>> -> memref<128xi32, #tpu.memory_space<vmem>>
    %dma_start3A_2047 = arith.constant 0 : i32
    %dma_start3A_2048 = tpu.memref_slice %arg34[%dma_start3A_2044, %dma_start3A_2047] : memref<24x128xi32, #tpu.memory_space<vmem>> -> memref<1x128xi32, #tpu.memory_space<vmem>>
    %dma_start3A_2049 = tpu.memref_squeeze %dma_start3A_2048 : memref<1x128xi32, #tpu.memory_space<vmem>> -> memref<128xi32, #tpu.memory_space<vmem>>
    %dma_start3A_2050 = arith.constant 0 : i32
    %dma_start3A_2051 = tpu.memref_slice %arg12[%dma_start3A_2050] : memref<1000000xi32, #tpu.memory_space<hbm>> -> memref<1000000xi32, #tpu.memory_space<hbm>>
    tpu.enqueue_indirect_dma source(%dma_start3A_2051 : memref<1000000xi32, #tpu.memory_space<hbm>>) target(%dma_start3A_2046 : memref<128xi32, #tpu.memory_space<vmem>>) offsets(%dma_start3A_2049 : memref<128xi32, #tpu.memory_space<vmem>>) semaphore(%arg51 : memref<!tpu.dma_semaphore, #tpu.memory_space<semaphore_mem>>)
    %dma_start3A_2052 = arith.constant 21 : i32
    %dma_start3A_2053 = arith.constant 640 : i32
    %dma_start3A_2054 = tpu.memref_slice %arg42[%dma_start3A_2053] : memref<1024xf32, #tpu.memory_space<vmem>> -> memref<128xf32, #tpu.memory_space<vmem>>
    %dma_start3A_2055 = arith.constant 0 : i32
    %dma_start3A_2056 = tpu.memref_slice %arg34[%dma_start3A_2052, %dma_start3A_2055] : memref<24x128xi32, #tpu.memory_space<vmem>> -> memref<1x128xi32, #tpu.memory_space<vmem>>
    %dma_start3A_2057 = tpu.memref_squeeze %dma_start3A_2056 : memref<1x128xi32, #tpu.memory_space<vmem>> -> memref<128xi32, #tpu.memory_space<vmem>>
    %dma_start3A_2058 = arith.constant 0 : i32
    %dma_start3A_2059 = tpu.memref_slice %arg11[%dma_start3A_2058] : memref<1000000xf32, #tpu.memory_space<hbm>> -> memref<1000000xf32, #tpu.memory_space<hbm>>
    tpu.enqueue_indirect_dma source(%dma_start3A_2059 : memref<1000000xf32, #tpu.memory_space<hbm>>) target(%dma_start3A_2054 : memref<128xf32, #tpu.memory_space<vmem>>) offsets(%dma_start3A_2057 : memref<128xi32, #tpu.memory_space<vmem>>) semaphore(%arg51 : memref<!tpu.dma_semaphore, #tpu.memory_space<semaphore_mem>>)
    %dma_start3A_2060 = arith.constant 21 : i32
    %dma_start3A_2061 = arith.constant 640 : i32
    %dma_start3A_2062 = tpu.memref_slice %arg43[%dma_start3A_2061] : memref<1024xi32, #tpu.memory_space<vmem>> -> memref<128xi32, #tpu.memory_space<vmem>>
    %dma_start3A_2063 = arith.constant 0 : i32
    %dma_start3A_2064 = tpu.memref_slice %arg34[%dma_start3A_2060, %dma_start3A_2063] : memref<24x128xi32, #tpu.memory_space<vmem>> -> memref<1x128xi32, #tpu.memory_space<vmem>>
    %dma_start3A_2065 = tpu.memref_squeeze %dma_start3A_2064 : memref<1x128xi32, #tpu.memory_space<vmem>> -> memref<128xi32, #tpu.memory_space<vmem>>
    %dma_start3A_2066 = arith.constant 0 : i32
    %dma_start3A_2067 = tpu.memref_slice %arg13[%dma_start3A_2066] : memref<1000000xi32, #tpu.memory_space<hbm>> -> memref<1000000xi32, #tpu.memory_space<hbm>>
    tpu.enqueue_indirect_dma source(%dma_start3A_2067 : memref<1000000xi32, #tpu.memory_space<hbm>>) target(%dma_start3A_2062 : memref<128xi32, #tpu.memory_space<vmem>>) offsets(%dma_start3A_2065 : memref<128xi32, #tpu.memory_space<vmem>>) semaphore(%arg51 : memref<!tpu.dma_semaphore, #tpu.memory_space<semaphore_mem>>)
    %dma_start3A_2068 = arith.constant 22 : i32
    %dma_start3A_2069 = arith.constant 768 : i32
    %dma_start3A_2070 = tpu.memref_slice %arg41[%dma_start3A_2069] : memref<1024xi32, #tpu.memory_space<vmem>> -> memref<128xi32, #tpu.memory_space<vmem>>
    %dma_start3A_2071 = arith.constant 0 : i32
    %dma_start3A_2072 = tpu.memref_slice %arg34[%dma_start3A_2068, %dma_start3A_2071] : memref<24x128xi32, #tpu.memory_space<vmem>> -> memref<1x128xi32, #tpu.memory_space<vmem>>
    %dma_start3A_2073 = tpu.memref_squeeze %dma_start3A_2072 : memref<1x128xi32, #tpu.memory_space<vmem>> -> memref<128xi32, #tpu.memory_space<vmem>>
    %dma_start3A_2074 = arith.constant 0 : i32
    %dma_start3A_2075 = tpu.memref_slice %arg12[%dma_start3A_2074] : memref<1000000xi32, #tpu.memory_space<hbm>> -> memref<1000000xi32, #tpu.memory_space<hbm>>
    tpu.enqueue_indirect_dma source(%dma_start3A_2075 : memref<1000000xi32, #tpu.memory_space<hbm>>) target(%dma_start3A_2070 : memref<128xi32, #tpu.memory_space<vmem>>) offsets(%dma_start3A_2073 : memref<128xi32, #tpu.memory_space<vmem>>) semaphore(%arg51 : memref<!tpu.dma_semaphore, #tpu.memory_space<semaphore_mem>>)
    %dma_start3A_2076 = arith.constant 22 : i32
    %dma_start3A_2077 = arith.constant 768 : i32
    %dma_start3A_2078 = tpu.memref_slice %arg42[%dma_start3A_2077] : memref<1024xf32, #tpu.memory_space<vmem>> -> memref<128xf32, #tpu.memory_space<vmem>>
    %dma_start3A_2079 = arith.constant 0 : i32
    %dma_start3A_2080 = tpu.memref_slice %arg34[%dma_start3A_2076, %dma_start3A_2079] : memref<24x128xi32, #tpu.memory_space<vmem>> -> memref<1x128xi32, #tpu.memory_space<vmem>>
    %dma_start3A_2081 = tpu.memref_squeeze %dma_start3A_2080 : memref<1x128xi32, #tpu.memory_space<vmem>> -> memref<128xi32, #tpu.memory_space<vmem>>
    %dma_start3A_2082 = arith.constant 0 : i32
    %dma_start3A_2083 = tpu.memref_slice %arg11[%dma_start3A_2082] : memref<1000000xf32, #tpu.memory_space<hbm>> -> memref<1000000xf32, #tpu.memory_space<hbm>>
    tpu.enqueue_indirect_dma source(%dma_start3A_2083 : memref<1000000xf32, #tpu.memory_space<hbm>>) target(%dma_start3A_2078 : memref<128xf32, #tpu.memory_space<vmem>>) offsets(%dma_start3A_2081 : memref<128xi32, #tpu.memory_space<vmem>>) semaphore(%arg51 : memref<!tpu.dma_semaphore, #tpu.memory_space<semaphore_mem>>)
    %dma_start3A_2084 = arith.constant 22 : i32
    %dma_start3A_2085 = arith.constant 768 : i32
    %dma_start3A_2086 = tpu.memref_slice %arg43[%dma_start3A_2085] : memref<1024xi32, #tpu.memory_space<vmem>> -> memref<128xi32, #tpu.memory_space<vmem>>
    %dma_start3A_2087 = arith.constant 0 : i32
    %dma_start3A_2088 = tpu.memref_slice %arg34[%dma_start3A_2084, %dma_start3A_2087] : memref<24x128xi32, #tpu.memory_space<vmem>> -> memref<1x128xi32, #tpu.memory_space<vmem>>
    %dma_start3A_2089 = tpu.memref_squeeze %dma_start3A_2088 : memref<1x128xi32, #tpu.memory_space<vmem>> -> memref<128xi32, #tpu.memory_space<vmem>>
    %dma_start3A_2090 = arith.constant 0 : i32
    %dma_start3A_2091 = tpu.memref_slice %arg13[%dma_start3A_2090] : memref<1000000xi32, #tpu.memory_space<hbm>> -> memref<1000000xi32, #tpu.memory_space<hbm>>
    tpu.enqueue_indirect_dma source(%dma_start3A_2091 : memref<1000000xi32, #tpu.memory_space<hbm>>) target(%dma_start3A_2086 : memref<128xi32, #tpu.memory_space<vmem>>) offsets(%dma_start3A_2089 : memref<128xi32, #tpu.memory_space<vmem>>) semaphore(%arg51 : memref<!tpu.dma_semaphore, #tpu.memory_space<semaphore_mem>>)
    %dma_start3A_2092 = arith.constant 23 : i32
    %dma_start3A_2093 = arith.constant 896 : i32
    %dma_start3A_2094 = tpu.memref_slice %arg41[%dma_start3A_2093] : memref<1024xi32, #tpu.memory_space<vmem>> -> memref<128xi32, #tpu.memory_space<vmem>>
    %dma_start3A_2095 = arith.constant 0 : i32
    %dma_start3A_2096 = tpu.memref_slice %arg34[%dma_start3A_2092, %dma_start3A_2095] : memref<24x128xi32, #tpu.memory_space<vmem>> -> memref<1x128xi32, #tpu.memory_space<vmem>>
    %dma_start3A_2097 = tpu.memref_squeeze %dma_start3A_2096 : memref<1x128xi32, #tpu.memory_space<vmem>> -> memref<128xi32, #tpu.memory_space<vmem>>
    %dma_start3A_2098 = arith.constant 0 : i32
    %dma_start3A_2099 = tpu.memref_slice %arg12[%dma_start3A_2098] : memref<1000000xi32, #tpu.memory_space<hbm>> -> memref<1000000xi32, #tpu.memory_space<hbm>>
    tpu.enqueue_indirect_dma source(%dma_start3A_2099 : memref<1000000xi32, #tpu.memory_space<hbm>>) target(%dma_start3A_2094 : memref<128xi32, #tpu.memory_space<vmem>>) offsets(%dma_start3A_2097 : memref<128xi32, #tpu.memory_space<vmem>>) semaphore(%arg51 : memref<!tpu.dma_semaphore, #tpu.memory_space<semaphore_mem>>)
    %dma_start3A_2100 = arith.constant 23 : i32
    %dma_start3A_2101 = arith.constant 896 : i32
    %dma_start3A_2102 = tpu.memref_slice %arg42[%dma_start3A_2101] : memref<1024xf32, #tpu.memory_space<vmem>> -> memref<128xf32, #tpu.memory_space<vmem>>
    %dma_start3A_2103 = arith.constant 0 : i32
    %dma_start3A_2104 = tpu.memref_slice %arg34[%dma_start3A_2100, %dma_start3A_2103] : memref<24x128xi32, #tpu.memory_space<vmem>> -> memref<1x128xi32, #tpu.memory_space<vmem>>
    %dma_start3A_2105 = tpu.memref_squeeze %dma_start3A_2104 : memref<1x128xi32, #tpu.memory_space<vmem>> -> memref<128xi32, #tpu.memory_space<vmem>>
    %dma_start3A_2106 = arith.constant 0 : i32
    %dma_start3A_2107 = tpu.memref_slice %arg11[%dma_start3A_2106] : memref<1000000xf32, #tpu.memory_space<hbm>> -> memref<1000000xf32, #tpu.memory_space<hbm>>
    tpu.enqueue_indirect_dma source(%dma_start3A_2107 : memref<1000000xf32, #tpu.memory_space<hbm>>) target(%dma_start3A_2102 : memref<128xf32, #tpu.memory_space<vmem>>) offsets(%dma_start3A_2105 : memref<128xi32, #tpu.memory_space<vmem>>) semaphore(%arg51 : memref<!tpu.dma_semaphore, #tpu.memory_space<semaphore_mem>>)
    %dma_start3A_2108 = arith.constant 23 : i32
    %dma_start3A_2109 = arith.constant 896 : i32
    %dma_start3A_2110 = tpu.memref_slice %arg43[%dma_start3A_2109] : memref<1024xi32, #tpu.memory_space<vmem>> -> memref<128xi32, #tpu.memory_space<vmem>>
    %dma_start3A_2111 = arith.constant 0 : i32
    %dma_start3A_2112 = tpu.memref_slice %arg34[%dma_start3A_2108, %dma_start3A_2111] : memref<24x128xi32, #tpu.memory_space<vmem>> -> memref<1x128xi32, #tpu.memory_space<vmem>>
    %dma_start3A_2113 = tpu.memref_squeeze %dma_start3A_2112 : memref<1x128xi32, #tpu.memory_space<vmem>> -> memref<128xi32, #tpu.memory_space<vmem>>
    %dma_start3A_2114 = arith.constant 0 : i32
    %dma_start3A_2115 = tpu.memref_slice %arg13[%dma_start3A_2114] : memref<1000000xi32, #tpu.memory_space<hbm>> -> memref<1000000xi32, #tpu.memory_space<hbm>>
    tpu.enqueue_indirect_dma source(%dma_start3A_2115 : memref<1000000xi32, #tpu.memory_space<hbm>>) target(%dma_start3A_2110 : memref<128xi32, #tpu.memory_space<vmem>>) offsets(%dma_start3A_2113 : memref<128xi32, #tpu.memory_space<vmem>>) semaphore(%arg51 : memref<!tpu.dma_semaphore, #tpu.memory_space<semaphore_mem>>)
    %dma_wait3A_2116 = arith.constant 0 : i32
    %dma_wait3A_2117 = tpu.memref_slice %arg10[%dma_wait3A_2116] : memref<128xf32, #tpu.memory_space<hbm>> -> memref<128xf32, #tpu.memory_space<hbm>>
    tpu.wait_indirect_dma semaphore(%arg48 : memref<!tpu.dma_semaphore, #tpu.memory_space<semaphore_mem>>) src(%dma_wait3A_2117 : memref<128xf32, #tpu.memory_space<hbm>>) dst(%arg21 : memref<16xf32, #tpu.memory_space<vmem>>)
    %dma_wait3A_2118 = arith.constant 0 : i32
    %dma_wait3A_2119 = tpu.memref_slice %arg9[%dma_wait3A_2118] : memref<1000000xf32, #tpu.memory_space<hbm>> -> memref<1000000xf32, #tpu.memory_space<hbm>>
    tpu.wait_indirect_dma semaphore(%arg48 : memref<!tpu.dma_semaphore, #tpu.memory_space<semaphore_mem>>) src(%dma_wait3A_2119 : memref<1000000xf32, #tpu.memory_space<hbm>>) dst(%arg22 : memref<16xf32, #tpu.memory_space<vmem>>)
    %dma_wait3A_2120 = arith.constant 0 : i32
    %dma_wait3A_2121 = tpu.memref_slice %arg7[%dma_wait3A_2120] : memref<1000000xi32, #tpu.memory_space<hbm>> -> memref<1000000xi32, #tpu.memory_space<hbm>>
    tpu.wait_indirect_dma semaphore(%arg48 : memref<!tpu.dma_semaphore, #tpu.memory_space<semaphore_mem>>) src(%dma_wait3A_2121 : memref<1000000xi32, #tpu.memory_space<hbm>>) dst(%arg23 : memref<16xi32, #tpu.memory_space<vmem>>)
    %dma_wait3A_2122 = arith.constant 0 : i32
    %dma_wait3A_2123 = tpu.memref_slice %arg8[%dma_wait3A_2122] : memref<1000000xf32, #tpu.memory_space<hbm>> -> memref<1000000xf32, #tpu.memory_space<hbm>>
    tpu.wait_indirect_dma semaphore(%arg48 : memref<!tpu.dma_semaphore, #tpu.memory_space<semaphore_mem>>) src(%dma_wait3A_2123 : memref<1000000xf32, #tpu.memory_space<hbm>>) dst(%arg31 : memref<16xf32, #tpu.memory_space<vmem>>)
    %dma_wait3A_2124 = arith.constant 0 : i32
    %dma_wait3A_2125 = tpu.memref_slice %arg8[%dma_wait3A_2124] : memref<1000000xf32, #tpu.memory_space<hbm>> -> memref<1000000xf32, #tpu.memory_space<hbm>>
    tpu.wait_indirect_dma semaphore(%arg48 : memref<!tpu.dma_semaphore, #tpu.memory_space<semaphore_mem>>) src(%dma_wait3A_2125 : memref<1000000xf32, #tpu.memory_space<hbm>>) dst(%arg32 : memref<16xf32, #tpu.memory_space<vmem>>)
    %dma_wait3A_2126 = arith.constant 0 : i32
    %dma_wait3A_2127 = tpu.memref_slice %arg8[%dma_wait3A_2126] : memref<1000000xf32, #tpu.memory_space<hbm>> -> memref<1000000xf32, #tpu.memory_space<hbm>>
    tpu.wait_indirect_dma semaphore(%arg48 : memref<!tpu.dma_semaphore, #tpu.memory_space<semaphore_mem>>) src(%dma_wait3A_2127 : memref<1000000xf32, #tpu.memory_space<hbm>>) dst(%arg33 : memref<16xf32, #tpu.memory_space<vmem>>)
    %gather3A_2128 = tpu.vector_load_idx %arg21[%and3A_6] : memref<16xf32, #tpu.memory_space<vmem>>[vector<16xi32>], vector<16xf32>,
    %gather3A_2129 = tpu.vector_load_idx %arg31[%and3A_6] : memref<16xf32, #tpu.memory_space<vmem>>[vector<16xi32>], vector<16xf32>,
    %gather3A_2130 = tpu.vector_load_idx %arg32[%and3A_6] : memref<16xf32, #tpu.memory_space<vmem>>[vector<16xi32>], vector<16xf32>,
    %gather3A_2131 = tpu.vector_load_idx %arg33[%and3A_6] : memref<16xf32, #tpu.memory_space<vmem>>[vector<16xi32>], vector<16xf32>,
    %broadcast_in_dim3A_2132 = arith.constant 0.000000e+00 : f32
    %broadcast_in_dim3A_2133 = vector.broadcast %broadcast_in_dim3A_2132 : f32 to vector<16xf32>
    %add3A_2134 = arith.addf %broadcast_in_dim3A_2133, %gather3A_2129 : vector<16xf32>
    %add3A_2135 = arith.addf %add3A_2134, %gather3A_2130 : vector<16xf32>
    %add3A_2136 = arith.addf %add3A_2135, %gather3A_2131 : vector<16xf32>
    %mul3A_2137 = arith.mulf %add3A_2136, %gather3A_2128 : vector<16xf32>
    %swap3A_2138 = arith.constant 0 : index
    %swap3A_2139 = tpu.vector_load %arg24[%swap3A_2138] {strides = array<i32>} : memref<16xf32, #tpu.memory_space<vmem>>, vector<16xf32>,
    tpu.vector_store %arg24[%swap3A_2138], %mul3A_2137 {strides = array<i32>} : memref<16xf32, #tpu.memory_space<vmem>>, vector<16xf32>,
    %scan3A = arith.constant 0 : i32
    %scan3A_2140 = arith.constant 0 : i32
    %scan3A_2141 = arith.constant 8 : i32
    %scan3A_2142 = arith.addi %scan3A_2140, %scan3A_2141 : i32
    %scan3A_2143 = arith.constant 1 : i32
    scf.for %scan3A_2791 = %scan3A_2140 to %scan3A_2142 step %scan3A_2143  : i32 {
      %broadcast_in_dim3A_2792 = vector.broadcast %scan3A_2791 : i32 to vector<16xi32>
      %gather3A_2793 = tpu.vector_load_idx %arg24[%broadcast_in_dim3A_2792] : memref<16xf32, #tpu.memory_space<vmem>>[vector<16xi32>], vector<16xf32>,
      %gather3A_2794 = tpu.vector_load_idx %arg23[%broadcast_in_dim3A_2792] : memref<16xi32, #tpu.memory_space<vmem>>[vector<16xi32>], vector<16xi32>,
      %scan3A_2795 = arith.constant 0 : i32
      %scan3A_2796 = arith.constant 0 : i32
      %scan3A_2797 = arith.constant 32 : i32
      %scan3A_2798 = arith.addi %scan3A_2796, %scan3A_2797 : i32
      %scan3A_2799 = arith.constant 1 : i32
      scf.for %scan3A_2801 = %scan3A_2796 to %scan3A_2798 step %scan3A_2799  : i32 {
        %mul3A_2802 = arith.constant 2 : i32
        %mul3A_2803 = arith.muli %mul3A_2802, %scan3A_2801 : i32
        %add3A_2804 = arith.constant 0 : i32
        %add3A_2805 = arith.addi %mul3A_2803, %add3A_2804 : i32
        %mul3A_2806 = arith.constant 16 : i32
        %mul3A_2807 = arith.muli %add3A_2805, %mul3A_2806 : i32
        %add3A_2808 = vector.broadcast %mul3A_2807 : i32 to vector<16xi32>
        %add3A_2809 = arith.addi %add3A_2808, %iota3A : vector<16xi32>
        tpu.vector_store_idx %arg44[%broadcast_in_dim3A_2792, %add3A_2809], %broadcast_in_dim3A_7 : memref<8x1024xi32, #tpu.memory_space<vmem>>[vector<16xi32>, vector<16xi32>], vector<16xi32>,
        tpu.vector_store_idx %arg45[%broadcast_in_dim3A_2792, %add3A_2809], %gather3A_2793 : memref<8x1024xf32, #tpu.memory_space<vmem>>[vector<16xi32>, vector<16xi32>], vector<16xf32>,
        tpu.vector_store_idx %arg46[%broadcast_in_dim3A_2792, %add3A_2809], %gather3A_2794 : memref<8x1024xi32, #tpu.memory_space<vmem>>[vector<16xi32>, vector<16xi32>], vector<16xi32>,
        %mul3A_2810 = arith.constant 2 : i32
        %mul3A_2811 = arith.muli %mul3A_2810, %scan3A_2801 : i32
        %add3A_2812 = arith.constant 1 : i32
        %add3A_2813 = arith.addi %mul3A_2811, %add3A_2812 : i32
        %mul3A_2814 = arith.constant 16 : i32
        %mul3A_2815 = arith.muli %add3A_2813, %mul3A_2814 : i32
        %add3A_2816 = vector.broadcast %mul3A_2815 : i32 to vector<16xi32>
        %add3A_2817 = arith.addi %add3A_2816, %iota3A : vector<16xi32>
        tpu.vector_store_idx %arg44[%broadcast_in_dim3A_2792, %add3A_2817], %broadcast_in_dim3A_7 : memref<8x1024xi32, #tpu.memory_space<vmem>>[vector<16xi32>, vector<16xi32>], vector<16xi32>,
        tpu.vector_store_idx %arg45[%broadcast_in_dim3A_2792, %add3A_2817], %gather3A_2793 : memref<8x1024xf32, #tpu.memory_space<vmem>>[vector<16xi32>, vector<16xi32>], vector<16xf32>,
        tpu.vector_store_idx %arg46[%broadcast_in_dim3A_2792, %add3A_2817], %gather3A_2794 : memref<8x1024xi32, #tpu.memory_space<vmem>>[vector<16xi32>, vector<16xi32>], vector<16xi32>,
      }
      %scan3A_2800 = arith.constant 32 : i32
    }
    %scan3A_2144 = arith.constant 8 : i32
    %dma_wait3A_2145 = arith.constant 0 : i32
    %dma_wait3A_2146 = arith.constant 0 : i32
    %dma_wait3A_2147 = tpu.memref_slice %arg35[%dma_wait3A_2146] : memref<1024xi32, #tpu.memory_space<vmem>> -> memref<128xi32, #tpu.memory_space<vmem>>
    %dma_wait3A_2148 = arith.constant 0 : i32
    %dma_wait3A_2149 = tpu.memref_slice %arg34[%dma_wait3A_2145, %dma_wait3A_2148] : memref<24x128xi32, #tpu.memory_space<vmem>> -> memref<1x128xi32, #tpu.memory_space<vmem>>
    %dma_wait3A_2150 = tpu.memref_squeeze %dma_wait3A_2149 : memref<1x128xi32, #tpu.memory_space<vmem>> -> memref<128xi32, #tpu.memory_space<vmem>>
    %dma_wait3A_2151 = arith.constant 0 : i32
    %dma_wait3A_2152 = tpu.memref_slice %arg12[%dma_wait3A_2151] : memref<1000000xi32, #tpu.memory_space<hbm>> -> memref<1000000xi32, #tpu.memory_space<hbm>>
    tpu.wait_indirect_dma semaphore(%arg49 : memref<!tpu.dma_semaphore, #tpu.memory_space<semaphore_mem>>) src(%dma_wait3A_2152 : memref<1000000xi32, #tpu.memory_space<hbm>>) dst(%dma_wait3A_2147 : memref<128xi32, #tpu.memory_space<vmem>>)
    %dma_wait3A_2153 = arith.constant 0 : i32
    %dma_wait3A_2154 = arith.constant 0 : i32
    %dma_wait3A_2155 = tpu.memref_slice %arg36[%dma_wait3A_2154] : memref<1024xf32, #tpu.memory_space<vmem>> -> memref<128xf32, #tpu.memory_space<vmem>>
    %dma_wait3A_2156 = arith.constant 0 : i32
    %dma_wait3A_2157 = tpu.memref_slice %arg34[%dma_wait3A_2153, %dma_wait3A_2156] : memref<24x128xi32, #tpu.memory_space<vmem>> -> memref<1x128xi32, #tpu.memory_space<vmem>>
    %dma_wait3A_2158 = tpu.memref_squeeze %dma_wait3A_2157 : memref<1x128xi32, #tpu.memory_space<vmem>> -> memref<128xi32, #tpu.memory_space<vmem>>
    %dma_wait3A_2159 = arith.constant 0 : i32
    %dma_wait3A_2160 = tpu.memref_slice %arg11[%dma_wait3A_2159] : memref<1000000xf32, #tpu.memory_space<hbm>> -> memref<1000000xf32, #tpu.memory_space<hbm>>
    tpu.wait_indirect_dma semaphore(%arg49 : memref<!tpu.dma_semaphore, #tpu.memory_space<semaphore_mem>>) src(%dma_wait3A_2160 : memref<1000000xf32, #tpu.memory_space<hbm>>) dst(%dma_wait3A_2155 : memref<128xf32, #tpu.memory_space<vmem>>)
    %dma_wait3A_2161 = arith.constant 0 : i32
    %dma_wait3A_2162 = arith.constant 0 : i32
    %dma_wait3A_2163 = tpu.memref_slice %arg37[%dma_wait3A_2162] : memref<1024xi32, #tpu.memory_space<vmem>> -> memref<128xi32, #tpu.memory_space<vmem>>
    %dma_wait3A_2164 = arith.constant 0 : i32
    %dma_wait3A_2165 = tpu.memref_slice %arg34[%dma_wait3A_2161, %dma_wait3A_2164] : memref<24x128xi32, #tpu.memory_space<vmem>> -> memref<1x128xi32, #tpu.memory_space<vmem>>
    %dma_wait3A_2166 = tpu.memref_squeeze %dma_wait3A_2165 : memref<1x128xi32, #tpu.memory_space<vmem>> -> memref<128xi32, #tpu.memory_space<vmem>>
    %dma_wait3A_2167 = arith.constant 0 : i32
    %dma_wait3A_2168 = tpu.memref_slice %arg13[%dma_wait3A_2167] : memref<1000000xi32, #tpu.memory_space<hbm>> -> memref<1000000xi32, #tpu.memory_space<hbm>>
    tpu.wait_indirect_dma semaphore(%arg49 : memref<!tpu.dma_semaphore, #tpu.memory_space<semaphore_mem>>) src(%dma_wait3A_2168 : memref<1000000xi32, #tpu.memory_space<hbm>>) dst(%dma_wait3A_2163 : memref<128xi32, #tpu.memory_space<vmem>>)
    %dma_wait3A_2169 = arith.constant 1 : i32
    %dma_wait3A_2170 = arith.constant 128 : i32
    %dma_wait3A_2171 = tpu.memref_slice %arg35[%dma_wait3A_2170] : memref<1024xi32, #tpu.memory_space<vmem>> -> memref<128xi32, #tpu.memory_space<vmem>>
    %dma_wait3A_2172 = arith.constant 0 : i32
    %dma_wait3A_2173 = tpu.memref_slice %arg34[%dma_wait3A_2169, %dma_wait3A_2172] : memref<24x128xi32, #tpu.memory_space<vmem>> -> memref<1x128xi32, #tpu.memory_space<vmem>>
    %dma_wait3A_2174 = tpu.memref_squeeze %dma_wait3A_2173 : memref<1x128xi32, #tpu.memory_space<vmem>> -> memref<128xi32, #tpu.memory_space<vmem>>
    %dma_wait3A_2175 = arith.constant 0 : i32
    %dma_wait3A_2176 = tpu.memref_slice %arg12[%dma_wait3A_2175] : memref<1000000xi32, #tpu.memory_space<hbm>> -> memref<1000000xi32, #tpu.memory_space<hbm>>
    tpu.wait_indirect_dma semaphore(%arg49 : memref<!tpu.dma_semaphore, #tpu.memory_space<semaphore_mem>>) src(%dma_wait3A_2176 : memref<1000000xi32, #tpu.memory_space<hbm>>) dst(%dma_wait3A_2171 : memref<128xi32, #tpu.memory_space<vmem>>)
    %dma_wait3A_2177 = arith.constant 1 : i32
    %dma_wait3A_2178 = arith.constant 128 : i32
    %dma_wait3A_2179 = tpu.memref_slice %arg36[%dma_wait3A_2178] : memref<1024xf32, #tpu.memory_space<vmem>> -> memref<128xf32, #tpu.memory_space<vmem>>
    %dma_wait3A_2180 = arith.constant 0 : i32
    %dma_wait3A_2181 = tpu.memref_slice %arg34[%dma_wait3A_2177, %dma_wait3A_2180] : memref<24x128xi32, #tpu.memory_space<vmem>> -> memref<1x128xi32, #tpu.memory_space<vmem>>
    %dma_wait3A_2182 = tpu.memref_squeeze %dma_wait3A_2181 : memref<1x128xi32, #tpu.memory_space<vmem>> -> memref<128xi32, #tpu.memory_space<vmem>>
    %dma_wait3A_2183 = arith.constant 0 : i32
    %dma_wait3A_2184 = tpu.memref_slice %arg11[%dma_wait3A_2183] : memref<1000000xf32, #tpu.memory_space<hbm>> -> memref<1000000xf32, #tpu.memory_space<hbm>>
    tpu.wait_indirect_dma semaphore(%arg49 : memref<!tpu.dma_semaphore, #tpu.memory_space<semaphore_mem>>) src(%dma_wait3A_2184 : memref<1000000xf32, #tpu.memory_space<hbm>>) dst(%dma_wait3A_2179 : memref<128xf32, #tpu.memory_space<vmem>>)
    %dma_wait3A_2185 = arith.constant 1 : i32
    %dma_wait3A_2186 = arith.constant 128 : i32
    %dma_wait3A_2187 = tpu.memref_slice %arg37[%dma_wait3A_2186] : memref<1024xi32, #tpu.memory_space<vmem>> -> memref<128xi32, #tpu.memory_space<vmem>>
    %dma_wait3A_2188 = arith.constant 0 : i32
    %dma_wait3A_2189 = tpu.memref_slice %arg34[%dma_wait3A_2185, %dma_wait3A_2188] : memref<24x128xi32, #tpu.memory_space<vmem>> -> memref<1x128xi32, #tpu.memory_space<vmem>>
    %dma_wait3A_2190 = tpu.memref_squeeze %dma_wait3A_2189 : memref<1x128xi32, #tpu.memory_space<vmem>> -> memref<128xi32, #tpu.memory_space<vmem>>
    %dma_wait3A_2191 = arith.constant 0 : i32
    %dma_wait3A_2192 = tpu.memref_slice %arg13[%dma_wait3A_2191] : memref<1000000xi32, #tpu.memory_space<hbm>> -> memref<1000000xi32, #tpu.memory_space<hbm>>
    tpu.wait_indirect_dma semaphore(%arg49 : memref<!tpu.dma_semaphore, #tpu.memory_space<semaphore_mem>>) src(%dma_wait3A_2192 : memref<1000000xi32, #tpu.memory_space<hbm>>) dst(%dma_wait3A_2187 : memref<128xi32, #tpu.memory_space<vmem>>)
    %dma_wait3A_2193 = arith.constant 2 : i32
    %dma_wait3A_2194 = arith.constant 256 : i32
    %dma_wait3A_2195 = tpu.memref_slice %arg35[%dma_wait3A_2194] : memref<1024xi32, #tpu.memory_space<vmem>> -> memref<128xi32, #tpu.memory_space<vmem>>
    %dma_wait3A_2196 = arith.constant 0 : i32
    %dma_wait3A_2197 = tpu.memref_slice %arg34[%dma_wait3A_2193, %dma_wait3A_2196] : memref<24x128xi32, #tpu.memory_space<vmem>> -> memref<1x128xi32, #tpu.memory_space<vmem>>
    %dma_wait3A_2198 = tpu.memref_squeeze %dma_wait3A_2197 : memref<1x128xi32, #tpu.memory_space<vmem>> -> memref<128xi32, #tpu.memory_space<vmem>>
    %dma_wait3A_2199 = arith.constant 0 : i32
    %dma_wait3A_2200 = tpu.memref_slice %arg12[%dma_wait3A_2199] : memref<1000000xi32, #tpu.memory_space<hbm>> -> memref<1000000xi32, #tpu.memory_space<hbm>>
    tpu.wait_indirect_dma semaphore(%arg49 : memref<!tpu.dma_semaphore, #tpu.memory_space<semaphore_mem>>) src(%dma_wait3A_2200 : memref<1000000xi32, #tpu.memory_space<hbm>>) dst(%dma_wait3A_2195 : memref<128xi32, #tpu.memory_space<vmem>>)
    %dma_wait3A_2201 = arith.constant 2 : i32
    %dma_wait3A_2202 = arith.constant 256 : i32
    %dma_wait3A_2203 = tpu.memref_slice %arg36[%dma_wait3A_2202] : memref<1024xf32, #tpu.memory_space<vmem>> -> memref<128xf32, #tpu.memory_space<vmem>>
    %dma_wait3A_2204 = arith.constant 0 : i32
    %dma_wait3A_2205 = tpu.memref_slice %arg34[%dma_wait3A_2201, %dma_wait3A_2204] : memref<24x128xi32, #tpu.memory_space<vmem>> -> memref<1x128xi32, #tpu.memory_space<vmem>>
    %dma_wait3A_2206 = tpu.memref_squeeze %dma_wait3A_2205 : memref<1x128xi32, #tpu.memory_space<vmem>> -> memref<128xi32, #tpu.memory_space<vmem>>
    %dma_wait3A_2207 = arith.constant 0 : i32
    %dma_wait3A_2208 = tpu.memref_slice %arg11[%dma_wait3A_2207] : memref<1000000xf32, #tpu.memory_space<hbm>> -> memref<1000000xf32, #tpu.memory_space<hbm>>
    tpu.wait_indirect_dma semaphore(%arg49 : memref<!tpu.dma_semaphore, #tpu.memory_space<semaphore_mem>>) src(%dma_wait3A_2208 : memref<1000000xf32, #tpu.memory_space<hbm>>) dst(%dma_wait3A_2203 : memref<128xf32, #tpu.memory_space<vmem>>)
    %dma_wait3A_2209 = arith.constant 2 : i32
    %dma_wait3A_2210 = arith.constant 256 : i32
    %dma_wait3A_2211 = tpu.memref_slice %arg37[%dma_wait3A_2210] : memref<1024xi32, #tpu.memory_space<vmem>> -> memref<128xi32, #tpu.memory_space<vmem>>
    %dma_wait3A_2212 = arith.constant 0 : i32
    %dma_wait3A_2213 = tpu.memref_slice %arg34[%dma_wait3A_2209, %dma_wait3A_2212] : memref<24x128xi32, #tpu.memory_space<vmem>> -> memref<1x128xi32, #tpu.memory_space<vmem>>
    %dma_wait3A_2214 = tpu.memref_squeeze %dma_wait3A_2213 : memref<1x128xi32, #tpu.memory_space<vmem>> -> memref<128xi32, #tpu.memory_space<vmem>>
    %dma_wait3A_2215 = arith.constant 0 : i32
    %dma_wait3A_2216 = tpu.memref_slice %arg13[%dma_wait3A_2215] : memref<1000000xi32, #tpu.memory_space<hbm>> -> memref<1000000xi32, #tpu.memory_space<hbm>>
    tpu.wait_indirect_dma semaphore(%arg49 : memref<!tpu.dma_semaphore, #tpu.memory_space<semaphore_mem>>) src(%dma_wait3A_2216 : memref<1000000xi32, #tpu.memory_space<hbm>>) dst(%dma_wait3A_2211 : memref<128xi32, #tpu.memory_space<vmem>>)
    %dma_wait3A_2217 = arith.constant 3 : i32
    %dma_wait3A_2218 = arith.constant 384 : i32
    %dma_wait3A_2219 = tpu.memref_slice %arg35[%dma_wait3A_2218] : memref<1024xi32, #tpu.memory_space<vmem>> -> memref<128xi32, #tpu.memory_space<vmem>>
    %dma_wait3A_2220 = arith.constant 0 : i32
    %dma_wait3A_2221 = tpu.memref_slice %arg34[%dma_wait3A_2217, %dma_wait3A_2220] : memref<24x128xi32, #tpu.memory_space<vmem>> -> memref<1x128xi32, #tpu.memory_space<vmem>>
    %dma_wait3A_2222 = tpu.memref_squeeze %dma_wait3A_2221 : memref<1x128xi32, #tpu.memory_space<vmem>> -> memref<128xi32, #tpu.memory_space<vmem>>
    %dma_wait3A_2223 = arith.constant 0 : i32
    %dma_wait3A_2224 = tpu.memref_slice %arg12[%dma_wait3A_2223] : memref<1000000xi32, #tpu.memory_space<hbm>> -> memref<1000000xi32, #tpu.memory_space<hbm>>
    tpu.wait_indirect_dma semaphore(%arg49 : memref<!tpu.dma_semaphore, #tpu.memory_space<semaphore_mem>>) src(%dma_wait3A_2224 : memref<1000000xi32, #tpu.memory_space<hbm>>) dst(%dma_wait3A_2219 : memref<128xi32, #tpu.memory_space<vmem>>)
    %dma_wait3A_2225 = arith.constant 3 : i32
    %dma_wait3A_2226 = arith.constant 384 : i32
    %dma_wait3A_2227 = tpu.memref_slice %arg36[%dma_wait3A_2226] : memref<1024xf32, #tpu.memory_space<vmem>> -> memref<128xf32, #tpu.memory_space<vmem>>
    %dma_wait3A_2228 = arith.constant 0 : i32
    %dma_wait3A_2229 = tpu.memref_slice %arg34[%dma_wait3A_2225, %dma_wait3A_2228] : memref<24x128xi32, #tpu.memory_space<vmem>> -> memref<1x128xi32, #tpu.memory_space<vmem>>
    %dma_wait3A_2230 = tpu.memref_squeeze %dma_wait3A_2229 : memref<1x128xi32, #tpu.memory_space<vmem>> -> memref<128xi32, #tpu.memory_space<vmem>>
    %dma_wait3A_2231 = arith.constant 0 : i32
    %dma_wait3A_2232 = tpu.memref_slice %arg11[%dma_wait3A_2231] : memref<1000000xf32, #tpu.memory_space<hbm>> -> memref<1000000xf32, #tpu.memory_space<hbm>>
    tpu.wait_indirect_dma semaphore(%arg49 : memref<!tpu.dma_semaphore, #tpu.memory_space<semaphore_mem>>) src(%dma_wait3A_2232 : memref<1000000xf32, #tpu.memory_space<hbm>>) dst(%dma_wait3A_2227 : memref<128xf32, #tpu.memory_space<vmem>>)
    %dma_wait3A_2233 = arith.constant 3 : i32
    %dma_wait3A_2234 = arith.constant 384 : i32
    %dma_wait3A_2235 = tpu.memref_slice %arg37[%dma_wait3A_2234] : memref<1024xi32, #tpu.memory_space<vmem>> -> memref<128xi32, #tpu.memory_space<vmem>>
    %dma_wait3A_2236 = arith.constant 0 : i32
    %dma_wait3A_2237 = tpu.memref_slice %arg34[%dma_wait3A_2233, %dma_wait3A_2236] : memref<24x128xi32, #tpu.memory_space<vmem>> -> memref<1x128xi32, #tpu.memory_space<vmem>>
    %dma_wait3A_2238 = tpu.memref_squeeze %dma_wait3A_2237 : memref<1x128xi32, #tpu.memory_space<vmem>> -> memref<128xi32, #tpu.memory_space<vmem>>
    %dma_wait3A_2239 = arith.constant 0 : i32
    %dma_wait3A_2240 = tpu.memref_slice %arg13[%dma_wait3A_2239] : memref<1000000xi32, #tpu.memory_space<hbm>> -> memref<1000000xi32, #tpu.memory_space<hbm>>
    tpu.wait_indirect_dma semaphore(%arg49 : memref<!tpu.dma_semaphore, #tpu.memory_space<semaphore_mem>>) src(%dma_wait3A_2240 : memref<1000000xi32, #tpu.memory_space<hbm>>) dst(%dma_wait3A_2235 : memref<128xi32, #tpu.memory_space<vmem>>)
    %dma_wait3A_2241 = arith.constant 4 : i32
    %dma_wait3A_2242 = arith.constant 512 : i32
    %dma_wait3A_2243 = tpu.memref_slice %arg35[%dma_wait3A_2242] : memref<1024xi32, #tpu.memory_space<vmem>> -> memref<128xi32, #tpu.memory_space<vmem>>
    %dma_wait3A_2244 = arith.constant 0 : i32
    %dma_wait3A_2245 = tpu.memref_slice %arg34[%dma_wait3A_2241, %dma_wait3A_2244] : memref<24x128xi32, #tpu.memory_space<vmem>> -> memref<1x128xi32, #tpu.memory_space<vmem>>
    %dma_wait3A_2246 = tpu.memref_squeeze %dma_wait3A_2245 : memref<1x128xi32, #tpu.memory_space<vmem>> -> memref<128xi32, #tpu.memory_space<vmem>>
    %dma_wait3A_2247 = arith.constant 0 : i32
    %dma_wait3A_2248 = tpu.memref_slice %arg12[%dma_wait3A_2247] : memref<1000000xi32, #tpu.memory_space<hbm>> -> memref<1000000xi32, #tpu.memory_space<hbm>>
    tpu.wait_indirect_dma semaphore(%arg49 : memref<!tpu.dma_semaphore, #tpu.memory_space<semaphore_mem>>) src(%dma_wait3A_2248 : memref<1000000xi32, #tpu.memory_space<hbm>>) dst(%dma_wait3A_2243 : memref<128xi32, #tpu.memory_space<vmem>>)
    %dma_wait3A_2249 = arith.constant 4 : i32
    %dma_wait3A_2250 = arith.constant 512 : i32
    %dma_wait3A_2251 = tpu.memref_slice %arg36[%dma_wait3A_2250] : memref<1024xf32, #tpu.memory_space<vmem>> -> memref<128xf32, #tpu.memory_space<vmem>>
    %dma_wait3A_2252 = arith.constant 0 : i32
    %dma_wait3A_2253 = tpu.memref_slice %arg34[%dma_wait3A_2249, %dma_wait3A_2252] : memref<24x128xi32, #tpu.memory_space<vmem>> -> memref<1x128xi32, #tpu.memory_space<vmem>>
    %dma_wait3A_2254 = tpu.memref_squeeze %dma_wait3A_2253 : memref<1x128xi32, #tpu.memory_space<vmem>> -> memref<128xi32, #tpu.memory_space<vmem>>
    %dma_wait3A_2255 = arith.constant 0 : i32
    %dma_wait3A_2256 = tpu.memref_slice %arg11[%dma_wait3A_2255] : memref<1000000xf32, #tpu.memory_space<hbm>> -> memref<1000000xf32, #tpu.memory_space<hbm>>
    tpu.wait_indirect_dma semaphore(%arg49 : memref<!tpu.dma_semaphore, #tpu.memory_space<semaphore_mem>>) src(%dma_wait3A_2256 : memref<1000000xf32, #tpu.memory_space<hbm>>) dst(%dma_wait3A_2251 : memref<128xf32, #tpu.memory_space<vmem>>)
    %dma_wait3A_2257 = arith.constant 4 : i32
    %dma_wait3A_2258 = arith.constant 512 : i32
    %dma_wait3A_2259 = tpu.memref_slice %arg37[%dma_wait3A_2258] : memref<1024xi32, #tpu.memory_space<vmem>> -> memref<128xi32, #tpu.memory_space<vmem>>
    %dma_wait3A_2260 = arith.constant 0 : i32
    %dma_wait3A_2261 = tpu.memref_slice %arg34[%dma_wait3A_2257, %dma_wait3A_2260] : memref<24x128xi32, #tpu.memory_space<vmem>> -> memref<1x128xi32, #tpu.memory_space<vmem>>
    %dma_wait3A_2262 = tpu.memref_squeeze %dma_wait3A_2261 : memref<1x128xi32, #tpu.memory_space<vmem>> -> memref<128xi32, #tpu.memory_space<vmem>>
    %dma_wait3A_2263 = arith.constant 0 : i32
    %dma_wait3A_2264 = tpu.memref_slice %arg13[%dma_wait3A_2263] : memref<1000000xi32, #tpu.memory_space<hbm>> -> memref<1000000xi32, #tpu.memory_space<hbm>>
    tpu.wait_indirect_dma semaphore(%arg49 : memref<!tpu.dma_semaphore, #tpu.memory_space<semaphore_mem>>) src(%dma_wait3A_2264 : memref<1000000xi32, #tpu.memory_space<hbm>>) dst(%dma_wait3A_2259 : memref<128xi32, #tpu.memory_space<vmem>>)
    %dma_wait3A_2265 = arith.constant 5 : i32
    %dma_wait3A_2266 = arith.constant 640 : i32
    %dma_wait3A_2267 = tpu.memref_slice %arg35[%dma_wait3A_2266] : memref<1024xi32, #tpu.memory_space<vmem>> -> memref<128xi32, #tpu.memory_space<vmem>>
    %dma_wait3A_2268 = arith.constant 0 : i32
    %dma_wait3A_2269 = tpu.memref_slice %arg34[%dma_wait3A_2265, %dma_wait3A_2268] : memref<24x128xi32, #tpu.memory_space<vmem>> -> memref<1x128xi32, #tpu.memory_space<vmem>>
    %dma_wait3A_2270 = tpu.memref_squeeze %dma_wait3A_2269 : memref<1x128xi32, #tpu.memory_space<vmem>> -> memref<128xi32, #tpu.memory_space<vmem>>
    %dma_wait3A_2271 = arith.constant 0 : i32
    %dma_wait3A_2272 = tpu.memref_slice %arg12[%dma_wait3A_2271] : memref<1000000xi32, #tpu.memory_space<hbm>> -> memref<1000000xi32, #tpu.memory_space<hbm>>
    tpu.wait_indirect_dma semaphore(%arg49 : memref<!tpu.dma_semaphore, #tpu.memory_space<semaphore_mem>>) src(%dma_wait3A_2272 : memref<1000000xi32, #tpu.memory_space<hbm>>) dst(%dma_wait3A_2267 : memref<128xi32, #tpu.memory_space<vmem>>)
    %dma_wait3A_2273 = arith.constant 5 : i32
    %dma_wait3A_2274 = arith.constant 640 : i32
    %dma_wait3A_2275 = tpu.memref_slice %arg36[%dma_wait3A_2274] : memref<1024xf32, #tpu.memory_space<vmem>> -> memref<128xf32, #tpu.memory_space<vmem>>
    %dma_wait3A_2276 = arith.constant 0 : i32
    %dma_wait3A_2277 = tpu.memref_slice %arg34[%dma_wait3A_2273, %dma_wait3A_2276] : memref<24x128xi32, #tpu.memory_space<vmem>> -> memref<1x128xi32, #tpu.memory_space<vmem>>
    %dma_wait3A_2278 = tpu.memref_squeeze %dma_wait3A_2277 : memref<1x128xi32, #tpu.memory_space<vmem>> -> memref<128xi32, #tpu.memory_space<vmem>>
    %dma_wait3A_2279 = arith.constant 0 : i32
    %dma_wait3A_2280 = tpu.memref_slice %arg11[%dma_wait3A_2279] : memref<1000000xf32, #tpu.memory_space<hbm>> -> memref<1000000xf32, #tpu.memory_space<hbm>>
    tpu.wait_indirect_dma semaphore(%arg49 : memref<!tpu.dma_semaphore, #tpu.memory_space<semaphore_mem>>) src(%dma_wait3A_2280 : memref<1000000xf32, #tpu.memory_space<hbm>>) dst(%dma_wait3A_2275 : memref<128xf32, #tpu.memory_space<vmem>>)
    %dma_wait3A_2281 = arith.constant 5 : i32
    %dma_wait3A_2282 = arith.constant 640 : i32
    %dma_wait3A_2283 = tpu.memref_slice %arg37[%dma_wait3A_2282] : memref<1024xi32, #tpu.memory_space<vmem>> -> memref<128xi32, #tpu.memory_space<vmem>>
    %dma_wait3A_2284 = arith.constant 0 : i32
    %dma_wait3A_2285 = tpu.memref_slice %arg34[%dma_wait3A_2281, %dma_wait3A_2284] : memref<24x128xi32, #tpu.memory_space<vmem>> -> memref<1x128xi32, #tpu.memory_space<vmem>>
    %dma_wait3A_2286 = tpu.memref_squeeze %dma_wait3A_2285 : memref<1x128xi32, #tpu.memory_space<vmem>> -> memref<128xi32, #tpu.memory_space<vmem>>
    %dma_wait3A_2287 = arith.constant 0 : i32
    %dma_wait3A_2288 = tpu.memref_slice %arg13[%dma_wait3A_2287] : memref<1000000xi32, #tpu.memory_space<hbm>> -> memref<1000000xi32, #tpu.memory_space<hbm>>
    tpu.wait_indirect_dma semaphore(%arg49 : memref<!tpu.dma_semaphore, #tpu.memory_space<semaphore_mem>>) src(%dma_wait3A_2288 : memref<1000000xi32, #tpu.memory_space<hbm>>) dst(%dma_wait3A_2283 : memref<128xi32, #tpu.memory_space<vmem>>)
    %dma_wait3A_2289 = arith.constant 6 : i32
    %dma_wait3A_2290 = arith.constant 768 : i32
    %dma_wait3A_2291 = tpu.memref_slice %arg35[%dma_wait3A_2290] : memref<1024xi32, #tpu.memory_space<vmem>> -> memref<128xi32, #tpu.memory_space<vmem>>
    %dma_wait3A_2292 = arith.constant 0 : i32
    %dma_wait3A_2293 = tpu.memref_slice %arg34[%dma_wait3A_2289, %dma_wait3A_2292] : memref<24x128xi32, #tpu.memory_space<vmem>> -> memref<1x128xi32, #tpu.memory_space<vmem>>
    %dma_wait3A_2294 = tpu.memref_squeeze %dma_wait3A_2293 : memref<1x128xi32, #tpu.memory_space<vmem>> -> memref<128xi32, #tpu.memory_space<vmem>>
    %dma_wait3A_2295 = arith.constant 0 : i32
    %dma_wait3A_2296 = tpu.memref_slice %arg12[%dma_wait3A_2295] : memref<1000000xi32, #tpu.memory_space<hbm>> -> memref<1000000xi32, #tpu.memory_space<hbm>>
    tpu.wait_indirect_dma semaphore(%arg49 : memref<!tpu.dma_semaphore, #tpu.memory_space<semaphore_mem>>) src(%dma_wait3A_2296 : memref<1000000xi32, #tpu.memory_space<hbm>>) dst(%dma_wait3A_2291 : memref<128xi32, #tpu.memory_space<vmem>>)
    %dma_wait3A_2297 = arith.constant 6 : i32
    %dma_wait3A_2298 = arith.constant 768 : i32
    %dma_wait3A_2299 = tpu.memref_slice %arg36[%dma_wait3A_2298] : memref<1024xf32, #tpu.memory_space<vmem>> -> memref<128xf32, #tpu.memory_space<vmem>>
    %dma_wait3A_2300 = arith.constant 0 : i32
    %dma_wait3A_2301 = tpu.memref_slice %arg34[%dma_wait3A_2297, %dma_wait3A_2300] : memref<24x128xi32, #tpu.memory_space<vmem>> -> memref<1x128xi32, #tpu.memory_space<vmem>>
    %dma_wait3A_2302 = tpu.memref_squeeze %dma_wait3A_2301 : memref<1x128xi32, #tpu.memory_space<vmem>> -> memref<128xi32, #tpu.memory_space<vmem>>
    %dma_wait3A_2303 = arith.constant 0 : i32
    %dma_wait3A_2304 = tpu.memref_slice %arg11[%dma_wait3A_2303] : memref<1000000xf32, #tpu.memory_space<hbm>> -> memref<1000000xf32, #tpu.memory_space<hbm>>
    tpu.wait_indirect_dma semaphore(%arg49 : memref<!tpu.dma_semaphore, #tpu.memory_space<semaphore_mem>>) src(%dma_wait3A_2304 : memref<1000000xf32, #tpu.memory_space<hbm>>) dst(%dma_wait3A_2299 : memref<128xf32, #tpu.memory_space<vmem>>)
    %dma_wait3A_2305 = arith.constant 6 : i32
    %dma_wait3A_2306 = arith.constant 768 : i32
    %dma_wait3A_2307 = tpu.memref_slice %arg37[%dma_wait3A_2306] : memref<1024xi32, #tpu.memory_space<vmem>> -> memref<128xi32, #tpu.memory_space<vmem>>
    %dma_wait3A_2308 = arith.constant 0 : i32
    %dma_wait3A_2309 = tpu.memref_slice %arg34[%dma_wait3A_2305, %dma_wait3A_2308] : memref<24x128xi32, #tpu.memory_space<vmem>> -> memref<1x128xi32, #tpu.memory_space<vmem>>
    %dma_wait3A_2310 = tpu.memref_squeeze %dma_wait3A_2309 : memref<1x128xi32, #tpu.memory_space<vmem>> -> memref<128xi32, #tpu.memory_space<vmem>>
    %dma_wait3A_2311 = arith.constant 0 : i32
    %dma_wait3A_2312 = tpu.memref_slice %arg13[%dma_wait3A_2311] : memref<1000000xi32, #tpu.memory_space<hbm>> -> memref<1000000xi32, #tpu.memory_space<hbm>>
    tpu.wait_indirect_dma semaphore(%arg49 : memref<!tpu.dma_semaphore, #tpu.memory_space<semaphore_mem>>) src(%dma_wait3A_2312 : memref<1000000xi32, #tpu.memory_space<hbm>>) dst(%dma_wait3A_2307 : memref<128xi32, #tpu.memory_space<vmem>>)
    %dma_wait3A_2313 = arith.constant 7 : i32
    %dma_wait3A_2314 = arith.constant 896 : i32
    %dma_wait3A_2315 = tpu.memref_slice %arg35[%dma_wait3A_2314] : memref<1024xi32, #tpu.memory_space<vmem>> -> memref<128xi32, #tpu.memory_space<vmem>>
    %dma_wait3A_2316 = arith.constant 0 : i32
    %dma_wait3A_2317 = tpu.memref_slice %arg34[%dma_wait3A_2313, %dma_wait3A_2316] : memref<24x128xi32, #tpu.memory_space<vmem>> -> memref<1x128xi32, #tpu.memory_space<vmem>>
    %dma_wait3A_2318 = tpu.memref_squeeze %dma_wait3A_2317 : memref<1x128xi32, #tpu.memory_space<vmem>> -> memref<128xi32, #tpu.memory_space<vmem>>
    %dma_wait3A_2319 = arith.constant 0 : i32
    %dma_wait3A_2320 = tpu.memref_slice %arg12[%dma_wait3A_2319] : memref<1000000xi32, #tpu.memory_space<hbm>> -> memref<1000000xi32, #tpu.memory_space<hbm>>
    tpu.wait_indirect_dma semaphore(%arg49 : memref<!tpu.dma_semaphore, #tpu.memory_space<semaphore_mem>>) src(%dma_wait3A_2320 : memref<1000000xi32, #tpu.memory_space<hbm>>) dst(%dma_wait3A_2315 : memref<128xi32, #tpu.memory_space<vmem>>)
    %dma_wait3A_2321 = arith.constant 7 : i32
    %dma_wait3A_2322 = arith.constant 896 : i32
    %dma_wait3A_2323 = tpu.memref_slice %arg36[%dma_wait3A_2322] : memref<1024xf32, #tpu.memory_space<vmem>> -> memref<128xf32, #tpu.memory_space<vmem>>
    %dma_wait3A_2324 = arith.constant 0 : i32
    %dma_wait3A_2325 = tpu.memref_slice %arg34[%dma_wait3A_2321, %dma_wait3A_2324] : memref<24x128xi32, #tpu.memory_space<vmem>> -> memref<1x128xi32, #tpu.memory_space<vmem>>
    %dma_wait3A_2326 = tpu.memref_squeeze %dma_wait3A_2325 : memref<1x128xi32, #tpu.memory_space<vmem>> -> memref<128xi32, #tpu.memory_space<vmem>>
    %dma_wait3A_2327 = arith.constant 0 : i32
    %dma_wait3A_2328 = tpu.memref_slice %arg11[%dma_wait3A_2327] : memref<1000000xf32, #tpu.memory_space<hbm>> -> memref<1000000xf32, #tpu.memory_space<hbm>>
    tpu.wait_indirect_dma semaphore(%arg49 : memref<!tpu.dma_semaphore, #tpu.memory_space<semaphore_mem>>) src(%dma_wait3A_2328 : memref<1000000xf32, #tpu.memory_space<hbm>>) dst(%dma_wait3A_2323 : memref<128xf32, #tpu.memory_space<vmem>>)
    %dma_wait3A_2329 = arith.constant 7 : i32
    %dma_wait3A_2330 = arith.constant 896 : i32
    %dma_wait3A_2331 = tpu.memref_slice %arg37[%dma_wait3A_2330] : memref<1024xi32, #tpu.memory_space<vmem>> -> memref<128xi32, #tpu.memory_space<vmem>>
    %dma_wait3A_2332 = arith.constant 0 : i32
    %dma_wait3A_2333 = tpu.memref_slice %arg34[%dma_wait3A_2329, %dma_wait3A_2332] : memref<24x128xi32, #tpu.memory_space<vmem>> -> memref<1x128xi32, #tpu.memory_space<vmem>>
    %dma_wait3A_2334 = tpu.memref_squeeze %dma_wait3A_2333 : memref<1x128xi32, #tpu.memory_space<vmem>> -> memref<128xi32, #tpu.memory_space<vmem>>
    %dma_wait3A_2335 = arith.constant 0 : i32
    %dma_wait3A_2336 = tpu.memref_slice %arg13[%dma_wait3A_2335] : memref<1000000xi32, #tpu.memory_space<hbm>> -> memref<1000000xi32, #tpu.memory_space<hbm>>
    tpu.wait_indirect_dma semaphore(%arg49 : memref<!tpu.dma_semaphore, #tpu.memory_space<semaphore_mem>>) src(%dma_wait3A_2336 : memref<1000000xi32, #tpu.memory_space<hbm>>) dst(%dma_wait3A_2331 : memref<128xi32, #tpu.memory_space<vmem>>)
    %broadcast_in_dim3A_2337 = arith.constant 0 : i32
    %broadcast_in_dim3A_2338 = vector.broadcast %broadcast_in_dim3A_2337 : i32 to vector<16xi32>
    %jit3A_2339 = arith.constant 0 : i32
    %broadcast_in_dim3A_2340 = vector.broadcast %jit3A_2339 : i32 to vector<16xi32>
    %select_n3A_2341 = arith.select %lt3A_4, %sub3A, %broadcast_in_dim3A_2340 : vector<16xi1>, vector<16xi32>
    %reduce_max3A = arith.constant true
    %reduce_max3A_2342 = vector.broadcast %reduce_max3A : i1 to vector<16xi1>
    %reduce_max3A_2343 = arith.constant -2147483648 : i32
    %reduce_max3A_2344 = vector.broadcast %reduce_max3A_2343 : i32 to vector<16xi32>
    %reduce_max3A_2345 = arith.xori %select_n3A_2341, %reduce_max3A_2344 : vector<16xi32>
    %reduce_max3A_2346 = tpu.scan <max>, %reduce_max3A_2345 masked %reduce_max3A_2342 : vector<16xi32>, vector<16xi1> -> vector<16xi32>
    %reduce_max3A_2347 = arith.xori %reduce_max3A_2346, %reduce_max3A_2344 : vector<16xi32>
    %reduce_max3A_2348 = vector.extract %reduce_max3A_2347[15] : i32 from vector<16xi32>
    %while3A = arith.constant 0 : i32
    %while3A_2349 = arith.constant 0 : i32
    %while3A_2350 = arith.subi %reduce_max3A_2348, %while3A_2349 : i32
    %while3A_2351 = arith.addi %while3A_2349, %while3A_2350 : i32
    %while3A_2352 = arith.constant 1 : i32
    %while3A_2353 = arith.divsi %while3A_2350, %while3A_2352 : i32
    %while3A_2354 = arith.muli %while3A_2353, %while3A_2352 : i32
    %while3A_2355 = arith.addi %while3A_2349, %while3A_2354 : i32
    %while3A_2356 = arith.constant 1 : i32
    scf.for %while3A_2791 = %while3A_2349 to %while3A_2355 step %while3A_2356  : i32 {
      %mul3A_2792 = arith.constant 16 : i32
      %mul3A_2793 = arith.muli %while3A_2791, %mul3A_2792 : i32
      %get3A_2794 = arith.index_cast %mul3A_2793 : i32 to index
      %get3A_2795 = tpu.vector_load %arg35[%get3A_2794] {strides = array<i32>} : memref<1024xi32, #tpu.memory_space<vmem>>, vector<16xi32>,
      %get3A_2796 = arith.index_cast %mul3A_2793 : i32 to index
      %get3A_2797 = tpu.vector_load %arg36[%get3A_2796] {strides = array<i32>} : memref<1024xf32, #tpu.memory_space<vmem>>, vector<16xf32>,
      %get3A_2798 = arith.index_cast %mul3A_2793 : i32 to index
      %get3A_2799 = tpu.vector_load %arg37[%get3A_2798] {strides = array<i32>} : memref<1024xi32, #tpu.memory_space<vmem>>, vector<16xi32>,
      %lt3A_2800 = vector.broadcast %while3A_2791 : i32 to vector<16xi32>
      %lt3A_2801 = arith.cmpi slt, %lt3A_2800, %sub3A : vector<16xi32>
      %and3A_2802 = arith.andi %lt3A_4, %lt3A_2801 : vector<16xi1>
      %gather3A_2803 = tpu.vector_load_idx %arg44[%and3A_6, %get3A_2795] masked %and3A_2802 : memref<8x1024xi32, #tpu.memory_space<vmem>>[vector<16xi32>, vector<16xi32>], vector<16xi32>, vector<16xi1>
      %gather3A_2804 = tpu.vector_load_idx %arg45[%and3A_6, %get3A_2795] masked %and3A_2802 : memref<8x1024xf32, #tpu.memory_space<vmem>>[vector<16xi32>, vector<16xi32>], vector<16xf32>, vector<16xi1>
      %gather3A_2805 = tpu.vector_load_idx %arg46[%and3A_6, %get3A_2795] masked %and3A_2802 : memref<8x1024xi32, #tpu.memory_space<vmem>>[vector<16xi32>, vector<16xi32>], vector<16xi32>, vector<16xi1>
      %add3A_2806 = arith.addf %broadcast_in_dim3A_2133, %get3A_2797 : vector<16xf32>
      %mul3A_2807 = arith.mulf %add3A_2806, %gather3A_2128 : vector<16xf32>
      %lt3A_2808 = arith.cmpi slt, %broadcast_in_dim3A_2338, %gather3A_2803 : vector<16xi32>
      %eq3A = arith.cmpi eq, %broadcast_in_dim3A_2338, %gather3A_2803 : vector<16xi32>
      %max3A = arith.maximumf %gather3A_2804, %mul3A_2807 : vector<16xf32>
      %select_n3A_2809 = arith.select %eq3A, %max3A, %gather3A_2804 : vector<16xi1>, vector<16xf32>
      %select_n3A_2810 = arith.select %lt3A_2808, %mul3A_2807, %select_n3A_2809 : vector<16xi1>, vector<16xf32>
      %max3A_2811 = arith.maxsi %gather3A_2805, %get3A_2799 : vector<16xi32>
      %select_n3A_2812 = arith.select %eq3A, %max3A_2811, %gather3A_2805 : vector<16xi1>, vector<16xi32>
      %select_n3A_2813 = arith.select %lt3A_2808, %get3A_2799, %select_n3A_2812 : vector<16xi1>, vector<16xi32>
      %min3A = arith.minsi %gather3A_2803, %broadcast_in_dim3A_2338 : vector<16xi32>
      tpu.vector_store_idx %arg45[%and3A_6, %get3A_2795], %select_n3A_2810 masked %and3A_2802 : memref<8x1024xf32, #tpu.memory_space<vmem>>[vector<16xi32>, vector<16xi32>], vector<16xf32>, vector<16xi1>
      tpu.vector_store_idx %arg46[%and3A_6, %get3A_2795], %select_n3A_2813 masked %and3A_2802 : memref<8x1024xi32, #tpu.memory_space<vmem>>[vector<16xi32>, vector<16xi32>], vector<16xi32>, vector<16xi1>
      tpu.vector_store_idx %arg44[%and3A_6, %get3A_2795], %min3A masked %and3A_2802 : memref<8x1024xi32, #tpu.memory_space<vmem>>[vector<16xi32>, vector<16xi32>], vector<16xi32>, vector<16xi1>
    }
    %while3A_2357 = arith.constant 1 : i32
    scf.for %while3A_2791 = %while3A_2355 to %while3A_2351 step %while3A_2357  : i32 {
      %mul3A_2792 = arith.constant 16 : i32
      %mul3A_2793 = arith.muli %while3A_2791, %mul3A_2792 : i32
      %get3A_2794 = arith.index_cast %mul3A_2793 : i32 to index
      %get3A_2795 = tpu.vector_load %arg35[%get3A_2794] {strides = array<i32>} : memref<1024xi32, #tpu.memory_space<vmem>>, vector<16xi32>,
      %get3A_2796 = arith.index_cast %mul3A_2793 : i32 to index
      %get3A_2797 = tpu.vector_load %arg36[%get3A_2796] {strides = array<i32>} : memref<1024xf32, #tpu.memory_space<vmem>>, vector<16xf32>,
      %get3A_2798 = arith.index_cast %mul3A_2793 : i32 to index
      %get3A_2799 = tpu.vector_load %arg37[%get3A_2798] {strides = array<i32>} : memref<1024xi32, #tpu.memory_space<vmem>>, vector<16xi32>,
      %lt3A_2800 = vector.broadcast %while3A_2791 : i32 to vector<16xi32>
      %lt3A_2801 = arith.cmpi slt, %lt3A_2800, %sub3A : vector<16xi32>
      %and3A_2802 = arith.andi %lt3A_4, %lt3A_2801 : vector<16xi1>
      %gather3A_2803 = tpu.vector_load_idx %arg44[%and3A_6, %get3A_2795] masked %and3A_2802 : memref<8x1024xi32, #tpu.memory_space<vmem>>[vector<16xi32>, vector<16xi32>], vector<16xi32>, vector<16xi1>
      %gather3A_2804 = tpu.vector_load_idx %arg45[%and3A_6, %get3A_2795] masked %and3A_2802 : memref<8x1024xf32, #tpu.memory_space<vmem>>[vector<16xi32>, vector<16xi32>], vector<16xf32>, vector<16xi1>
      %gather3A_2805 = tpu.vector_load_idx %arg46[%and3A_6, %get3A_2795] masked %and3A_2802 : memref<8x1024xi32, #tpu.memory_space<vmem>>[vector<16xi32>, vector<16xi32>], vector<16xi32>, vector<16xi1>
      %add3A_2806 = arith.addf %broadcast_in_dim3A_2133, %get3A_2797 : vector<16xf32>
      %mul3A_2807 = arith.mulf %add3A_2806, %gather3A_2128 : vector<16xf32>
      %lt3A_2808 = arith.cmpi slt, %broadcast_in_dim3A_2338, %gather3A_2803 : vector<16xi32>
      %eq3A = arith.cmpi eq, %broadcast_in_dim3A_2338, %gather3A_2803 : vector<16xi32>
      %max3A = arith.maximumf %gather3A_2804, %mul3A_2807 : vector<16xf32>
      %select_n3A_2809 = arith.select %eq3A, %max3A, %gather3A_2804 : vector<16xi1>, vector<16xf32>
      %select_n3A_2810 = arith.select %lt3A_2808, %mul3A_2807, %select_n3A_2809 : vector<16xi1>, vector<16xf32>
      %max3A_2811 = arith.maxsi %gather3A_2805, %get3A_2799 : vector<16xi32>
      %select_n3A_2812 = arith.select %eq3A, %max3A_2811, %gather3A_2805 : vector<16xi1>, vector<16xi32>
      %select_n3A_2813 = arith.select %lt3A_2808, %get3A_2799, %select_n3A_2812 : vector<16xi1>, vector<16xi32>
      %min3A = arith.minsi %gather3A_2803, %broadcast_in_dim3A_2338 : vector<16xi32>
      tpu.vector_store_idx %arg45[%and3A_6, %get3A_2795], %select_n3A_2810 masked %and3A_2802 : memref<8x1024xf32, #tpu.memory_space<vmem>>[vector<16xi32>, vector<16xi32>], vector<16xf32>, vector<16xi1>
      tpu.vector_store_idx %arg46[%and3A_6, %get3A_2795], %select_n3A_2813 masked %and3A_2802 : memref<8x1024xi32, #tpu.memory_space<vmem>>[vector<16xi32>, vector<16xi32>], vector<16xi32>, vector<16xi1>
      tpu.vector_store_idx %arg44[%and3A_6, %get3A_2795], %min3A masked %and3A_2802 : memref<8x1024xi32, #tpu.memory_space<vmem>>[vector<16xi32>, vector<16xi32>], vector<16xi32>, vector<16xi1>
    }
    %dma_wait3A_2358 = arith.constant 8 : i32
    %dma_wait3A_2359 = arith.constant 0 : i32
    %dma_wait3A_2360 = tpu.memref_slice %arg38[%dma_wait3A_2359] : memref<1024xi32, #tpu.memory_space<vmem>> -> memref<128xi32, #tpu.memory_space<vmem>>
    %dma_wait3A_2361 = arith.constant 0 : i32
    %dma_wait3A_2362 = tpu.memref_slice %arg34[%dma_wait3A_2358, %dma_wait3A_2361] : memref<24x128xi32, #tpu.memory_space<vmem>> -> memref<1x128xi32, #tpu.memory_space<vmem>>
    %dma_wait3A_2363 = tpu.memref_squeeze %dma_wait3A_2362 : memref<1x128xi32, #tpu.memory_space<vmem>> -> memref<128xi32, #tpu.memory_space<vmem>>
    %dma_wait3A_2364 = arith.constant 0 : i32
    %dma_wait3A_2365 = tpu.memref_slice %arg12[%dma_wait3A_2364] : memref<1000000xi32, #tpu.memory_space<hbm>> -> memref<1000000xi32, #tpu.memory_space<hbm>>
    tpu.wait_indirect_dma semaphore(%arg50 : memref<!tpu.dma_semaphore, #tpu.memory_space<semaphore_mem>>) src(%dma_wait3A_2365 : memref<1000000xi32, #tpu.memory_space<hbm>>) dst(%dma_wait3A_2360 : memref<128xi32, #tpu.memory_space<vmem>>)
    %dma_wait3A_2366 = arith.constant 8 : i32
    %dma_wait3A_2367 = arith.constant 0 : i32
    %dma_wait3A_2368 = tpu.memref_slice %arg39[%dma_wait3A_2367] : memref<1024xf32, #tpu.memory_space<vmem>> -> memref<128xf32, #tpu.memory_space<vmem>>
    %dma_wait3A_2369 = arith.constant 0 : i32
    %dma_wait3A_2370 = tpu.memref_slice %arg34[%dma_wait3A_2366, %dma_wait3A_2369] : memref<24x128xi32, #tpu.memory_space<vmem>> -> memref<1x128xi32, #tpu.memory_space<vmem>>
    %dma_wait3A_2371 = tpu.memref_squeeze %dma_wait3A_2370 : memref<1x128xi32, #tpu.memory_space<vmem>> -> memref<128xi32, #tpu.memory_space<vmem>>
    %dma_wait3A_2372 = arith.constant 0 : i32
    %dma_wait3A_2373 = tpu.memref_slice %arg11[%dma_wait3A_2372] : memref<1000000xf32, #tpu.memory_space<hbm>> -> memref<1000000xf32, #tpu.memory_space<hbm>>
    tpu.wait_indirect_dma semaphore(%arg50 : memref<!tpu.dma_semaphore, #tpu.memory_space<semaphore_mem>>) src(%dma_wait3A_2373 : memref<1000000xf32, #tpu.memory_space<hbm>>) dst(%dma_wait3A_2368 : memref<128xf32, #tpu.memory_space<vmem>>)
    %dma_wait3A_2374 = arith.constant 8 : i32
    %dma_wait3A_2375 = arith.constant 0 : i32
    %dma_wait3A_2376 = tpu.memref_slice %arg40[%dma_wait3A_2375] : memref<1024xi32, #tpu.memory_space<vmem>> -> memref<128xi32, #tpu.memory_space<vmem>>
    %dma_wait3A_2377 = arith.constant 0 : i32
    %dma_wait3A_2378 = tpu.memref_slice %arg34[%dma_wait3A_2374, %dma_wait3A_2377] : memref<24x128xi32, #tpu.memory_space<vmem>> -> memref<1x128xi32, #tpu.memory_space<vmem>>
    %dma_wait3A_2379 = tpu.memref_squeeze %dma_wait3A_2378 : memref<1x128xi32, #tpu.memory_space<vmem>> -> memref<128xi32, #tpu.memory_space<vmem>>
    %dma_wait3A_2380 = arith.constant 0 : i32
    %dma_wait3A_2381 = tpu.memref_slice %arg13[%dma_wait3A_2380] : memref<1000000xi32, #tpu.memory_space<hbm>> -> memref<1000000xi32, #tpu.memory_space<hbm>>
    tpu.wait_indirect_dma semaphore(%arg50 : memref<!tpu.dma_semaphore, #tpu.memory_space<semaphore_mem>>) src(%dma_wait3A_2381 : memref<1000000xi32, #tpu.memory_space<hbm>>) dst(%dma_wait3A_2376 : memref<128xi32, #tpu.memory_space<vmem>>)
    %dma_wait3A_2382 = arith.constant 9 : i32
    %dma_wait3A_2383 = arith.constant 128 : i32
    %dma_wait3A_2384 = tpu.memref_slice %arg38[%dma_wait3A_2383] : memref<1024xi32, #tpu.memory_space<vmem>> -> memref<128xi32, #tpu.memory_space<vmem>>
    %dma_wait3A_2385 = arith.constant 0 : i32
    %dma_wait3A_2386 = tpu.memref_slice %arg34[%dma_wait3A_2382, %dma_wait3A_2385] : memref<24x128xi32, #tpu.memory_space<vmem>> -> memref<1x128xi32, #tpu.memory_space<vmem>>
    %dma_wait3A_2387 = tpu.memref_squeeze %dma_wait3A_2386 : memref<1x128xi32, #tpu.memory_space<vmem>> -> memref<128xi32, #tpu.memory_space<vmem>>
    %dma_wait3A_2388 = arith.constant 0 : i32
    %dma_wait3A_2389 = tpu.memref_slice %arg12[%dma_wait3A_2388] : memref<1000000xi32, #tpu.memory_space<hbm>> -> memref<1000000xi32, #tpu.memory_space<hbm>>
    tpu.wait_indirect_dma semaphore(%arg50 : memref<!tpu.dma_semaphore, #tpu.memory_space<semaphore_mem>>) src(%dma_wait3A_2389 : memref<1000000xi32, #tpu.memory_space<hbm>>) dst(%dma_wait3A_2384 : memref<128xi32, #tpu.memory_space<vmem>>)
    %dma_wait3A_2390 = arith.constant 9 : i32
    %dma_wait3A_2391 = arith.constant 128 : i32
    %dma_wait3A_2392 = tpu.memref_slice %arg39[%dma_wait3A_2391] : memref<1024xf32, #tpu.memory_space<vmem>> -> memref<128xf32, #tpu.memory_space<vmem>>
    %dma_wait3A_2393 = arith.constant 0 : i32
    %dma_wait3A_2394 = tpu.memref_slice %arg34[%dma_wait3A_2390, %dma_wait3A_2393] : memref<24x128xi32, #tpu.memory_space<vmem>> -> memref<1x128xi32, #tpu.memory_space<vmem>>
    %dma_wait3A_2395 = tpu.memref_squeeze %dma_wait3A_2394 : memref<1x128xi32, #tpu.memory_space<vmem>> -> memref<128xi32, #tpu.memory_space<vmem>>
    %dma_wait3A_2396 = arith.constant 0 : i32
    %dma_wait3A_2397 = tpu.memref_slice %arg11[%dma_wait3A_2396] : memref<1000000xf32, #tpu.memory_space<hbm>> -> memref<1000000xf32, #tpu.memory_space<hbm>>
    tpu.wait_indirect_dma semaphore(%arg50 : memref<!tpu.dma_semaphore, #tpu.memory_space<semaphore_mem>>) src(%dma_wait3A_2397 : memref<1000000xf32, #tpu.memory_space<hbm>>) dst(%dma_wait3A_2392 : memref<128xf32, #tpu.memory_space<vmem>>)
    %dma_wait3A_2398 = arith.constant 9 : i32
    %dma_wait3A_2399 = arith.constant 128 : i32
    %dma_wait3A_2400 = tpu.memref_slice %arg40[%dma_wait3A_2399] : memref<1024xi32, #tpu.memory_space<vmem>> -> memref<128xi32, #tpu.memory_space<vmem>>
    %dma_wait3A_2401 = arith.constant 0 : i32
    %dma_wait3A_2402 = tpu.memref_slice %arg34[%dma_wait3A_2398, %dma_wait3A_2401] : memref<24x128xi32, #tpu.memory_space<vmem>> -> memref<1x128xi32, #tpu.memory_space<vmem>>
    %dma_wait3A_2403 = tpu.memref_squeeze %dma_wait3A_2402 : memref<1x128xi32, #tpu.memory_space<vmem>> -> memref<128xi32, #tpu.memory_space<vmem>>
    %dma_wait3A_2404 = arith.constant 0 : i32
    %dma_wait3A_2405 = tpu.memref_slice %arg13[%dma_wait3A_2404] : memref<1000000xi32, #tpu.memory_space<hbm>> -> memref<1000000xi32, #tpu.memory_space<hbm>>
    tpu.wait_indirect_dma semaphore(%arg50 : memref<!tpu.dma_semaphore, #tpu.memory_space<semaphore_mem>>) src(%dma_wait3A_2405 : memref<1000000xi32, #tpu.memory_space<hbm>>) dst(%dma_wait3A_2400 : memref<128xi32, #tpu.memory_space<vmem>>)
    %dma_wait3A_2406 = arith.constant 10 : i32
    %dma_wait3A_2407 = arith.constant 256 : i32
    %dma_wait3A_2408 = tpu.memref_slice %arg38[%dma_wait3A_2407] : memref<1024xi32, #tpu.memory_space<vmem>> -> memref<128xi32, #tpu.memory_space<vmem>>
    %dma_wait3A_2409 = arith.constant 0 : i32
    %dma_wait3A_2410 = tpu.memref_slice %arg34[%dma_wait3A_2406, %dma_wait3A_2409] : memref<24x128xi32, #tpu.memory_space<vmem>> -> memref<1x128xi32, #tpu.memory_space<vmem>>
    %dma_wait3A_2411 = tpu.memref_squeeze %dma_wait3A_2410 : memref<1x128xi32, #tpu.memory_space<vmem>> -> memref<128xi32, #tpu.memory_space<vmem>>
    %dma_wait3A_2412 = arith.constant 0 : i32
    %dma_wait3A_2413 = tpu.memref_slice %arg12[%dma_wait3A_2412] : memref<1000000xi32, #tpu.memory_space<hbm>> -> memref<1000000xi32, #tpu.memory_space<hbm>>
    tpu.wait_indirect_dma semaphore(%arg50 : memref<!tpu.dma_semaphore, #tpu.memory_space<semaphore_mem>>) src(%dma_wait3A_2413 : memref<1000000xi32, #tpu.memory_space<hbm>>) dst(%dma_wait3A_2408 : memref<128xi32, #tpu.memory_space<vmem>>)
    %dma_wait3A_2414 = arith.constant 10 : i32
    %dma_wait3A_2415 = arith.constant 256 : i32
    %dma_wait3A_2416 = tpu.memref_slice %arg39[%dma_wait3A_2415] : memref<1024xf32, #tpu.memory_space<vmem>> -> memref<128xf32, #tpu.memory_space<vmem>>
    %dma_wait3A_2417 = arith.constant 0 : i32
    %dma_wait3A_2418 = tpu.memref_slice %arg34[%dma_wait3A_2414, %dma_wait3A_2417] : memref<24x128xi32, #tpu.memory_space<vmem>> -> memref<1x128xi32, #tpu.memory_space<vmem>>
    %dma_wait3A_2419 = tpu.memref_squeeze %dma_wait3A_2418 : memref<1x128xi32, #tpu.memory_space<vmem>> -> memref<128xi32, #tpu.memory_space<vmem>>
    %dma_wait3A_2420 = arith.constant 0 : i32
    %dma_wait3A_2421 = tpu.memref_slice %arg11[%dma_wait3A_2420] : memref<1000000xf32, #tpu.memory_space<hbm>> -> memref<1000000xf32, #tpu.memory_space<hbm>>
    tpu.wait_indirect_dma semaphore(%arg50 : memref<!tpu.dma_semaphore, #tpu.memory_space<semaphore_mem>>) src(%dma_wait3A_2421 : memref<1000000xf32, #tpu.memory_space<hbm>>) dst(%dma_wait3A_2416 : memref<128xf32, #tpu.memory_space<vmem>>)
    %dma_wait3A_2422 = arith.constant 10 : i32
    %dma_wait3A_2423 = arith.constant 256 : i32
    %dma_wait3A_2424 = tpu.memref_slice %arg40[%dma_wait3A_2423] : memref<1024xi32, #tpu.memory_space<vmem>> -> memref<128xi32, #tpu.memory_space<vmem>>
    %dma_wait3A_2425 = arith.constant 0 : i32
    %dma_wait3A_2426 = tpu.memref_slice %arg34[%dma_wait3A_2422, %dma_wait3A_2425] : memref<24x128xi32, #tpu.memory_space<vmem>> -> memref<1x128xi32, #tpu.memory_space<vmem>>
    %dma_wait3A_2427 = tpu.memref_squeeze %dma_wait3A_2426 : memref<1x128xi32, #tpu.memory_space<vmem>> -> memref<128xi32, #tpu.memory_space<vmem>>
    %dma_wait3A_2428 = arith.constant 0 : i32
    %dma_wait3A_2429 = tpu.memref_slice %arg13[%dma_wait3A_2428] : memref<1000000xi32, #tpu.memory_space<hbm>> -> memref<1000000xi32, #tpu.memory_space<hbm>>
    tpu.wait_indirect_dma semaphore(%arg50 : memref<!tpu.dma_semaphore, #tpu.memory_space<semaphore_mem>>) src(%dma_wait3A_2429 : memref<1000000xi32, #tpu.memory_space<hbm>>) dst(%dma_wait3A_2424 : memref<128xi32, #tpu.memory_space<vmem>>)
    %dma_wait3A_2430 = arith.constant 11 : i32
    %dma_wait3A_2431 = arith.constant 384 : i32
    %dma_wait3A_2432 = tpu.memref_slice %arg38[%dma_wait3A_2431] : memref<1024xi32, #tpu.memory_space<vmem>> -> memref<128xi32, #tpu.memory_space<vmem>>
    %dma_wait3A_2433 = arith.constant 0 : i32
    %dma_wait3A_2434 = tpu.memref_slice %arg34[%dma_wait3A_2430, %dma_wait3A_2433] : memref<24x128xi32, #tpu.memory_space<vmem>> -> memref<1x128xi32, #tpu.memory_space<vmem>>
    %dma_wait3A_2435 = tpu.memref_squeeze %dma_wait3A_2434 : memref<1x128xi32, #tpu.memory_space<vmem>> -> memref<128xi32, #tpu.memory_space<vmem>>
    %dma_wait3A_2436 = arith.constant 0 : i32
    %dma_wait3A_2437 = tpu.memref_slice %arg12[%dma_wait3A_2436] : memref<1000000xi32, #tpu.memory_space<hbm>> -> memref<1000000xi32, #tpu.memory_space<hbm>>
    tpu.wait_indirect_dma semaphore(%arg50 : memref<!tpu.dma_semaphore, #tpu.memory_space<semaphore_mem>>) src(%dma_wait3A_2437 : memref<1000000xi32, #tpu.memory_space<hbm>>) dst(%dma_wait3A_2432 : memref<128xi32, #tpu.memory_space<vmem>>)
    %dma_wait3A_2438 = arith.constant 11 : i32
    %dma_wait3A_2439 = arith.constant 384 : i32
    %dma_wait3A_2440 = tpu.memref_slice %arg39[%dma_wait3A_2439] : memref<1024xf32, #tpu.memory_space<vmem>> -> memref<128xf32, #tpu.memory_space<vmem>>
    %dma_wait3A_2441 = arith.constant 0 : i32
    %dma_wait3A_2442 = tpu.memref_slice %arg34[%dma_wait3A_2438, %dma_wait3A_2441] : memref<24x128xi32, #tpu.memory_space<vmem>> -> memref<1x128xi32, #tpu.memory_space<vmem>>
    %dma_wait3A_2443 = tpu.memref_squeeze %dma_wait3A_2442 : memref<1x128xi32, #tpu.memory_space<vmem>> -> memref<128xi32, #tpu.memory_space<vmem>>
    %dma_wait3A_2444 = arith.constant 0 : i32
    %dma_wait3A_2445 = tpu.memref_slice %arg11[%dma_wait3A_2444] : memref<1000000xf32, #tpu.memory_space<hbm>> -> memref<1000000xf32, #tpu.memory_space<hbm>>
    tpu.wait_indirect_dma semaphore(%arg50 : memref<!tpu.dma_semaphore, #tpu.memory_space<semaphore_mem>>) src(%dma_wait3A_2445 : memref<1000000xf32, #tpu.memory_space<hbm>>) dst(%dma_wait3A_2440 : memref<128xf32, #tpu.memory_space<vmem>>)
    %dma_wait3A_2446 = arith.constant 11 : i32
    %dma_wait3A_2447 = arith.constant 384 : i32
    %dma_wait3A_2448 = tpu.memref_slice %arg40[%dma_wait3A_2447] : memref<1024xi32, #tpu.memory_space<vmem>> -> memref<128xi32, #tpu.memory_space<vmem>>
    %dma_wait3A_2449 = arith.constant 0 : i32
    %dma_wait3A_2450 = tpu.memref_slice %arg34[%dma_wait3A_2446, %dma_wait3A_2449] : memref<24x128xi32, #tpu.memory_space<vmem>> -> memref<1x128xi32, #tpu.memory_space<vmem>>
    %dma_wait3A_2451 = tpu.memref_squeeze %dma_wait3A_2450 : memref<1x128xi32, #tpu.memory_space<vmem>> -> memref<128xi32, #tpu.memory_space<vmem>>
    %dma_wait3A_2452 = arith.constant 0 : i32
    %dma_wait3A_2453 = tpu.memref_slice %arg13[%dma_wait3A_2452] : memref<1000000xi32, #tpu.memory_space<hbm>> -> memref<1000000xi32, #tpu.memory_space<hbm>>
    tpu.wait_indirect_dma semaphore(%arg50 : memref<!tpu.dma_semaphore, #tpu.memory_space<semaphore_mem>>) src(%dma_wait3A_2453 : memref<1000000xi32, #tpu.memory_space<hbm>>) dst(%dma_wait3A_2448 : memref<128xi32, #tpu.memory_space<vmem>>)
    %dma_wait3A_2454 = arith.constant 12 : i32
    %dma_wait3A_2455 = arith.constant 512 : i32
    %dma_wait3A_2456 = tpu.memref_slice %arg38[%dma_wait3A_2455] : memref<1024xi32, #tpu.memory_space<vmem>> -> memref<128xi32, #tpu.memory_space<vmem>>
    %dma_wait3A_2457 = arith.constant 0 : i32
    %dma_wait3A_2458 = tpu.memref_slice %arg34[%dma_wait3A_2454, %dma_wait3A_2457] : memref<24x128xi32, #tpu.memory_space<vmem>> -> memref<1x128xi32, #tpu.memory_space<vmem>>
    %dma_wait3A_2459 = tpu.memref_squeeze %dma_wait3A_2458 : memref<1x128xi32, #tpu.memory_space<vmem>> -> memref<128xi32, #tpu.memory_space<vmem>>
    %dma_wait3A_2460 = arith.constant 0 : i32
    %dma_wait3A_2461 = tpu.memref_slice %arg12[%dma_wait3A_2460] : memref<1000000xi32, #tpu.memory_space<hbm>> -> memref<1000000xi32, #tpu.memory_space<hbm>>
    tpu.wait_indirect_dma semaphore(%arg50 : memref<!tpu.dma_semaphore, #tpu.memory_space<semaphore_mem>>) src(%dma_wait3A_2461 : memref<1000000xi32, #tpu.memory_space<hbm>>) dst(%dma_wait3A_2456 : memref<128xi32, #tpu.memory_space<vmem>>)
    %dma_wait3A_2462 = arith.constant 12 : i32
    %dma_wait3A_2463 = arith.constant 512 : i32
    %dma_wait3A_2464 = tpu.memref_slice %arg39[%dma_wait3A_2463] : memref<1024xf32, #tpu.memory_space<vmem>> -> memref<128xf32, #tpu.memory_space<vmem>>
    %dma_wait3A_2465 = arith.constant 0 : i32
    %dma_wait3A_2466 = tpu.memref_slice %arg34[%dma_wait3A_2462, %dma_wait3A_2465] : memref<24x128xi32, #tpu.memory_space<vmem>> -> memref<1x128xi32, #tpu.memory_space<vmem>>
    %dma_wait3A_2467 = tpu.memref_squeeze %dma_wait3A_2466 : memref<1x128xi32, #tpu.memory_space<vmem>> -> memref<128xi32, #tpu.memory_space<vmem>>
    %dma_wait3A_2468 = arith.constant 0 : i32
    %dma_wait3A_2469 = tpu.memref_slice %arg11[%dma_wait3A_2468] : memref<1000000xf32, #tpu.memory_space<hbm>> -> memref<1000000xf32, #tpu.memory_space<hbm>>
    tpu.wait_indirect_dma semaphore(%arg50 : memref<!tpu.dma_semaphore, #tpu.memory_space<semaphore_mem>>) src(%dma_wait3A_2469 : memref<1000000xf32, #tpu.memory_space<hbm>>) dst(%dma_wait3A_2464 : memref<128xf32, #tpu.memory_space<vmem>>)
    %dma_wait3A_2470 = arith.constant 12 : i32
    %dma_wait3A_2471 = arith.constant 512 : i32
    %dma_wait3A_2472 = tpu.memref_slice %arg40[%dma_wait3A_2471] : memref<1024xi32, #tpu.memory_space<vmem>> -> memref<128xi32, #tpu.memory_space<vmem>>
    %dma_wait3A_2473 = arith.constant 0 : i32
    %dma_wait3A_2474 = tpu.memref_slice %arg34[%dma_wait3A_2470, %dma_wait3A_2473] : memref<24x128xi32, #tpu.memory_space<vmem>> -> memref<1x128xi32, #tpu.memory_space<vmem>>
    %dma_wait3A_2475 = tpu.memref_squeeze %dma_wait3A_2474 : memref<1x128xi32, #tpu.memory_space<vmem>> -> memref<128xi32, #tpu.memory_space<vmem>>
    %dma_wait3A_2476 = arith.constant 0 : i32
    %dma_wait3A_2477 = tpu.memref_slice %arg13[%dma_wait3A_2476] : memref<1000000xi32, #tpu.memory_space<hbm>> -> memref<1000000xi32, #tpu.memory_space<hbm>>
    tpu.wait_indirect_dma semaphore(%arg50 : memref<!tpu.dma_semaphore, #tpu.memory_space<semaphore_mem>>) src(%dma_wait3A_2477 : memref<1000000xi32, #tpu.memory_space<hbm>>) dst(%dma_wait3A_2472 : memref<128xi32, #tpu.memory_space<vmem>>)
    %dma_wait3A_2478 = arith.constant 13 : i32
    %dma_wait3A_2479 = arith.constant 640 : i32
    %dma_wait3A_2480 = tpu.memref_slice %arg38[%dma_wait3A_2479] : memref<1024xi32, #tpu.memory_space<vmem>> -> memref<128xi32, #tpu.memory_space<vmem>>
    %dma_wait3A_2481 = arith.constant 0 : i32
    %dma_wait3A_2482 = tpu.memref_slice %arg34[%dma_wait3A_2478, %dma_wait3A_2481] : memref<24x128xi32, #tpu.memory_space<vmem>> -> memref<1x128xi32, #tpu.memory_space<vmem>>
    %dma_wait3A_2483 = tpu.memref_squeeze %dma_wait3A_2482 : memref<1x128xi32, #tpu.memory_space<vmem>> -> memref<128xi32, #tpu.memory_space<vmem>>
    %dma_wait3A_2484 = arith.constant 0 : i32
    %dma_wait3A_2485 = tpu.memref_slice %arg12[%dma_wait3A_2484] : memref<1000000xi32, #tpu.memory_space<hbm>> -> memref<1000000xi32, #tpu.memory_space<hbm>>
    tpu.wait_indirect_dma semaphore(%arg50 : memref<!tpu.dma_semaphore, #tpu.memory_space<semaphore_mem>>) src(%dma_wait3A_2485 : memref<1000000xi32, #tpu.memory_space<hbm>>) dst(%dma_wait3A_2480 : memref<128xi32, #tpu.memory_space<vmem>>)
    %dma_wait3A_2486 = arith.constant 13 : i32
    %dma_wait3A_2487 = arith.constant 640 : i32
    %dma_wait3A_2488 = tpu.memref_slice %arg39[%dma_wait3A_2487] : memref<1024xf32, #tpu.memory_space<vmem>> -> memref<128xf32, #tpu.memory_space<vmem>>
    %dma_wait3A_2489 = arith.constant 0 : i32
    %dma_wait3A_2490 = tpu.memref_slice %arg34[%dma_wait3A_2486, %dma_wait3A_2489] : memref<24x128xi32, #tpu.memory_space<vmem>> -> memref<1x128xi32, #tpu.memory_space<vmem>>
    %dma_wait3A_2491 = tpu.memref_squeeze %dma_wait3A_2490 : memref<1x128xi32, #tpu.memory_space<vmem>> -> memref<128xi32, #tpu.memory_space<vmem>>
    %dma_wait3A_2492 = arith.constant 0 : i32
    %dma_wait3A_2493 = tpu.memref_slice %arg11[%dma_wait3A_2492] : memref<1000000xf32, #tpu.memory_space<hbm>> -> memref<1000000xf32, #tpu.memory_space<hbm>>
    tpu.wait_indirect_dma semaphore(%arg50 : memref<!tpu.dma_semaphore, #tpu.memory_space<semaphore_mem>>) src(%dma_wait3A_2493 : memref<1000000xf32, #tpu.memory_space<hbm>>) dst(%dma_wait3A_2488 : memref<128xf32, #tpu.memory_space<vmem>>)
    %dma_wait3A_2494 = arith.constant 13 : i32
    %dma_wait3A_2495 = arith.constant 640 : i32
    %dma_wait3A_2496 = tpu.memref_slice %arg40[%dma_wait3A_2495] : memref<1024xi32, #tpu.memory_space<vmem>> -> memref<128xi32, #tpu.memory_space<vmem>>
    %dma_wait3A_2497 = arith.constant 0 : i32
    %dma_wait3A_2498 = tpu.memref_slice %arg34[%dma_wait3A_2494, %dma_wait3A_2497] : memref<24x128xi32, #tpu.memory_space<vmem>> -> memref<1x128xi32, #tpu.memory_space<vmem>>
    %dma_wait3A_2499 = tpu.memref_squeeze %dma_wait3A_2498 : memref<1x128xi32, #tpu.memory_space<vmem>> -> memref<128xi32, #tpu.memory_space<vmem>>
    %dma_wait3A_2500 = arith.constant 0 : i32
    %dma_wait3A_2501 = tpu.memref_slice %arg13[%dma_wait3A_2500] : memref<1000000xi32, #tpu.memory_space<hbm>> -> memref<1000000xi32, #tpu.memory_space<hbm>>
    tpu.wait_indirect_dma semaphore(%arg50 : memref<!tpu.dma_semaphore, #tpu.memory_space<semaphore_mem>>) src(%dma_wait3A_2501 : memref<1000000xi32, #tpu.memory_space<hbm>>) dst(%dma_wait3A_2496 : memref<128xi32, #tpu.memory_space<vmem>>)
    %dma_wait3A_2502 = arith.constant 14 : i32
    %dma_wait3A_2503 = arith.constant 768 : i32
    %dma_wait3A_2504 = tpu.memref_slice %arg38[%dma_wait3A_2503] : memref<1024xi32, #tpu.memory_space<vmem>> -> memref<128xi32, #tpu.memory_space<vmem>>
    %dma_wait3A_2505 = arith.constant 0 : i32
    %dma_wait3A_2506 = tpu.memref_slice %arg34[%dma_wait3A_2502, %dma_wait3A_2505] : memref<24x128xi32, #tpu.memory_space<vmem>> -> memref<1x128xi32, #tpu.memory_space<vmem>>
    %dma_wait3A_2507 = tpu.memref_squeeze %dma_wait3A_2506 : memref<1x128xi32, #tpu.memory_space<vmem>> -> memref<128xi32, #tpu.memory_space<vmem>>
    %dma_wait3A_2508 = arith.constant 0 : i32
    %dma_wait3A_2509 = tpu.memref_slice %arg12[%dma_wait3A_2508] : memref<1000000xi32, #tpu.memory_space<hbm>> -> memref<1000000xi32, #tpu.memory_space<hbm>>
    tpu.wait_indirect_dma semaphore(%arg50 : memref<!tpu.dma_semaphore, #tpu.memory_space<semaphore_mem>>) src(%dma_wait3A_2509 : memref<1000000xi32, #tpu.memory_space<hbm>>) dst(%dma_wait3A_2504 : memref<128xi32, #tpu.memory_space<vmem>>)
    %dma_wait3A_2510 = arith.constant 14 : i32
    %dma_wait3A_2511 = arith.constant 768 : i32
    %dma_wait3A_2512 = tpu.memref_slice %arg39[%dma_wait3A_2511] : memref<1024xf32, #tpu.memory_space<vmem>> -> memref<128xf32, #tpu.memory_space<vmem>>
    %dma_wait3A_2513 = arith.constant 0 : i32
    %dma_wait3A_2514 = tpu.memref_slice %arg34[%dma_wait3A_2510, %dma_wait3A_2513] : memref<24x128xi32, #tpu.memory_space<vmem>> -> memref<1x128xi32, #tpu.memory_space<vmem>>
    %dma_wait3A_2515 = tpu.memref_squeeze %dma_wait3A_2514 : memref<1x128xi32, #tpu.memory_space<vmem>> -> memref<128xi32, #tpu.memory_space<vmem>>
    %dma_wait3A_2516 = arith.constant 0 : i32
    %dma_wait3A_2517 = tpu.memref_slice %arg11[%dma_wait3A_2516] : memref<1000000xf32, #tpu.memory_space<hbm>> -> memref<1000000xf32, #tpu.memory_space<hbm>>
    tpu.wait_indirect_dma semaphore(%arg50 : memref<!tpu.dma_semaphore, #tpu.memory_space<semaphore_mem>>) src(%dma_wait3A_2517 : memref<1000000xf32, #tpu.memory_space<hbm>>) dst(%dma_wait3A_2512 : memref<128xf32, #tpu.memory_space<vmem>>)
    %dma_wait3A_2518 = arith.constant 14 : i32
    %dma_wait3A_2519 = arith.constant 768 : i32
    %dma_wait3A_2520 = tpu.memref_slice %arg40[%dma_wait3A_2519] : memref<1024xi32, #tpu.memory_space<vmem>> -> memref<128xi32, #tpu.memory_space<vmem>>
    %dma_wait3A_2521 = arith.constant 0 : i32
    %dma_wait3A_2522 = tpu.memref_slice %arg34[%dma_wait3A_2518, %dma_wait3A_2521] : memref<24x128xi32, #tpu.memory_space<vmem>> -> memref<1x128xi32, #tpu.memory_space<vmem>>
    %dma_wait3A_2523 = tpu.memref_squeeze %dma_wait3A_2522 : memref<1x128xi32, #tpu.memory_space<vmem>> -> memref<128xi32, #tpu.memory_space<vmem>>
    %dma_wait3A_2524 = arith.constant 0 : i32
    %dma_wait3A_2525 = tpu.memref_slice %arg13[%dma_wait3A_2524] : memref<1000000xi32, #tpu.memory_space<hbm>> -> memref<1000000xi32, #tpu.memory_space<hbm>>
    tpu.wait_indirect_dma semaphore(%arg50 : memref<!tpu.dma_semaphore, #tpu.memory_space<semaphore_mem>>) src(%dma_wait3A_2525 : memref<1000000xi32, #tpu.memory_space<hbm>>) dst(%dma_wait3A_2520 : memref<128xi32, #tpu.memory_space<vmem>>)
    %dma_wait3A_2526 = arith.constant 15 : i32
    %dma_wait3A_2527 = arith.constant 896 : i32
    %dma_wait3A_2528 = tpu.memref_slice %arg38[%dma_wait3A_2527] : memref<1024xi32, #tpu.memory_space<vmem>> -> memref<128xi32, #tpu.memory_space<vmem>>
    %dma_wait3A_2529 = arith.constant 0 : i32
    %dma_wait3A_2530 = tpu.memref_slice %arg34[%dma_wait3A_2526, %dma_wait3A_2529] : memref<24x128xi32, #tpu.memory_space<vmem>> -> memref<1x128xi32, #tpu.memory_space<vmem>>
    %dma_wait3A_2531 = tpu.memref_squeeze %dma_wait3A_2530 : memref<1x128xi32, #tpu.memory_space<vmem>> -> memref<128xi32, #tpu.memory_space<vmem>>
    %dma_wait3A_2532 = arith.constant 0 : i32
    %dma_wait3A_2533 = tpu.memref_slice %arg12[%dma_wait3A_2532] : memref<1000000xi32, #tpu.memory_space<hbm>> -> memref<1000000xi32, #tpu.memory_space<hbm>>
    tpu.wait_indirect_dma semaphore(%arg50 : memref<!tpu.dma_semaphore, #tpu.memory_space<semaphore_mem>>) src(%dma_wait3A_2533 : memref<1000000xi32, #tpu.memory_space<hbm>>) dst(%dma_wait3A_2528 : memref<128xi32, #tpu.memory_space<vmem>>)
    %dma_wait3A_2534 = arith.constant 15 : i32
    %dma_wait3A_2535 = arith.constant 896 : i32
    %dma_wait3A_2536 = tpu.memref_slice %arg39[%dma_wait3A_2535] : memref<1024xf32, #tpu.memory_space<vmem>> -> memref<128xf32, #tpu.memory_space<vmem>>
    %dma_wait3A_2537 = arith.constant 0 : i32
    %dma_wait3A_2538 = tpu.memref_slice %arg34[%dma_wait3A_2534, %dma_wait3A_2537] : memref<24x128xi32, #tpu.memory_space<vmem>> -> memref<1x128xi32, #tpu.memory_space<vmem>>
    %dma_wait3A_2539 = tpu.memref_squeeze %dma_wait3A_2538 : memref<1x128xi32, #tpu.memory_space<vmem>> -> memref<128xi32, #tpu.memory_space<vmem>>
    %dma_wait3A_2540 = arith.constant 0 : i32
    %dma_wait3A_2541 = tpu.memref_slice %arg11[%dma_wait3A_2540] : memref<1000000xf32, #tpu.memory_space<hbm>> -> memref<1000000xf32, #tpu.memory_space<hbm>>
    tpu.wait_indirect_dma semaphore(%arg50 : memref<!tpu.dma_semaphore, #tpu.memory_space<semaphore_mem>>) src(%dma_wait3A_2541 : memref<1000000xf32, #tpu.memory_space<hbm>>) dst(%dma_wait3A_2536 : memref<128xf32, #tpu.memory_space<vmem>>)
    %dma_wait3A_2542 = arith.constant 15 : i32
    %dma_wait3A_2543 = arith.constant 896 : i32
    %dma_wait3A_2544 = tpu.memref_slice %arg40[%dma_wait3A_2543] : memref<1024xi32, #tpu.memory_space<vmem>> -> memref<128xi32, #tpu.memory_space<vmem>>
    %dma_wait3A_2545 = arith.constant 0 : i32
    %dma_wait3A_2546 = tpu.memref_slice %arg34[%dma_wait3A_2542, %dma_wait3A_2545] : memref<24x128xi32, #tpu.memory_space<vmem>> -> memref<1x128xi32, #tpu.memory_space<vmem>>
    %dma_wait3A_2547 = tpu.memref_squeeze %dma_wait3A_2546 : memref<1x128xi32, #tpu.memory_space<vmem>> -> memref<128xi32, #tpu.memory_space<vmem>>
    %dma_wait3A_2548 = arith.constant 0 : i32
    %dma_wait3A_2549 = tpu.memref_slice %arg13[%dma_wait3A_2548] : memref<1000000xi32, #tpu.memory_space<hbm>> -> memref<1000000xi32, #tpu.memory_space<hbm>>
    tpu.wait_indirect_dma semaphore(%arg50 : memref<!tpu.dma_semaphore, #tpu.memory_space<semaphore_mem>>) src(%dma_wait3A_2549 : memref<1000000xi32, #tpu.memory_space<hbm>>) dst(%dma_wait3A_2544 : memref<128xi32, #tpu.memory_space<vmem>>)
    %broadcast_in_dim3A_2550 = arith.constant 1 : i32
    %broadcast_in_dim3A_2551 = vector.broadcast %broadcast_in_dim3A_2550 : i32 to vector<16xi32>
    %jit3A_2552 = arith.constant 0 : i32
    %broadcast_in_dim3A_2553 = vector.broadcast %jit3A_2552 : i32 to vector<16xi32>
    %select_n3A_2554 = arith.select %lt3A_4, %sub3A_640, %broadcast_in_dim3A_2553 : vector<16xi1>, vector<16xi32>
    %reduce_max3A_2555 = arith.constant true
    %reduce_max3A_2556 = vector.broadcast %reduce_max3A_2555 : i1 to vector<16xi1>
    %reduce_max3A_2557 = arith.constant -2147483648 : i32
    %reduce_max3A_2558 = vector.broadcast %reduce_max3A_2557 : i32 to vector<16xi32>
    %reduce_max3A_2559 = arith.xori %select_n3A_2554, %reduce_max3A_2558 : vector<16xi32>
    %reduce_max3A_2560 = tpu.scan <max>, %reduce_max3A_2559 masked %reduce_max3A_2556 : vector<16xi32>, vector<16xi1> -> vector<16xi32>
    %reduce_max3A_2561 = arith.xori %reduce_max3A_2560, %reduce_max3A_2558 : vector<16xi32>
    %reduce_max3A_2562 = vector.extract %reduce_max3A_2561[15] : i32 from vector<16xi32>
    %while3A_2563 = arith.constant 0 : i32
    %while3A_2564 = arith.constant 0 : i32
    %while3A_2565 = arith.subi %reduce_max3A_2562, %while3A_2564 : i32
    %while3A_2566 = arith.addi %while3A_2564, %while3A_2565 : i32
    %while3A_2567 = arith.constant 1 : i32
    %while3A_2568 = arith.divsi %while3A_2565, %while3A_2567 : i32
    %while3A_2569 = arith.muli %while3A_2568, %while3A_2567 : i32
    %while3A_2570 = arith.addi %while3A_2564, %while3A_2569 : i32
    %while3A_2571 = arith.constant 1 : i32
    scf.for %while3A_2791 = %while3A_2564 to %while3A_2570 step %while3A_2571  : i32 {
      %mul3A_2792 = arith.constant 16 : i32
      %mul3A_2793 = arith.muli %while3A_2791, %mul3A_2792 : i32
      %get3A_2794 = arith.index_cast %mul3A_2793 : i32 to index
      %get3A_2795 = tpu.vector_load %arg38[%get3A_2794] {strides = array<i32>} : memref<1024xi32, #tpu.memory_space<vmem>>, vector<16xi32>,
      %get3A_2796 = arith.index_cast %mul3A_2793 : i32 to index
      %get3A_2797 = tpu.vector_load %arg39[%get3A_2796] {strides = array<i32>} : memref<1024xf32, #tpu.memory_space<vmem>>, vector<16xf32>,
      %get3A_2798 = arith.index_cast %mul3A_2793 : i32 to index
      %get3A_2799 = tpu.vector_load %arg40[%get3A_2798] {strides = array<i32>} : memref<1024xi32, #tpu.memory_space<vmem>>, vector<16xi32>,
      %lt3A_2800 = vector.broadcast %while3A_2791 : i32 to vector<16xi32>
      %lt3A_2801 = arith.cmpi slt, %lt3A_2800, %sub3A_640 : vector<16xi32>
      %and3A_2802 = arith.andi %lt3A_4, %lt3A_2801 : vector<16xi1>
      %gather3A_2803 = tpu.vector_load_idx %arg44[%and3A_6, %get3A_2795] masked %and3A_2802 : memref<8x1024xi32, #tpu.memory_space<vmem>>[vector<16xi32>, vector<16xi32>], vector<16xi32>, vector<16xi1>
      %gather3A_2804 = tpu.vector_load_idx %arg45[%and3A_6, %get3A_2795] masked %and3A_2802 : memref<8x1024xf32, #tpu.memory_space<vmem>>[vector<16xi32>, vector<16xi32>], vector<16xf32>, vector<16xi1>
      %gather3A_2805 = tpu.vector_load_idx %arg46[%and3A_6, %get3A_2795] masked %and3A_2802 : memref<8x1024xi32, #tpu.memory_space<vmem>>[vector<16xi32>, vector<16xi32>], vector<16xi32>, vector<16xi1>
      %add3A_2806 = arith.addf %add3A_2134, %get3A_2797 : vector<16xf32>
      %mul3A_2807 = arith.mulf %add3A_2806, %gather3A_2128 : vector<16xf32>
      %lt3A_2808 = arith.cmpi slt, %broadcast_in_dim3A_2551, %gather3A_2803 : vector<16xi32>
      %eq3A = arith.cmpi eq, %broadcast_in_dim3A_2551, %gather3A_2803 : vector<16xi32>
      %max3A = arith.maximumf %gather3A_2804, %mul3A_2807 : vector<16xf32>
      %select_n3A_2809 = arith.select %eq3A, %max3A, %gather3A_2804 : vector<16xi1>, vector<16xf32>
      %select_n3A_2810 = arith.select %lt3A_2808, %mul3A_2807, %select_n3A_2809 : vector<16xi1>, vector<16xf32>
      %max3A_2811 = arith.maxsi %gather3A_2805, %get3A_2799 : vector<16xi32>
      %select_n3A_2812 = arith.select %eq3A, %max3A_2811, %gather3A_2805 : vector<16xi1>, vector<16xi32>
      %select_n3A_2813 = arith.select %lt3A_2808, %get3A_2799, %select_n3A_2812 : vector<16xi1>, vector<16xi32>
      %min3A = arith.minsi %gather3A_2803, %broadcast_in_dim3A_2551 : vector<16xi32>
      tpu.vector_store_idx %arg45[%and3A_6, %get3A_2795], %select_n3A_2810 masked %and3A_2802 : memref<8x1024xf32, #tpu.memory_space<vmem>>[vector<16xi32>, vector<16xi32>], vector<16xf32>, vector<16xi1>
      tpu.vector_store_idx %arg46[%and3A_6, %get3A_2795], %select_n3A_2813 masked %and3A_2802 : memref<8x1024xi32, #tpu.memory_space<vmem>>[vector<16xi32>, vector<16xi32>], vector<16xi32>, vector<16xi1>
      tpu.vector_store_idx %arg44[%and3A_6, %get3A_2795], %min3A masked %and3A_2802 : memref<8x1024xi32, #tpu.memory_space<vmem>>[vector<16xi32>, vector<16xi32>], vector<16xi32>, vector<16xi1>
    }
    %while3A_2572 = arith.constant 1 : i32
    scf.for %while3A_2791 = %while3A_2570 to %while3A_2566 step %while3A_2572  : i32 {
      %mul3A_2792 = arith.constant 16 : i32
      %mul3A_2793 = arith.muli %while3A_2791, %mul3A_2792 : i32
      %get3A_2794 = arith.index_cast %mul3A_2793 : i32 to index
      %get3A_2795 = tpu.vector_load %arg38[%get3A_2794] {strides = array<i32>} : memref<1024xi32, #tpu.memory_space<vmem>>, vector<16xi32>,
      %get3A_2796 = arith.index_cast %mul3A_2793 : i32 to index
      %get3A_2797 = tpu.vector_load %arg39[%get3A_2796] {strides = array<i32>} : memref<1024xf32, #tpu.memory_space<vmem>>, vector<16xf32>,
      %get3A_2798 = arith.index_cast %mul3A_2793 : i32 to index
      %get3A_2799 = tpu.vector_load %arg40[%get3A_2798] {strides = array<i32>} : memref<1024xi32, #tpu.memory_space<vmem>>, vector<16xi32>,
      %lt3A_2800 = vector.broadcast %while3A_2791 : i32 to vector<16xi32>
      %lt3A_2801 = arith.cmpi slt, %lt3A_2800, %sub3A_640 : vector<16xi32>
      %and3A_2802 = arith.andi %lt3A_4, %lt3A_2801 : vector<16xi1>
      %gather3A_2803 = tpu.vector_load_idx %arg44[%and3A_6, %get3A_2795] masked %and3A_2802 : memref<8x1024xi32, #tpu.memory_space<vmem>>[vector<16xi32>, vector<16xi32>], vector<16xi32>, vector<16xi1>
      %gather3A_2804 = tpu.vector_load_idx %arg45[%and3A_6, %get3A_2795] masked %and3A_2802 : memref<8x1024xf32, #tpu.memory_space<vmem>>[vector<16xi32>, vector<16xi32>], vector<16xf32>, vector<16xi1>
      %gather3A_2805 = tpu.vector_load_idx %arg46[%and3A_6, %get3A_2795] masked %and3A_2802 : memref<8x1024xi32, #tpu.memory_space<vmem>>[vector<16xi32>, vector<16xi32>], vector<16xi32>, vector<16xi1>
      %add3A_2806 = arith.addf %add3A_2134, %get3A_2797 : vector<16xf32>
      %mul3A_2807 = arith.mulf %add3A_2806, %gather3A_2128 : vector<16xf32>
      %lt3A_2808 = arith.cmpi slt, %broadcast_in_dim3A_2551, %gather3A_2803 : vector<16xi32>
      %eq3A = arith.cmpi eq, %broadcast_in_dim3A_2551, %gather3A_2803 : vector<16xi32>
      %max3A = arith.maximumf %gather3A_2804, %mul3A_2807 : vector<16xf32>
      %select_n3A_2809 = arith.select %eq3A, %max3A, %gather3A_2804 : vector<16xi1>, vector<16xf32>
      %select_n3A_2810 = arith.select %lt3A_2808, %mul3A_2807, %select_n3A_2809 : vector<16xi1>, vector<16xf32>
      %max3A_2811 = arith.maxsi %gather3A_2805, %get3A_2799 : vector<16xi32>
      %select_n3A_2812 = arith.select %eq3A, %max3A_2811, %gather3A_2805 : vector<16xi1>, vector<16xi32>
      %select_n3A_2813 = arith.select %lt3A_2808, %get3A_2799, %select_n3A_2812 : vector<16xi1>, vector<16xi32>
      %min3A = arith.minsi %gather3A_2803, %broadcast_in_dim3A_2551 : vector<16xi32>
      tpu.vector_store_idx %arg45[%and3A_6, %get3A_2795], %select_n3A_2810 masked %and3A_2802 : memref<8x1024xf32, #tpu.memory_space<vmem>>[vector<16xi32>, vector<16xi32>], vector<16xf32>, vector<16xi1>
      tpu.vector_store_idx %arg46[%and3A_6, %get3A_2795], %select_n3A_2813 masked %and3A_2802 : memref<8x1024xi32, #tpu.memory_space<vmem>>[vector<16xi32>, vector<16xi32>], vector<16xi32>, vector<16xi1>
      tpu.vector_store_idx %arg44[%and3A_6, %get3A_2795], %min3A masked %and3A_2802 : memref<8x1024xi32, #tpu.memory_space<vmem>>[vector<16xi32>, vector<16xi32>], vector<16xi32>, vector<16xi1>
    }
    %dma_wait3A_2573 = arith.constant 16 : i32
    %dma_wait3A_2574 = arith.constant 0 : i32
    %dma_wait3A_2575 = tpu.memref_slice %arg41[%dma_wait3A_2574] : memref<1024xi32, #tpu.memory_space<vmem>> -> memref<128xi32, #tpu.memory_space<vmem>>
    %dma_wait3A_2576 = arith.constant 0 : i32
    %dma_wait3A_2577 = tpu.memref_slice %arg34[%dma_wait3A_2573, %dma_wait3A_2576] : memref<24x128xi32, #tpu.memory_space<vmem>> -> memref<1x128xi32, #tpu.memory_space<vmem>>
    %dma_wait3A_2578 = tpu.memref_squeeze %dma_wait3A_2577 : memref<1x128xi32, #tpu.memory_space<vmem>> -> memref<128xi32, #tpu.memory_space<vmem>>
    %dma_wait3A_2579 = arith.constant 0 : i32
    %dma_wait3A_2580 = tpu.memref_slice %arg12[%dma_wait3A_2579] : memref<1000000xi32, #tpu.memory_space<hbm>> -> memref<1000000xi32, #tpu.memory_space<hbm>>
    tpu.wait_indirect_dma semaphore(%arg51 : memref<!tpu.dma_semaphore, #tpu.memory_space<semaphore_mem>>) src(%dma_wait3A_2580 : memref<1000000xi32, #tpu.memory_space<hbm>>) dst(%dma_wait3A_2575 : memref<128xi32, #tpu.memory_space<vmem>>)
    %dma_wait3A_2581 = arith.constant 16 : i32
    %dma_wait3A_2582 = arith.constant 0 : i32
    %dma_wait3A_2583 = tpu.memref_slice %arg42[%dma_wait3A_2582] : memref<1024xf32, #tpu.memory_space<vmem>> -> memref<128xf32, #tpu.memory_space<vmem>>
    %dma_wait3A_2584 = arith.constant 0 : i32
    %dma_wait3A_2585 = tpu.memref_slice %arg34[%dma_wait3A_2581, %dma_wait3A_2584] : memref<24x128xi32, #tpu.memory_space<vmem>> -> memref<1x128xi32, #tpu.memory_space<vmem>>
    %dma_wait3A_2586 = tpu.memref_squeeze %dma_wait3A_2585 : memref<1x128xi32, #tpu.memory_space<vmem>> -> memref<128xi32, #tpu.memory_space<vmem>>
    %dma_wait3A_2587 = arith.constant 0 : i32
    %dma_wait3A_2588 = tpu.memref_slice %arg11[%dma_wait3A_2587] : memref<1000000xf32, #tpu.memory_space<hbm>> -> memref<1000000xf32, #tpu.memory_space<hbm>>
    tpu.wait_indirect_dma semaphore(%arg51 : memref<!tpu.dma_semaphore, #tpu.memory_space<semaphore_mem>>) src(%dma_wait3A_2588 : memref<1000000xf32, #tpu.memory_space<hbm>>) dst(%dma_wait3A_2583 : memref<128xf32, #tpu.memory_space<vmem>>)
    %dma_wait3A_2589 = arith.constant 16 : i32
    %dma_wait3A_2590 = arith.constant 0 : i32
    %dma_wait3A_2591 = tpu.memref_slice %arg43[%dma_wait3A_2590] : memref<1024xi32, #tpu.memory_space<vmem>> -> memref<128xi32, #tpu.memory_space<vmem>>
    %dma_wait3A_2592 = arith.constant 0 : i32
    %dma_wait3A_2593 = tpu.memref_slice %arg34[%dma_wait3A_2589, %dma_wait3A_2592] : memref<24x128xi32, #tpu.memory_space<vmem>> -> memref<1x128xi32, #tpu.memory_space<vmem>>
    %dma_wait3A_2594 = tpu.memref_squeeze %dma_wait3A_2593 : memref<1x128xi32, #tpu.memory_space<vmem>> -> memref<128xi32, #tpu.memory_space<vmem>>
    %dma_wait3A_2595 = arith.constant 0 : i32
    %dma_wait3A_2596 = tpu.memref_slice %arg13[%dma_wait3A_2595] : memref<1000000xi32, #tpu.memory_space<hbm>> -> memref<1000000xi32, #tpu.memory_space<hbm>>
    tpu.wait_indirect_dma semaphore(%arg51 : memref<!tpu.dma_semaphore, #tpu.memory_space<semaphore_mem>>) src(%dma_wait3A_2596 : memref<1000000xi32, #tpu.memory_space<hbm>>) dst(%dma_wait3A_2591 : memref<128xi32, #tpu.memory_space<vmem>>)
    %dma_wait3A_2597 = arith.constant 17 : i32
    %dma_wait3A_2598 = arith.constant 128 : i32
    %dma_wait3A_2599 = tpu.memref_slice %arg41[%dma_wait3A_2598] : memref<1024xi32, #tpu.memory_space<vmem>> -> memref<128xi32, #tpu.memory_space<vmem>>
    %dma_wait3A_2600 = arith.constant 0 : i32
    %dma_wait3A_2601 = tpu.memref_slice %arg34[%dma_wait3A_2597, %dma_wait3A_2600] : memref<24x128xi32, #tpu.memory_space<vmem>> -> memref<1x128xi32, #tpu.memory_space<vmem>>
    %dma_wait3A_2602 = tpu.memref_squeeze %dma_wait3A_2601 : memref<1x128xi32, #tpu.memory_space<vmem>> -> memref<128xi32, #tpu.memory_space<vmem>>
    %dma_wait3A_2603 = arith.constant 0 : i32
    %dma_wait3A_2604 = tpu.memref_slice %arg12[%dma_wait3A_2603] : memref<1000000xi32, #tpu.memory_space<hbm>> -> memref<1000000xi32, #tpu.memory_space<hbm>>
    tpu.wait_indirect_dma semaphore(%arg51 : memref<!tpu.dma_semaphore, #tpu.memory_space<semaphore_mem>>) src(%dma_wait3A_2604 : memref<1000000xi32, #tpu.memory_space<hbm>>) dst(%dma_wait3A_2599 : memref<128xi32, #tpu.memory_space<vmem>>)
    %dma_wait3A_2605 = arith.constant 17 : i32
    %dma_wait3A_2606 = arith.constant 128 : i32
    %dma_wait3A_2607 = tpu.memref_slice %arg42[%dma_wait3A_2606] : memref<1024xf32, #tpu.memory_space<vmem>> -> memref<128xf32, #tpu.memory_space<vmem>>
    %dma_wait3A_2608 = arith.constant 0 : i32
    %dma_wait3A_2609 = tpu.memref_slice %arg34[%dma_wait3A_2605, %dma_wait3A_2608] : memref<24x128xi32, #tpu.memory_space<vmem>> -> memref<1x128xi32, #tpu.memory_space<vmem>>
    %dma_wait3A_2610 = tpu.memref_squeeze %dma_wait3A_2609 : memref<1x128xi32, #tpu.memory_space<vmem>> -> memref<128xi32, #tpu.memory_space<vmem>>
    %dma_wait3A_2611 = arith.constant 0 : i32
    %dma_wait3A_2612 = tpu.memref_slice %arg11[%dma_wait3A_2611] : memref<1000000xf32, #tpu.memory_space<hbm>> -> memref<1000000xf32, #tpu.memory_space<hbm>>
    tpu.wait_indirect_dma semaphore(%arg51 : memref<!tpu.dma_semaphore, #tpu.memory_space<semaphore_mem>>) src(%dma_wait3A_2612 : memref<1000000xf32, #tpu.memory_space<hbm>>) dst(%dma_wait3A_2607 : memref<128xf32, #tpu.memory_space<vmem>>)
    %dma_wait3A_2613 = arith.constant 17 : i32
    %dma_wait3A_2614 = arith.constant 128 : i32
    %dma_wait3A_2615 = tpu.memref_slice %arg43[%dma_wait3A_2614] : memref<1024xi32, #tpu.memory_space<vmem>> -> memref<128xi32, #tpu.memory_space<vmem>>
    %dma_wait3A_2616 = arith.constant 0 : i32
    %dma_wait3A_2617 = tpu.memref_slice %arg34[%dma_wait3A_2613, %dma_wait3A_2616] : memref<24x128xi32, #tpu.memory_space<vmem>> -> memref<1x128xi32, #tpu.memory_space<vmem>>
    %dma_wait3A_2618 = tpu.memref_squeeze %dma_wait3A_2617 : memref<1x128xi32, #tpu.memory_space<vmem>> -> memref<128xi32, #tpu.memory_space<vmem>>
    %dma_wait3A_2619 = arith.constant 0 : i32
    %dma_wait3A_2620 = tpu.memref_slice %arg13[%dma_wait3A_2619] : memref<1000000xi32, #tpu.memory_space<hbm>> -> memref<1000000xi32, #tpu.memory_space<hbm>>
    tpu.wait_indirect_dma semaphore(%arg51 : memref<!tpu.dma_semaphore, #tpu.memory_space<semaphore_mem>>) src(%dma_wait3A_2620 : memref<1000000xi32, #tpu.memory_space<hbm>>) dst(%dma_wait3A_2615 : memref<128xi32, #tpu.memory_space<vmem>>)
    %dma_wait3A_2621 = arith.constant 18 : i32
    %dma_wait3A_2622 = arith.constant 256 : i32
    %dma_wait3A_2623 = tpu.memref_slice %arg41[%dma_wait3A_2622] : memref<1024xi32, #tpu.memory_space<vmem>> -> memref<128xi32, #tpu.memory_space<vmem>>
    %dma_wait3A_2624 = arith.constant 0 : i32
    %dma_wait3A_2625 = tpu.memref_slice %arg34[%dma_wait3A_2621, %dma_wait3A_2624] : memref<24x128xi32, #tpu.memory_space<vmem>> -> memref<1x128xi32, #tpu.memory_space<vmem>>
    %dma_wait3A_2626 = tpu.memref_squeeze %dma_wait3A_2625 : memref<1x128xi32, #tpu.memory_space<vmem>> -> memref<128xi32, #tpu.memory_space<vmem>>
    %dma_wait3A_2627 = arith.constant 0 : i32
    %dma_wait3A_2628 = tpu.memref_slice %arg12[%dma_wait3A_2627] : memref<1000000xi32, #tpu.memory_space<hbm>> -> memref<1000000xi32, #tpu.memory_space<hbm>>
    tpu.wait_indirect_dma semaphore(%arg51 : memref<!tpu.dma_semaphore, #tpu.memory_space<semaphore_mem>>) src(%dma_wait3A_2628 : memref<1000000xi32, #tpu.memory_space<hbm>>) dst(%dma_wait3A_2623 : memref<128xi32, #tpu.memory_space<vmem>>)
    %dma_wait3A_2629 = arith.constant 18 : i32
    %dma_wait3A_2630 = arith.constant 256 : i32
    %dma_wait3A_2631 = tpu.memref_slice %arg42[%dma_wait3A_2630] : memref<1024xf32, #tpu.memory_space<vmem>> -> memref<128xf32, #tpu.memory_space<vmem>>
    %dma_wait3A_2632 = arith.constant 0 : i32
    %dma_wait3A_2633 = tpu.memref_slice %arg34[%dma_wait3A_2629, %dma_wait3A_2632] : memref<24x128xi32, #tpu.memory_space<vmem>> -> memref<1x128xi32, #tpu.memory_space<vmem>>
    %dma_wait3A_2634 = tpu.memref_squeeze %dma_wait3A_2633 : memref<1x128xi32, #tpu.memory_space<vmem>> -> memref<128xi32, #tpu.memory_space<vmem>>
    %dma_wait3A_2635 = arith.constant 0 : i32
    %dma_wait3A_2636 = tpu.memref_slice %arg11[%dma_wait3A_2635] : memref<1000000xf32, #tpu.memory_space<hbm>> -> memref<1000000xf32, #tpu.memory_space<hbm>>
    tpu.wait_indirect_dma semaphore(%arg51 : memref<!tpu.dma_semaphore, #tpu.memory_space<semaphore_mem>>) src(%dma_wait3A_2636 : memref<1000000xf32, #tpu.memory_space<hbm>>) dst(%dma_wait3A_2631 : memref<128xf32, #tpu.memory_space<vmem>>)
    %dma_wait3A_2637 = arith.constant 18 : i32
    %dma_wait3A_2638 = arith.constant 256 : i32
    %dma_wait3A_2639 = tpu.memref_slice %arg43[%dma_wait3A_2638] : memref<1024xi32, #tpu.memory_space<vmem>> -> memref<128xi32, #tpu.memory_space<vmem>>
    %dma_wait3A_2640 = arith.constant 0 : i32
    %dma_wait3A_2641 = tpu.memref_slice %arg34[%dma_wait3A_2637, %dma_wait3A_2640] : memref<24x128xi32, #tpu.memory_space<vmem>> -> memref<1x128xi32, #tpu.memory_space<vmem>>
    %dma_wait3A_2642 = tpu.memref_squeeze %dma_wait3A_2641 : memref<1x128xi32, #tpu.memory_space<vmem>> -> memref<128xi32, #tpu.memory_space<vmem>>
    %dma_wait3A_2643 = arith.constant 0 : i32
    %dma_wait3A_2644 = tpu.memref_slice %arg13[%dma_wait3A_2643] : memref<1000000xi32, #tpu.memory_space<hbm>> -> memref<1000000xi32, #tpu.memory_space<hbm>>
    tpu.wait_indirect_dma semaphore(%arg51 : memref<!tpu.dma_semaphore, #tpu.memory_space<semaphore_mem>>) src(%dma_wait3A_2644 : memref<1000000xi32, #tpu.memory_space<hbm>>) dst(%dma_wait3A_2639 : memref<128xi32, #tpu.memory_space<vmem>>)
    %dma_wait3A_2645 = arith.constant 19 : i32
    %dma_wait3A_2646 = arith.constant 384 : i32
    %dma_wait3A_2647 = tpu.memref_slice %arg41[%dma_wait3A_2646] : memref<1024xi32, #tpu.memory_space<vmem>> -> memref<128xi32, #tpu.memory_space<vmem>>
    %dma_wait3A_2648 = arith.constant 0 : i32
    %dma_wait3A_2649 = tpu.memref_slice %arg34[%dma_wait3A_2645, %dma_wait3A_2648] : memref<24x128xi32, #tpu.memory_space<vmem>> -> memref<1x128xi32, #tpu.memory_space<vmem>>
    %dma_wait3A_2650 = tpu.memref_squeeze %dma_wait3A_2649 : memref<1x128xi32, #tpu.memory_space<vmem>> -> memref<128xi32, #tpu.memory_space<vmem>>
    %dma_wait3A_2651 = arith.constant 0 : i32
    %dma_wait3A_2652 = tpu.memref_slice %arg12[%dma_wait3A_2651] : memref<1000000xi32, #tpu.memory_space<hbm>> -> memref<1000000xi32, #tpu.memory_space<hbm>>
    tpu.wait_indirect_dma semaphore(%arg51 : memref<!tpu.dma_semaphore, #tpu.memory_space<semaphore_mem>>) src(%dma_wait3A_2652 : memref<1000000xi32, #tpu.memory_space<hbm>>) dst(%dma_wait3A_2647 : memref<128xi32, #tpu.memory_space<vmem>>)
    %dma_wait3A_2653 = arith.constant 19 : i32
    %dma_wait3A_2654 = arith.constant 384 : i32
    %dma_wait3A_2655 = tpu.memref_slice %arg42[%dma_wait3A_2654] : memref<1024xf32, #tpu.memory_space<vmem>> -> memref<128xf32, #tpu.memory_space<vmem>>
    %dma_wait3A_2656 = arith.constant 0 : i32
    %dma_wait3A_2657 = tpu.memref_slice %arg34[%dma_wait3A_2653, %dma_wait3A_2656] : memref<24x128xi32, #tpu.memory_space<vmem>> -> memref<1x128xi32, #tpu.memory_space<vmem>>
    %dma_wait3A_2658 = tpu.memref_squeeze %dma_wait3A_2657 : memref<1x128xi32, #tpu.memory_space<vmem>> -> memref<128xi32, #tpu.memory_space<vmem>>
    %dma_wait3A_2659 = arith.constant 0 : i32
    %dma_wait3A_2660 = tpu.memref_slice %arg11[%dma_wait3A_2659] : memref<1000000xf32, #tpu.memory_space<hbm>> -> memref<1000000xf32, #tpu.memory_space<hbm>>
    tpu.wait_indirect_dma semaphore(%arg51 : memref<!tpu.dma_semaphore, #tpu.memory_space<semaphore_mem>>) src(%dma_wait3A_2660 : memref<1000000xf32, #tpu.memory_space<hbm>>) dst(%dma_wait3A_2655 : memref<128xf32, #tpu.memory_space<vmem>>)
    %dma_wait3A_2661 = arith.constant 19 : i32
    %dma_wait3A_2662 = arith.constant 384 : i32
    %dma_wait3A_2663 = tpu.memref_slice %arg43[%dma_wait3A_2662] : memref<1024xi32, #tpu.memory_space<vmem>> -> memref<128xi32, #tpu.memory_space<vmem>>
    %dma_wait3A_2664 = arith.constant 0 : i32
    %dma_wait3A_2665 = tpu.memref_slice %arg34[%dma_wait3A_2661, %dma_wait3A_2664] : memref<24x128xi32, #tpu.memory_space<vmem>> -> memref<1x128xi32, #tpu.memory_space<vmem>>
    %dma_wait3A_2666 = tpu.memref_squeeze %dma_wait3A_2665 : memref<1x128xi32, #tpu.memory_space<vmem>> -> memref<128xi32, #tpu.memory_space<vmem>>
    %dma_wait3A_2667 = arith.constant 0 : i32
    %dma_wait3A_2668 = tpu.memref_slice %arg13[%dma_wait3A_2667] : memref<1000000xi32, #tpu.memory_space<hbm>> -> memref<1000000xi32, #tpu.memory_space<hbm>>
    tpu.wait_indirect_dma semaphore(%arg51 : memref<!tpu.dma_semaphore, #tpu.memory_space<semaphore_mem>>) src(%dma_wait3A_2668 : memref<1000000xi32, #tpu.memory_space<hbm>>) dst(%dma_wait3A_2663 : memref<128xi32, #tpu.memory_space<vmem>>)
    %dma_wait3A_2669 = arith.constant 20 : i32
    %dma_wait3A_2670 = arith.constant 512 : i32
    %dma_wait3A_2671 = tpu.memref_slice %arg41[%dma_wait3A_2670] : memref<1024xi32, #tpu.memory_space<vmem>> -> memref<128xi32, #tpu.memory_space<vmem>>
    %dma_wait3A_2672 = arith.constant 0 : i32
    %dma_wait3A_2673 = tpu.memref_slice %arg34[%dma_wait3A_2669, %dma_wait3A_2672] : memref<24x128xi32, #tpu.memory_space<vmem>> -> memref<1x128xi32, #tpu.memory_space<vmem>>
    %dma_wait3A_2674 = tpu.memref_squeeze %dma_wait3A_2673 : memref<1x128xi32, #tpu.memory_space<vmem>> -> memref<128xi32, #tpu.memory_space<vmem>>
    %dma_wait3A_2675 = arith.constant 0 : i32
    %dma_wait3A_2676 = tpu.memref_slice %arg12[%dma_wait3A_2675] : memref<1000000xi32, #tpu.memory_space<hbm>> -> memref<1000000xi32, #tpu.memory_space<hbm>>
    tpu.wait_indirect_dma semaphore(%arg51 : memref<!tpu.dma_semaphore, #tpu.memory_space<semaphore_mem>>) src(%dma_wait3A_2676 : memref<1000000xi32, #tpu.memory_space<hbm>>) dst(%dma_wait3A_2671 : memref<128xi32, #tpu.memory_space<vmem>>)
    %dma_wait3A_2677 = arith.constant 20 : i32
    %dma_wait3A_2678 = arith.constant 512 : i32
    %dma_wait3A_2679 = tpu.memref_slice %arg42[%dma_wait3A_2678] : memref<1024xf32, #tpu.memory_space<vmem>> -> memref<128xf32, #tpu.memory_space<vmem>>
    %dma_wait3A_2680 = arith.constant 0 : i32
    %dma_wait3A_2681 = tpu.memref_slice %arg34[%dma_wait3A_2677, %dma_wait3A_2680] : memref<24x128xi32, #tpu.memory_space<vmem>> -> memref<1x128xi32, #tpu.memory_space<vmem>>
    %dma_wait3A_2682 = tpu.memref_squeeze %dma_wait3A_2681 : memref<1x128xi32, #tpu.memory_space<vmem>> -> memref<128xi32, #tpu.memory_space<vmem>>
    %dma_wait3A_2683 = arith.constant 0 : i32
    %dma_wait3A_2684 = tpu.memref_slice %arg11[%dma_wait3A_2683] : memref<1000000xf32, #tpu.memory_space<hbm>> -> memref<1000000xf32, #tpu.memory_space<hbm>>
    tpu.wait_indirect_dma semaphore(%arg51 : memref<!tpu.dma_semaphore, #tpu.memory_space<semaphore_mem>>) src(%dma_wait3A_2684 : memref<1000000xf32, #tpu.memory_space<hbm>>) dst(%dma_wait3A_2679 : memref<128xf32, #tpu.memory_space<vmem>>)
    %dma_wait3A_2685 = arith.constant 20 : i32
    %dma_wait3A_2686 = arith.constant 512 : i32
    %dma_wait3A_2687 = tpu.memref_slice %arg43[%dma_wait3A_2686] : memref<1024xi32, #tpu.memory_space<vmem>> -> memref<128xi32, #tpu.memory_space<vmem>>
    %dma_wait3A_2688 = arith.constant 0 : i32
    %dma_wait3A_2689 = tpu.memref_slice %arg34[%dma_wait3A_2685, %dma_wait3A_2688] : memref<24x128xi32, #tpu.memory_space<vmem>> -> memref<1x128xi32, #tpu.memory_space<vmem>>
    %dma_wait3A_2690 = tpu.memref_squeeze %dma_wait3A_2689 : memref<1x128xi32, #tpu.memory_space<vmem>> -> memref<128xi32, #tpu.memory_space<vmem>>
    %dma_wait3A_2691 = arith.constant 0 : i32
    %dma_wait3A_2692 = tpu.memref_slice %arg13[%dma_wait3A_2691] : memref<1000000xi32, #tpu.memory_space<hbm>> -> memref<1000000xi32, #tpu.memory_space<hbm>>
    tpu.wait_indirect_dma semaphore(%arg51 : memref<!tpu.dma_semaphore, #tpu.memory_space<semaphore_mem>>) src(%dma_wait3A_2692 : memref<1000000xi32, #tpu.memory_space<hbm>>) dst(%dma_wait3A_2687 : memref<128xi32, #tpu.memory_space<vmem>>)
    %dma_wait3A_2693 = arith.constant 21 : i32
    %dma_wait3A_2694 = arith.constant 640 : i32
    %dma_wait3A_2695 = tpu.memref_slice %arg41[%dma_wait3A_2694] : memref<1024xi32, #tpu.memory_space<vmem>> -> memref<128xi32, #tpu.memory_space<vmem>>
    %dma_wait3A_2696 = arith.constant 0 : i32
    %dma_wait3A_2697 = tpu.memref_slice %arg34[%dma_wait3A_2693, %dma_wait3A_2696] : memref<24x128xi32, #tpu.memory_space<vmem>> -> memref<1x128xi32, #tpu.memory_space<vmem>>
    %dma_wait3A_2698 = tpu.memref_squeeze %dma_wait3A_2697 : memref<1x128xi32, #tpu.memory_space<vmem>> -> memref<128xi32, #tpu.memory_space<vmem>>
    %dma_wait3A_2699 = arith.constant 0 : i32
    %dma_wait3A_2700 = tpu.memref_slice %arg12[%dma_wait3A_2699] : memref<1000000xi32, #tpu.memory_space<hbm>> -> memref<1000000xi32, #tpu.memory_space<hbm>>
    tpu.wait_indirect_dma semaphore(%arg51 : memref<!tpu.dma_semaphore, #tpu.memory_space<semaphore_mem>>) src(%dma_wait3A_2700 : memref<1000000xi32, #tpu.memory_space<hbm>>) dst(%dma_wait3A_2695 : memref<128xi32, #tpu.memory_space<vmem>>)
    %dma_wait3A_2701 = arith.constant 21 : i32
    %dma_wait3A_2702 = arith.constant 640 : i32
    %dma_wait3A_2703 = tpu.memref_slice %arg42[%dma_wait3A_2702] : memref<1024xf32, #tpu.memory_space<vmem>> -> memref<128xf32, #tpu.memory_space<vmem>>
    %dma_wait3A_2704 = arith.constant 0 : i32
    %dma_wait3A_2705 = tpu.memref_slice %arg34[%dma_wait3A_2701, %dma_wait3A_2704] : memref<24x128xi32, #tpu.memory_space<vmem>> -> memref<1x128xi32, #tpu.memory_space<vmem>>
    %dma_wait3A_2706 = tpu.memref_squeeze %dma_wait3A_2705 : memref<1x128xi32, #tpu.memory_space<vmem>> -> memref<128xi32, #tpu.memory_space<vmem>>
    %dma_wait3A_2707 = arith.constant 0 : i32
    %dma_wait3A_2708 = tpu.memref_slice %arg11[%dma_wait3A_2707] : memref<1000000xf32, #tpu.memory_space<hbm>> -> memref<1000000xf32, #tpu.memory_space<hbm>>
    tpu.wait_indirect_dma semaphore(%arg51 : memref<!tpu.dma_semaphore, #tpu.memory_space<semaphore_mem>>) src(%dma_wait3A_2708 : memref<1000000xf32, #tpu.memory_space<hbm>>) dst(%dma_wait3A_2703 : memref<128xf32, #tpu.memory_space<vmem>>)
    %dma_wait3A_2709 = arith.constant 21 : i32
    %dma_wait3A_2710 = arith.constant 640 : i32
    %dma_wait3A_2711 = tpu.memref_slice %arg43[%dma_wait3A_2710] : memref<1024xi32, #tpu.memory_space<vmem>> -> memref<128xi32, #tpu.memory_space<vmem>>
    %dma_wait3A_2712 = arith.constant 0 : i32
    %dma_wait3A_2713 = tpu.memref_slice %arg34[%dma_wait3A_2709, %dma_wait3A_2712] : memref<24x128xi32, #tpu.memory_space<vmem>> -> memref<1x128xi32, #tpu.memory_space<vmem>>
    %dma_wait3A_2714 = tpu.memref_squeeze %dma_wait3A_2713 : memref<1x128xi32, #tpu.memory_space<vmem>> -> memref<128xi32, #tpu.memory_space<vmem>>
    %dma_wait3A_2715 = arith.constant 0 : i32
    %dma_wait3A_2716 = tpu.memref_slice %arg13[%dma_wait3A_2715] : memref<1000000xi32, #tpu.memory_space<hbm>> -> memref<1000000xi32, #tpu.memory_space<hbm>>
    tpu.wait_indirect_dma semaphore(%arg51 : memref<!tpu.dma_semaphore, #tpu.memory_space<semaphore_mem>>) src(%dma_wait3A_2716 : memref<1000000xi32, #tpu.memory_space<hbm>>) dst(%dma_wait3A_2711 : memref<128xi32, #tpu.memory_space<vmem>>)
    %dma_wait3A_2717 = arith.constant 22 : i32
    %dma_wait3A_2718 = arith.constant 768 : i32
    %dma_wait3A_2719 = tpu.memref_slice %arg41[%dma_wait3A_2718] : memref<1024xi32, #tpu.memory_space<vmem>> -> memref<128xi32, #tpu.memory_space<vmem>>
    %dma_wait3A_2720 = arith.constant 0 : i32
    %dma_wait3A_2721 = tpu.memref_slice %arg34[%dma_wait3A_2717, %dma_wait3A_2720] : memref<24x128xi32, #tpu.memory_space<vmem>> -> memref<1x128xi32, #tpu.memory_space<vmem>>
    %dma_wait3A_2722 = tpu.memref_squeeze %dma_wait3A_2721 : memref<1x128xi32, #tpu.memory_space<vmem>> -> memref<128xi32, #tpu.memory_space<vmem>>
    %dma_wait3A_2723 = arith.constant 0 : i32
    %dma_wait3A_2724 = tpu.memref_slice %arg12[%dma_wait3A_2723] : memref<1000000xi32, #tpu.memory_space<hbm>> -> memref<1000000xi32, #tpu.memory_space<hbm>>
    tpu.wait_indirect_dma semaphore(%arg51 : memref<!tpu.dma_semaphore, #tpu.memory_space<semaphore_mem>>) src(%dma_wait3A_2724 : memref<1000000xi32, #tpu.memory_space<hbm>>) dst(%dma_wait3A_2719 : memref<128xi32, #tpu.memory_space<vmem>>)
    %dma_wait3A_2725 = arith.constant 22 : i32
    %dma_wait3A_2726 = arith.constant 768 : i32
    %dma_wait3A_2727 = tpu.memref_slice %arg42[%dma_wait3A_2726] : memref<1024xf32, #tpu.memory_space<vmem>> -> memref<128xf32, #tpu.memory_space<vmem>>
    %dma_wait3A_2728 = arith.constant 0 : i32
    %dma_wait3A_2729 = tpu.memref_slice %arg34[%dma_wait3A_2725, %dma_wait3A_2728] : memref<24x128xi32, #tpu.memory_space<vmem>> -> memref<1x128xi32, #tpu.memory_space<vmem>>
    %dma_wait3A_2730 = tpu.memref_squeeze %dma_wait3A_2729 : memref<1x128xi32, #tpu.memory_space<vmem>> -> memref<128xi32, #tpu.memory_space<vmem>>
    %dma_wait3A_2731 = arith.constant 0 : i32
    %dma_wait3A_2732 = tpu.memref_slice %arg11[%dma_wait3A_2731] : memref<1000000xf32, #tpu.memory_space<hbm>> -> memref<1000000xf32, #tpu.memory_space<hbm>>
    tpu.wait_indirect_dma semaphore(%arg51 : memref<!tpu.dma_semaphore, #tpu.memory_space<semaphore_mem>>) src(%dma_wait3A_2732 : memref<1000000xf32, #tpu.memory_space<hbm>>) dst(%dma_wait3A_2727 : memref<128xf32, #tpu.memory_space<vmem>>)
    %dma_wait3A_2733 = arith.constant 22 : i32
    %dma_wait3A_2734 = arith.constant 768 : i32
    %dma_wait3A_2735 = tpu.memref_slice %arg43[%dma_wait3A_2734] : memref<1024xi32, #tpu.memory_space<vmem>> -> memref<128xi32, #tpu.memory_space<vmem>>
    %dma_wait3A_2736 = arith.constant 0 : i32
    %dma_wait3A_2737 = tpu.memref_slice %arg34[%dma_wait3A_2733, %dma_wait3A_2736] : memref<24x128xi32, #tpu.memory_space<vmem>> -> memref<1x128xi32, #tpu.memory_space<vmem>>
    %dma_wait3A_2738 = tpu.memref_squeeze %dma_wait3A_2737 : memref<1x128xi32, #tpu.memory_space<vmem>> -> memref<128xi32, #tpu.memory_space<vmem>>
    %dma_wait3A_2739 = arith.constant 0 : i32
    %dma_wait3A_2740 = tpu.memref_slice %arg13[%dma_wait3A_2739] : memref<1000000xi32, #tpu.memory_space<hbm>> -> memref<1000000xi32, #tpu.memory_space<hbm>>
    tpu.wait_indirect_dma semaphore(%arg51 : memref<!tpu.dma_semaphore, #tpu.memory_space<semaphore_mem>>) src(%dma_wait3A_2740 : memref<1000000xi32, #tpu.memory_space<hbm>>) dst(%dma_wait3A_2735 : memref<128xi32, #tpu.memory_space<vmem>>)
    %dma_wait3A_2741 = arith.constant 23 : i32
    %dma_wait3A_2742 = arith.constant 896 : i32
    %dma_wait3A_2743 = tpu.memref_slice %arg41[%dma_wait3A_2742] : memref<1024xi32, #tpu.memory_space<vmem>> -> memref<128xi32, #tpu.memory_space<vmem>>
    %dma_wait3A_2744 = arith.constant 0 : i32
    %dma_wait3A_2745 = tpu.memref_slice %arg34[%dma_wait3A_2741, %dma_wait3A_2744] : memref<24x128xi32, #tpu.memory_space<vmem>> -> memref<1x128xi32, #tpu.memory_space<vmem>>
    %dma_wait3A_2746 = tpu.memref_squeeze %dma_wait3A_2745 : memref<1x128xi32, #tpu.memory_space<vmem>> -> memref<128xi32, #tpu.memory_space<vmem>>
    %dma_wait3A_2747 = arith.constant 0 : i32
    %dma_wait3A_2748 = tpu.memref_slice %arg12[%dma_wait3A_2747] : memref<1000000xi32, #tpu.memory_space<hbm>> -> memref<1000000xi32, #tpu.memory_space<hbm>>
    tpu.wait_indirect_dma semaphore(%arg51 : memref<!tpu.dma_semaphore, #tpu.memory_space<semaphore_mem>>) src(%dma_wait3A_2748 : memref<1000000xi32, #tpu.memory_space<hbm>>) dst(%dma_wait3A_2743 : memref<128xi32, #tpu.memory_space<vmem>>)
    %dma_wait3A_2749 = arith.constant 23 : i32
    %dma_wait3A_2750 = arith.constant 896 : i32
    %dma_wait3A_2751 = tpu.memref_slice %arg42[%dma_wait3A_2750] : memref<1024xf32, #tpu.memory_space<vmem>> -> memref<128xf32, #tpu.memory_space<vmem>>
    %dma_wait3A_2752 = arith.constant 0 : i32
    %dma_wait3A_2753 = tpu.memref_slice %arg34[%dma_wait3A_2749, %dma_wait3A_2752] : memref<24x128xi32, #tpu.memory_space<vmem>> -> memref<1x128xi32, #tpu.memory_space<vmem>>
    %dma_wait3A_2754 = tpu.memref_squeeze %dma_wait3A_2753 : memref<1x128xi32, #tpu.memory_space<vmem>> -> memref<128xi32, #tpu.memory_space<vmem>>
    %dma_wait3A_2755 = arith.constant 0 : i32
    %dma_wait3A_2756 = tpu.memref_slice %arg11[%dma_wait3A_2755] : memref<1000000xf32, #tpu.memory_space<hbm>> -> memref<1000000xf32, #tpu.memory_space<hbm>>
    tpu.wait_indirect_dma semaphore(%arg51 : memref<!tpu.dma_semaphore, #tpu.memory_space<semaphore_mem>>) src(%dma_wait3A_2756 : memref<1000000xf32, #tpu.memory_space<hbm>>) dst(%dma_wait3A_2751 : memref<128xf32, #tpu.memory_space<vmem>>)
    %dma_wait3A_2757 = arith.constant 23 : i32
    %dma_wait3A_2758 = arith.constant 896 : i32
    %dma_wait3A_2759 = tpu.memref_slice %arg43[%dma_wait3A_2758] : memref<1024xi32, #tpu.memory_space<vmem>> -> memref<128xi32, #tpu.memory_space<vmem>>
    %dma_wait3A_2760 = arith.constant 0 : i32
    %dma_wait3A_2761 = tpu.memref_slice %arg34[%dma_wait3A_2757, %dma_wait3A_2760] : memref<24x128xi32, #tpu.memory_space<vmem>> -> memref<1x128xi32, #tpu.memory_space<vmem>>
    %dma_wait3A_2762 = tpu.memref_squeeze %dma_wait3A_2761 : memref<1x128xi32, #tpu.memory_space<vmem>> -> memref<128xi32, #tpu.memory_space<vmem>>
    %dma_wait3A_2763 = arith.constant 0 : i32
    %dma_wait3A_2764 = tpu.memref_slice %arg13[%dma_wait3A_2763] : memref<1000000xi32, #tpu.memory_space<hbm>> -> memref<1000000xi32, #tpu.memory_space<hbm>>
    tpu.wait_indirect_dma semaphore(%arg51 : memref<!tpu.dma_semaphore, #tpu.memory_space<semaphore_mem>>) src(%dma_wait3A_2764 : memref<1000000xi32, #tpu.memory_space<hbm>>) dst(%dma_wait3A_2759 : memref<128xi32, #tpu.memory_space<vmem>>)
    %broadcast_in_dim3A_2765 = arith.constant 2 : i32
    %broadcast_in_dim3A_2766 = vector.broadcast %broadcast_in_dim3A_2765 : i32 to vector<16xi32>
    %jit3A_2767 = arith.constant 0 : i32
    %broadcast_in_dim3A_2768 = vector.broadcast %jit3A_2767 : i32 to vector<16xi32>
    %select_n3A_2769 = arith.select %lt3A_4, %sub3A_1091, %broadcast_in_dim3A_2768 : vector<16xi1>, vector<16xi32>
    %reduce_max3A_2770 = arith.constant true
    %reduce_max3A_2771 = vector.broadcast %reduce_max3A_2770 : i1 to vector<16xi1>
    %reduce_max3A_2772 = arith.constant -2147483648 : i32
    %reduce_max3A_2773 = vector.broadcast %reduce_max3A_2772 : i32 to vector<16xi32>
    %reduce_max3A_2774 = arith.xori %select_n3A_2769, %reduce_max3A_2773 : vector<16xi32>
    %reduce_max3A_2775 = tpu.scan <max>, %reduce_max3A_2774 masked %reduce_max3A_2771 : vector<16xi32>, vector<16xi1> -> vector<16xi32>
    %reduce_max3A_2776 = arith.xori %reduce_max3A_2775, %reduce_max3A_2773 : vector<16xi32>
    %reduce_max3A_2777 = vector.extract %reduce_max3A_2776[15] : i32 from vector<16xi32>
    %while3A_2778 = arith.constant 0 : i32
    %while3A_2779 = arith.constant 0 : i32
    %while3A_2780 = arith.subi %reduce_max3A_2777, %while3A_2779 : i32
    %while3A_2781 = arith.addi %while3A_2779, %while3A_2780 : i32
    %while3A_2782 = arith.constant 1 : i32
    %while3A_2783 = arith.divsi %while3A_2780, %while3A_2782 : i32
    %while3A_2784 = arith.muli %while3A_2783, %while3A_2782 : i32
    %while3A_2785 = arith.addi %while3A_2779, %while3A_2784 : i32
    %while3A_2786 = arith.constant 1 : i32
    scf.for %while3A_2791 = %while3A_2779 to %while3A_2785 step %while3A_2786  : i32 {
      %mul3A_2792 = arith.constant 16 : i32
      %mul3A_2793 = arith.muli %while3A_2791, %mul3A_2792 : i32
      %get3A_2794 = arith.index_cast %mul3A_2793 : i32 to index
      %get3A_2795 = tpu.vector_load %arg41[%get3A_2794] {strides = array<i32>} : memref<1024xi32, #tpu.memory_space<vmem>>, vector<16xi32>,
      %get3A_2796 = arith.index_cast %mul3A_2793 : i32 to index
      %get3A_2797 = tpu.vector_load %arg42[%get3A_2796] {strides = array<i32>} : memref<1024xf32, #tpu.memory_space<vmem>>, vector<16xf32>,
      %get3A_2798 = arith.index_cast %mul3A_2793 : i32 to index
      %get3A_2799 = tpu.vector_load %arg43[%get3A_2798] {strides = array<i32>} : memref<1024xi32, #tpu.memory_space<vmem>>, vector<16xi32>,
      %lt3A_2800 = vector.broadcast %while3A_2791 : i32 to vector<16xi32>
      %lt3A_2801 = arith.cmpi slt, %lt3A_2800, %sub3A_1091 : vector<16xi32>
      %and3A_2802 = arith.andi %lt3A_4, %lt3A_2801 : vector<16xi1>
      %gather3A_2803 = tpu.vector_load_idx %arg44[%and3A_6, %get3A_2795] masked %and3A_2802 : memref<8x1024xi32, #tpu.memory_space<vmem>>[vector<16xi32>, vector<16xi32>], vector<16xi32>, vector<16xi1>
      %gather3A_2804 = tpu.vector_load_idx %arg45[%and3A_6, %get3A_2795] masked %and3A_2802 : memref<8x1024xf32, #tpu.memory_space<vmem>>[vector<16xi32>, vector<16xi32>], vector<16xf32>, vector<16xi1>
      %gather3A_2805 = tpu.vector_load_idx %arg46[%and3A_6, %get3A_2795] masked %and3A_2802 : memref<8x1024xi32, #tpu.memory_space<vmem>>[vector<16xi32>, vector<16xi32>], vector<16xi32>, vector<16xi1>
      %add3A_2806 = arith.addf %add3A_2135, %get3A_2797 : vector<16xf32>
      %mul3A_2807 = arith.mulf %add3A_2806, %gather3A_2128 : vector<16xf32>
      %lt3A_2808 = arith.cmpi slt, %broadcast_in_dim3A_2766, %gather3A_2803 : vector<16xi32>
      %eq3A = arith.cmpi eq, %broadcast_in_dim3A_2766, %gather3A_2803 : vector<16xi32>
      %max3A = arith.maximumf %gather3A_2804, %mul3A_2807 : vector<16xf32>
      %select_n3A_2809 = arith.select %eq3A, %max3A, %gather3A_2804 : vector<16xi1>, vector<16xf32>
      %select_n3A_2810 = arith.select %lt3A_2808, %mul3A_2807, %select_n3A_2809 : vector<16xi1>, vector<16xf32>
      %max3A_2811 = arith.maxsi %gather3A_2805, %get3A_2799 : vector<16xi32>
      %select_n3A_2812 = arith.select %eq3A, %max3A_2811, %gather3A_2805 : vector<16xi1>, vector<16xi32>
      %select_n3A_2813 = arith.select %lt3A_2808, %get3A_2799, %select_n3A_2812 : vector<16xi1>, vector<16xi32>
      %min3A = arith.minsi %gather3A_2803, %broadcast_in_dim3A_2766 : vector<16xi32>
      tpu.vector_store_idx %arg45[%and3A_6, %get3A_2795], %select_n3A_2810 masked %and3A_2802 : memref<8x1024xf32, #tpu.memory_space<vmem>>[vector<16xi32>, vector<16xi32>], vector<16xf32>, vector<16xi1>
      tpu.vector_store_idx %arg46[%and3A_6, %get3A_2795], %select_n3A_2813 masked %and3A_2802 : memref<8x1024xi32, #tpu.memory_space<vmem>>[vector<16xi32>, vector<16xi32>], vector<16xi32>, vector<16xi1>
      tpu.vector_store_idx %arg44[%and3A_6, %get3A_2795], %min3A masked %and3A_2802 : memref<8x1024xi32, #tpu.memory_space<vmem>>[vector<16xi32>, vector<16xi32>], vector<16xi32>, vector<16xi1>
    }
    %while3A_2787 = arith.constant 1 : i32
    scf.for %while3A_2791 = %while3A_2785 to %while3A_2781 step %while3A_2787  : i32 {
      %mul3A_2792 = arith.constant 16 : i32
      %mul3A_2793 = arith.muli %while3A_2791, %mul3A_2792 : i32
      %get3A_2794 = arith.index_cast %mul3A_2793 : i32 to index
      %get3A_2795 = tpu.vector_load %arg41[%get3A_2794] {strides = array<i32>} : memref<1024xi32, #tpu.memory_space<vmem>>, vector<16xi32>,
      %get3A_2796 = arith.index_cast %mul3A_2793 : i32 to index
      %get3A_2797 = tpu.vector_load %arg42[%get3A_2796] {strides = array<i32>} : memref<1024xf32, #tpu.memory_space<vmem>>, vector<16xf32>,
      %get3A_2798 = arith.index_cast %mul3A_2793 : i32 to index
      %get3A_2799 = tpu.vector_load %arg43[%get3A_2798] {strides = array<i32>} : memref<1024xi32, #tpu.memory_space<vmem>>, vector<16xi32>,
      %lt3A_2800 = vector.broadcast %while3A_2791 : i32 to vector<16xi32>
      %lt3A_2801 = arith.cmpi slt, %lt3A_2800, %sub3A_1091 : vector<16xi32>
      %and3A_2802 = arith.andi %lt3A_4, %lt3A_2801 : vector<16xi1>
      %gather3A_2803 = tpu.vector_load_idx %arg44[%and3A_6, %get3A_2795] masked %and3A_2802 : memref<8x1024xi32, #tpu.memory_space<vmem>>[vector<16xi32>, vector<16xi32>], vector<16xi32>, vector<16xi1>
      %gather3A_2804 = tpu.vector_load_idx %arg45[%and3A_6, %get3A_2795] masked %and3A_2802 : memref<8x1024xf32, #tpu.memory_space<vmem>>[vector<16xi32>, vector<16xi32>], vector<16xf32>, vector<16xi1>
      %gather3A_2805 = tpu.vector_load_idx %arg46[%and3A_6, %get3A_2795] masked %and3A_2802 : memref<8x1024xi32, #tpu.memory_space<vmem>>[vector<16xi32>, vector<16xi32>], vector<16xi32>, vector<16xi1>
      %add3A_2806 = arith.addf %add3A_2135, %get3A_2797 : vector<16xf32>
      %mul3A_2807 = arith.mulf %add3A_2806, %gather3A_2128 : vector<16xf32>
      %lt3A_2808 = arith.cmpi slt, %broadcast_in_dim3A_2766, %gather3A_2803 : vector<16xi32>
      %eq3A = arith.cmpi eq, %broadcast_in_dim3A_2766, %gather3A_2803 : vector<16xi32>
      %max3A = arith.maximumf %gather3A_2804, %mul3A_2807 : vector<16xf32>
      %select_n3A_2809 = arith.select %eq3A, %max3A, %gather3A_2804 : vector<16xi1>, vector<16xf32>
      %select_n3A_2810 = arith.select %lt3A_2808, %mul3A_2807, %select_n3A_2809 : vector<16xi1>, vector<16xf32>
      %max3A_2811 = arith.maxsi %gather3A_2805, %get3A_2799 : vector<16xi32>
      %select_n3A_2812 = arith.select %eq3A, %max3A_2811, %gather3A_2805 : vector<16xi1>, vector<16xi32>
      %select_n3A_2813 = arith.select %lt3A_2808, %get3A_2799, %select_n3A_2812 : vector<16xi1>, vector<16xi32>
      %min3A = arith.minsi %gather3A_2803, %broadcast_in_dim3A_2766 : vector<16xi32>
      tpu.vector_store_idx %arg45[%and3A_6, %get3A_2795], %select_n3A_2810 masked %and3A_2802 : memref<8x1024xf32, #tpu.memory_space<vmem>>[vector<16xi32>, vector<16xi32>], vector<16xf32>, vector<16xi1>
      tpu.vector_store_idx %arg46[%and3A_6, %get3A_2795], %select_n3A_2813 masked %and3A_2802 : memref<8x1024xi32, #tpu.memory_space<vmem>>[vector<16xi32>, vector<16xi32>], vector<16xi32>, vector<16xi1>
      tpu.vector_store_idx %arg44[%and3A_6, %get3A_2795], %min3A masked %and3A_2802 : memref<8x1024xi32, #tpu.memory_space<vmem>>[vector<16xi32>, vector<16xi32>], vector<16xi32>, vector<16xi1>
    }
    %gather3A_2788 = tpu.vector_load_idx %arg22[%and3A_6] : memref<16xf32, #tpu.memory_space<vmem>>[vector<16xi32>], vector<16xf32>,
    %mul3A_2789 = arith.mulf %gather3A_2788, %gather3A_2128 : vector<16xf32>
    %gather3A_2790 = tpu.vector_load_idx %arg16[%and3A_6] : memref<16xi32, #tpu.memory_space<vmem>>[vector<16xi32>], vector<16xi32>,
    tpu.vector_store_idx %arg45[%and3A_6, %broadcast_in_dim3A_9], %mul3A_2789 masked %lt3A_4 : memref<8x1024xf32, #tpu.memory_space<vmem>>[vector<16xi32>, vector<16xi32>], vector<16xf32>, vector<16xi1>
    tpu.vector_store_idx %arg46[%and3A_6, %broadcast_in_dim3A_9], %gather3A_2790 masked %lt3A_4 : memref<8x1024xi32, #tpu.memory_space<vmem>>[vector<16xi32>, vector<16xi32>], vector<16xi32>, vector<16xi1>
    "tpu.region"() ({
      %run_scoped3A = tpu.sem_alloc : memref<!tpu.dma_semaphore, #tpu.memory_space<semaphore_mem>>
      %dma_start3A_2791 = arith.constant 0 : i32
      %dma_start3A_2792 = tpu.memref_slice %arg14[%mul3A_2, %dma_start3A_2791] : memref<256x1024xf32, #tpu.memory_space<hbm>> -> memref<8x1024xf32, #tpu.memory_space<hbm>>
      %dma_start3A_2793 = arith.constant 0 : i32
      %dma_start3A_2794 = tpu.memref_slice %arg14[%mul3A_2, %dma_start3A_2793] : memref<256x1024xf32, #tpu.memory_space<hbm>> -> memref<8x1024xf32, #tpu.memory_space<hbm>>
      tpu.enqueue_dma source(%arg45 : memref<8x1024xf32, #tpu.memory_space<vmem>>) target(%dma_start3A_2794 : memref<8x1024xf32, #tpu.memory_space<hbm>>) target_semaphore(%run_scoped3A : memref<!tpu.dma_semaphore, #tpu.memory_space<semaphore_mem>>)
      %dma_wait3A_2795 = arith.constant 0 : i32
      %dma_wait3A_2796 = tpu.memref_slice %arg14[%mul3A_2, %dma_wait3A_2795] : memref<256x1024xf32, #tpu.memory_space<hbm>> -> memref<8x1024xf32, #tpu.memory_space<hbm>>
      %dma_wait3A_2797 = arith.constant 0 : i32
      %dma_wait3A_2798 = tpu.memref_slice %arg14[%mul3A_2, %dma_wait3A_2797] : memref<256x1024xf32, #tpu.memory_space<hbm>> -> memref<8x1024xf32, #tpu.memory_space<hbm>>
      tpu.wait_dma2 semaphore(%run_scoped3A : memref<!tpu.dma_semaphore, #tpu.memory_space<semaphore_mem>>) src(%arg45 : memref<8x1024xf32, #tpu.memory_space<vmem>>) dst(%dma_wait3A_2798 : memref<8x1024xf32, #tpu.memory_space<hbm>>)
      tpu.yield
    }) : () -> ()
    "tpu.region"() ({
      %run_scoped3A = tpu.sem_alloc : memref<!tpu.dma_semaphore, #tpu.memory_space<semaphore_mem>>
      %dma_start3A_2791 = arith.constant 0 : i32
      %dma_start3A_2792 = tpu.memref_slice %arg15[%mul3A_2, %dma_start3A_2791] : memref<256x1024xi32, #tpu.memory_space<hbm>> -> memref<8x1024xi32, #tpu.memory_space<hbm>>
      %dma_start3A_2793 = arith.constant 0 : i32
      %dma_start3A_2794 = tpu.memref_slice %arg15[%mul3A_2, %dma_start3A_2793] : memref<256x1024xi32, #tpu.memory_space<hbm>> -> memref<8x1024xi32, #tpu.memory_space<hbm>>
      tpu.enqueue_dma source(%arg46 : memref<8x1024xi32, #tpu.memory_space<vmem>>) target(%dma_start3A_2794 : memref<8x1024xi32, #tpu.memory_space<hbm>>) target_semaphore(%run_scoped3A : memref<!tpu.dma_semaphore, #tpu.memory_space<semaphore_mem>>)
      %dma_wait3A_2795 = arith.constant 0 : i32
      %dma_wait3A_2796 = tpu.memref_slice %arg15[%mul3A_2, %dma_wait3A_2795] : memref<256x1024xi32, #tpu.memory_space<hbm>> -> memref<8x1024xi32, #tpu.memory_space<hbm>>
      %dma_wait3A_2797 = arith.constant 0 : i32
      %dma_wait3A_2798 = tpu.memref_slice %arg15[%mul3A_2, %dma_wait3A_2797] : memref<256x1024xi32, #tpu.memory_space<hbm>> -> memref<8x1024xi32, #tpu.memory_space<hbm>>
      tpu.wait_dma2 semaphore(%run_scoped3A : memref<!tpu.dma_semaphore, #tpu.memory_space<semaphore_mem>>) src(%arg46 : memref<8x1024xi32, #tpu.memory_space<vmem>>) dst(%dma_wait3A_2798 : memref<8x1024xi32, #tpu.memory_space<hbm>>)
      tpu.yield
    }) : () -> ()
    return
  }
}

</mosaic_0001>

<sc_bundles>
// kernel: kernel.3.cloned.1.call-start
scs
__scs_entry_jumppad:
0x0: {  	(pc) =	sbr.rel $0x88, $3  }
0x1: {  	(tag) =	ssettag $0x0;
	lr =	simm.s32 $0x1  }
0x2: {  	[smem:$0x3F97] =	sst lr;
	_ =	strace $0xD0000000  }
0x3: {  	_ = 	snop  }
0x4: {  	_ = 	snop  }
0x5: {  	_ = 	snop  }
0x6: {  	_ = 	snop  }
0x7: {  	_ = 	snop  }
__scs_overlays_trampoline_lowered:
0x8: {  	[smem:$0x3FA6] =	sst s0  }
0x9: {  	[smem:$0x3FA7] =	sst s1  }
0xa: {  	[smem:$0x3FA8] =	sst s2  }
0xb: {  	[smem:$0x3FA9] =	sst s3  }
0xc: {  	[smem:$0x3FAA] =	sst s4  }
0xd: {  	[smem:$0x3FAB] =	sst s5  }
0xe: {  	[smem:$0x3FAC] =	sst s6  }
0xf: {  	[smem:$0x3FAD] =	sst s7  }
0x10: {  	[smem:$0x3FAE] =	sst s8  }
0x11: {  	[smem:$0x3FAF] =	sst s9;
	s0 =	simm.s32 @!p0 $0x0  }
0x12: {  	s1 =	sld [smem:$0x3F95];
	s0 =	simm.s32 @p0 $0x1  }
0x13: {  	[smem:$0x3FB0] =	sst s0;
	s0 =	simm.s32 @!p1 $0x0  }
0x14: {  	s2 =	sld [smem:$0x3F94];
	s0 =	simm.s32 @p1 $0x1  }
0x15: {  	[smem:$0x3FB1] =	sst s0;
	s0 =	simm.s32 @!p2 $0x0  }
0x16: {  	s3 =	sld [smem:$0x3FDB];
	s0 =	simm.s32 @p2 $0x1  }
0x17: {  	s4 =	simm.s32 $0x1BF5;
	[smem:$0x3FB3] =	sst s0  }
0x18: {  	s0 =	sld [smem:$0x3F96];
	_ =	swait.ge [sflag:s4], $0x0  }
0x19: {  	s7 =	sld [smem:$0x3F97]  }
0x1a: {  	s8 =	sadd.s32 $0xFFFFE003, lr  }
0x1b: {  	s9 =	sadd.s32 $0xFFFFFEF7, lr;
	s5 =	simm.s32 $0xFFFFFFFF;
	p2 =	slt.u32 s8, $0xFFFFF086  }
0x1c: {  	p1 =	slt.u32 s9, $0xF7A;
	s5 =	simm.s32 @!p2 $0x0  }
0x1d: {  	s5 =	simm.s32 @p1 $0x1;
	p0 =	seq.s32 s7, s2  }
0x1e: {  	s7 =	smul.u32 @!p0 $0xF7A, s2;
	p2 =	seq.s32 @!p0 s5, $0x0  }
0x1f: {  	s9 =	smul.u32 $0xF7A, s1;
	s8 =	simm.s32 @!p0 $0x1BF5;
	p2 =	por !p2, p0  }
0x20: {  	[sflag:s8] =	ssyncset.s32 @!p0 $0xFFFFF086;
	s6 =	sadd.s32 @!p0 s3, s7;
	s7 =	simm.s32 @!p0 $0x108  }
0x21: {  	s3 =	sadd.s32 s3, s9;
	s6 =	sadd.s32 @!p0 $0x88, s6;
	s7 =	simm.s32 @p2 $0x1082  }
0x22: {  	[simem:s7], [sflag:s8] =	dma.local @!p0 [hbm:s6], $0xF7A  }
0x23: {  	s9 =	sor.u32 $0xD0000000, s2;
	s6 =	simm.s32 $0x108;
	_ =	swait.ge @!p0 [sflag:s8], $0x0  }
0x24: {  	s3 =	sadd.s32 $0x88, s3;
	s6 =	simm.s32 @!p1 $0x1082;
	[sflag:s4] =	ssyncset.s32 $0xFFFFF086  }
0x25: {  	[simem:s6], [sflag:s4] =	dma.local [hbm:s3], $0xF7A  }
0x26: {  	[smem:$0x3F97] =	sst s1;
	(tag) =	ssettag s2;
	_ =	strace s9  }
0x27: {  	s1 =	sld [smem:$0x3FA7]  }
0x28: {  	s2 =	sld [smem:$0x3FA8]  }
0x29: {  	s4 =	sld [smem:$0x3FAA]  }
0x2a: {  	p0 =	seq.s32 s5, $0x0;
	s5 =	sld [smem:$0x3FAB]  }
0x2b: {  	s6 =	sld [smem:$0x3FAC]  }
0x2c: {  	s7 =	sld [smem:$0x3FAD]  }
0x2d: {  	s3 =	simm.s32 $0x108;
	s8 =	sld [smem:$0x3FAE]  }
0x2e: {  	s3 =	simm.s32 @!p0 $0x1082;
	s9 =	sld [smem:$0x3FAF]  }
0x2f: {  	lr =	sadd.s32 s0, s3;
	s0 =	sld [smem:$0x3FA6]  }
0x30: {  	s3 =	sld [smem:$0x3FA9]  }
0x31: {  	[smem:$0x3FB2] =	sst s10  }
0x32: {  	s10 =	sld [smem:$0x3FB0];
	_ =	sdelay $0x3  }
0x33: {  	p0 =	seq.s32 s10, $0x1;
	s10 =	sld [smem:$0x3FB2];
	_ =	sdelay $0x3  }
0x34: {  	[smem:$0x3FB2] =	sst s10  }
0x35: {  	s10 =	sld [smem:$0x3FB1];
	_ =	sdelay $0x3  }
0x36: {  	p1 =	seq.s32 s10, $0x1;
	s10 =	sld [smem:$0x3FB2];
	_ =	sdelay $0x3  }
0x37: {  	[smem:$0x3FB2] =	sst s10  }
0x38: {  	s10 =	sld [smem:$0x3FB3]  }
0x39: {  	_ = 	snop;
	(pc) =	sbr.ind lr, $3  }
0x3a: {  	_ = 	snop  }
0x3b: {  	_ = 	snop  }
0x3c: {  	p2 =	seq.s32 s10, $0x1;
	s10 =	sld [smem:$0x3FB2]  }
0x3d: {  	_ =	shalt  }
0x3e: {  	_ =	shalt  }
0x3f: {  	_ =	shalt  }
0x40: {  	_ =	shalt  }
0x41: {  	_ =	shalt  }
0x42: {  	_ =	shalt  }
0x43: {  	_ =	shalt  }
0x44: {  	_ =	shalt  }
0x45: {  	_ =	shalt  }
0x46: {  	_ =	shalt  }
0x47: {  	_ =	shalt  }
0x48: {  	_ =	shalt  }
0x49: {  	_ =	shalt  }
0x4a: {  	_ =	shalt  }
0x4b: {  	_ =	shalt  }
0x4c: {  	_ =	shalt  }
0x4d: {  	_ =	shalt  }
0x4e: {  	_ =	shalt  }
0x4f: {  	_ =	shalt  }
0x50: {  	_ =	shalt  }
0x51: {  	_ =	shalt  }
0x52: {  	_ =	shalt  }
0x53: {  	_ =	shalt  }
0x54: {  	_ =	shalt  }
0x55: {  	_ =	shalt  }
0x56: {  	_ =	shalt  }
0x57: {  	_ =	shalt  }
0x58: {  	_ =	shalt  }
0x59: {  	_ =	shalt  }
0x5a: {  	_ =	shalt  }
0x5b: {  	_ =	shalt  }
0x5c: {  	_ =	shalt  }
0x5d: {  	_ =	shalt  }
0x5e: {  	_ =	shalt  }
0x5f: {  	_ =	shalt  }
0x60: {  	_ =	shalt  }
0x61: {  	_ =	shalt  }
0x62: {  	_ =	shalt  }
0x63: {  	_ =	shalt  }
0x64: {  	_ =	shalt  }
0x65: {  	_ =	shalt  }
0x66: {  	_ =	shalt  }
0x67: {  	_ =	shalt  }
0x68: {  	_ =	shalt  }
0x69: {  	_ =	shalt  }
0x6a: {  	_ =	shalt  }
0x6b: {  	_ =	shalt  }
0x6c: {  	_ =	shalt  }
0x6d: {  	_ =	shalt  }
0x6e: {  	_ =	shalt  }
0x6f: {  	_ =	shalt  }
0x70: {  	_ =	shalt  }
0x71: {  	_ =	shalt  }
0x72: {  	_ =	shalt  }
0x73: {  	_ =	shalt  }
0x74: {  	_ =	shalt  }
0x75: {  	_ =	shalt  }
0x76: {  	_ =	shalt  }
0x77: {  	_ =	shalt  }
0x78: {  	_ =	shalt  }
0x79: {  	_ =	shalt  }
0x7a: {  	_ =	shalt  }
0x7b: {  	_ =	shalt  }
0x7c: {  	_ =	shalt  }
0x7d: {  	_ =	shalt  }
0x7e: {  	_ =	shalt  }
0x7f: {  	_ =	shalt  }
0x80: {  	_ =	shalt  }
0x81: {  	_ =	shalt  }
0x82: {  	_ =	shalt  }
0x83: {  	_ =	shalt  }
0x84: {  	_ =	shalt  }
0x85: {  	_ =	shalt  }
0x86: {  	_ =	shalt  }
0x87: {  	_ =	shalt  }
.Lfunc_end0:
.L_simem_size_0:
called_computation_lowered:
.L_overlay_start_0:
0x88: {  	s2 =	sld [smem:$0x3FD9]  }
0x89: {  	s3 =	sld [smem:$0x3FFE];
	_ =	sdelay $0x1  }
0x8a: {  	s1 =	srdreg.scid  }
0x8b: {  	s0 =	sand.u32 $0x1, s1  }
0x8c: {  	s28 =	sshll.u32 s0, $0xA;
	s2 =	sadd.s32 s3, s2  }
0x8d: {  	s2 =	sadd.s32 s2, s28  }
0x8e: {  	[smem:$0x3FBE] =	sst s2  }
0x8f: {  	_ = 	snop  }
0x90: {  	s5 =	sld [smem:$0x3FC9]  }
0x91: {  	s6 =	sld [smem:$0x3FC8]  }
0x92: {  	s2 =	sld [smem:$0x3FC7]  }
0x93: {  	s29 =	sld [smem:$0x3FC6]  }
0x94: {  	s4 =	sld [smem:$0x3FC5]  }
0x95: {  	s7 =	sld [smem:$0x3FC3]  }
0x96: {  	s8 =	sld [smem:$0x3FD0]  }
0x97: {  	s9 =	sld [smem:$0x3FC2]  }
0x98: {  	s10 =	sld [smem:$0x3FC1]  }
0x99: {  	s12 =	simm.s32 $0xA;
	s13 =	simm.s32 $0x10;
	s11 =	sld [smem:$0x3FC0]  }
0x9a: {  	[smem:s13], [sflag:s12] =	dma.local [hbm:s8], $0x1  }
0x9b: {  	_ =	swait.eq [sflag:s12], $0x1  }
0x9c: {  	[sflag:s12] =	ssyncset.done $0x0  }
0x9d: {  	s30 =	sld [smem:$0x10];
	[sflag:s12] =	ssyncadd.s32 $0xFFFFFFFF  }
0x9e: {  	s31 =	sld [smem:$0x11];
	(tm) =	ssettm $0x1  }
0x9f: {  	s18 =	sld [smem:$0x3FFB];
	_ =	sdelay $0x3  }
0xa0: {  	_ =	strace s18  }
0xa1: {  	s13 =	sld [smem:$0x3FFC];
	_ =	sdelay $0x3  }
0xa2: {  	_ =	strace s13  }
0xa3: {  	s13 =	sld [smem:$0x3FFD];
	_ =	sdelay $0x3  }
0xa4: {  	_ =	strace s13  }
0xa5: {  	_ =	strace $0x8FFFFFFF  }
0xa6: {  	s19 =	sld [smem:$0x3FDB];
	_ =	sdelay $0x1  }
0xa7: {  	s14 =	simm.s32 $_scs_section_size  }
0xa8: {  	s15 =	simm.s32 $_size__tile_overlayer_lowered;
	s16 =	simm.s32 $_tile_overlayer_lowered  }
0xa9: {  	s22 =	simm.s32 $0x1BFF;
	s21 =	sshll.u32 s16, $0x1;
	s13 =	sadd.s32 s14, s19  }
0xaa: {  	s17 =	simm.s32 $0x0;
	s20 =	sshll.u32 s15, $0x1;
	s15 =	sadd.s32 s21, s13  }
0xab: {  	[timem:s17], [sflag:s22] =	dma.local [hbm:s15], s20  }
0xac: {  	_ =	swait.ge [sflag:s22], s20  }
0xad: {  	s14 =	ssub.s32 $0x0, s20;
	[sflag:s22] =	ssyncset.done $0x0  }
0xae: {  	[sflag:s22] =	ssyncadd.s32 s14;
	_ =	sdelay $0x1  }
0xaf: {  	s23 =	simm.s32 $0x1B8B  }
0xb0: {  	_ =	swait.ge [sflag:s23], $0x1  }
0xb1: {  	[sflag:s23] =	ssyncset.done $0x0  }
0xb2: {  	s25 =	simm.s32 $0x1B8E;
	s24 =	sld [smem:$0x3FFE];
	[sflag:s23] =	ssyncadd.s32 $0xFFFFFFFF  }
0xb3: {  	s26 =	simm.s32 $execute0_lowered;
	[smem:$0x3FD2] =	sst s25  }
0xb4: {  	s15 =	sshll.u32 s26, $0x1;
	_ =	strace $0x80000046;
	[dreg:$0x1] =	wrdreg $0xFFFFFFFF  }
0xb5: {  	s28 =	simm.s32 $_size_execute0_lowered;
	s13 =	sadd.s32 s13, s15;
	[dreg:$0x0] =	wrdreg $0x0  }
0xb6: {  	s15 =	sshll.u32 s28, $0x1;
	[dreg:$0x2] =	wrdreg s13  }
0xb7: {  	[dreg:$0x3] =	wrdreg s15  }
0xb8: {  	[dreg:$0x4] =	wrdreg $0xC0  }
0xb9: {  	_ =	task [dreg:s17], $0x5FFFF  }
0xba: {  	[dreg:$0x1] =	wrdreg $0xFFFFFFFF  }
0xbb: {  	[dreg:$0x0] =	wrdreg $0x60  }
0xbc: {  	[dreg:$0x2] =	wrdreg s5  }
0xbd: {  	[dreg:$0x3] =	wrdreg s6  }
0xbe: {  	[dreg:$0x4] =	wrdreg s24  }
0xbf: {  	[dreg:$0x5] =	wrdreg s7  }
0xc0: {  	[dreg:$0x6] =	wrdreg s9  }
0xc1: {  	[dreg:$0x7] =	wrdreg s10  }
0xc2: {  	[dreg:$0x8] =	wrdreg s11  }
0xc3: {  	[dreg:$0x9] =	wrdreg s2  }
0xc4: {  	[dreg:$0xa] =	wrdreg s29  }
0xc5: {  	[dreg:$0xb] =	wrdreg s4  }
0xc6: {  	[dreg:$0xc] =	wrdreg s30  }
0xc7: {  	[dreg:$0xd] =	wrdreg s31  }
0xc8: {  	[dreg:$0xe] =	wrdreg $0x9  }
0xc9: {  	_ =	task.clear_ibuf [dreg:s17], $0xFFFFF;
	_ =	strace $0x90000046  }
0xca: {  	s29 =	simm.s32 $0x9;
	_ =	strace $0x80000048  }
0xcb: {  	_ =	swait.ge [sflag:s29], $0x1  }
0xcc: {  	[sflag:s29] =	ssyncadd.s32 $0xFFFFFFFF  }
0xcd: {  	_ =	strace $0x90000048  }
0xce: {  	_ =	sfence  }
0xcf: {  	s30 =	sld [smem:$0x0];
	_ =	sdelay $0x2  }
0xd0: {  	s31 =	sshll.u32 s1, $0xD;
	s1 =	sshrl.u32 s1, $0x2  }
0xd1: {  	s3 =	sand.u32 $0x4000, s31;
	s1 =	sadd.s32 s1, s30  }
0xd2: {  	s0 =	sor.u32 s3, s0;
	s1 =	sshll.u32 s1, $0x11  }
0xd3: {  	s0 =	sor.u32 s1, s0  }
0xd4: {  	s0 =	sadd.s32 $0x8F2B, s0  }
0xd5: {  	[sflag:s0] =	ssyncadd.remote.s32 $0x1  }
0xd6: {  	_ =	sfence.sel $0xFFFF  }
0xd7: {  	[dreg:$0x0] =	wrdreg $0xFFFFFFFF;
	(pc) =	sbr.abs _section_cstart, $3  }
0xd8: {  	[dreg:$0x1] =	wrdreg $0xFFFFFFFF  }
0xd9: {  	_ =	task.clear_ibuf [dreg:s17], $0x2FFFF;
	_ =	strace $0x9FFFFFFF  }
0xda: {  	(tm) =	ssettm $0x7FFFFFFF  }
0xdb: {  	_ =	shalt  }
tec
execute0_lowered:
.L_overlay_start_1:
0x0: {  	(tag) =	ssettag $0x1  }
0x1: {  	s0 =	rddreg [dreg:$0x0]  }
0x2: {  	s1 =	rddreg [dreg:$0x1]  }
0x3: {  	s2 =	rddreg [dreg:$0x2]  }
0x4: {  	s5 =	rddreg [dreg:$0x7]  }
0x5: {  	s6 =	rddreg [dreg:$0x8]  }
0x6: {  	s7 =	rddreg [dreg:$0x9]  }
0x7: {  	s3 =	rddreg [dreg:$0xa]  }
0x8: {  	s4 =	rddreg [dreg:$0xb];
	s9 =	simm.s32 $0x0  }
0x9: {  	s8 =	srdreg.scid;
	s10 =	stileid.u32;
	s30 =	simm.s32 $0x2  }
0xa: {  	s31 =	simm.s32 $0x3900;
	s29 =	simm.s32 $0x700;
	[smem:$0x7FF] =	sst s9  }
0xb: {  	s8 =	sand.u32 $0x1, s8;
	s10 =	sshll.u32 s10, $0x4;
	s12 =	sadd.s32 $0x400, s2  }
0xc: {  	s28 =	sadd.s32 $0x200, s2;
	s11 =	sshll.u32 s8, $0x3;
	s8 =	ssub.s32 $0x2, s8  }
0xd: {  	_ =	strace $0x80000047;
	s10 =	sor.u32 s11, s10;
	s13 =	sshrl.u32 s8, $0x1  }
0xe: {  	s11 =	simm.s32 $0x400;
	s14 =	sshrl.u32 s10, $0x3;
	s8 =	ssub.s32 s8, s13  }
0xf: {  	s25 =	sshll.u32 s10, $0x7;
	s13 =	simm.s32 $0x5;
	s0 =	sadd.s32 s0, s14  }
0x10: {  	s10 =	simm.s32 $0x800;
	s15 =	sadd.s32 s1, s14;
	[dreg:$0xd] =	wrdreg s0  }
0x11: {  	s16 =	sadd.s32 s2, s14;
	s17 =	sor.u32 $0x20, s14;
	[dreg:$0xe] =	wrdreg s15  }
0x12: {  	s18 =	sor.u32 $0x40, s14;
	s20 =	sadd.s32 s12, s14;
	[dreg:$0xf] =	wrdreg s16  }
0x13: {  	s21 =	sadd.s32 s28, s14;
	s26 =	sadd.s32 s3, s25;
	[dreg:$0x12] =	wrdreg s20  }
0x14: {  	s1 =	simm.s32 $0x1480;
	s3 =	simm.s32 $0x7900;
	[dreg:$0x13] =	wrdreg s21  }
0x15: {  	s14 =	simm.s32 $0x6;
	s19 =	sadd.s32 s2, s17;
	[dreg:$0x18] =	wrdreg s26  }
0x16: {  	s2 =	sadd.s32 s2, s18;
	s22 =	sadd.s32 s12, s17;
	[dreg:$0x10] =	wrdreg s19  }
0x17: {  	s0 =	sadd.s32 s28, s17;
	s23 =	sadd.s32 s12, s18;
	[dreg:$0x11] =	wrdreg s2  }
0x18: {  	s24 =	sadd.s32 s28, s18;
	s28 =	smax.u32 s8, $0x1;
	[dreg:$0x14] =	wrdreg s22  }
0x19: {  	s26 =	simm.s32 $0x380;
	s12 =	simm.s32 $0x5900;
	[dreg:$0x15] =	wrdreg s0  }
.Ltmp0:
0x1a: {  	s8 =	simm.s32 $0x3;
	[dreg:$0x16] =	wrdreg s23;
	(pc) =	sbr.rel .LBB2_1-.Ltmp0, $4  }
0x1b: {  	s21 =	simm.s32 $0x880;
	[dreg:$0x17] =	wrdreg s24;
	s0 =	sadd.s32 s4, s25  }
0x1c: {  	v0 =	vlaneseq.u32;
	[dreg:$0x1a] =	wrdreg s28;
	s24 =	simm.s32 $0x80;
	s2 =	simm.s32 $0x1  }
0x1d: {  	vm0 =	vmmov $0xff;
	v1 =	vand.u32 $0x7, v0;
	s22 =	simm.s32 $0x1380;
	s23 =	simm.s32 $0x1400;
	s4 =	simm.s32 $0x0  }
0x1e: {  	vm1 =	vmmov $0xffff;
	v2 =	vimm.s32 $0x3;
	v3 =	vmul.u32 $0x80, v1;
	s19 =	simm.s32 $0x280;
	[dreg:$0x19] =	wrdreg s0;
	s0 =	simm.s32 $0x4  }
.LBB2_16:
0x1f: {  	_ =	sdelay $0x4  }
0x20: {  	[tilespmem:v5+s12+$0x0] =	vst.idx.msk vm2, v10  }
0x21: {  	[tilespmem:v5+s3+$0x0] =	vst.idx.msk vm2, v7  }
0x22: {  	[tilespmem:v5+s31+$0x0] =	vst.idx.msk vm2, v6  }
.LBB2_17:
0x23: {  	_ =	sdelay $0x2  }
0x24: {  	s15 =	simm.s32 $0x300  }
0x25: {  	v4 =	vld.idx.msk [tilespmem:v1+s15+$0x0], $0xffff;
	_ =	sdelay $0x2  }
0x26: {  	v5 =	vld.idx.msk [tilespmem:v1+s9+$0x0], $0xffff;
	_ =	sdelay $0x1  }
0x27: {  	v4 =	vmul.f32 v4, v8;
	_ =	sdelay $0x1  }
0x28: {  	[tilespmem:v3+s12+$0x0] =	vst.idx.msk $0xff, v4  }
0x29: {  	s20 =	rddreg [dreg:$0x18];
	[tilespmem:v3+s3+$0x0] =	vst.idx.msk $0xff, v5  }
0x2a: {  	[hbm4b:s20+s9] =	stream.linear.scatter [tilespmem:s12], [sflag:$0x6], $0x2000, $0x38;
	[tilespmem:$0x9900] =	vst v63  }
0x2b: {  	_ =	swait.ge [sflag:s14], $0x2000  }
0x2c: {  	[sflag:s14] =	ssyncset.done $0x0  }
0x2d: {  	s25 =	rddreg [dreg:$0x19];
	[sflag:s14] =	ssyncadd.s32 $0xFFFFE000  }
0x2e: {  	[hbm4b:s25+s9] =	stream.linear.scatter [tilespmem:s3], [sflag:$0x6], $0x2000, $0x38;
	[tilespmem:$0x9900] =	vst v63  }
0x2f: {  	_ =	swait.ge [sflag:s14], $0x2000  }
0x30: {  	s4 =	sadd.s32 $0x1, s4;
	s28 =	rddreg [dreg:$0x1a]  }
0x31: {  	p0 =	sne.s32 s4, s28  }
.Ltmp1:
0x32: {  	_ = 	snop;
	(pc) =	sbr.rel @!p0 .LBB2_18-.Ltmp1, $3  }
0x33: {  	_ =	sdelay $0x1  }
0x34: {  	[sflag:s14] =	ssyncset.done $0x0  }
0x35: {  	[sflag:s14] =	ssyncadd.s32 $0xFFFFE000  }
.LBB2_1:
0x36: {  	s15 =	rddreg [dreg:$0xd]  }
0x37: {  	[tilespmem:s9], [sflag:$0x1] =	stream.linear.gather [hbm4b:s15+s9], $0x8, $0x38;
	[tilespmem:$0x9900] =	vst v63  }
0x38: {  	s25 =	rddreg [dreg:$0xe]  }
0x39: {  	[tilespmem:s24], [sflag:$0x1] =	stream.linear.gather [hbm4b:s25+s9], $0x8, $0x38;
	[tilespmem:$0x9900] =	vst v63  }
0x3a: {  	s28 =	rddreg [dreg:$0xf];
	s16 =	simm.s32 $0x100  }
0x3b: {  	[tilespmem:s16], [sflag:$0x1] =	stream.linear.gather [hbm4b:s28+s9], $0x8, $0x38;
	[tilespmem:$0x9900] =	vst v63  }
0x3c: {  	s17 =	rddreg [dreg:$0x10];
	s18 =	simm.s32 $0x180  }
0x3d: {  	[tilespmem:s18], [sflag:$0x1] =	stream.linear.gather [hbm4b:s17+s9], $0x8, $0x38;
	[tilespmem:$0x9900] =	vst v63  }
0x3e: {  	s25 =	rddreg [dreg:$0x11];
	s28 =	simm.s32 $0x200  }
0x3f: {  	[tilespmem:s28], [sflag:$0x1] =	stream.linear.gather [hbm4b:s25+s9], $0x8, $0x38;
	[tilespmem:$0x9900] =	vst v63  }
0x40: {  	s16 =	simm.s32 $0x480;
	s17 =	rddreg [dreg:$0x12]  }
0x41: {  	[tilespmem:s16], [sflag:$0x1] =	stream.linear.gather [hbm4b:s17+s9], $0x8, $0x38;
	[tilespmem:$0x9900] =	vst v63  }
0x42: {  	s18 =	rddreg [dreg:$0x13];
	s17 =	simm.s32 $0x600  }
0x43: {  	[tilespmem:s17], [sflag:$0x1] =	stream.linear.gather [hbm4b:s18+s9], $0x8, $0x38;
	[tilespmem:$0x9900] =	vst v63  }
0x44: {  	s25 =	rddreg [dreg:$0x14];
	s18 =	simm.s32 $0x500  }
0x45: {  	[tilespmem:s18], [sflag:$0x1] =	stream.linear.gather [hbm4b:s25+s9], $0x8, $0x38;
	[tilespmem:$0x9900] =	vst v63  }
0x46: {  	s28 =	rddreg [dreg:$0x15];
	s25 =	simm.s32 $0x680  }
0x47: {  	[tilespmem:s25], [sflag:$0x1] =	stream.linear.gather [hbm4b:s28+s9], $0x8, $0x38;
	[tilespmem:$0x9900] =	vst v63  }
0x48: {  	s15 =	rddreg [dreg:$0x16];
	s28 =	simm.s32 $0x580  }
0x49: {  	[tilespmem:s28], [sflag:$0x1] =	stream.linear.gather [hbm4b:s15+s9], $0x8, $0x38;
	[tilespmem:$0x9900] =	vst v63  }
0x4a: {  	s15 =	rddreg [dreg:$0x17]  }
0x4b: {  	[tilespmem:s29], [sflag:$0x1] =	stream.linear.gather [hbm4b:s15+s9], $0x8, $0x38;
	[tilespmem:$0x9900] =	vst v63  }
0x4c: {  	_ =	swait.ge [sflag:s2], $0x8  }
0x4d: {  	[sflag:s2] =	ssyncset.done $0x0  }
0x4e: {  	[sflag:s2] =	ssyncadd.s32 $0xFFFFFFF8  }
0x4f: {  	_ =	swait.ge [sflag:s2], $0x8  }
0x50: {  	[sflag:s2] =	ssyncset.done $0x0  }
0x51: {  	[sflag:s2] =	ssyncadd.s32 $0xFFFFFFF8  }
0x52: {  	_ =	swait.ge [sflag:s2], $0x8  }
0x53: {  	[sflag:s2] =	ssyncset.done $0x0  }
0x54: {  	[sflag:s2] =	ssyncadd.s32 $0xFFFFFFF8  }
0x55: {  	_ =	swait.ge [sflag:s2], $0x8  }
0x56: {  	[sflag:s2] =	ssyncset.done $0x0  }
0x57: {  	[sflag:s2] =	ssyncadd.s32 $0xFFFFFFF8  }
0x58: {  	_ =	swait.ge [sflag:s2], $0x8  }
0x59: {  	[sflag:s2] =	ssyncset.done $0x0  }
0x5a: {  	[sflag:s2] =	ssyncadd.s32 $0xFFFFFFF8  }
0x5b: {  	_ =	swait.ge [sflag:s2], $0x8  }
0x5c: {  	[sflag:s2] =	ssyncset.done $0x0  }
0x5d: {  	[sflag:s2] =	ssyncadd.s32 $0xFFFFFFF8  }
0x5e: {  	_ =	swait.ge [sflag:s2], $0x8  }
0x5f: {  	[sflag:s2] =	ssyncset.done $0x0  }
0x60: {  	[sflag:s2] =	ssyncadd.s32 $0xFFFFFFF8  }
0x61: {  	_ =	swait.ge [sflag:s2], $0x8  }
0x62: {  	[sflag:s2] =	ssyncset.done $0x0  }
0x63: {  	[sflag:s2] =	ssyncadd.s32 $0xFFFFFFF8  }
0x64: {  	_ =	swait.ge [sflag:s2], $0x8  }
0x65: {  	[sflag:s2] =	ssyncset.done $0x0  }
0x66: {  	[sflag:s2] =	ssyncadd.s32 $0xFFFFFFF8  }
0x67: {  	_ =	swait.ge [sflag:s2], $0x8  }
0x68: {  	[sflag:s2] =	ssyncset.done $0x0  }
0x69: {  	[sflag:s2] =	ssyncadd.s32 $0xFFFFFFF8  }
0x6a: {  	_ =	swait.ge [sflag:s2], $0x8  }
0x6b: {  	[sflag:s2] =	ssyncset.done $0x0  }
0x6c: {  	[sflag:s2] =	ssyncadd.s32 $0xFFFFFFF8  }
0x6d: {  	v4 =	vld [tilespmem:$0x80];
	_ =	sdelay $0x1  }
0x6e: {  	v5 =	vld [tilespmem:$0x0];
	_ =	sdelay $0x1  }
0x6f: {  	v6 =	vld [tilespmem:$0x200]  }
0x70: {  	v4 =	vnsel vm0, $0x0, v4  }
0x71: {  	v7 =	vld [tilespmem:$0x100]  }
0x72: {  	v5 =	vnsel vm0, $0x0, v5  }
0x73: {  	v8 =	vld [tilespmem:$0x180]  }
0x74: {  	s15 =	rddreg [dreg:$0x6];
	v6 =	vnsel vm0, $0x0, v6  }
0x75: {  	[tilespmem:s19], [sflag:$0x2] =	stream.indirect_vreg.gather [hbm4b:s15+s9], $0x1, v4, vm1, $0xb8;
	[tilespmem:$0x9900] =	vst v63  }
0x76: {  	s20 =	simm.s32 $0x300;
	v4 =	vnsel vm0, $0x0, v7;
	s15 =	rddreg [dreg:$0x5]  }
0x77: {  	[tilespmem:s20], [sflag:$0x2] =	stream.indirect_vreg.gather [hbm4b:s15+s9], $0x1, v5, vm1, $0xb8;
	[tilespmem:$0x9900] =	vst v63  }
0x78: {  	v5 =	vnsel vm0, $0x0, v8;
	s20 =	rddreg [dreg:$0x3]  }
0x79: {  	[tilespmem:s26], [sflag:$0x2] =	stream.indirect_vreg.gather [hbm4b:s20+s9], $0x1, v6, vm1, $0xb8;
	[tilespmem:$0x9900] =	vst v63  }
0x7a: {  	s15 =	rddreg [dreg:$0x4];
	s20 =	simm.s32 $0x780  }
0x7b: {  	[tilespmem:s20], [sflag:$0x2] =	stream.indirect_vreg.gather [hbm4b:s15+s9], $0x1, v4, vm1, $0xb8;
	[tilespmem:$0x9900] =	vst v63  }
0x7c: {  	_ = 	snop  }
0x7d: {  	[tilespmem:s10], [sflag:$0x2] =	stream.indirect_vreg.gather [hbm4b:s15+s9], $0x1, v5, vm1, $0xb8;
	[tilespmem:$0x9900] =	vst v63  }
0x7e: {  	_ = 	snop  }
0x7f: {  	[tilespmem:s21], [sflag:$0x2] =	stream.indirect_vreg.gather [hbm4b:s15+s9], $0x1, v6, vm1, $0xb8;
	[tilespmem:$0x9900] =	vst v63  }
0x80: {  	v10 =	vld.idx.msk [tilespmem:v1+s16+$0x0], $0xffff;
	_ =	sdelay $0x4  }
0x81: {  	v11 =	vld.idx.msk [tilespmem:v1+s17+$0x0], $0xffff;
	[tilespmem:$0x900] =	vst v10;
	v4 =	vadd.s32 $0x1, v10  }
0x82: {  	[tilespmem:$0x910] =	vst v4;
	v4 =	vadd.s32 $0x2, v10  }
0x83: {  	[tilespmem:$0x920] =	vst v4;
	v4 =	vadd.s32 $0x3, v10  }
0x84: {  	[tilespmem:$0x930] =	vst v4;
	v4 =	vadd.s32 $0x4, v10  }
0x85: {  	[tilespmem:$0x940] =	vst v4;
	v4 =	vadd.s32 $0x5, v10  }
0x86: {  	[tilespmem:$0x950] =	vst v4;
	v4 =	vadd.s32 $0x6, v10  }
0x87: {  	[tilespmem:$0x960] =	vst v4;
	v4 =	vadd.s32 $0x7, v10  }
0x88: {  	[tilespmem:$0x970] =	vst v4;
	v4 =	vadd.s32 $0x8, v10  }
0x89: {  	[tilespmem:$0x980] =	vst v4;
	v4 =	vadd.s32 $0x9, v10  }
0x8a: {  	[tilespmem:$0x990] =	vst v4;
	v4 =	vadd.s32 $0xA, v10  }
0x8b: {  	[tilespmem:$0x9A0] =	vst v4;
	v4 =	vadd.s32 $0xB, v10  }
0x8c: {  	[tilespmem:$0x9B0] =	vst v4;
	v4 =	vadd.s32 $0xC, v10  }
0x8d: {  	[tilespmem:$0x9C0] =	vst v4;
	v4 =	vadd.s32 $0xD, v10  }
0x8e: {  	[tilespmem:$0x9D0] =	vst v4;
	v4 =	vadd.s32 $0xE, v10  }
0x8f: {  	[tilespmem:$0x9E0] =	vst v4;
	v4 =	vadd.s32 $0xF, v10  }
0x90: {  	[tilespmem:$0x9F0] =	vst v4;
	v4 =	vadd.s32 $0x10, v10  }
0x91: {  	[tilespmem:$0xA00] =	vst v4;
	v4 =	vadd.s32 $0x11, v10  }
0x92: {  	[tilespmem:$0xA10] =	vst v4;
	v4 =	vadd.s32 $0x12, v10  }
0x93: {  	[tilespmem:$0xA20] =	vst v4;
	v4 =	vadd.s32 $0x13, v10  }
0x94: {  	[tilespmem:$0xA30] =	vst v4;
	v4 =	vadd.s32 $0x14, v10  }
0x95: {  	[tilespmem:$0xA40] =	vst v4;
	v4 =	vadd.s32 $0x15, v10  }
0x96: {  	[tilespmem:$0xA50] =	vst v4;
	v4 =	vadd.s32 $0x16, v10  }
0x97: {  	[tilespmem:$0xA60] =	vst v4;
	v4 =	vadd.s32 $0x17, v10  }
0x98: {  	[tilespmem:$0xA70] =	vst v4;
	v4 =	vadd.s32 $0x18, v10  }
0x99: {  	[tilespmem:$0xA80] =	vst v4;
	v4 =	vadd.s32 $0x19, v10  }
0x9a: {  	[tilespmem:$0xA90] =	vst v4;
	v4 =	vadd.s32 $0x1A, v10  }
0x9b: {  	[tilespmem:$0xAA0] =	vst v4;
	v4 =	vadd.s32 $0x1B, v10  }
0x9c: {  	[tilespmem:$0xAB0] =	vst v4;
	v4 =	vadd.s32 $0x1C, v10  }
0x9d: {  	[tilespmem:$0xAC0] =	vst v4;
	v4 =	vadd.s32 $0x1D, v10  }
0x9e: {  	[tilespmem:$0xAD0] =	vst v4;
	v4 =	vadd.s32 $0x1E, v10  }
0x9f: {  	[tilespmem:$0xAE0] =	vst v4;
	v4 =	vadd.s32 $0x1F, v10  }
0xa0: {  	[tilespmem:$0xAF0] =	vst v4;
	v4 =	vadd.s32 $0x20, v10  }
0xa1: {  	[tilespmem:$0xB00] =	vst v4;
	v4 =	vadd.s32 $0x21, v10  }
0xa2: {  	[tilespmem:$0xB10] =	vst v4;
	v4 =	vadd.s32 $0x22, v10  }
0xa3: {  	[tilespmem:$0xB20] =	vst v4;
	v4 =	vadd.s32 $0x23, v10  }
0xa4: {  	[tilespmem:$0xB30] =	vst v4;
	v4 =	vadd.s32 $0x24, v10  }
0xa5: {  	[tilespmem:$0xB40] =	vst v4;
	v4 =	vadd.s32 $0x25, v10  }
0xa6: {  	[tilespmem:$0xB50] =	vst v4;
	v4 =	vadd.s32 $0x26, v10  }
0xa7: {  	[tilespmem:$0xB60] =	vst v4;
	v4 =	vadd.s32 $0x27, v10  }
0xa8: {  	[tilespmem:$0xB70] =	vst v4;
	v4 =	vadd.s32 $0x28, v10  }
0xa9: {  	[tilespmem:$0xB80] =	vst v4;
	v4 =	vadd.s32 $0x29, v10  }
0xaa: {  	[tilespmem:$0xB90] =	vst v4;
	v4 =	vadd.s32 $0x2A, v10  }
0xab: {  	[tilespmem:$0xBA0] =	vst v4;
	v4 =	vadd.s32 $0x2B, v10  }
0xac: {  	[tilespmem:$0xBB0] =	vst v4;
	v4 =	vadd.s32 $0x2C, v10  }
0xad: {  	[tilespmem:$0xBC0] =	vst v4;
	v4 =	vadd.s32 $0x2D, v10  }
0xae: {  	[tilespmem:$0xBD0] =	vst v4;
	v4 =	vadd.s32 $0x2E, v10  }
0xaf: {  	[tilespmem:$0xBE0] =	vst v4;
	v4 =	vadd.s32 $0x2F, v10  }
0xb0: {  	[tilespmem:$0xBF0] =	vst v4;
	v4 =	vadd.s32 $0x30, v10  }
0xb1: {  	[tilespmem:$0xC00] =	vst v4;
	v4 =	vadd.s32 $0x31, v10  }
0xb2: {  	[tilespmem:$0xC10] =	vst v4;
	v4 =	vadd.s32 $0x32, v10  }
0xb3: {  	[tilespmem:$0xC20] =	vst v4;
	v4 =	vadd.s32 $0x33, v10  }
0xb4: {  	[tilespmem:$0xC30] =	vst v4;
	v4 =	vadd.s32 $0x34, v10  }
0xb5: {  	[tilespmem:$0xC40] =	vst v4;
	v4 =	vadd.s32 $0x35, v10  }
0xb6: {  	[tilespmem:$0xC50] =	vst v4;
	v4 =	vadd.s32 $0x36, v10  }
0xb7: {  	[tilespmem:$0xC60] =	vst v4;
	v4 =	vadd.s32 $0x37, v10  }
0xb8: {  	[tilespmem:$0xC70] =	vst v4;
	v4 =	vadd.s32 $0x38, v10  }
0xb9: {  	[tilespmem:$0xC80] =	vst v4;
	v4 =	vadd.s32 $0x39, v10  }
0xba: {  	[tilespmem:$0xC90] =	vst v4;
	v4 =	vadd.s32 $0x3A, v10  }
0xbb: {  	[tilespmem:$0xCA0] =	vst v4;
	v4 =	vadd.s32 $0x3B, v10  }
0xbc: {  	[tilespmem:$0xCB0] =	vst v4;
	v4 =	vadd.s32 $0x3C, v10  }
0xbd: {  	[tilespmem:$0xCC0] =	vst v4;
	v4 =	vadd.s32 $0x3D, v10  }
0xbe: {  	[tilespmem:$0xCD0] =	vst v4;
	v4 =	vadd.s32 $0x3E, v10  }
0xbf: {  	[tilespmem:$0xCE0] =	vst v4;
	v4 =	vadd.s32 $0x3F, v10  }
0xc0: {  	[tilespmem:$0xCF0] =	vst v4  }
0xc1: {  	v6 =	vld.idx.msk [tilespmem:v1+s18+$0x0], $0xffff;
	_ =	sdelay $0x4  }
0xc2: {  	v7 =	vld.idx.msk [tilespmem:v1+s25+$0x0], $0xffff;
	[tilespmem:$0xD00] =	vst v6;
	v4 =	vadd.s32 $0x1, v6  }
0xc3: {  	[tilespmem:$0xD10] =	vst v4;
	v4 =	vadd.s32 $0x2, v6  }
0xc4: {  	[tilespmem:$0xD20] =	vst v4;
	v4 =	vadd.s32 $0x3, v6  }
0xc5: {  	[tilespmem:$0xD30] =	vst v4;
	v4 =	vadd.s32 $0x4, v6  }
0xc6: {  	[tilespmem:$0xD40] =	vst v4;
	v4 =	vadd.s32 $0x5, v6  }
0xc7: {  	[tilespmem:$0xD50] =	vst v4;
	v4 =	vadd.s32 $0x6, v6  }
0xc8: {  	[tilespmem:$0xD60] =	vst v4;
	v4 =	vadd.s32 $0x7, v6  }
0xc9: {  	[tilespmem:$0xD70] =	vst v4;
	v4 =	vadd.s32 $0x8, v6  }
0xca: {  	[tilespmem:$0xD80] =	vst v4;
	v4 =	vadd.s32 $0x9, v6  }
0xcb: {  	[tilespmem:$0xD90] =	vst v4;
	v4 =	vadd.s32 $0xA, v6  }
0xcc: {  	[tilespmem:$0xDA0] =	vst v4;
	v4 =	vadd.s32 $0xB, v6  }
0xcd: {  	[tilespmem:$0xDB0] =	vst v4;
	v4 =	vadd.s32 $0xC, v6  }
0xce: {  	[tilespmem:$0xDC0] =	vst v4;
	v4 =	vadd.s32 $0xD, v6  }
0xcf: {  	[tilespmem:$0xDD0] =	vst v4;
	v4 =	vadd.s32 $0xE, v6  }
0xd0: {  	[tilespmem:$0xDE0] =	vst v4;
	v4 =	vadd.s32 $0xF, v6  }
0xd1: {  	[tilespmem:$0xDF0] =	vst v4;
	v4 =	vadd.s32 $0x10, v6  }
0xd2: {  	[tilespmem:$0xE00] =	vst v4;
	v4 =	vadd.s32 $0x11, v6  }
0xd3: {  	[tilespmem:$0xE10] =	vst v4;
	v4 =	vadd.s32 $0x12, v6  }
0xd4: {  	[tilespmem:$0xE20] =	vst v4;
	v4 =	vadd.s32 $0x13, v6  }
0xd5: {  	[tilespmem:$0xE30] =	vst v4;
	v4 =	vadd.s32 $0x14, v6  }
0xd6: {  	[tilespmem:$0xE40] =	vst v4;
	v4 =	vadd.s32 $0x15, v6  }
0xd7: {  	[tilespmem:$0xE50] =	vst v4;
	v4 =	vadd.s32 $0x16, v6  }
0xd8: {  	[tilespmem:$0xE60] =	vst v4;
	v4 =	vadd.s32 $0x17, v6  }
0xd9: {  	[tilespmem:$0xE70] =	vst v4;
	v4 =	vadd.s32 $0x18, v6  }
0xda: {  	[tilespmem:$0xE80] =	vst v4;
	v4 =	vadd.s32 $0x19, v6  }
0xdb: {  	[tilespmem:$0xE90] =	vst v4;
	v4 =	vadd.s32 $0x1A, v6  }
0xdc: {  	[tilespmem:$0xEA0] =	vst v4;
	v4 =	vadd.s32 $0x1B, v6  }
0xdd: {  	[tilespmem:$0xEB0] =	vst v4;
	v4 =	vadd.s32 $0x1C, v6  }
0xde: {  	[tilespmem:$0xEC0] =	vst v4;
	v4 =	vadd.s32 $0x1D, v6  }
0xdf: {  	[tilespmem:$0xED0] =	vst v4;
	v4 =	vadd.s32 $0x1E, v6  }
0xe0: {  	[tilespmem:$0xEE0] =	vst v4;
	v4 =	vadd.s32 $0x1F, v6  }
0xe1: {  	[tilespmem:$0xEF0] =	vst v4;
	v4 =	vadd.s32 $0x20, v6  }
0xe2: {  	[tilespmem:$0xF00] =	vst v4;
	v4 =	vadd.s32 $0x21, v6  }
0xe3: {  	[tilespmem:$0xF10] =	vst v4;
	v4 =	vadd.s32 $0x22, v6  }
0xe4: {  	[tilespmem:$0xF20] =	vst v4;
	v4 =	vadd.s32 $0x23, v6  }
0xe5: {  	[tilespmem:$0xF30] =	vst v4;
	v4 =	vadd.s32 $0x24, v6  }
0xe6: {  	[tilespmem:$0xF40] =	vst v4;
	v4 =	vadd.s32 $0x25, v6  }
0xe7: {  	[tilespmem:$0xF50] =	vst v4;
	v4 =	vadd.s32 $0x26, v6  }
0xe8: {  	[tilespmem:$0xF60] =	vst v4;
	v4 =	vadd.s32 $0x27, v6  }
0xe9: {  	[tilespmem:$0xF70] =	vst v4;
	v4 =	vadd.s32 $0x28, v6  }
0xea: {  	[tilespmem:$0xF80] =	vst v4;
	v4 =	vadd.s32 $0x29, v6  }
0xeb: {  	[tilespmem:$0xF90] =	vst v4;
	v4 =	vadd.s32 $0x2A, v6  }
0xec: {  	[tilespmem:$0xFA0] =	vst v4;
	v4 =	vadd.s32 $0x2B, v6  }
0xed: {  	[tilespmem:$0xFB0] =	vst v4;
	v4 =	vadd.s32 $0x2C, v6  }
0xee: {  	[tilespmem:$0xFC0] =	vst v4;
	v4 =	vadd.s32 $0x2D, v6  }
0xef: {  	[tilespmem:$0xFD0] =	vst v4;
	v4 =	vadd.s32 $0x2E, v6  }
0xf0: {  	[tilespmem:$0xFE0] =	vst v4;
	v4 =	vadd.s32 $0x2F, v6  }
0xf1: {  	[tilespmem:$0xFF0] =	vst v4;
	v4 =	vadd.s32 $0x30, v6  }
0xf2: {  	[tilespmem:$0x1000] =	vst v4;
	v4 =	vadd.s32 $0x31, v6  }
0xf3: {  	[tilespmem:$0x1010] =	vst v4;
	v4 =	vadd.s32 $0x32, v6  }
0xf4: {  	[tilespmem:$0x1020] =	vst v4;
	v4 =	vadd.s32 $0x33, v6  }
0xf5: {  	[tilespmem:$0x1030] =	vst v4;
	v4 =	vadd.s32 $0x34, v6  }
0xf6: {  	[tilespmem:$0x1040] =	vst v4;
	v4 =	vadd.s32 $0x35, v6  }
0xf7: {  	[tilespmem:$0x1050] =	vst v4;
	v4 =	vadd.s32 $0x36, v6  }
0xf8: {  	[tilespmem:$0x1060] =	vst v4;
	v4 =	vadd.s32 $0x37, v6  }
0xf9: {  	[tilespmem:$0x1070] =	vst v4;
	v4 =	vadd.s32 $0x38, v6  }
0xfa: {  	[tilespmem:$0x1080] =	vst v4;
	v4 =	vadd.s32 $0x39, v6  }
0xfb: {  	[tilespmem:$0x1090] =	vst v4;
	v4 =	vadd.s32 $0x3A, v6  }
0xfc: {  	[tilespmem:$0x10A0] =	vst v4;
	v4 =	vadd.s32 $0x3B, v6  }
0xfd: {  	[tilespmem:$0x10B0] =	vst v4;
	v4 =	vadd.s32 $0x3C, v6  }
0xfe: {  	[tilespmem:$0x10C0] =	vst v4;
	v4 =	vadd.s32 $0x3D, v6  }
0xff: {  	[tilespmem:$0x10D0] =	vst v4;
	v4 =	vadd.s32 $0x3E, v6  }
0x100: {  	[tilespmem:$0x10E0] =	vst v4;
	v4 =	vadd.s32 $0x3F, v6  }
0x101: {  	[tilespmem:$0x10F0] =	vst v4  }
0x102: {  	v4 =	vld.idx.msk [tilespmem:v1+s28+$0x0], $0xffff;
	_ =	sdelay $0x4  }
0x103: {  	v5 =	vld.idx.msk [tilespmem:v1+s29+$0x0], $0xffff;
	[tilespmem:$0x1100] =	vst v4;
	v8 =	vadd.s32 $0x1, v4  }
0x104: {  	[tilespmem:$0x1110] =	vst v8;
	v8 =	vadd.s32 $0x2, v4  }
0x105: {  	[tilespmem:$0x1120] =	vst v8;
	v8 =	vadd.s32 $0x3, v4  }
0x106: {  	[tilespmem:$0x1130] =	vst v8;
	v8 =	vadd.s32 $0x4, v4  }
0x107: {  	[tilespmem:$0x1140] =	vst v8;
	v8 =	vadd.s32 $0x5, v4  }
0x108: {  	[tilespmem:$0x1150] =	vst v8;
	v8 =	vadd.s32 $0x6, v4  }
0x109: {  	[tilespmem:$0x1160] =	vst v8;
	v8 =	vadd.s32 $0x7, v4  }
0x10a: {  	[tilespmem:$0x1170] =	vst v8;
	v8 =	vadd.s32 $0x8, v4  }
0x10b: {  	[tilespmem:$0x1180] =	vst v8;
	v8 =	vadd.s32 $0x9, v4  }
0x10c: {  	[tilespmem:$0x1190] =	vst v8;
	v8 =	vadd.s32 $0xA, v4  }
0x10d: {  	[tilespmem:$0x11A0] =	vst v8;
	v8 =	vadd.s32 $0xB, v4  }
0x10e: {  	[tilespmem:$0x11B0] =	vst v8;
	v8 =	vadd.s32 $0xC, v4  }
0x10f: {  	[tilespmem:$0x11C0] =	vst v8;
	v8 =	vadd.s32 $0xD, v4  }
0x110: {  	[tilespmem:$0x11D0] =	vst v8;
	v8 =	vadd.s32 $0xE, v4  }
0x111: {  	[tilespmem:$0x11E0] =	vst v8;
	v8 =	vadd.s32 $0xF, v4  }
0x112: {  	[tilespmem:$0x11F0] =	vst v8;
	v8 =	vadd.s32 $0x10, v4  }
0x113: {  	[tilespmem:$0x1200] =	vst v8;
	v8 =	vadd.s32 $0x11, v4  }
0x114: {  	[tilespmem:$0x1210] =	vst v8;
	v8 =	vadd.s32 $0x12, v4  }
0x115: {  	[tilespmem:$0x1220] =	vst v8;
	v8 =	vadd.s32 $0x13, v4  }
0x116: {  	[tilespmem:$0x1230] =	vst v8;
	v8 =	vadd.s32 $0x14, v4  }
0x117: {  	[tilespmem:$0x1240] =	vst v8;
	v8 =	vadd.s32 $0x15, v4  }
0x118: {  	[tilespmem:$0x1250] =	vst v8;
	v8 =	vadd.s32 $0x16, v4  }
0x119: {  	[tilespmem:$0x1260] =	vst v8;
	v8 =	vadd.s32 $0x17, v4  }
0x11a: {  	[tilespmem:$0x1270] =	vst v8;
	v8 =	vadd.s32 $0x18, v4  }
0x11b: {  	[tilespmem:$0x1280] =	vst v8;
	v8 =	vadd.s32 $0x19, v4  }
0x11c: {  	[tilespmem:$0x1290] =	vst v8;
	v8 =	vadd.s32 $0x1A, v4  }
0x11d: {  	[tilespmem:$0x12A0] =	vst v8;
	v8 =	vadd.s32 $0x1B, v4  }
0x11e: {  	[tilespmem:$0x12B0] =	vst v8;
	v8 =	vadd.s32 $0x1C, v4  }
0x11f: {  	[tilespmem:$0x12C0] =	vst v8;
	v8 =	vadd.s32 $0x1D, v4  }
0x120: {  	[tilespmem:$0x12D0] =	vst v8;
	v8 =	vadd.s32 $0x1E, v4  }
0x121: {  	[tilespmem:$0x12E0] =	vst v8;
	v8 =	vadd.s32 $0x1F, v4  }
0x122: {  	[tilespmem:$0x12F0] =	vst v8;
	v8 =	vadd.s32 $0x20, v4  }
0x123: {  	[tilespmem:$0x1300] =	vst v8;
	v8 =	vadd.s32 $0x21, v4  }
0x124: {  	[tilespmem:$0x1310] =	vst v8;
	v8 =	vadd.s32 $0x22, v4  }
0x125: {  	[tilespmem:$0x1320] =	vst v8;
	v8 =	vadd.s32 $0x23, v4  }
0x126: {  	[tilespmem:$0x1330] =	vst v8;
	v8 =	vadd.s32 $0x24, v4  }
0x127: {  	[tilespmem:$0x1340] =	vst v8;
	v8 =	vadd.s32 $0x25, v4  }
0x128: {  	[tilespmem:$0x1350] =	vst v8;
	v8 =	vadd.s32 $0x26, v4  }
0x129: {  	[tilespmem:$0x1360] =	vst v8;
	v8 =	vadd.s32 $0x27, v4  }
0x12a: {  	[tilespmem:$0x1370] =	vst v8;
	v8 =	vadd.s32 $0x28, v4  }
0x12b: {  	[tilespmem:$0x1380] =	vst v8;
	v8 =	vadd.s32 $0x29, v4  }
0x12c: {  	[tilespmem:$0x1390] =	vst v8;
	v8 =	vadd.s32 $0x2A, v4  }
0x12d: {  	[tilespmem:$0x13A0] =	vst v8;
	v8 =	vadd.s32 $0x2B, v4  }
0x12e: {  	[tilespmem:$0x13B0] =	vst v8;
	v8 =	vadd.s32 $0x2C, v4  }
0x12f: {  	[tilespmem:$0x13C0] =	vst v8;
	v8 =	vadd.s32 $0x2D, v4  }
0x130: {  	[tilespmem:$0x13D0] =	vst v8;
	v8 =	vadd.s32 $0x2E, v4  }
0x131: {  	[tilespmem:$0x13E0] =	vst v8;
	v8 =	vadd.s32 $0x2F, v4  }
0x132: {  	[tilespmem:$0x13F0] =	vst v8;
	v8 =	vadd.s32 $0x30, v4  }
0x133: {  	[tilespmem:$0x1400] =	vst v8;
	v8 =	vadd.s32 $0x31, v4  }
0x134: {  	[tilespmem:$0x1410] =	vst v8;
	v8 =	vadd.s32 $0x32, v4  }
0x135: {  	[tilespmem:$0x1420] =	vst v8;
	v8 =	vadd.s32 $0x33, v4  }
0x136: {  	[tilespmem:$0x1430] =	vst v8;
	v8 =	vadd.s32 $0x34, v4  }
0x137: {  	[tilespmem:$0x1440] =	vst v8;
	v8 =	vadd.s32 $0x35, v4  }
0x138: {  	[tilespmem:$0x1450] =	vst v8;
	v8 =	vadd.s32 $0x36, v4  }
0x139: {  	[tilespmem:$0x1460] =	vst v8;
	v8 =	vadd.s32 $0x37, v4  }
0x13a: {  	[tilespmem:$0x1470] =	vst v8;
	v8 =	vadd.s32 $0x38, v4  }
0x13b: {  	[tilespmem:$0x1480] =	vst v8;
	v8 =	vadd.s32 $0x39, v4  }
0x13c: {  	[tilespmem:$0x1490] =	vst v8;
	v8 =	vadd.s32 $0x3A, v4  }
0x13d: {  	[tilespmem:$0x14A0] =	vst v8;
	v8 =	vadd.s32 $0x3B, v4  }
0x13e: {  	[tilespmem:$0x14B0] =	vst v8;
	v8 =	vadd.s32 $0x3C, v4  }
0x13f: {  	[tilespmem:$0x14C0] =	vst v8;
	v8 =	vadd.s32 $0x3D, v4  }
0x140: {  	[tilespmem:$0x14D0] =	vst v8;
	v8 =	vadd.s32 $0x3E, v4  }
0x141: {  	[tilespmem:$0x14E0] =	vst v8;
	v8 =	vadd.s32 $0x3F, v4  }
0x142: {  	s17 =	simm.s32 $0x900;
	s18 =	simm.s32 $0x1500;
	[tilespmem:$0x14F0] =	vst v8  }
0x143: {  	[tilespmem:s18], [sflag:$0x3] =	stream.indirect.gather [hbm4b:s6+s24], $0x1, s17, s24, $0xb8;
	[tilespmem:$0x9900] =	vst v63  }
0x144: {  	s25 =	simm.s32 $0x1900  }
0x145: {  	[tilespmem:s25], [sflag:$0x3] =	stream.indirect.gather [hbm4b:s5+s24], $0x1, s17, s24, $0xb8;
	[tilespmem:$0x9900] =	vst v63  }
0x146: {  	s28 =	simm.s32 $0x1D00  }
0x147: {  	[tilespmem:s28], [sflag:$0x3] =	stream.indirect.gather [hbm4b:s7+s24], $0x1, s17, s24, $0xb8;
	[tilespmem:$0x9900] =	vst v63  }
0x148: {  	s18 =	simm.s32 $0x1580;
	s17 =	simm.s32 $0x980  }
0x149: {  	[tilespmem:s18], [sflag:$0x3] =	stream.indirect.gather [hbm4b:s6+s24], $0x1, s17, s24, $0xb8;
	[tilespmem:$0x9900] =	vst v63  }
0x14a: {  	s25 =	simm.s32 $0x1980  }
0x14b: {  	[tilespmem:s25], [sflag:$0x3] =	stream.indirect.gather [hbm4b:s5+s24], $0x1, s17, s24, $0xb8;
	[tilespmem:$0x9900] =	vst v63  }
0x14c: {  	s28 =	simm.s32 $0x1D80  }
0x14d: {  	[tilespmem:s28], [sflag:$0x3] =	stream.indirect.gather [hbm4b:s7+s24], $0x1, s17, s24, $0xb8;
	[tilespmem:$0x9900] =	vst v63  }
0x14e: {  	s18 =	simm.s32 $0x1600;
	s17 =	simm.s32 $0xA00  }
0x14f: {  	[tilespmem:s18], [sflag:$0x3] =	stream.indirect.gather [hbm4b:s6+s24], $0x1, s17, s24, $0xb8;
	[tilespmem:$0x9900] =	vst v63  }
0x150: {  	s25 =	simm.s32 $0x1A00  }
0x151: {  	[tilespmem:s25], [sflag:$0x3] =	stream.indirect.gather [hbm4b:s5+s24], $0x1, s17, s24, $0xb8;
	[tilespmem:$0x9900] =	vst v63  }
0x152: {  	s28 =	simm.s32 $0x1E00  }
0x153: {  	[tilespmem:s28], [sflag:$0x3] =	stream.indirect.gather [hbm4b:s7+s24], $0x1, s17, s24, $0xb8;
	[tilespmem:$0x9900] =	vst v63  }
0x154: {  	s18 =	simm.s32 $0x1680;
	s17 =	simm.s32 $0xA80  }
0x155: {  	[tilespmem:s18], [sflag:$0x3] =	stream.indirect.gather [hbm4b:s6+s24], $0x1, s17, s24, $0xb8;
	[tilespmem:$0x9900] =	vst v63  }
0x156: {  	s25 =	simm.s32 $0x1A80  }
0x157: {  	[tilespmem:s25], [sflag:$0x3] =	stream.indirect.gather [hbm4b:s5+s24], $0x1, s17, s24, $0xb8;
	[tilespmem:$0x9900] =	vst v63  }
0x158: {  	s28 =	simm.s32 $0x1E80  }
0x159: {  	[tilespmem:s28], [sflag:$0x3] =	stream.indirect.gather [hbm4b:s7+s24], $0x1, s17, s24, $0xb8;
	[tilespmem:$0x9900] =	vst v63  }
0x15a: {  	s18 =	simm.s32 $0x1700;
	s17 =	simm.s32 $0xB00  }
0x15b: {  	[tilespmem:s18], [sflag:$0x3] =	stream.indirect.gather [hbm4b:s6+s24], $0x1, s17, s24, $0xb8;
	[tilespmem:$0x9900] =	vst v63  }
0x15c: {  	s25 =	simm.s32 $0x1B00  }
0x15d: {  	[tilespmem:s25], [sflag:$0x3] =	stream.indirect.gather [hbm4b:s5+s24], $0x1, s17, s24, $0xb8;
	[tilespmem:$0x9900] =	vst v63  }
0x15e: {  	s28 =	simm.s32 $0x1F00  }
0x15f: {  	[tilespmem:s28], [sflag:$0x3] =	stream.indirect.gather [hbm4b:s7+s24], $0x1, s17, s24, $0xb8;
	[tilespmem:$0x9900] =	vst v63  }
0x160: {  	s18 =	simm.s32 $0x1780;
	s17 =	simm.s32 $0xB80  }
0x161: {  	[tilespmem:s18], [sflag:$0x3] =	stream.indirect.gather [hbm4b:s6+s24], $0x1, s17, s24, $0xb8;
	[tilespmem:$0x9900] =	vst v63  }
0x162: {  	s25 =	simm.s32 $0x1B80  }
0x163: {  	[tilespmem:s25], [sflag:$0x3] =	stream.indirect.gather [hbm4b:s5+s24], $0x1, s17, s24, $0xb8;
	[tilespmem:$0x9900] =	vst v63  }
0x164: {  	s28 =	simm.s32 $0x1F80  }
0x165: {  	[tilespmem:s28], [sflag:$0x3] =	stream.indirect.gather [hbm4b:s7+s24], $0x1, s17, s24, $0xb8;
	[tilespmem:$0x9900] =	vst v63  }
0x166: {  	s18 =	simm.s32 $0x1800;
	s17 =	simm.s32 $0xC00  }
0x167: {  	[tilespmem:s18], [sflag:$0x3] =	stream.indirect.gather [hbm4b:s6+s24], $0x1, s17, s24, $0xb8;
	[tilespmem:$0x9900] =	vst v63  }
0x168: {  	s25 =	simm.s32 $0x1C00  }
0x169: {  	[tilespmem:s25], [sflag:$0x3] =	stream.indirect.gather [hbm4b:s5+s24], $0x1, s17, s24, $0xb8;
	[tilespmem:$0x9900] =	vst v63  }
0x16a: {  	s28 =	simm.s32 $0x2000  }
0x16b: {  	[tilespmem:s28], [sflag:$0x3] =	stream.indirect.gather [hbm4b:s7+s24], $0x1, s17, s24, $0xb8;
	[tilespmem:$0x9900] =	vst v63  }
0x16c: {  	s18 =	simm.s32 $0x1880;
	s17 =	simm.s32 $0xC80  }
0x16d: {  	[tilespmem:s18], [sflag:$0x3] =	stream.indirect.gather [hbm4b:s6+s24], $0x1, s17, s24, $0xb8;
	[tilespmem:$0x9900] =	vst v63  }
0x16e: {  	s25 =	simm.s32 $0x1C80  }
0x16f: {  	[tilespmem:s25], [sflag:$0x3] =	stream.indirect.gather [hbm4b:s5+s24], $0x1, s17, s24, $0xb8;
	[tilespmem:$0x9900] =	vst v63  }
0x170: {  	s28 =	simm.s32 $0x2080  }
0x171: {  	[tilespmem:s28], [sflag:$0x3] =	stream.indirect.gather [hbm4b:s7+s24], $0x1, s17, s24, $0xb8;
	[tilespmem:$0x9900] =	vst v63  }
0x172: {  	s18 =	simm.s32 $0x2100;
	s17 =	simm.s32 $0xD00  }
0x173: {  	[tilespmem:s18], [sflag:$0x4] =	stream.indirect.gather [hbm4b:s6+s24], $0x1, s17, s24, $0xb8;
	[tilespmem:$0x9900] =	vst v63  }
0x174: {  	s25 =	simm.s32 $0x2500  }
0x175: {  	[tilespmem:s25], [sflag:$0x4] =	stream.indirect.gather [hbm4b:s5+s24], $0x1, s17, s24, $0xb8;
	[tilespmem:$0x9900] =	vst v63  }
0x176: {  	s28 =	simm.s32 $0x2900  }
0x177: {  	[tilespmem:s28], [sflag:$0x4] =	stream.indirect.gather [hbm4b:s7+s24], $0x1, s17, s24, $0xb8;
	[tilespmem:$0x9900] =	vst v63  }
0x178: {  	s18 =	simm.s32 $0x2180;
	s17 =	simm.s32 $0xD80  }
0x179: {  	[tilespmem:s18], [sflag:$0x4] =	stream.indirect.gather [hbm4b:s6+s24], $0x1, s17, s24, $0xb8;
	[tilespmem:$0x9900] =	vst v63  }
0x17a: {  	s25 =	simm.s32 $0x2580  }
0x17b: {  	[tilespmem:s25], [sflag:$0x4] =	stream.indirect.gather [hbm4b:s5+s24], $0x1, s17, s24, $0xb8;
	[tilespmem:$0x9900] =	vst v63  }
0x17c: {  	s28 =	simm.s32 $0x2980  }
0x17d: {  	[tilespmem:s28], [sflag:$0x4] =	stream.indirect.gather [hbm4b:s7+s24], $0x1, s17, s24, $0xb8;
	[tilespmem:$0x9900] =	vst v63  }
0x17e: {  	s18 =	simm.s32 $0x2200;
	s17 =	simm.s32 $0xE00  }
0x17f: {  	[tilespmem:s18], [sflag:$0x4] =	stream.indirect.gather [hbm4b:s6+s24], $0x1, s17, s24, $0xb8;
	[tilespmem:$0x9900] =	vst v63  }
0x180: {  	s25 =	simm.s32 $0x2600  }
0x181: {  	[tilespmem:s25], [sflag:$0x4] =	stream.indirect.gather [hbm4b:s5+s24], $0x1, s17, s24, $0xb8;
	[tilespmem:$0x9900] =	vst v63  }
0x182: {  	s28 =	simm.s32 $0x2A00  }
0x183: {  	[tilespmem:s28], [sflag:$0x4] =	stream.indirect.gather [hbm4b:s7+s24], $0x1, s17, s24, $0xb8;
	[tilespmem:$0x9900] =	vst v63  }
0x184: {  	s18 =	simm.s32 $0x2280;
	s17 =	simm.s32 $0xE80  }
0x185: {  	[tilespmem:s18], [sflag:$0x4] =	stream.indirect.gather [hbm4b:s6+s24], $0x1, s17, s24, $0xb8;
	[tilespmem:$0x9900] =	vst v63  }
0x186: {  	s25 =	simm.s32 $0x2680  }
0x187: {  	[tilespmem:s25], [sflag:$0x4] =	stream.indirect.gather [hbm4b:s5+s24], $0x1, s17, s24, $0xb8;
	[tilespmem:$0x9900] =	vst v63  }
0x188: {  	s28 =	simm.s32 $0x2A80  }
0x189: {  	[tilespmem:s28], [sflag:$0x4] =	stream.indirect.gather [hbm4b:s7+s24], $0x1, s17, s24, $0xb8;
	[tilespmem:$0x9900] =	vst v63  }
0x18a: {  	s18 =	simm.s32 $0x2300;
	s17 =	simm.s32 $0xF00  }
0x18b: {  	[tilespmem:s18], [sflag:$0x4] =	stream.indirect.gather [hbm4b:s6+s24], $0x1, s17, s24, $0xb8;
	[tilespmem:$0x9900] =	vst v63  }
0x18c: {  	s25 =	simm.s32 $0x2700  }
0x18d: {  	[tilespmem:s25], [sflag:$0x4] =	stream.indirect.gather [hbm4b:s5+s24], $0x1, s17, s24, $0xb8;
	[tilespmem:$0x9900] =	vst v63  }
0x18e: {  	s28 =	simm.s32 $0x2B00  }
0x18f: {  	[tilespmem:s28], [sflag:$0x4] =	stream.indirect.gather [hbm4b:s7+s24], $0x1, s17, s24, $0xb8;
	[tilespmem:$0x9900] =	vst v63  }
0x190: {  	s18 =	simm.s32 $0x2380;
	s17 =	simm.s32 $0xF80  }
0x191: {  	[tilespmem:s18], [sflag:$0x4] =	stream.indirect.gather [hbm4b:s6+s24], $0x1, s17, s24, $0xb8;
	[tilespmem:$0x9900] =	vst v63  }
0x192: {  	s25 =	simm.s32 $0x2780  }
0x193: {  	[tilespmem:s25], [sflag:$0x4] =	stream.indirect.gather [hbm4b:s5+s24], $0x1, s17, s24, $0xb8;
	[tilespmem:$0x9900] =	vst v63  }
0x194: {  	s28 =	simm.s32 $0x2B80  }
0x195: {  	[tilespmem:s28], [sflag:$0x4] =	stream.indirect.gather [hbm4b:s7+s24], $0x1, s17, s24, $0xb8;
	[tilespmem:$0x9900] =	vst v63  }
0x196: {  	s18 =	simm.s32 $0x2400;
	s17 =	simm.s32 $0x1000  }
0x197: {  	[tilespmem:s18], [sflag:$0x4] =	stream.indirect.gather [hbm4b:s6+s24], $0x1, s17, s24, $0xb8;
	[tilespmem:$0x9900] =	vst v63  }
0x198: {  	s25 =	simm.s32 $0x2800  }
0x199: {  	[tilespmem:s25], [sflag:$0x4] =	stream.indirect.gather [hbm4b:s5+s24], $0x1, s17, s24, $0xb8;
	[tilespmem:$0x9900] =	vst v63  }
0x19a: {  	s28 =	simm.s32 $0x2C00  }
0x19b: {  	[tilespmem:s28], [sflag:$0x4] =	stream.indirect.gather [hbm4b:s7+s24], $0x1, s17, s24, $0xb8;
	[tilespmem:$0x9900] =	vst v63  }
0x19c: {  	s18 =	simm.s32 $0x2480;
	s17 =	simm.s32 $0x1080  }
0x19d: {  	[tilespmem:s18], [sflag:$0x4] =	stream.indirect.gather [hbm4b:s6+s24], $0x1, s17, s24, $0xb8;
	[tilespmem:$0x9900] =	vst v63  }
0x19e: {  	s25 =	simm.s32 $0x2880  }
0x19f: {  	[tilespmem:s25], [sflag:$0x4] =	stream.indirect.gather [hbm4b:s5+s24], $0x1, s17, s24, $0xb8;
	[tilespmem:$0x9900] =	vst v63  }
0x1a0: {  	s28 =	simm.s32 $0x2C80  }
0x1a1: {  	[tilespmem:s28], [sflag:$0x4] =	stream.indirect.gather [hbm4b:s7+s24], $0x1, s17, s24, $0xb8;
	[tilespmem:$0x9900] =	vst v63  }
0x1a2: {  	s18 =	simm.s32 $0x2D00;
	s17 =	simm.s32 $0x1100  }
0x1a3: {  	[tilespmem:s18], [sflag:$0x5] =	stream.indirect.gather [hbm4b:s6+s24], $0x1, s17, s24, $0xb8;
	[tilespmem:$0x9900] =	vst v63  }
0x1a4: {  	s25 =	simm.s32 $0x3100  }
0x1a5: {  	[tilespmem:s25], [sflag:$0x5] =	stream.indirect.gather [hbm4b:s5+s24], $0x1, s17, s24, $0xb8;
	[tilespmem:$0x9900] =	vst v63  }
0x1a6: {  	s28 =	simm.s32 $0x3500  }
0x1a7: {  	[tilespmem:s28], [sflag:$0x5] =	stream.indirect.gather [hbm4b:s7+s24], $0x1, s17, s24, $0xb8;
	[tilespmem:$0x9900] =	vst v63  }
0x1a8: {  	s18 =	simm.s32 $0x2D80;
	s17 =	simm.s32 $0x1180  }
0x1a9: {  	[tilespmem:s18], [sflag:$0x5] =	stream.indirect.gather [hbm4b:s6+s24], $0x1, s17, s24, $0xb8;
	[tilespmem:$0x9900] =	vst v63  }
0x1aa: {  	s25 =	simm.s32 $0x3180  }
0x1ab: {  	[tilespmem:s25], [sflag:$0x5] =	stream.indirect.gather [hbm4b:s5+s24], $0x1, s17, s24, $0xb8;
	[tilespmem:$0x9900] =	vst v63  }
0x1ac: {  	s28 =	simm.s32 $0x3580  }
0x1ad: {  	[tilespmem:s28], [sflag:$0x5] =	stream.indirect.gather [hbm4b:s7+s24], $0x1, s17, s24, $0xb8;
	[tilespmem:$0x9900] =	vst v63  }
0x1ae: {  	s18 =	simm.s32 $0x2E00;
	s17 =	simm.s32 $0x1200  }
0x1af: {  	[tilespmem:s18], [sflag:$0x5] =	stream.indirect.gather [hbm4b:s6+s24], $0x1, s17, s24, $0xb8;
	[tilespmem:$0x9900] =	vst v63  }
0x1b0: {  	s25 =	simm.s32 $0x3200  }
0x1b1: {  	[tilespmem:s25], [sflag:$0x5] =	stream.indirect.gather [hbm4b:s5+s24], $0x1, s17, s24, $0xb8;
	[tilespmem:$0x9900] =	vst v63  }
0x1b2: {  	s28 =	simm.s32 $0x3600  }
0x1b3: {  	[tilespmem:s28], [sflag:$0x5] =	stream.indirect.gather [hbm4b:s7+s24], $0x1, s17, s24, $0xb8;
	[tilespmem:$0x9900] =	vst v63  }
0x1b4: {  	s18 =	simm.s32 $0x2E80;
	s17 =	simm.s32 $0x1280  }
0x1b5: {  	[tilespmem:s18], [sflag:$0x5] =	stream.indirect.gather [hbm4b:s6+s24], $0x1, s17, s24, $0xb8;
	[tilespmem:$0x9900] =	vst v63  }
0x1b6: {  	s25 =	simm.s32 $0x3280  }
0x1b7: {  	[tilespmem:s25], [sflag:$0x5] =	stream.indirect.gather [hbm4b:s5+s24], $0x1, s17, s24, $0xb8;
	[tilespmem:$0x9900] =	vst v63  }
0x1b8: {  	s28 =	simm.s32 $0x3680  }
0x1b9: {  	[tilespmem:s28], [sflag:$0x5] =	stream.indirect.gather [hbm4b:s7+s24], $0x1, s17, s24, $0xb8;
	[tilespmem:$0x9900] =	vst v63  }
0x1ba: {  	s18 =	simm.s32 $0x2F00;
	s17 =	simm.s32 $0x1300  }
0x1bb: {  	[tilespmem:s18], [sflag:$0x5] =	stream.indirect.gather [hbm4b:s6+s24], $0x1, s17, s24, $0xb8;
	[tilespmem:$0x9900] =	vst v63  }
0x1bc: {  	s25 =	simm.s32 $0x3300  }
0x1bd: {  	[tilespmem:s25], [sflag:$0x5] =	stream.indirect.gather [hbm4b:s5+s24], $0x1, s17, s24, $0xb8;
	[tilespmem:$0x9900] =	vst v63  }
0x1be: {  	s28 =	simm.s32 $0x3700  }
0x1bf: {  	[tilespmem:s28], [sflag:$0x5] =	stream.indirect.gather [hbm4b:s7+s24], $0x1, s17, s24, $0xb8;
	[tilespmem:$0x9900] =	vst v63  }
0x1c0: {  	s17 =	simm.s32 $0x2F80  }
0x1c1: {  	[tilespmem:s17], [sflag:$0x5] =	stream.indirect.gather [hbm4b:s6+s24], $0x1, s22, s24, $0xb8;
	[tilespmem:$0x9900] =	vst v63  }
0x1c2: {  	s18 =	simm.s32 $0x3380  }
0x1c3: {  	[tilespmem:s18], [sflag:$0x5] =	stream.indirect.gather [hbm4b:s5+s24], $0x1, s22, s24, $0xb8;
	[tilespmem:$0x9900] =	vst v63  }
0x1c4: {  	s25 =	simm.s32 $0x3780  }
0x1c5: {  	[tilespmem:s25], [sflag:$0x5] =	stream.indirect.gather [hbm4b:s7+s24], $0x1, s22, s24, $0xb8;
	[tilespmem:$0x9900] =	vst v63  }
0x1c6: {  	s28 =	simm.s32 $0x3000  }
0x1c7: {  	[tilespmem:s28], [sflag:$0x5] =	stream.indirect.gather [hbm4b:s6+s24], $0x1, s23, s24, $0xb8;
	[tilespmem:$0x9900] =	vst v63  }
0x1c8: {  	s16 =	simm.s32 $0x3400  }
0x1c9: {  	[tilespmem:s16], [sflag:$0x5] =	stream.indirect.gather [hbm4b:s5+s24], $0x1, s23, s24, $0xb8;
	[tilespmem:$0x9900] =	vst v63  }
0x1ca: {  	s17 =	simm.s32 $0x3800  }
0x1cb: {  	[tilespmem:s17], [sflag:$0x5] =	stream.indirect.gather [hbm4b:s7+s24], $0x1, s23, s24, $0xb8;
	[tilespmem:$0x9900] =	vst v63  }
0x1cc: {  	s18 =	simm.s32 $0x3080  }
0x1cd: {  	[tilespmem:s18], [sflag:$0x5] =	stream.indirect.gather [hbm4b:s6+s24], $0x1, s1, s24, $0xb8;
	[tilespmem:$0x9900] =	vst v63  }
0x1ce: {  	s25 =	simm.s32 $0x3480  }
0x1cf: {  	[tilespmem:s25], [sflag:$0x5] =	stream.indirect.gather [hbm4b:s5+s24], $0x1, s1, s24, $0xb8;
	[tilespmem:$0x9900] =	vst v63  }
0x1d0: {  	s28 =	simm.s32 $0x3880  }
0x1d1: {  	[tilespmem:s28], [sflag:$0x5] =	stream.indirect.gather [hbm4b:s7+s24], $0x1, s1, s24, $0xb8;
	[tilespmem:$0x9900] =	vst v63  }
0x1d2: {  	_ =	swait.ge [sflag:s30], $0x10  }
0x1d3: {  	[sflag:s30] =	ssyncset.done $0x0  }
0x1d4: {  	[sflag:s30] =	ssyncadd.s32 $0xFFFFFFF0  }
0x1d5: {  	_ =	swait.ge [sflag:s30], $0x10  }
0x1d6: {  	[sflag:s30] =	ssyncset.done $0x0  }
0x1d7: {  	[sflag:s30] =	ssyncadd.s32 $0xFFFFFFF0  }
0x1d8: {  	_ =	swait.ge [sflag:s30], $0x10  }
0x1d9: {  	[sflag:s30] =	ssyncset.done $0x0  }
0x1da: {  	[sflag:s30] =	ssyncadd.s32 $0xFFFFFFF0  }
0x1db: {  	_ =	swait.ge [sflag:s30], $0x10  }
0x1dc: {  	[sflag:s30] =	ssyncset.done $0x0  }
0x1dd: {  	[sflag:s30] =	ssyncadd.s32 $0xFFFFFFF0  }
0x1de: {  	_ =	swait.ge [sflag:s30], $0x10  }
0x1df: {  	[sflag:s30] =	ssyncset.done $0x0  }
0x1e0: {  	[sflag:s30] =	ssyncadd.s32 $0xFFFFFFF0  }
0x1e1: {  	_ =	swait.ge [sflag:s30], $0x10  }
0x1e2: {  	[sflag:s30] =	ssyncset.done $0x0  }
0x1e3: {  	[sflag:s30] =	ssyncadd.s32 $0xFFFFFFF0  }
0x1e4: {  	v8 =	vld.idx.msk [tilespmem:v1+s20+$0x0], $0xffff;
	_ =	sdelay $0x1  }
0x1e5: {  	v9 =	vld.idx.msk [tilespmem:v1+s10+$0x0], $0xffff;
	_ =	sdelay $0x1  }
0x1e6: {  	v13 =	vld.idx.msk [tilespmem:v1+s21+$0x0], $0xffff  }
0x1e7: {  	v12 =	vadd.f32 $0.0e+00, v8  }
0x1e8: {  	v8 =	vld.idx.msk [tilespmem:v1+s19+$0x0], $0xffff  }
0x1e9: {  	v9 =	vadd.f32 v9, v12;
	_ =	sdelay $0x1  }
0x1ea: {  	v13 =	vadd.f32 v13, v9;
	_ =	sdelay $0x1  }
0x1eb: {  	v13 =	vmul.f32 v13, v8;
	_ =	sdelay $0x1  }
0x1ec: {  	s15 =	simm.s32 $0x0;
	[tilespmem:$0x400] =	vst v13  }
.LBB2_2:
0x1ed: {  	s16 =	simm.s32 $0x0  }
0x1ee: {  	v14 =	vmov s15;
	s25 =	simm.s32 $0x10;
	v13 =	vmov s16  }
0x1ef: {  	s17 =	simm.s32 $0x20;
	v15 =	vor.u32 s16, v0;
	v17 =	vor.u32 s25, v0;
	v13 =	vshll.u32 v13, $0x3  }
0x1f0: {  	v19 =	vmov s17;
	v16 =	vand.u32 $0x6F, v15;
	v13 =	vand.u32 $0x1C00, v13  }
0x1f1: {  	v20 =	vor.u32 s17, v0;
	v13 =	vor.u32 v13, v16;
	v16 =	vmov s25  }
0x1f2: {  	v15 =	vshll.u32 v14, $0x7;
	v17 =	vand.u32 $0x7F, v17;
	v16 =	vshll.u32 v16, $0x3  }
0x1f3: {  	v19 =	vshll.u32 v19, $0x3;
	v20 =	vand.u32 $0x6F, v20;
	v16 =	vand.u32 $0x1C00, v16  }
0x1f4: {  	s28 =	simm.s32 $0x30;
	v19 =	vand.u32 $0x1C00, v19;
	v18 =	vor.u32 v15, v13;
	v16 =	vor.u32 v16, v17  }
0x1f5: {  	v17 =	vor.u32 v15, v16;
	v16 =	vor.u32 v19, v20;
	v19 =	vmov s28  }
0x1f6: {  	v13 =	vld.idx.msk [tilespmem:v14+s11+$0x0], $0xffff;
	v19 =	vshll.u32 v19, $0x3  }
0x1f7: {  	v14 =	vld.idx.msk [tilespmem:v14+s26+$0x0], $0xffff;
	_ =	sdelay $0x1  }
0x1f8: {  	v21 =	vand.u32 $0x1C00, v19;
	v19 =	vmov v17  }
0x1f9: {  	[tilespmem:v18+s31+$0x0] =	vst.idx.msk $0xffff, v2  }
0x1fa: {  	v20 =	vor.u32 s28, v0;
	v16 =	vor.u32 v15, v16;
	[tilespmem:v18+s12+$0x0] =	vst.idx.msk $0xffff, v13  }
0x1fb: {  	s16 =	simm.s32 $0x40;
	v20 =	vand.u32 $0x7F, v20;
	[tilespmem:v18+s3+$0x0] =	vst.idx.msk $0xffff, v14;
	v18 =	vmov v16  }
.LBB2_3:
0x1fc: {  	v22 =	vmov s16;
	p0 =	sne.s32 s16, $0x3E0;
	v20 =	vor.u32 v21, v20;
	[tilespmem:v17+s31+$0x0] =	vst.idx.msk $0xffff, v2;
	s17 =	smov.u32 s16;
	s16 =	sadd.s32 $0x20, s16  }
.Ltmp2:
0x1fd: {  	v21 =	vor.u32 s17, v0;
	v22 =	vshll.u32 v22, $0x3;
	v17 =	vor.u32 v15, v20;
	[tilespmem:v19+s12+$0x0] =	vst.idx.msk $0xffff, v13;
	(pc) =	sbr.rel @p0 .LBB2_3-.Ltmp2, $4  }
0x1fe: {  	s17 =	sadd.s32 $0x10, s17;
	v20 =	vand.u32 $0x6F, v21;
	v21 =	vand.u32 $0x1C00, v22;
	[tilespmem:v19+s3+$0x0] =	vst.idx.msk $0xffff, v14;
	v19 =	vmov v17  }
0x1ff: {  	v22 =	vor.u32 s17, v0;
	v20 =	vor.u32 v21, v20;
	v21 =	vmov s17;
	[tilespmem:v16+s31+$0x0] =	vst.idx.msk $0xffff, v2  }
0x200: {  	v16 =	vor.u32 v15, v20;
	v21 =	vshll.u32 v21, $0x3;
	[tilespmem:v18+s12+$0x0] =	vst.idx.msk $0xffff, v13  }
0x201: {  	v20 =	vand.u32 $0x7F, v22;
	v21 =	vand.u32 $0x1C00, v21;
	[tilespmem:v18+s3+$0x0] =	vst.idx.msk $0xffff, v14;
	v18 =	vmov v16  }
0x202: {  	_ =	sdelay $0x3  }
0x203: {  	v20 =	vor.u32 v21, v20;
	[tilespmem:v17+s31+$0x0] =	vst.idx.msk $0xffff, v2  }
0x204: {  	v15 =	vor.u32 v15, v20;
	[tilespmem:v19+s12+$0x0] =	vst.idx.msk $0xffff, v13  }
0x205: {  	s15 =	sadd.s32 $0x1, s15;
	[tilespmem:v19+s3+$0x0] =	vst.idx.msk $0xffff, v14  }
0x206: {  	p0 =	sne.s32 s15, $0x8;
	[tilespmem:v16+s31+$0x0] =	vst.idx.msk $0xffff, v2  }
.Ltmp3:
0x207: {  	[tilespmem:v18+s12+$0x0] =	vst.idx.msk $0xffff, v13;
	(pc) =	sbr.rel @p0 .LBB2_2-.Ltmp3, $4  }
0x208: {  	[tilespmem:v18+s3+$0x0] =	vst.idx.msk $0xffff, v14  }
0x209: {  	[tilespmem:v15+s31+$0x0] =	vst.idx.msk $0xffff, v2  }
0x20a: {  	[tilespmem:v15+s12+$0x0] =	vst.idx.msk $0xffff, v13  }
0x20b: {  	[tilespmem:v15+s3+$0x0] =	vst.idx.msk $0xffff, v14  }
0x20c: {  	_ =	swait.ge [sflag:s8], $0x80  }
0x20d: {  	[sflag:s8] =	ssyncset.done $0x0  }
0x20e: {  	[sflag:s8] =	ssyncadd.s32 $0xFFFFFF80  }
0x20f: {  	_ =	swait.ge [sflag:s8], $0x80  }
0x210: {  	[sflag:s8] =	ssyncset.done $0x0  }
0x211: {  	[sflag:s8] =	ssyncadd.s32 $0xFFFFFF80  }
0x212: {  	_ =	swait.ge [sflag:s8], $0x80  }
0x213: {  	[sflag:s8] =	ssyncset.done $0x0  }
0x214: {  	[sflag:s8] =	ssyncadd.s32 $0xFFFFFF80  }
0x215: {  	_ =	swait.ge [sflag:s8], $0x80  }
0x216: {  	[sflag:s8] =	ssyncset.done $0x0  }
0x217: {  	[sflag:s8] =	ssyncadd.s32 $0xFFFFFF80  }
0x218: {  	_ =	swait.ge [sflag:s8], $0x80  }
0x219: {  	[sflag:s8] =	ssyncset.done $0x0  }
0x21a: {  	[sflag:s8] =	ssyncadd.s32 $0xFFFFFF80  }
0x21b: {  	_ =	swait.ge [sflag:s8], $0x80  }
0x21c: {  	[sflag:s8] =	ssyncset.done $0x0  }
0x21d: {  	[sflag:s8] =	ssyncadd.s32 $0xFFFFFF80  }
0x21e: {  	_ =	swait.ge [sflag:s8], $0x80  }
0x21f: {  	[sflag:s8] =	ssyncset.done $0x0  }
0x220: {  	[sflag:s8] =	ssyncadd.s32 $0xFFFFFF80  }
0x221: {  	_ =	swait.ge [sflag:s8], $0x80  }
0x222: {  	[sflag:s8] =	ssyncset.done $0x0  }
0x223: {  	[sflag:s8] =	ssyncadd.s32 $0xFFFFFF80  }
0x224: {  	_ =	swait.ge [sflag:s8], $0x80  }
0x225: {  	[sflag:s8] =	ssyncset.done $0x0  }
0x226: {  	[sflag:s8] =	ssyncadd.s32 $0xFFFFFF80  }
0x227: {  	_ =	swait.ge [sflag:s8], $0x80  }
0x228: {  	[sflag:s8] =	ssyncset.done $0x0  }
0x229: {  	[sflag:s8] =	ssyncadd.s32 $0xFFFFFF80  }
0x22a: {  	_ =	swait.ge [sflag:s8], $0x80  }
0x22b: {  	[sflag:s8] =	ssyncset.done $0x0  }
0x22c: {  	[sflag:s8] =	ssyncadd.s32 $0xFFFFFF80  }
0x22d: {  	_ =	swait.ge [sflag:s8], $0x80  }
0x22e: {  	[sflag:s8] =	ssyncset.done $0x0  }
0x22f: {  	[sflag:s8] =	ssyncadd.s32 $0xFFFFFF80  }
0x230: {  	_ =	swait.ge [sflag:s8], $0x80  }
0x231: {  	[sflag:s8] =	ssyncset.done $0x0  }
0x232: {  	[sflag:s8] =	ssyncadd.s32 $0xFFFFFF80  }
0x233: {  	_ =	swait.ge [sflag:s8], $0x80  }
0x234: {  	[sflag:s8] =	ssyncset.done $0x0  }
0x235: {  	[sflag:s8] =	ssyncadd.s32 $0xFFFFFF80  }
0x236: {  	_ =	swait.ge [sflag:s8], $0x80  }
0x237: {  	[sflag:s8] =	ssyncset.done $0x0  }
0x238: {  	[sflag:s8] =	ssyncadd.s32 $0xFFFFFF80  }
0x239: {  	_ =	swait.ge [sflag:s8], $0x80  }
0x23a: {  	[sflag:s8] =	ssyncset.done $0x0  }
0x23b: {  	[sflag:s8] =	ssyncadd.s32 $0xFFFFFF80  }
0x23c: {  	_ =	swait.ge [sflag:s8], $0x80  }
0x23d: {  	[sflag:s8] =	ssyncset.done $0x0  }
0x23e: {  	[sflag:s8] =	ssyncadd.s32 $0xFFFFFF80  }
0x23f: {  	_ =	swait.ge [sflag:s8], $0x80  }
0x240: {  	[sflag:s8] =	ssyncset.done $0x0  }
0x241: {  	[sflag:s8] =	ssyncadd.s32 $0xFFFFFF80  }
0x242: {  	_ =	swait.ge [sflag:s8], $0x80  }
0x243: {  	[sflag:s8] =	ssyncset.done $0x0  }
0x244: {  	[sflag:s8] =	ssyncadd.s32 $0xFFFFFF80  }
0x245: {  	_ =	swait.ge [sflag:s8], $0x80  }
0x246: {  	[sflag:s8] =	ssyncset.done $0x0  }
0x247: {  	[sflag:s8] =	ssyncadd.s32 $0xFFFFFF80  }
0x248: {  	_ =	swait.ge [sflag:s8], $0x80  }
0x249: {  	[sflag:s8] =	ssyncset.done $0x0  }
0x24a: {  	[sflag:s8] =	ssyncadd.s32 $0xFFFFFF80  }
0x24b: {  	_ =	swait.ge [sflag:s8], $0x80  }
0x24c: {  	[sflag:s8] =	ssyncset.done $0x0  }
0x24d: {  	[sflag:s8] =	ssyncadd.s32 $0xFFFFFF80  }
0x24e: {  	_ =	swait.ge [sflag:s8], $0x80  }
0x24f: {  	v10 =	vsub.s32 v11, v10;
	[sflag:s8] =	ssyncset.done $0x0  }
0x250: {  	v11 =	vnsel vm0, $0x0, v10;
	[sflag:s8] =	ssyncadd.s32 $0xFFFFFF80  }
0x251: {  	v11 =	vxor.u32 $0x80000000, v11;
	_ =	swait.ge [sflag:s8], $0x80  }
0x252: {  	(xrf0) =	vmax.scan.msk.u32 $0xffff, v11;
	_ =	sdelay $0x5  }
0x253: {  	v11, _, _ =	vpop (xrf0)  }
0x254: {  	(v2sf) =	vpush v11, $0xF;
	_ =	sdelay $0xe  }
0x255: {  	s15 =	spop (v2sf)  }
0x256: {  	s15 =	sxor.u32 $0x80000000, s15  }
0x257: {  	p0 =	slt.s32 s15, $0x1  }
.Ltmp4:
0x258: {  	_ = 	snop;
	(pc) =	sbr.rel @p0 .LBB2_9-.Ltmp4, $3  }
0x259: {  	_ =	sdelay $0x1  }
0x25a: {  	[sflag:s8] =	ssyncset.done $0x0  }
0x25b: {  	[sflag:s8] =	ssyncadd.s32 $0xFFFFFF80  }
0x25c: {  	s25 =	simm.s32 $0x1500  }
0x25d: {  	v11 =	vld [tilespmem:s25+$0x0];
	_ =	sdelay $0x3  }
0x25e: {  	s16 =	simm.s32 $0x0  }
0x25f: {  	v13 =	vmov s16;
	v14 =	vshll.u32 v11, $0x3  }
0x260: {  	vm2 =	vlt.s32 v13, v10;
	v11 =	vand.u32 $0x7F, v11;
	v13 =	vand.u32 $0xFFFFFC00, v14  }
0x261: {  	vm2 =	vmand vm2, vm0;
	v11 =	vor.u32 v13, v11  }
0x262: {  	v11 =	vor.u32 v3, v11;
	_ =	sdelay $0x1  }
0x263: {  	s16 =	simm.s32 $0x1900  }
0x264: {  	s17 =	simm.s32 $0x1D00;
	v13 =	vld [tilespmem:s16+$0x0]  }
0x265: {  	v14 =	vld [tilespmem:s17+$0x0]  }
0x266: {  	v15 =	vld.idx.msk [tilespmem:v11+s3+$0x0], vm2  }
0x267: {  	v16 =	vld.idx.msk [tilespmem:v11+s31+$0x0], vm2  }
0x268: {  	v17 =	vld.idx.msk [tilespmem:v11+s12+$0x0], vm2  }
0x269: {  	v13 =	vadd.f32 $0.0e+00, v13  }
0x26a: {  	p0 =	sne.s32 s15, $0x1  }
.Ltmp5:
0x26b: {  	v18 =	vmul.f32 v13, v8;
	(pc) =	sbr.rel @!p0 .LBB2_8-.Ltmp5, $4  }
0x26c: {  	vm3 =	vgt.s32 v15, v14;
	vm4 =	veq.s32 v16, $0x0  }
0x26d: {  	v19 =	vshra.s32 v16, $0x1F;
	v20 =	vmax.f32 v17, v18;
	v13 =	vsel vm3, v15, v14  }
0x26e: {  	vm3 =	vgt.s32 v16, $0x0;
	v13 =	vsel vm4, v13, v15;
	v15 =	vsel vm4, v20, v17  }
0x26f: {  	s28 =	simm.s32 $0x1D10;
	s17 =	simm.s32 $0x1;
	v14 =	vsel vm3, v14, v13;
	v13 =	vand.u32 v19, v16;
	v15 =	vsel vm3, v18, v15  }
.LBB2_7:
0x270: {  	s25 =	sadd.s32 $0x10, s25  }
0x271: {  	[tilespmem:v11+s12+$0x0] =	vst.idx.msk vm2, v15;
	s16 =	sadd.s32 $0x10, s16;
	s18 =	smov.u32 s17;
	s17 =	sadd.s32 $0x1, s17  }
0x272: {  	p0 =	sne.s32 s15, s17;
	[tilespmem:v11+s3+$0x0] =	vst.idx.msk vm2, v14  }
0x273: {  	[tilespmem:v11+s31+$0x0] =	vst.idx.msk vm2, v13  }
0x274: {  	v11 =	vld [tilespmem:s25+$0x0];
	_ =	sdelay $0x4  }
0x275: {  	v13 =	vmov s18;
	v14 =	vshll.u32 v11, $0x3  }
0x276: {  	vm2 =	vlt.s32 v13, v10;
	v11 =	vand.u32 $0x7F, v11;
	v13 =	vand.u32 $0xFFFFFC00, v14  }
0x277: {  	vm2 =	vmand vm2, vm0;
	v11 =	vor.u32 v13, v11  }
0x278: {  	v11 =	vor.u32 v3, v11;
	_ =	sdelay $0x2  }
0x279: {  	v13 =	vld [tilespmem:s16+$0x0]  }
0x27a: {  	v14 =	vld [tilespmem:s28+$0x0]  }
0x27b: {  	v15 =	vld.idx.msk [tilespmem:v11+s3+$0x0], vm2  }
0x27c: {  	v16 =	vld.idx.msk [tilespmem:v11+s31+$0x0], vm2  }
0x27d: {  	v17 =	vld.idx.msk [tilespmem:v11+s12+$0x0], vm2  }
0x27e: {  	v13 =	vadd.f32 $0.0e+00, v13;
	_ =	sdelay $0x1  }
0x27f: {  	v18 =	vmul.f32 v13, v8  }
.Ltmp6:
0x280: {  	vm3 =	vgt.s32 v15, v14;
	(pc) =	sbr.rel @p0 .LBB2_7-.Ltmp6, $4  }
0x281: {  	vm4 =	veq.s32 v16, $0x0;
	v13 =	vsel vm3, v15, v14;
	v19 =	vshra.s32 v16, $0x1F  }
0x282: {  	vm3 =	vgt.s32 v16, $0x0;
	v20 =	vmax.f32 v17, v18;
	v13 =	vsel vm4, v13, v15  }
0x283: {  	v15 =	vsel vm4, v20, v17;
	v14 =	vsel vm3, v14, v13;
	v13 =	vand.u32 v19, v16  }
0x284: {  	s28 =	sadd.s32 $0x10, s28;
	v15 =	vsel vm3, v18, v15  }
.LBB2_8:
0x285: {  	_ =	sdelay $0x4  }
0x286: {  	[tilespmem:v11+s12+$0x0] =	vst.idx.msk vm2, v15  }
0x287: {  	[tilespmem:v11+s3+$0x0] =	vst.idx.msk vm2, v14  }
0x288: {  	[tilespmem:v11+s31+$0x0] =	vst.idx.msk vm2, v13  }
.LBB2_9:
0x289: {  	_ =	swait.ge [sflag:s0], $0x80  }
0x28a: {  	[sflag:s0] =	ssyncset.done $0x0  }
0x28b: {  	[sflag:s0] =	ssyncadd.s32 $0xFFFFFF80  }
0x28c: {  	_ =	swait.ge [sflag:s0], $0x80  }
0x28d: {  	[sflag:s0] =	ssyncset.done $0x0  }
0x28e: {  	[sflag:s0] =	ssyncadd.s32 $0xFFFFFF80  }
0x28f: {  	_ =	swait.ge [sflag:s0], $0x80  }
0x290: {  	[sflag:s0] =	ssyncset.done $0x0  }
0x291: {  	[sflag:s0] =	ssyncadd.s32 $0xFFFFFF80  }
0x292: {  	_ =	swait.ge [sflag:s0], $0x80  }
0x293: {  	[sflag:s0] =	ssyncset.done $0x0  }
0x294: {  	[sflag:s0] =	ssyncadd.s32 $0xFFFFFF80  }
0x295: {  	_ =	swait.ge [sflag:s0], $0x80  }
0x296: {  	[sflag:s0] =	ssyncset.done $0x0  }
0x297: {  	[sflag:s0] =	ssyncadd.s32 $0xFFFFFF80  }
0x298: {  	_ =	swait.ge [sflag:s0], $0x80  }
0x299: {  	[sflag:s0] =	ssyncset.done $0x0  }
0x29a: {  	[sflag:s0] =	ssyncadd.s32 $0xFFFFFF80  }
0x29b: {  	_ =	swait.ge [sflag:s0], $0x80  }
0x29c: {  	[sflag:s0] =	ssyncset.done $0x0  }
0x29d: {  	[sflag:s0] =	ssyncadd.s32 $0xFFFFFF80  }
0x29e: {  	_ =	swait.ge [sflag:s0], $0x80  }
0x29f: {  	[sflag:s0] =	ssyncset.done $0x0  }
0x2a0: {  	[sflag:s0] =	ssyncadd.s32 $0xFFFFFF80  }
0x2a1: {  	_ =	swait.ge [sflag:s0], $0x80  }
0x2a2: {  	[sflag:s0] =	ssyncset.done $0x0  }
0x2a3: {  	[sflag:s0] =	ssyncadd.s32 $0xFFFFFF80  }
0x2a4: {  	_ =	swait.ge [sflag:s0], $0x80  }
0x2a5: {  	[sflag:s0] =	ssyncset.done $0x0  }
0x2a6: {  	[sflag:s0] =	ssyncadd.s32 $0xFFFFFF80  }
0x2a7: {  	_ =	swait.ge [sflag:s0], $0x80  }
0x2a8: {  	[sflag:s0] =	ssyncset.done $0x0  }
0x2a9: {  	[sflag:s0] =	ssyncadd.s32 $0xFFFFFF80  }
0x2aa: {  	_ =	swait.ge [sflag:s0], $0x80  }
0x2ab: {  	[sflag:s0] =	ssyncset.done $0x0  }
0x2ac: {  	[sflag:s0] =	ssyncadd.s32 $0xFFFFFF80  }
0x2ad: {  	_ =	swait.ge [sflag:s0], $0x80  }
0x2ae: {  	[sflag:s0] =	ssyncset.done $0x0  }
0x2af: {  	[sflag:s0] =	ssyncadd.s32 $0xFFFFFF80  }
0x2b0: {  	_ =	swait.ge [sflag:s0], $0x80  }
0x2b1: {  	[sflag:s0] =	ssyncset.done $0x0  }
0x2b2: {  	[sflag:s0] =	ssyncadd.s32 $0xFFFFFF80  }
0x2b3: {  	_ =	swait.ge [sflag:s0], $0x80  }
0x2b4: {  	[sflag:s0] =	ssyncset.done $0x0  }
0x2b5: {  	[sflag:s0] =	ssyncadd.s32 $0xFFFFFF80  }
0x2b6: {  	_ =	swait.ge [sflag:s0], $0x80  }
0x2b7: {  	[sflag:s0] =	ssyncset.done $0x0  }
0x2b8: {  	[sflag:s0] =	ssyncadd.s32 $0xFFFFFF80  }
0x2b9: {  	_ =	swait.ge [sflag:s0], $0x80  }
0x2ba: {  	[sflag:s0] =	ssyncset.done $0x0  }
0x2bb: {  	[sflag:s0] =	ssyncadd.s32 $0xFFFFFF80  }
0x2bc: {  	_ =	swait.ge [sflag:s0], $0x80  }
0x2bd: {  	[sflag:s0] =	ssyncset.done $0x0  }
0x2be: {  	[sflag:s0] =	ssyncadd.s32 $0xFFFFFF80  }
0x2bf: {  	_ =	swait.ge [sflag:s0], $0x80  }
0x2c0: {  	[sflag:s0] =	ssyncset.done $0x0  }
0x2c1: {  	[sflag:s0] =	ssyncadd.s32 $0xFFFFFF80  }
0x2c2: {  	_ =	swait.ge [sflag:s0], $0x80  }
0x2c3: {  	[sflag:s0] =	ssyncset.done $0x0  }
0x2c4: {  	[sflag:s0] =	ssyncadd.s32 $0xFFFFFF80  }
0x2c5: {  	_ =	swait.ge [sflag:s0], $0x80  }
0x2c6: {  	[sflag:s0] =	ssyncset.done $0x0  }
0x2c7: {  	[sflag:s0] =	ssyncadd.s32 $0xFFFFFF80  }
0x2c8: {  	_ =	swait.ge [sflag:s0], $0x80  }
0x2c9: {  	[sflag:s0] =	ssyncset.done $0x0  }
0x2ca: {  	[sflag:s0] =	ssyncadd.s32 $0xFFFFFF80  }
0x2cb: {  	_ =	swait.ge [sflag:s0], $0x80  }
0x2cc: {  	v6 =	vsub.s32 v7, v6;
	[sflag:s0] =	ssyncset.done $0x0  }
0x2cd: {  	v7 =	vnsel vm0, $0x0, v6;
	[sflag:s0] =	ssyncadd.s32 $0xFFFFFF80  }
0x2ce: {  	v7 =	vxor.u32 $0x80000000, v7;
	_ =	swait.ge [sflag:s0], $0x80  }
0x2cf: {  	(xrf0) =	vmax.scan.msk.u32 $0xffff, v7;
	_ =	sdelay $0x5  }
0x2d0: {  	v7, _, _ =	vpop (xrf0)  }
0x2d1: {  	(v2sf) =	vpush v7, $0xF;
	_ =	sdelay $0xe  }
0x2d2: {  	s15 =	spop (v2sf)  }
0x2d3: {  	s15 =	sxor.u32 $0x80000000, s15  }
0x2d4: {  	p0 =	slt.s32 s15, $0x1  }
.Ltmp7:
0x2d5: {  	_ = 	snop;
	(pc) =	sbr.rel @p0 .LBB2_13-.Ltmp7, $3  }
0x2d6: {  	_ =	sdelay $0x1  }
0x2d7: {  	[sflag:s0] =	ssyncset.done $0x0  }
0x2d8: {  	[sflag:s0] =	ssyncadd.s32 $0xFFFFFF80  }
0x2d9: {  	s25 =	simm.s32 $0x2100  }
0x2da: {  	v7 =	vld [tilespmem:s25+$0x0];
	_ =	sdelay $0x3  }
0x2db: {  	s16 =	simm.s32 $0x0  }
0x2dc: {  	v10 =	vmov s16;
	v11 =	vshll.u32 v7, $0x3  }
0x2dd: {  	vm2 =	vlt.s32 v10, v6;
	v7 =	vand.u32 $0x7F, v7;
	v10 =	vand.u32 $0xFFFFFC00, v11  }
0x2de: {  	vm2 =	vmand vm2, vm0;
	v7 =	vor.u32 v10, v7  }
0x2df: {  	v7 =	vor.u32 v3, v7;
	_ =	sdelay $0x1  }
0x2e0: {  	s16 =	simm.s32 $0x2500  }
0x2e1: {  	s17 =	simm.s32 $0x2900;
	v10 =	vld [tilespmem:s16+$0x0]  }
0x2e2: {  	v11 =	vld [tilespmem:s17+$0x0]  }
0x2e3: {  	v13 =	vld.idx.msk [tilespmem:v7+s3+$0x0], vm2  }
0x2e4: {  	v14 =	vld.idx.msk [tilespmem:v7+s31+$0x0], vm2  }
0x2e5: {  	v15 =	vld.idx.msk [tilespmem:v7+s12+$0x0], vm2  }
0x2e6: {  	v10 =	vadd.f32 v10, v12  }
0x2e7: {  	p0 =	sne.s32 s15, $0x1  }
.Ltmp8:
0x2e8: {  	v16 =	vmul.f32 v10, v8;
	(pc) =	sbr.rel @!p0 .LBB2_12-.Ltmp8, $4  }
0x2e9: {  	vm3 =	vgt.s32 v13, v11  }
0x2ea: {  	vm4 =	veq.s32 v14, $0x1;
	v17 =	vmax.f32 v15, v16;
	v10 =	vsel vm3, v13, v11  }
0x2eb: {  	vm3 =	vgt.s32 v14, $0x1;
	v10 =	vsel vm4, v10, v13;
	v13 =	vsel vm4, v17, v15  }
0x2ec: {  	s28 =	simm.s32 $0x2910;
	s17 =	simm.s32 $0x1;
	v11 =	vsel vm3, v11, v10;
	v10 =	vsel vm3, $0x1, v14;
	v13 =	vsel vm3, v16, v13  }
.LBB2_11:
0x2ed: {  	s25 =	sadd.s32 $0x10, s25  }
0x2ee: {  	[tilespmem:v7+s12+$0x0] =	vst.idx.msk vm2, v13;
	s16 =	sadd.s32 $0x10, s16;
	s18 =	smov.u32 s17;
	s17 =	sadd.s32 $0x1, s17  }
0x2ef: {  	p0 =	sne.s32 s15, s17;
	[tilespmem:v7+s3+$0x0] =	vst.idx.msk vm2, v11  }
0x2f0: {  	[tilespmem:v7+s31+$0x0] =	vst.idx.msk vm2, v10  }
0x2f1: {  	v7 =	vld [tilespmem:s25+$0x0];
	_ =	sdelay $0x4  }
0x2f2: {  	v10 =	vmov s18;
	v11 =	vshll.u32 v7, $0x3  }
0x2f3: {  	vm2 =	vlt.s32 v10, v6;
	v7 =	vand.u32 $0x7F, v7;
	v10 =	vand.u32 $0xFFFFFC00, v11  }
0x2f4: {  	vm2 =	vmand vm2, vm0;
	v7 =	vor.u32 v10, v7  }
0x2f5: {  	v7 =	vor.u32 v3, v7;
	_ =	sdelay $0x2  }
0x2f6: {  	v10 =	vld [tilespmem:s16+$0x0]  }
0x2f7: {  	v11 =	vld [tilespmem:s28+$0x0]  }
0x2f8: {  	v13 =	vld.idx.msk [tilespmem:v7+s3+$0x0], vm2  }
0x2f9: {  	v14 =	vld.idx.msk [tilespmem:v7+s31+$0x0], vm2  }
0x2fa: {  	v15 =	vld.idx.msk [tilespmem:v7+s12+$0x0], vm2  }
0x2fb: {  	v10 =	vadd.f32 v10, v12;
	_ =	sdelay $0x1  }
0x2fc: {  	v16 =	vmul.f32 v10, v8  }
.Ltmp9:
0x2fd: {  	vm3 =	vgt.s32 v13, v11;
	(pc) =	sbr.rel @p0 .LBB2_11-.Ltmp9, $4  }
0x2fe: {  	vm4 =	veq.s32 v14, $0x1;
	v10 =	vsel vm3, v13, v11  }
0x2ff: {  	vm3 =	vgt.s32 v14, $0x1;
	v17 =	vmax.f32 v15, v16;
	v10 =	vsel vm4, v10, v13  }
0x300: {  	v13 =	vsel vm4, v17, v15;
	v11 =	vsel vm3, v11, v10;
	v10 =	vsel vm3, $0x1, v14  }
0x301: {  	s28 =	sadd.s32 $0x10, s28;
	v13 =	vsel vm3, v16, v13  }
.LBB2_12:
0x302: {  	_ =	sdelay $0x4  }
0x303: {  	[tilespmem:v7+s12+$0x0] =	vst.idx.msk vm2, v13  }
0x304: {  	[tilespmem:v7+s3+$0x0] =	vst.idx.msk vm2, v11  }
0x305: {  	[tilespmem:v7+s31+$0x0] =	vst.idx.msk vm2, v10  }
.LBB2_13:
0x306: {  	_ =	swait.ge [sflag:s13], $0x80  }
0x307: {  	[sflag:s13] =	ssyncset.done $0x0  }
0x308: {  	[sflag:s13] =	ssyncadd.s32 $0xFFFFFF80  }
0x309: {  	_ =	swait.ge [sflag:s13], $0x80  }
0x30a: {  	[sflag:s13] =	ssyncset.done $0x0  }
0x30b: {  	[sflag:s13] =	ssyncadd.s32 $0xFFFFFF80  }
0x30c: {  	_ =	swait.ge [sflag:s13], $0x80  }
0x30d: {  	[sflag:s13] =	ssyncset.done $0x0  }
0x30e: {  	[sflag:s13] =	ssyncadd.s32 $0xFFFFFF80  }
0x30f: {  	_ =	swait.ge [sflag:s13], $0x80  }
0x310: {  	[sflag:s13] =	ssyncset.done $0x0  }
0x311: {  	[sflag:s13] =	ssyncadd.s32 $0xFFFFFF80  }
0x312: {  	_ =	swait.ge [sflag:s13], $0x80  }
0x313: {  	[sflag:s13] =	ssyncset.done $0x0  }
0x314: {  	[sflag:s13] =	ssyncadd.s32 $0xFFFFFF80  }
0x315: {  	_ =	swait.ge [sflag:s13], $0x80  }
0x316: {  	[sflag:s13] =	ssyncset.done $0x0  }
0x317: {  	[sflag:s13] =	ssyncadd.s32 $0xFFFFFF80  }
0x318: {  	_ =	swait.ge [sflag:s13], $0x80  }
0x319: {  	[sflag:s13] =	ssyncset.done $0x0  }
0x31a: {  	[sflag:s13] =	ssyncadd.s32 $0xFFFFFF80  }
0x31b: {  	_ =	swait.ge [sflag:s13], $0x80  }
0x31c: {  	[sflag:s13] =	ssyncset.done $0x0  }
0x31d: {  	[sflag:s13] =	ssyncadd.s32 $0xFFFFFF80  }
0x31e: {  	_ =	swait.ge [sflag:s13], $0x80  }
0x31f: {  	[sflag:s13] =	ssyncset.done $0x0  }
0x320: {  	[sflag:s13] =	ssyncadd.s32 $0xFFFFFF80  }
0x321: {  	_ =	swait.ge [sflag:s13], $0x80  }
0x322: {  	[sflag:s13] =	ssyncset.done $0x0  }
0x323: {  	[sflag:s13] =	ssyncadd.s32 $0xFFFFFF80  }
0x324: {  	_ =	swait.ge [sflag:s13], $0x80  }
0x325: {  	[sflag:s13] =	ssyncset.done $0x0  }
0x326: {  	[sflag:s13] =	ssyncadd.s32 $0xFFFFFF80  }
0x327: {  	_ =	swait.ge [sflag:s13], $0x80  }
0x328: {  	[sflag:s13] =	ssyncset.done $0x0  }
0x329: {  	[sflag:s13] =	ssyncadd.s32 $0xFFFFFF80  }
0x32a: {  	_ =	swait.ge [sflag:s13], $0x80  }
0x32b: {  	[sflag:s13] =	ssyncset.done $0x0  }
0x32c: {  	[sflag:s13] =	ssyncadd.s32 $0xFFFFFF80  }
0x32d: {  	_ =	swait.ge [sflag:s13], $0x80  }
0x32e: {  	[sflag:s13] =	ssyncset.done $0x0  }
0x32f: {  	[sflag:s13] =	ssyncadd.s32 $0xFFFFFF80  }
0x330: {  	_ =	swait.ge [sflag:s13], $0x80  }
0x331: {  	[sflag:s13] =	ssyncset.done $0x0  }
0x332: {  	[sflag:s13] =	ssyncadd.s32 $0xFFFFFF80  }
0x333: {  	_ =	swait.ge [sflag:s13], $0x80  }
0x334: {  	[sflag:s13] =	ssyncset.done $0x0  }
0x335: {  	[sflag:s13] =	ssyncadd.s32 $0xFFFFFF80  }
0x336: {  	_ =	swait.ge [sflag:s13], $0x80  }
0x337: {  	[sflag:s13] =	ssyncset.done $0x0  }
0x338: {  	[sflag:s13] =	ssyncadd.s32 $0xFFFFFF80  }
0x339: {  	_ =	swait.ge [sflag:s13], $0x80  }
0x33a: {  	[sflag:s13] =	ssyncset.done $0x0  }
0x33b: {  	[sflag:s13] =	ssyncadd.s32 $0xFFFFFF80  }
0x33c: {  	_ =	swait.ge [sflag:s13], $0x80  }
0x33d: {  	[sflag:s13] =	ssyncset.done $0x0  }
0x33e: {  	[sflag:s13] =	ssyncadd.s32 $0xFFFFFF80  }
0x33f: {  	_ =	swait.ge [sflag:s13], $0x80  }
0x340: {  	[sflag:s13] =	ssyncset.done $0x0  }
0x341: {  	[sflag:s13] =	ssyncadd.s32 $0xFFFFFF80  }
0x342: {  	_ =	swait.ge [sflag:s13], $0x80  }
0x343: {  	[sflag:s13] =	ssyncset.done $0x0  }
0x344: {  	[sflag:s13] =	ssyncadd.s32 $0xFFFFFF80  }
0x345: {  	_ =	swait.ge [sflag:s13], $0x80  }
0x346: {  	[sflag:s13] =	ssyncset.done $0x0  }
0x347: {  	[sflag:s13] =	ssyncadd.s32 $0xFFFFFF80  }
0x348: {  	_ =	swait.ge [sflag:s13], $0x80  }
0x349: {  	v4 =	vsub.s32 v5, v4;
	[sflag:s13] =	ssyncset.done $0x0  }
0x34a: {  	v5 =	vnsel vm0, $0x0, v4;
	[sflag:s13] =	ssyncadd.s32 $0xFFFFFF80  }
0x34b: {  	v5 =	vxor.u32 $0x80000000, v5;
	_ =	swait.ge [sflag:s13], $0x80  }
0x34c: {  	(xrf0) =	vmax.scan.msk.u32 $0xffff, v5;
	_ =	sdelay $0x5  }
0x34d: {  	v5, _, _ =	vpop (xrf0)  }
0x34e: {  	(v2sf) =	vpush v5, $0xF;
	_ =	sdelay $0xe  }
0x34f: {  	s15 =	spop (v2sf)  }
0x350: {  	s15 =	sxor.u32 $0x80000000, s15  }
0x351: {  	p0 =	slt.s32 s15, $0x1  }
.Ltmp10:
0x352: {  	_ = 	snop;
	(pc) =	sbr.rel @p0 .LBB2_17-.Ltmp10, $3  }
0x353: {  	_ =	sdelay $0x1  }
0x354: {  	[sflag:s13] =	ssyncset.done $0x0  }
0x355: {  	[sflag:s13] =	ssyncadd.s32 $0xFFFFFF80  }
0x356: {  	s25 =	simm.s32 $0x2D00  }
0x357: {  	v5 =	vld [tilespmem:s25+$0x0];
	_ =	sdelay $0x3  }
0x358: {  	s16 =	simm.s32 $0x0  }
0x359: {  	v6 =	vmov s16;
	v7 =	vshll.u32 v5, $0x3  }
0x35a: {  	vm2 =	vlt.s32 v6, v4;
	v5 =	vand.u32 $0x7F, v5;
	v6 =	vand.u32 $0xFFFFFC00, v7  }
0x35b: {  	vm2 =	vmand vm2, vm0;
	v5 =	vor.u32 v6, v5  }
0x35c: {  	v5 =	vor.u32 v3, v5;
	_ =	sdelay $0x1  }
0x35d: {  	s16 =	simm.s32 $0x3100  }
0x35e: {  	s17 =	simm.s32 $0x3500;
	v6 =	vld [tilespmem:s16+$0x0]  }
0x35f: {  	v7 =	vld [tilespmem:s17+$0x0]  }
0x360: {  	v10 =	vld.idx.msk [tilespmem:v5+s3+$0x0], vm2  }
0x361: {  	v11 =	vld.idx.msk [tilespmem:v5+s31+$0x0], vm2  }
0x362: {  	v12 =	vld.idx.msk [tilespmem:v5+s12+$0x0], vm2  }
0x363: {  	v6 =	vadd.f32 v6, v9  }
0x364: {  	p0 =	sne.s32 s15, $0x1  }
.Ltmp11:
0x365: {  	v13 =	vmul.f32 v6, v8;
	(pc) =	sbr.rel @!p0 .LBB2_16-.Ltmp11, $4  }
0x366: {  	vm3 =	vgt.s32 v10, v7  }
0x367: {  	vm4 =	veq.s32 v11, $0x2;
	v14 =	vmax.f32 v12, v13;
	v6 =	vsel vm3, v10, v7  }
0x368: {  	vm3 =	vgt.s32 v11, $0x2;
	v6 =	vsel vm4, v6, v10;
	v10 =	vsel vm4, v14, v12  }
0x369: {  	s28 =	simm.s32 $0x3510;
	s17 =	simm.s32 $0x1;
	v7 =	vsel vm3, v7, v6;
	v6 =	vsel vm3, $0x2, v11;
	v10 =	vsel vm3, v13, v10  }
.LBB2_15:
0x36a: {  	s25 =	sadd.s32 $0x10, s25  }
0x36b: {  	[tilespmem:v5+s12+$0x0] =	vst.idx.msk vm2, v10;
	s16 =	sadd.s32 $0x10, s16;
	s18 =	smov.u32 s17;
	s17 =	sadd.s32 $0x1, s17  }
0x36c: {  	p0 =	sne.s32 s15, s17;
	[tilespmem:v5+s3+$0x0] =	vst.idx.msk vm2, v7  }
0x36d: {  	[tilespmem:v5+s31+$0x0] =	vst.idx.msk vm2, v6  }
0x36e: {  	v5 =	vld [tilespmem:s25+$0x0];
	_ =	sdelay $0x4  }
0x36f: {  	v6 =	vmov s18;
	v7 =	vshll.u32 v5, $0x3  }
0x370: {  	vm2 =	vlt.s32 v6, v4;
	v5 =	vand.u32 $0x7F, v5;
	v6 =	vand.u32 $0xFFFFFC00, v7  }
0x371: {  	vm2 =	vmand vm2, vm0;
	v5 =	vor.u32 v6, v5  }
0x372: {  	v5 =	vor.u32 v3, v5;
	_ =	sdelay $0x2  }
0x373: {  	v6 =	vld [tilespmem:s16+$0x0]  }
0x374: {  	v7 =	vld [tilespmem:s28+$0x0]  }
0x375: {  	v10 =	vld.idx.msk [tilespmem:v5+s3+$0x0], vm2  }
0x376: {  	v11 =	vld.idx.msk [tilespmem:v5+s31+$0x0], vm2  }
0x377: {  	v12 =	vld.idx.msk [tilespmem:v5+s12+$0x0], vm2  }
0x378: {  	v6 =	vadd.f32 v6, v9;
	_ =	sdelay $0x1  }
0x379: {  	v13 =	vmul.f32 v6, v8  }
.Ltmp12:
0x37a: {  	vm3 =	vgt.s32 v10, v7;
	(pc) =	sbr.rel @p0 .LBB2_15-.Ltmp12, $4  }
0x37b: {  	vm4 =	veq.s32 v11, $0x2;
	v6 =	vsel vm3, v10, v7  }
0x37c: {  	vm3 =	vgt.s32 v11, $0x2;
	v14 =	vmax.f32 v12, v13;
	v6 =	vsel vm4, v6, v10  }
0x37d: {  	v10 =	vsel vm4, v14, v12;
	v7 =	vsel vm3, v7, v6;
	v6 =	vsel vm3, $0x2, v11  }
0x37e: {  	s28 =	sadd.s32 $0x10, s28;
	v10 =	vsel vm3, v13, v10  }
.Ltmp13:
0x37f: {  	_ = 	snop;
	(pc) =	sbr.rel .LBB2_16-.Ltmp13, $1  }
0x380: {  	_ =	sdelay $0x3  }
.LBB2_18:
0x381: {  	_ =	sfence.sel $0x180000  }
0x382: {  	[bflag:$0x0] =	sbarrier.arrive $0xFFFF  }
0x383: {  	_ =	strace $0x90000047  }
0x384: {  	s0 =	stileid.u32;
	[bflag:$0x2] =	sbarrier.arrive $0xFFFF  }
0x385: {  	p0 =	sne.s32 s0, $0x0;
	s0 =	rddreg [dreg:$0xc]  }
0x386: {  	s0 =	sadd.s32 @!p0 $0x100000, s0  }
0x387: {  	[sflag:s0] =	ssyncadd.tile.s32 @!p0 $0x1;
	_ =	shalt  }
.Lfunc_end2:
_tile_overlayer_lowered:
.L_overlay_start_2:
0x388: {  	(tag) =	ssettag $0x2  }
0x389: {  	s0 =	rddreg [dreg:$0x0];
	s2 =	stileid.u32  }
0x38a: {  	s1 =	rddreg [dreg:$0x1];
	p0 =	sne.s32 s2, $0x0  }
0x38b: {  	s3 =	rddreg [dreg:$0x2];
	[bflag:$0x3] =	sbarrier.arrive $0xFFFF;
	s2 =	simm.s32 @!p0 $0x1C06  }
0x38c: {  	[timem:s3], [sflag:s2] =	dma.local @!p0 [hbm:s0], s1  }
0x38d: {  	s0 =	simm.s32 @!p0 $0x6  }
0x38e: {  	_ =	swait.ge @!p0 [sflag:s0], s1  }
0x38f: {  	s1 =	ssub.s32 @!p0 $0x0, s1;
	[sflag:s0] =	ssyncset.done @!p0 $0x0  }
0x390: {  	[sflag:s0] =	ssyncadd.s32 @!p0 s1  }
0x391: {  	[bflag:$0x3] =	sbarrier.arrive $0xFFFF  }
0x392: {  	_ =	shalt  }

</sc_bundles>
